<compile_context>
chip_gen: v7x
topology: tpu7x:2x2x1
jax: 0.10.2.dev20260603
libtpu: 0.0.44.dev20260713+nightly
codegen_flags: <defaults>
</compile_context>

<pallas_src>
import jax
import jax.numpy as jnp
from jax import lax
from jax.experimental import pallas as pl
from jax.experimental.pallas import tpu as pltpu
from jax.experimental.pallas import tpu_sc as plsc

B, C, H, W = 4, 3, 384, 384
HW = H * W
NCORES, NSUB, L = 2, 16, 16
ROWS_PER_TILE = H // NSUB
TILE_ELEMS = ROWS_PER_TILE * W
HALO = 8
WIN = ROWS_PER_TILE + 2 * HALO
FB_CHUNK = 32
GROUPS = W // L
UNROLL = 6
MAGIC = 12582912.0


def _rne(x):
    return (x + MAGIC) - MAGIC


def _take16(x, idx):
    return lax.gather(
        x, idx[:, None],
        lax.GatherDimensionNumbers(
            offset_dims=(), collapsed_slice_dims=(0,), start_index_map=(0,)),
        slice_sizes=(1,),
        mode=lax.GatherScatterMode.PROMISE_IN_BOUNDS)


def _sc_warp_body(x_hbm, out_hbm, fxw, fyw, imw, vr, vg, vb,
                  flg_v, flg_all, shared, sem_win, sem_w):
    core = lax.axis_index("c")
    sub = lax.axis_index("s")
    row0 = sub * ROWS_PER_TILE
    row0_f = row0.astype(jnp.float32)
    lane = lax.iota(jnp.int32, L)
    lane_f = lane.astype(jnp.float32)
    zeros16 = jnp.zeros((L,), jnp.float32)

    def group_core(wr, g, base_row):
        r_glob = base_row + wr
        r_f = r_glob.astype(jnp.float32)
        c0 = g * L
        fx = fxw[wr, pl.ds(c0, L)]
        fy = fyw[wr, pl.ds(c0, L)]
        jj = c0.astype(jnp.float32) + lane_f
        drf = _rne(fy + r_f)
        dcf = _rne(fx + jj)
        col_ok = (dcf >= 0.0) & (dcf < float(W))
        mine = (drf >= row0_f) & (drf < row0_f + float(ROWS_PER_TILE)) & col_ok
        off = (drf.astype(jnp.int32) - row0) * W + dcf.astype(jnp.int32)
        return r_f, c0, off, mine, col_ok, drf

    def scatter_vals(wr, c0, off, keep):
        plsc.store_scatter(vr, [off], imw[0, wr, pl.ds(c0, L)], mask=keep)
        plsc.store_scatter(vg, [off], imw[1, wr, pl.ds(c0, L)], mask=keep)
        plsc.store_scatter(vb, [off], imw[2, wr, pl.ds(c0, L)], mask=keep)

    def group_fast(wr, g, base_row, ofl, bad):
        r_f, c0, off, mine, col_ok, drf = group_core(wr, g, base_row)
        plsc.store_scatter(vr, [off], lane_f, mask=mine)
        w = plsc.load_gather(vr, [off], mask=mine)
        keep = mine & (w == lane_f)
        bad = bad | (mine & (w < lane_f)).astype(jnp.int32)
        scatter_vals(wr, c0, off, keep)
        r_glob = base_row + wr
        own = (r_glob >= row0) & (r_glob < row0 + ROWS_PER_TILE)
        far = jnp.abs(drf - r_f) > float(HALO)
        ofl = ofl | jnp.where(own, far.astype(jnp.int32), 0)
        return ofl, bad

    def group_precise(wr, g, base_row):
        _, c0, off, mine, _, _ = group_core(wr, g, base_row)
        offu = jnp.where(mine, off, -1 - lane)
        dup_later = jnp.zeros((L,), jnp.bool_)
        for d in range(1, L):
            offd = _take16(offu, jnp.minimum(lane + d, L - 1))
            dup_later = dup_later | ((offd == offu) & (lane + d < L))
        keep = mine & jnp.logical_not(dup_later)
        scatter_vals(wr, c0, off, keep)

    def fast_rows(base_row, carry):
        def row_body(wr, c_in):
            def q_body(q, c2):
                ofl_in, bad_in = c2
                for u in range(UNROLL):
                    ofl_in, bad_in = group_fast(wr, q * UNROLL + u, base_row,
                                                ofl_in, bad_in)
                return ofl_in, bad_in
            return lax.fori_loop(0, GROUPS // UNROLL, q_body, c_in)
        return lax.fori_loop(0, WIN, row_body, carry)

    def precise_rows(base_row, nrows):
        def row_body(wr, _):
            def g_body(g, __):
                group_precise(wr, g, base_row)
                return 0
            return lax.fori_loop(0, GROUPS, g_body, 0)
        lax.fori_loop(0, nrows, row_body, 0)

    def zero_vals():
        def zbody(i, _):
            for u in range(UNROLL):
                base = (i * UNROLL + u) * L
                vr[pl.ds(base, L)] = zeros16
                vg[pl.ds(base, L)] = zeros16
                vb[pl.ds(base, L)] = zeros16
            return 0
        lax.fori_loop(0, TILE_ELEMS // (L * UNROLL), zbody, 0)

    def load_window_async(b, r_start, nrows):
        r_start = pl.multiple_of(r_start, 8)
        hs = []
        hs.append(pltpu.async_copy(x_hbm.at[b, 6, pl.ds(r_start, nrows)],
                                   fxw.at[pl.ds(0, nrows)], sem_win))
        hs.append(pltpu.async_copy(x_hbm.at[b, 7, pl.ds(r_start, nrows)],
                                   fyw.at[pl.ds(0, nrows)], sem_win))
        for ch in range(3):
            hs.append(pltpu.async_copy(x_hbm.at[b, ch, pl.ds(r_start, nrows)],
                                       imw.at[ch, pl.ds(0, nrows)], sem_win))
        return hs

    w0 = jnp.clip(row0 - HALO, 0, H - WIN)
    win_hs = load_window_async(core * 2, w0, WIN)

    for k in range(2):
        b = core * 2 + k
        zero_vals()
        for h in win_hs:
            h.wait()

        z16 = jnp.zeros((L,), jnp.int32)
        ofl, bad = fast_rows(w0, (z16, z16))

        flg_v[pl.ds(0, L)] = ofl
        pltpu.sync_copy(flg_v, shared.at[k, sub])
        plsc.subcore_barrier()
        pltpu.sync_copy(shared.at[k], flg_all)
        def or_body(i, a):
            return a | flg_all[i, pl.ds(0, L)]
        acc = lax.fori_loop(0, NSUB, or_body, jnp.zeros((L,), jnp.int32))
        any_out = jnp.any(acc != 0)
        any_bad = jnp.any(bad != 0)

        @pl.when(any_bad | any_out)
        def _fallback():
            zero_vals()
            def chunk_body(ci, _):
                r_start = pl.multiple_of(ci * FB_CHUNK, 8)
                pltpu.sync_copy(x_hbm.at[b, 6, pl.ds(r_start, FB_CHUNK)],
                                fxw.at[pl.ds(0, FB_CHUNK)])
                pltpu.sync_copy(x_hbm.at[b, 7, pl.ds(r_start, FB_CHUNK)],
                                fyw.at[pl.ds(0, FB_CHUNK)])
                for ch in range(3):
                    pltpu.sync_copy(x_hbm.at[b, ch, pl.ds(r_start, FB_CHUNK)],
                                    imw.at[ch, pl.ds(0, FB_CHUNK)])
                precise_rows(ci * FB_CHUNK, FB_CHUNK)
                return 0
            lax.fori_loop(0, H // FB_CHUNK, chunk_body, 0)

        if k == 0:
            win_hs = load_window_async(core * 2 + 1, w0, WIN)

        wh = []
        for ch, v in ((0, vr), (1, vg), (2, vb)):
            obase = pl.multiple_of((b * C + ch) * HW + row0 * W, 1024)
            wh.append(pltpu.async_copy(v, out_hbm.at[pl.ds(obase, TILE_ELEMS)],
                                       sem_w))
        for h in wh:
            h.wait()


def _sc_warp(x):
    mesh = plsc.VectorSubcoreMesh(core_axis_name="c", subcore_axis_name="s")
    fn = pl.kernel(
        _sc_warp_body,
        mesh=mesh,
        compiler_params=pltpu.CompilerParams(needs_layout_passes=False),
        out_type=jax.ShapeDtypeStruct((B * C * HW,), jnp.float32),
        scratch_types=[
            pltpu.VMEM((WIN, W), jnp.float32),
            pltpu.VMEM((WIN, W), jnp.float32),
            pltpu.VMEM((3, WIN, W), jnp.float32),
            pltpu.VMEM((TILE_ELEMS,), jnp.float32),
            pltpu.VMEM((TILE_ELEMS,), jnp.float32),
            pltpu.VMEM((TILE_ELEMS,), jnp.float32),
            pltpu.VMEM((L,), jnp.int32),
            pltpu.VMEM((NSUB, L), jnp.int32),
            pltpu.VMEM_SHARED((2, NSUB, L), jnp.int32),
            pltpu.SemaphoreType.DMA,
            pltpu.SemaphoreType.DMA,
        ],
    )
    return fn(x)


def _tc_assemble_body(x_ref, w_ref, o_ref):
    a = x_ref[0]
    w = w_ref[0]
    im2 = a[3:6]
    d = w - im2
    err = jnp.sqrt(d[0] * d[0] + d[1] * d[1] + d[2] * d[2])
    o_ref[0, 0:3] = a[0:3]
    o_ref[0, 3:6] = w
    o_ref[0, 6:9] = im2
    o_ref[0, 9:11] = a[6:8]
    o_ref[0, 11] = err


def _tc_assemble(x, warped):
    rows = 192
    grid = (B, H // rows)
    return pl.pallas_call(
        _tc_assemble_body,
        grid=grid,
        in_specs=[
            pl.BlockSpec((1, 8, rows, W), lambda b, r: (b, 0, r, 0)),
            pl.BlockSpec((1, 3, rows, W), lambda b, r: (b, 0, r, 0)),
        ],
        out_specs=pl.BlockSpec((1, 12, rows, W), lambda b, r: (b, 0, r, 0)),
        out_shape=jax.ShapeDtypeStruct((B, 12, H, W), jnp.float32),
    )(x, warped)


def kernel(x):
    warped = _sc_warp(x).reshape(B, C, H, W)
    return _tc_assemble(x, warped)

# --- scband reference (transcript-rebuilt; emitter-appended) ---
"""Pipeline reference for scband-warping-layer-47236050321515 (READ-ONLY COPY).

The authoritative reference and input builder live on the scoring server;
editing this copy changes nothing except your own understanding.
"""

import jax, jax.numpy as jnp
import numpy as np


def _warp(img, flow):
    # img: [B, 3, H, W], flow: [B, 2, H, W]
    # Faithful translation of the per-pixel scatter loop:
    #   dest_row = round(flow[:,1,i,j] + i), dest_col = round(flow[:,0,i,j] + j)
    #   new_img[n, :, dest_row, dest_col] = img[n, :, i, j]
    # Loop order is i (rows) then j (cols), so for duplicate destinations the
    # LAST source pixel in row-major order wins. We reproduce that with a
    # scatter-max over the row-major priority, then a gather.
    B, C, H, W = img.shape
    ii = jnp.arange(H, dtype=jnp.float32)[:, None]
    jj = jnp.arange(W, dtype=jnp.float32)[None, :]
    dest_row = jnp.round(flow[:, 1] + ii).astype(jnp.int32)  # [B, H, W]
    dest_col = jnp.round(flow[:, 0] + jj).astype(jnp.int32)  # [B, H, W]
    valid = (dest_row >= 0) & (dest_row < H) & (dest_col >= 0) & (dest_col < W)
    dest = jnp.where(valid, dest_row * W + dest_col, H * W)  # sentinel slot H*W
    prio = jnp.arange(H * W, dtype=jnp.int32)  # row-major source priority

    def per_batch(dest_b, img_b):
        winner = jnp.full((H * W + 1,), -1, dtype=jnp.int32)
        winner = winner.at[dest_b.reshape(-1)].max(prio)
        winner = winner[: H * W]  # drop sentinel slot
        has = winner >= 0
        src = jnp.clip(winner, 0, H * W - 1)
        vals = jnp.take(img_b.reshape(C, H * W), src, axis=1)  # [C, H*W]
        out = jnp.where(has[None, :], vals, jnp.zeros_like(vals))
        return out.reshape(C, H, W)

    return jax.vmap(per_batch)(dest, img)


def reference(x):
    im1 = x[:, :3, :, :]
    im2 = x[:, 3:6, :, :]
    flow = x[:, 6:, :, :]
    im2_warped = _warp(im1, flow)
    error = jnp.linalg.norm(im2_warped - im2, axis=1)[:, None, :, :]
    output = jnp.concatenate([im1, im2_warped, im2, flow, error], axis=1)
    return output


def setup_inputs(seed: int = 0) -> dict:
    key = jax.random.key(seed)
    x = jax.random.normal(key, (4, 8, 384, 384), dtype=jnp.float32)
    return {"x": x}

if __name__ == "__main__":
    import jax
    _d = setup_inputs()
    print(jax.jit(kernel)(*tuple(_d.values())))

</pallas_src>

<mosaic_0001>
#map = affine_map<(d0, d1) -> (0, 0, 0, 0)>
#map1 = affine_map<(d0, d1) -> (0)>
module attributes {stable_mosaic.version = 14 : i64} {
  func.func @_sc_warp_body(%arg0: i32, %arg1: i32, %arg2: memref<4x8x384x384xf32, #tpu.memory_space<hbm>>, %arg3: memref<1769472xf32, #tpu.memory_space<hbm>>, %arg4: memref<40x384xf32, #tpu.memory_space<vmem>>, %arg5: memref<40x384xf32, #tpu.memory_space<vmem>>, %arg6: memref<3x40x384xf32, #tpu.memory_space<vmem>>, %arg7: memref<9216xf32, #tpu.memory_space<vmem>>, %arg8: memref<9216xf32, #tpu.memory_space<vmem>>, %arg9: memref<9216xf32, #tpu.memory_space<vmem>>, %arg10: memref<16xi32, #tpu.memory_space<vmem>>, %arg11: memref<16x16xi32, #tpu.memory_space<vmem>>, %arg12: memref<2x16x16xi32, #tpu.memory_space<vmem_shared>>, %arg13: memref<!tpu.dma_semaphore, #tpu.memory_space<semaphore_mem>>, %arg14: memref<!tpu.dma_semaphore, #tpu.memory_space<semaphore_mem>>) attributes {dimension_semantics = [#tpu.dimension_semantics<core_parallel>, #tpu.dimension_semantics<subcore_parallel>], iteration_bounds = array<i64: 2, 16>, scalar_prefetch = 0 : i64, scratch_operands = 11 : i64, tpu.core_type = #tpu.core_type<sc_vector_subcore>, window_params = [{transform_indices = #map}, {transform_indices = #map1}]} {
    %mul3A = arith.constant 24 : i32
    %mul3A_0 = arith.muli %arg1, %mul3A : i32
    %convert_element_type3A = arith.sitofp %mul3A_0 : i32 to f32
    %iota3A = tpu.iota {dimensions = array<i32: 0>} : vector<16xi32>
    %convert_element_type3A_1 = arith.sitofp %iota3A : vector<16xi32> to vector<16xf32>
    %broadcast_in_dim3A = arith.constant 0.000000e+00 : f32
    %broadcast_in_dim3A_2 = vector.broadcast %broadcast_in_dim3A : f32 to vector<16xf32>
    %sub3A = arith.constant 8 : i32
    %sub3A_3 = arith.subi %mul3A_0, %sub3A : i32
    %jit3A = arith.constant 0 : i32
    %jit3A_4 = arith.constant 344 : i32
    %max3A = arith.maxsi %jit3A, %sub3A_3 : i32
    %min3A = arith.minsi %jit3A_4, %max3A : i32
    %mul3A_5 = arith.constant 2 : i32
    %mul3A_6 = arith.muli %arg0, %mul3A_5 : i32
    %multiple_of3A = tpu.assume_multiple %min3A, 8 : i32
    %dma_start3A = arith.constant 6 : i32
    %dma_start3A_7 = arith.constant 0 : i32
    %dma_start3A_8 = arith.constant 0 : i32
    %dma_start3A_9 = tpu.memref_slice %arg4[%dma_start3A_7, %dma_start3A_8] : memref<40x384xf32, #tpu.memory_space<vmem>> -> memref<40x384xf32, #tpu.memory_space<vmem>>
    %dma_start3A_10 = arith.constant 0 : i32
    %dma_start3A_11 = tpu.memref_slice %arg2[%mul3A_6, %dma_start3A, %multiple_of3A, %dma_start3A_10] : memref<4x8x384x384xf32, #tpu.memory_space<hbm>> -> memref<1x1x40x384xf32, #tpu.memory_space<hbm>>
    %dma_start3A_12 = tpu.memref_squeeze %dma_start3A_11 : memref<1x1x40x384xf32, #tpu.memory_space<hbm>> -> memref<40x384xf32, #tpu.memory_space<hbm>>
    %dma_start3A_13 = arith.constant 0 : i32
    %dma_start3A_14 = arith.constant 0 : i32
    %dma_start3A_15 = tpu.memref_slice %arg4[%dma_start3A_13, %dma_start3A_14] : memref<40x384xf32, #tpu.memory_space<vmem>> -> memref<40x384xf32, #tpu.memory_space<vmem>>
    %dma_start3A_16 = arith.constant 0 : i32
    %dma_start3A_17 = tpu.memref_slice %arg2[%mul3A_6, %dma_start3A, %multiple_of3A, %dma_start3A_16] : memref<4x8x384x384xf32, #tpu.memory_space<hbm>> -> memref<1x1x40x384xf32, #tpu.memory_space<hbm>>
    %dma_start3A_18 = tpu.memref_squeeze %dma_start3A_17 : memref<1x1x40x384xf32, #tpu.memory_space<hbm>> -> memref<40x384xf32, #tpu.memory_space<hbm>>
    tpu.enqueue_dma source(%dma_start3A_18 : memref<40x384xf32, #tpu.memory_space<hbm>>) target(%dma_start3A_15 : memref<40x384xf32, #tpu.memory_space<vmem>>) target_semaphore(%arg13 : memref<!tpu.dma_semaphore, #tpu.memory_space<semaphore_mem>>)
    %dma_start3A_19 = arith.constant 7 : i32
    %dma_start3A_20 = arith.constant 0 : i32
    %dma_start3A_21 = arith.constant 0 : i32
    %dma_start3A_22 = tpu.memref_slice %arg5[%dma_start3A_20, %dma_start3A_21] : memref<40x384xf32, #tpu.memory_space<vmem>> -> memref<40x384xf32, #tpu.memory_space<vmem>>
    %dma_start3A_23 = arith.constant 0 : i32
    %dma_start3A_24 = tpu.memref_slice %arg2[%mul3A_6, %dma_start3A_19, %multiple_of3A, %dma_start3A_23] : memref<4x8x384x384xf32, #tpu.memory_space<hbm>> -> memref<1x1x40x384xf32, #tpu.memory_space<hbm>>
    %dma_start3A_25 = tpu.memref_squeeze %dma_start3A_24 : memref<1x1x40x384xf32, #tpu.memory_space<hbm>> -> memref<40x384xf32, #tpu.memory_space<hbm>>
    %dma_start3A_26 = arith.constant 0 : i32
    %dma_start3A_27 = arith.constant 0 : i32
    %dma_start3A_28 = tpu.memref_slice %arg5[%dma_start3A_26, %dma_start3A_27] : memref<40x384xf32, #tpu.memory_space<vmem>> -> memref<40x384xf32, #tpu.memory_space<vmem>>
    %dma_start3A_29 = arith.constant 0 : i32
    %dma_start3A_30 = tpu.memref_slice %arg2[%mul3A_6, %dma_start3A_19, %multiple_of3A, %dma_start3A_29] : memref<4x8x384x384xf32, #tpu.memory_space<hbm>> -> memref<1x1x40x384xf32, #tpu.memory_space<hbm>>
    %dma_start3A_31 = tpu.memref_squeeze %dma_start3A_30 : memref<1x1x40x384xf32, #tpu.memory_space<hbm>> -> memref<40x384xf32, #tpu.memory_space<hbm>>
    tpu.enqueue_dma source(%dma_start3A_31 : memref<40x384xf32, #tpu.memory_space<hbm>>) target(%dma_start3A_28 : memref<40x384xf32, #tpu.memory_space<vmem>>) target_semaphore(%arg13 : memref<!tpu.dma_semaphore, #tpu.memory_space<semaphore_mem>>)
    %dma_start3A_32 = arith.constant 0 : i32
    %dma_start3A_33 = arith.constant 0 : i32
    %dma_start3A_34 = arith.constant 0 : i32
    %dma_start3A_35 = arith.constant 0 : i32
    %dma_start3A_36 = tpu.memref_slice %arg6[%dma_start3A_33, %dma_start3A_34, %dma_start3A_35] : memref<3x40x384xf32, #tpu.memory_space<vmem>> -> memref<1x40x384xf32, #tpu.memory_space<vmem>>
    %dma_start3A_37 = tpu.memref_squeeze %dma_start3A_36 : memref<1x40x384xf32, #tpu.memory_space<vmem>> -> memref<40x384xf32, #tpu.memory_space<vmem>>
    %dma_start3A_38 = arith.constant 0 : i32
    %dma_start3A_39 = tpu.memref_slice %arg2[%mul3A_6, %dma_start3A_32, %multiple_of3A, %dma_start3A_38] : memref<4x8x384x384xf32, #tpu.memory_space<hbm>> -> memref<1x1x40x384xf32, #tpu.memory_space<hbm>>
    %dma_start3A_40 = tpu.memref_squeeze %dma_start3A_39 : memref<1x1x40x384xf32, #tpu.memory_space<hbm>> -> memref<40x384xf32, #tpu.memory_space<hbm>>
    %dma_start3A_41 = arith.constant 0 : i32
    %dma_start3A_42 = arith.constant 0 : i32
    %dma_start3A_43 = tpu.memref_slice %arg6[%dma_start3A_33, %dma_start3A_41, %dma_start3A_42] : memref<3x40x384xf32, #tpu.memory_space<vmem>> -> memref<1x40x384xf32, #tpu.memory_space<vmem>>
    %dma_start3A_44 = tpu.memref_squeeze %dma_start3A_43 : memref<1x40x384xf32, #tpu.memory_space<vmem>> -> memref<40x384xf32, #tpu.memory_space<vmem>>
    %dma_start3A_45 = arith.constant 0 : i32
    %dma_start3A_46 = tpu.memref_slice %arg2[%mul3A_6, %dma_start3A_32, %multiple_of3A, %dma_start3A_45] : memref<4x8x384x384xf32, #tpu.memory_space<hbm>> -> memref<1x1x40x384xf32, #tpu.memory_space<hbm>>
    %dma_start3A_47 = tpu.memref_squeeze %dma_start3A_46 : memref<1x1x40x384xf32, #tpu.memory_space<hbm>> -> memref<40x384xf32, #tpu.memory_space<hbm>>
    tpu.enqueue_dma source(%dma_start3A_47 : memref<40x384xf32, #tpu.memory_space<hbm>>) target(%dma_start3A_44 : memref<40x384xf32, #tpu.memory_space<vmem>>) target_semaphore(%arg13 : memref<!tpu.dma_semaphore, #tpu.memory_space<semaphore_mem>>)
    %dma_start3A_48 = arith.constant 1 : i32
    %dma_start3A_49 = arith.constant 1 : i32
    %dma_start3A_50 = arith.constant 0 : i32
    %dma_start3A_51 = arith.constant 0 : i32
    %dma_start3A_52 = tpu.memref_slice %arg6[%dma_start3A_49, %dma_start3A_50, %dma_start3A_51] : memref<3x40x384xf32, #tpu.memory_space<vmem>> -> memref<1x40x384xf32, #tpu.memory_space<vmem>>
    %dma_start3A_53 = tpu.memref_squeeze %dma_start3A_52 : memref<1x40x384xf32, #tpu.memory_space<vmem>> -> memref<40x384xf32, #tpu.memory_space<vmem>>
    %dma_start3A_54 = arith.constant 0 : i32
    %dma_start3A_55 = tpu.memref_slice %arg2[%mul3A_6, %dma_start3A_48, %multiple_of3A, %dma_start3A_54] : memref<4x8x384x384xf32, #tpu.memory_space<hbm>> -> memref<1x1x40x384xf32, #tpu.memory_space<hbm>>
    %dma_start3A_56 = tpu.memref_squeeze %dma_start3A_55 : memref<1x1x40x384xf32, #tpu.memory_space<hbm>> -> memref<40x384xf32, #tpu.memory_space<hbm>>
    %dma_start3A_57 = arith.constant 0 : i32
    %dma_start3A_58 = arith.constant 0 : i32
    %dma_start3A_59 = tpu.memref_slice %arg6[%dma_start3A_49, %dma_start3A_57, %dma_start3A_58] : memref<3x40x384xf32, #tpu.memory_space<vmem>> -> memref<1x40x384xf32, #tpu.memory_space<vmem>>
    %dma_start3A_60 = tpu.memref_squeeze %dma_start3A_59 : memref<1x40x384xf32, #tpu.memory_space<vmem>> -> memref<40x384xf32, #tpu.memory_space<vmem>>
    %dma_start3A_61 = arith.constant 0 : i32
    %dma_start3A_62 = tpu.memref_slice %arg2[%mul3A_6, %dma_start3A_48, %multiple_of3A, %dma_start3A_61] : memref<4x8x384x384xf32, #tpu.memory_space<hbm>> -> memref<1x1x40x384xf32, #tpu.memory_space<hbm>>
    %dma_start3A_63 = tpu.memref_squeeze %dma_start3A_62 : memref<1x1x40x384xf32, #tpu.memory_space<hbm>> -> memref<40x384xf32, #tpu.memory_space<hbm>>
    tpu.enqueue_dma source(%dma_start3A_63 : memref<40x384xf32, #tpu.memory_space<hbm>>) target(%dma_start3A_60 : memref<40x384xf32, #tpu.memory_space<vmem>>) target_semaphore(%arg13 : memref<!tpu.dma_semaphore, #tpu.memory_space<semaphore_mem>>)
    %dma_start3A_64 = arith.constant 2 : i32
    %dma_start3A_65 = arith.constant 2 : i32
    %dma_start3A_66 = arith.constant 0 : i32
    %dma_start3A_67 = arith.constant 0 : i32
    %dma_start3A_68 = tpu.memref_slice %arg6[%dma_start3A_65, %dma_start3A_66, %dma_start3A_67] : memref<3x40x384xf32, #tpu.memory_space<vmem>> -> memref<1x40x384xf32, #tpu.memory_space<vmem>>
    %dma_start3A_69 = tpu.memref_squeeze %dma_start3A_68 : memref<1x40x384xf32, #tpu.memory_space<vmem>> -> memref<40x384xf32, #tpu.memory_space<vmem>>
    %dma_start3A_70 = arith.constant 0 : i32
    %dma_start3A_71 = tpu.memref_slice %arg2[%mul3A_6, %dma_start3A_64, %multiple_of3A, %dma_start3A_70] : memref<4x8x384x384xf32, #tpu.memory_space<hbm>> -> memref<1x1x40x384xf32, #tpu.memory_space<hbm>>
    %dma_start3A_72 = tpu.memref_squeeze %dma_start3A_71 : memref<1x1x40x384xf32, #tpu.memory_space<hbm>> -> memref<40x384xf32, #tpu.memory_space<hbm>>
    %dma_start3A_73 = arith.constant 0 : i32
    %dma_start3A_74 = arith.constant 0 : i32
    %dma_start3A_75 = tpu.memref_slice %arg6[%dma_start3A_65, %dma_start3A_73, %dma_start3A_74] : memref<3x40x384xf32, #tpu.memory_space<vmem>> -> memref<1x40x384xf32, #tpu.memory_space<vmem>>
    %dma_start3A_76 = tpu.memref_squeeze %dma_start3A_75 : memref<1x40x384xf32, #tpu.memory_space<vmem>> -> memref<40x384xf32, #tpu.memory_space<vmem>>
    %dma_start3A_77 = arith.constant 0 : i32
    %dma_start3A_78 = tpu.memref_slice %arg2[%mul3A_6, %dma_start3A_64, %multiple_of3A, %dma_start3A_77] : memref<4x8x384x384xf32, #tpu.memory_space<hbm>> -> memref<1x1x40x384xf32, #tpu.memory_space<hbm>>
    %dma_start3A_79 = tpu.memref_squeeze %dma_start3A_78 : memref<1x1x40x384xf32, #tpu.memory_space<hbm>> -> memref<40x384xf32, #tpu.memory_space<hbm>>
    tpu.enqueue_dma source(%dma_start3A_79 : memref<40x384xf32, #tpu.memory_space<hbm>>) target(%dma_start3A_76 : memref<40x384xf32, #tpu.memory_space<vmem>>) target_semaphore(%arg13 : memref<!tpu.dma_semaphore, #tpu.memory_space<semaphore_mem>>)
    %mul3A_80 = arith.constant 2 : i32
    %mul3A_81 = arith.muli %arg0, %mul3A_80 : i32
    %add3A = arith.constant 0 : i32
    %add3A_82 = arith.addi %mul3A_81, %add3A : i32
    %scan3A = arith.constant 0 : i32
    %scan3A_83 = arith.constant 0 : i32
    %scan3A_84 = arith.constant 96 : i32
    %scan3A_85 = arith.addi %scan3A_83, %scan3A_84 : i32
    %scan3A_86 = arith.constant 1 : i32
    %scan3A_87 = scf.for %scan3A_509 = %scan3A_83 to %scan3A_85 step %scan3A_86 iter_args(%scan3A_510 = %scan3A) -> (i32)  : i32 {
      %mul3A_511 = arith.constant 6 : i32
      %mul3A_512 = arith.muli %scan3A_509, %mul3A_511 : i32
      %add3A_513 = arith.constant 0 : i32
      %add3A_514 = arith.addi %mul3A_512, %add3A_513 : i32
      %mul3A_515 = arith.constant 16 : i32
      %mul3A_516 = arith.muli %add3A_514, %mul3A_515 : i32
      %swap3A_517 = arith.index_cast %mul3A_516 : i32 to index
      %swap3A_518 = tpu.vector_load %arg7[%swap3A_517] {strides = array<i32>} : memref<9216xf32, #tpu.memory_space<vmem>>, vector<16xf32>,
      tpu.vector_store %arg7[%swap3A_517], %broadcast_in_dim3A_2 {strides = array<i32>} : memref<9216xf32, #tpu.memory_space<vmem>>, vector<16xf32>,
      %swap3A_519 = arith.index_cast %mul3A_516 : i32 to index
      %swap3A_520 = tpu.vector_load %arg8[%swap3A_519] {strides = array<i32>} : memref<9216xf32, #tpu.memory_space<vmem>>, vector<16xf32>,
      tpu.vector_store %arg8[%swap3A_519], %broadcast_in_dim3A_2 {strides = array<i32>} : memref<9216xf32, #tpu.memory_space<vmem>>, vector<16xf32>,
      %swap3A_521 = arith.index_cast %mul3A_516 : i32 to index
      %swap3A_522 = tpu.vector_load %arg9[%swap3A_521] {strides = array<i32>} : memref<9216xf32, #tpu.memory_space<vmem>>, vector<16xf32>,
      tpu.vector_store %arg9[%swap3A_521], %broadcast_in_dim3A_2 {strides = array<i32>} : memref<9216xf32, #tpu.memory_space<vmem>>, vector<16xf32>,
      %mul3A_523 = arith.constant 6 : i32
      %mul3A_524 = arith.muli %scan3A_509, %mul3A_523 : i32
      %add3A_525 = arith.constant 1 : i32
      %add3A_526 = arith.addi %mul3A_524, %add3A_525 : i32
      %mul3A_527 = arith.constant 16 : i32
      %mul3A_528 = arith.muli %add3A_526, %mul3A_527 : i32
      %swap3A_529 = arith.index_cast %mul3A_528 : i32 to index
      %swap3A_530 = tpu.vector_load %arg7[%swap3A_529] {strides = array<i32>} : memref<9216xf32, #tpu.memory_space<vmem>>, vector<16xf32>,
      tpu.vector_store %arg7[%swap3A_529], %broadcast_in_dim3A_2 {strides = array<i32>} : memref<9216xf32, #tpu.memory_space<vmem>>, vector<16xf32>,
      %swap3A_531 = arith.index_cast %mul3A_528 : i32 to index
      %swap3A_532 = tpu.vector_load %arg8[%swap3A_531] {strides = array<i32>} : memref<9216xf32, #tpu.memory_space<vmem>>, vector<16xf32>,
      tpu.vector_store %arg8[%swap3A_531], %broadcast_in_dim3A_2 {strides = array<i32>} : memref<9216xf32, #tpu.memory_space<vmem>>, vector<16xf32>,
      %swap3A_533 = arith.index_cast %mul3A_528 : i32 to index
      %swap3A_534 = tpu.vector_load %arg9[%swap3A_533] {strides = array<i32>} : memref<9216xf32, #tpu.memory_space<vmem>>, vector<16xf32>,
      tpu.vector_store %arg9[%swap3A_533], %broadcast_in_dim3A_2 {strides = array<i32>} : memref<9216xf32, #tpu.memory_space<vmem>>, vector<16xf32>,
      %mul3A_535 = arith.constant 6 : i32
      %mul3A_536 = arith.muli %scan3A_509, %mul3A_535 : i32
      %add3A_537 = arith.constant 2 : i32
      %add3A_538 = arith.addi %mul3A_536, %add3A_537 : i32
      %mul3A_539 = arith.constant 16 : i32
      %mul3A_540 = arith.muli %add3A_538, %mul3A_539 : i32
      %swap3A_541 = arith.index_cast %mul3A_540 : i32 to index
      %swap3A_542 = tpu.vector_load %arg7[%swap3A_541] {strides = array<i32>} : memref<9216xf32, #tpu.memory_space<vmem>>, vector<16xf32>,
      tpu.vector_store %arg7[%swap3A_541], %broadcast_in_dim3A_2 {strides = array<i32>} : memref<9216xf32, #tpu.memory_space<vmem>>, vector<16xf32>,
      %swap3A_543 = arith.index_cast %mul3A_540 : i32 to index
      %swap3A_544 = tpu.vector_load %arg8[%swap3A_543] {strides = array<i32>} : memref<9216xf32, #tpu.memory_space<vmem>>, vector<16xf32>,
      tpu.vector_store %arg8[%swap3A_543], %broadcast_in_dim3A_2 {strides = array<i32>} : memref<9216xf32, #tpu.memory_space<vmem>>, vector<16xf32>,
      %swap3A_545 = arith.index_cast %mul3A_540 : i32 to index
      %swap3A_546 = tpu.vector_load %arg9[%swap3A_545] {strides = array<i32>} : memref<9216xf32, #tpu.memory_space<vmem>>, vector<16xf32>,
      tpu.vector_store %arg9[%swap3A_545], %broadcast_in_dim3A_2 {strides = array<i32>} : memref<9216xf32, #tpu.memory_space<vmem>>, vector<16xf32>,
      %mul3A_547 = arith.constant 6 : i32
      %mul3A_548 = arith.muli %scan3A_509, %mul3A_547 : i32
      %add3A_549 = arith.constant 3 : i32
      %add3A_550 = arith.addi %mul3A_548, %add3A_549 : i32
      %mul3A_551 = arith.constant 16 : i32
      %mul3A_552 = arith.muli %add3A_550, %mul3A_551 : i32
      %swap3A_553 = arith.index_cast %mul3A_552 : i32 to index
      %swap3A_554 = tpu.vector_load %arg7[%swap3A_553] {strides = array<i32>} : memref<9216xf32, #tpu.memory_space<vmem>>, vector<16xf32>,
      tpu.vector_store %arg7[%swap3A_553], %broadcast_in_dim3A_2 {strides = array<i32>} : memref<9216xf32, #tpu.memory_space<vmem>>, vector<16xf32>,
      %swap3A_555 = arith.index_cast %mul3A_552 : i32 to index
      %swap3A_556 = tpu.vector_load %arg8[%swap3A_555] {strides = array<i32>} : memref<9216xf32, #tpu.memory_space<vmem>>, vector<16xf32>,
      tpu.vector_store %arg8[%swap3A_555], %broadcast_in_dim3A_2 {strides = array<i32>} : memref<9216xf32, #tpu.memory_space<vmem>>, vector<16xf32>,
      %swap3A_557 = arith.index_cast %mul3A_552 : i32 to index
      %swap3A_558 = tpu.vector_load %arg9[%swap3A_557] {strides = array<i32>} : memref<9216xf32, #tpu.memory_space<vmem>>, vector<16xf32>,
      tpu.vector_store %arg9[%swap3A_557], %broadcast_in_dim3A_2 {strides = array<i32>} : memref<9216xf32, #tpu.memory_space<vmem>>, vector<16xf32>,
      %mul3A_559 = arith.constant 6 : i32
      %mul3A_560 = arith.muli %scan3A_509, %mul3A_559 : i32
      %add3A_561 = arith.constant 4 : i32
      %add3A_562 = arith.addi %mul3A_560, %add3A_561 : i32
      %mul3A_563 = arith.constant 16 : i32
      %mul3A_564 = arith.muli %add3A_562, %mul3A_563 : i32
      %swap3A_565 = arith.index_cast %mul3A_564 : i32 to index
      %swap3A_566 = tpu.vector_load %arg7[%swap3A_565] {strides = array<i32>} : memref<9216xf32, #tpu.memory_space<vmem>>, vector<16xf32>,
      tpu.vector_store %arg7[%swap3A_565], %broadcast_in_dim3A_2 {strides = array<i32>} : memref<9216xf32, #tpu.memory_space<vmem>>, vector<16xf32>,
      %swap3A_567 = arith.index_cast %mul3A_564 : i32 to index
      %swap3A_568 = tpu.vector_load %arg8[%swap3A_567] {strides = array<i32>} : memref<9216xf32, #tpu.memory_space<vmem>>, vector<16xf32>,
      tpu.vector_store %arg8[%swap3A_567], %broadcast_in_dim3A_2 {strides = array<i32>} : memref<9216xf32, #tpu.memory_space<vmem>>, vector<16xf32>,
      %swap3A_569 = arith.index_cast %mul3A_564 : i32 to index
      %swap3A_570 = tpu.vector_load %arg9[%swap3A_569] {strides = array<i32>} : memref<9216xf32, #tpu.memory_space<vmem>>, vector<16xf32>,
      tpu.vector_store %arg9[%swap3A_569], %broadcast_in_dim3A_2 {strides = array<i32>} : memref<9216xf32, #tpu.memory_space<vmem>>, vector<16xf32>,
      %mul3A_571 = arith.constant 6 : i32
      %mul3A_572 = arith.muli %scan3A_509, %mul3A_571 : i32
      %add3A_573 = arith.constant 5 : i32
      %add3A_574 = arith.addi %mul3A_572, %add3A_573 : i32
      %mul3A_575 = arith.constant 16 : i32
      %mul3A_576 = arith.muli %add3A_574, %mul3A_575 : i32
      %swap3A_577 = arith.index_cast %mul3A_576 : i32 to index
      %swap3A_578 = tpu.vector_load %arg7[%swap3A_577] {strides = array<i32>} : memref<9216xf32, #tpu.memory_space<vmem>>, vector<16xf32>,
      tpu.vector_store %arg7[%swap3A_577], %broadcast_in_dim3A_2 {strides = array<i32>} : memref<9216xf32, #tpu.memory_space<vmem>>, vector<16xf32>,
      %swap3A_579 = arith.index_cast %mul3A_576 : i32 to index
      %swap3A_580 = tpu.vector_load %arg8[%swap3A_579] {strides = array<i32>} : memref<9216xf32, #tpu.memory_space<vmem>>, vector<16xf32>,
      tpu.vector_store %arg8[%swap3A_579], %broadcast_in_dim3A_2 {strides = array<i32>} : memref<9216xf32, #tpu.memory_space<vmem>>, vector<16xf32>,
      %swap3A_581 = arith.index_cast %mul3A_576 : i32 to index
      %swap3A_582 = tpu.vector_load %arg9[%swap3A_581] {strides = array<i32>} : memref<9216xf32, #tpu.memory_space<vmem>>, vector<16xf32>,
      tpu.vector_store %arg9[%swap3A_581], %broadcast_in_dim3A_2 {strides = array<i32>} : memref<9216xf32, #tpu.memory_space<vmem>>, vector<16xf32>,
      %scan3A_583 = arith.constant 0 : i32
      scf.yield %scan3A_583 : i32
    }
    %scan3A_88 = arith.constant 96 : i32
    %dma_wait3A = arith.constant 6 : i32
    %dma_wait3A_89 = arith.constant 0 : i32
    %dma_wait3A_90 = arith.constant 0 : i32
    %dma_wait3A_91 = tpu.memref_slice %arg4[%dma_wait3A_89, %dma_wait3A_90] : memref<40x384xf32, #tpu.memory_space<vmem>> -> memref<40x384xf32, #tpu.memory_space<vmem>>
    %dma_wait3A_92 = arith.constant 0 : i32
    %dma_wait3A_93 = tpu.memref_slice %arg2[%mul3A_6, %dma_wait3A, %multiple_of3A, %dma_wait3A_92] : memref<4x8x384x384xf32, #tpu.memory_space<hbm>> -> memref<1x1x40x384xf32, #tpu.memory_space<hbm>>
    %dma_wait3A_94 = tpu.memref_squeeze %dma_wait3A_93 : memref<1x1x40x384xf32, #tpu.memory_space<hbm>> -> memref<40x384xf32, #tpu.memory_space<hbm>>
    %dma_wait3A_95 = arith.constant 0 : i32
    %dma_wait3A_96 = arith.constant 0 : i32
    %dma_wait3A_97 = tpu.memref_slice %arg4[%dma_wait3A_95, %dma_wait3A_96] : memref<40x384xf32, #tpu.memory_space<vmem>> -> memref<40x384xf32, #tpu.memory_space<vmem>>
    %dma_wait3A_98 = arith.constant 0 : i32
    %dma_wait3A_99 = tpu.memref_slice %arg2[%mul3A_6, %dma_wait3A, %multiple_of3A, %dma_wait3A_98] : memref<4x8x384x384xf32, #tpu.memory_space<hbm>> -> memref<1x1x40x384xf32, #tpu.memory_space<hbm>>
    %dma_wait3A_100 = tpu.memref_squeeze %dma_wait3A_99 : memref<1x1x40x384xf32, #tpu.memory_space<hbm>> -> memref<40x384xf32, #tpu.memory_space<hbm>>
    tpu.wait_dma2 semaphore(%arg13 : memref<!tpu.dma_semaphore, #tpu.memory_space<semaphore_mem>>) src(%dma_wait3A_100 : memref<40x384xf32, #tpu.memory_space<hbm>>) dst(%dma_wait3A_97 : memref<40x384xf32, #tpu.memory_space<vmem>>)
    %dma_wait3A_101 = arith.constant 7 : i32
    %dma_wait3A_102 = arith.constant 0 : i32
    %dma_wait3A_103 = arith.constant 0 : i32
    %dma_wait3A_104 = tpu.memref_slice %arg5[%dma_wait3A_102, %dma_wait3A_103] : memref<40x384xf32, #tpu.memory_space<vmem>> -> memref<40x384xf32, #tpu.memory_space<vmem>>
    %dma_wait3A_105 = arith.constant 0 : i32
    %dma_wait3A_106 = tpu.memref_slice %arg2[%mul3A_6, %dma_wait3A_101, %multiple_of3A, %dma_wait3A_105] : memref<4x8x384x384xf32, #tpu.memory_space<hbm>> -> memref<1x1x40x384xf32, #tpu.memory_space<hbm>>
    %dma_wait3A_107 = tpu.memref_squeeze %dma_wait3A_106 : memref<1x1x40x384xf32, #tpu.memory_space<hbm>> -> memref<40x384xf32, #tpu.memory_space<hbm>>
    %dma_wait3A_108 = arith.constant 0 : i32
    %dma_wait3A_109 = arith.constant 0 : i32
    %dma_wait3A_110 = tpu.memref_slice %arg5[%dma_wait3A_108, %dma_wait3A_109] : memref<40x384xf32, #tpu.memory_space<vmem>> -> memref<40x384xf32, #tpu.memory_space<vmem>>
    %dma_wait3A_111 = arith.constant 0 : i32
    %dma_wait3A_112 = tpu.memref_slice %arg2[%mul3A_6, %dma_wait3A_101, %multiple_of3A, %dma_wait3A_111] : memref<4x8x384x384xf32, #tpu.memory_space<hbm>> -> memref<1x1x40x384xf32, #tpu.memory_space<hbm>>
    %dma_wait3A_113 = tpu.memref_squeeze %dma_wait3A_112 : memref<1x1x40x384xf32, #tpu.memory_space<hbm>> -> memref<40x384xf32, #tpu.memory_space<hbm>>
    tpu.wait_dma2 semaphore(%arg13 : memref<!tpu.dma_semaphore, #tpu.memory_space<semaphore_mem>>) src(%dma_wait3A_113 : memref<40x384xf32, #tpu.memory_space<hbm>>) dst(%dma_wait3A_110 : memref<40x384xf32, #tpu.memory_space<vmem>>)
    %dma_wait3A_114 = arith.constant 0 : i32
    %dma_wait3A_115 = arith.constant 0 : i32
    %dma_wait3A_116 = arith.constant 0 : i32
    %dma_wait3A_117 = arith.constant 0 : i32
    %dma_wait3A_118 = tpu.memref_slice %arg6[%dma_wait3A_115, %dma_wait3A_116, %dma_wait3A_117] : memref<3x40x384xf32, #tpu.memory_space<vmem>> -> memref<1x40x384xf32, #tpu.memory_space<vmem>>
    %dma_wait3A_119 = tpu.memref_squeeze %dma_wait3A_118 : memref<1x40x384xf32, #tpu.memory_space<vmem>> -> memref<40x384xf32, #tpu.memory_space<vmem>>
    %dma_wait3A_120 = arith.constant 0 : i32
    %dma_wait3A_121 = tpu.memref_slice %arg2[%mul3A_6, %dma_wait3A_114, %multiple_of3A, %dma_wait3A_120] : memref<4x8x384x384xf32, #tpu.memory_space<hbm>> -> memref<1x1x40x384xf32, #tpu.memory_space<hbm>>
    %dma_wait3A_122 = tpu.memref_squeeze %dma_wait3A_121 : memref<1x1x40x384xf32, #tpu.memory_space<hbm>> -> memref<40x384xf32, #tpu.memory_space<hbm>>
    %dma_wait3A_123 = arith.constant 0 : i32
    %dma_wait3A_124 = arith.constant 0 : i32
    %dma_wait3A_125 = tpu.memref_slice %arg6[%dma_wait3A_115, %dma_wait3A_123, %dma_wait3A_124] : memref<3x40x384xf32, #tpu.memory_space<vmem>> -> memref<1x40x384xf32, #tpu.memory_space<vmem>>
    %dma_wait3A_126 = tpu.memref_squeeze %dma_wait3A_125 : memref<1x40x384xf32, #tpu.memory_space<vmem>> -> memref<40x384xf32, #tpu.memory_space<vmem>>
    %dma_wait3A_127 = arith.constant 0 : i32
    %dma_wait3A_128 = tpu.memref_slice %arg2[%mul3A_6, %dma_wait3A_114, %multiple_of3A, %dma_wait3A_127] : memref<4x8x384x384xf32, #tpu.memory_space<hbm>> -> memref<1x1x40x384xf32, #tpu.memory_space<hbm>>
    %dma_wait3A_129 = tpu.memref_squeeze %dma_wait3A_128 : memref<1x1x40x384xf32, #tpu.memory_space<hbm>> -> memref<40x384xf32, #tpu.memory_space<hbm>>
    tpu.wait_dma2 semaphore(%arg13 : memref<!tpu.dma_semaphore, #tpu.memory_space<semaphore_mem>>) src(%dma_wait3A_129 : memref<40x384xf32, #tpu.memory_space<hbm>>) dst(%dma_wait3A_126 : memref<40x384xf32, #tpu.memory_space<vmem>>)
    %dma_wait3A_130 = arith.constant 1 : i32
    %dma_wait3A_131 = arith.constant 1 : i32
    %dma_wait3A_132 = arith.constant 0 : i32
    %dma_wait3A_133 = arith.constant 0 : i32
    %dma_wait3A_134 = tpu.memref_slice %arg6[%dma_wait3A_131, %dma_wait3A_132, %dma_wait3A_133] : memref<3x40x384xf32, #tpu.memory_space<vmem>> -> memref<1x40x384xf32, #tpu.memory_space<vmem>>
    %dma_wait3A_135 = tpu.memref_squeeze %dma_wait3A_134 : memref<1x40x384xf32, #tpu.memory_space<vmem>> -> memref<40x384xf32, #tpu.memory_space<vmem>>
    %dma_wait3A_136 = arith.constant 0 : i32
    %dma_wait3A_137 = tpu.memref_slice %arg2[%mul3A_6, %dma_wait3A_130, %multiple_of3A, %dma_wait3A_136] : memref<4x8x384x384xf32, #tpu.memory_space<hbm>> -> memref<1x1x40x384xf32, #tpu.memory_space<hbm>>
    %dma_wait3A_138 = tpu.memref_squeeze %dma_wait3A_137 : memref<1x1x40x384xf32, #tpu.memory_space<hbm>> -> memref<40x384xf32, #tpu.memory_space<hbm>>
    %dma_wait3A_139 = arith.constant 0 : i32
    %dma_wait3A_140 = arith.constant 0 : i32
    %dma_wait3A_141 = tpu.memref_slice %arg6[%dma_wait3A_131, %dma_wait3A_139, %dma_wait3A_140] : memref<3x40x384xf32, #tpu.memory_space<vmem>> -> memref<1x40x384xf32, #tpu.memory_space<vmem>>
    %dma_wait3A_142 = tpu.memref_squeeze %dma_wait3A_141 : memref<1x40x384xf32, #tpu.memory_space<vmem>> -> memref<40x384xf32, #tpu.memory_space<vmem>>
    %dma_wait3A_143 = arith.constant 0 : i32
    %dma_wait3A_144 = tpu.memref_slice %arg2[%mul3A_6, %dma_wait3A_130, %multiple_of3A, %dma_wait3A_143] : memref<4x8x384x384xf32, #tpu.memory_space<hbm>> -> memref<1x1x40x384xf32, #tpu.memory_space<hbm>>
    %dma_wait3A_145 = tpu.memref_squeeze %dma_wait3A_144 : memref<1x1x40x384xf32, #tpu.memory_space<hbm>> -> memref<40x384xf32, #tpu.memory_space<hbm>>
    tpu.wait_dma2 semaphore(%arg13 : memref<!tpu.dma_semaphore, #tpu.memory_space<semaphore_mem>>) src(%dma_wait3A_145 : memref<40x384xf32, #tpu.memory_space<hbm>>) dst(%dma_wait3A_142 : memref<40x384xf32, #tpu.memory_space<vmem>>)
    %dma_wait3A_146 = arith.constant 2 : i32
    %dma_wait3A_147 = arith.constant 2 : i32
    %dma_wait3A_148 = arith.constant 0 : i32
    %dma_wait3A_149 = arith.constant 0 : i32
    %dma_wait3A_150 = tpu.memref_slice %arg6[%dma_wait3A_147, %dma_wait3A_148, %dma_wait3A_149] : memref<3x40x384xf32, #tpu.memory_space<vmem>> -> memref<1x40x384xf32, #tpu.memory_space<vmem>>
    %dma_wait3A_151 = tpu.memref_squeeze %dma_wait3A_150 : memref<1x40x384xf32, #tpu.memory_space<vmem>> -> memref<40x384xf32, #tpu.memory_space<vmem>>
    %dma_wait3A_152 = arith.constant 0 : i32
    %dma_wait3A_153 = tpu.memref_slice %arg2[%mul3A_6, %dma_wait3A_146, %multiple_of3A, %dma_wait3A_152] : memref<4x8x384x384xf32, #tpu.memory_space<hbm>> -> memref<1x1x40x384xf32, #tpu.memory_space<hbm>>
    %dma_wait3A_154 = tpu.memref_squeeze %dma_wait3A_153 : memref<1x1x40x384xf32, #tpu.memory_space<hbm>> -> memref<40x384xf32, #tpu.memory_space<hbm>>
    %dma_wait3A_155 = arith.constant 0 : i32
    %dma_wait3A_156 = arith.constant 0 : i32
    %dma_wait3A_157 = tpu.memref_slice %arg6[%dma_wait3A_147, %dma_wait3A_155, %dma_wait3A_156] : memref<3x40x384xf32, #tpu.memory_space<vmem>> -> memref<1x40x384xf32, #tpu.memory_space<vmem>>
    %dma_wait3A_158 = tpu.memref_squeeze %dma_wait3A_157 : memref<1x40x384xf32, #tpu.memory_space<vmem>> -> memref<40x384xf32, #tpu.memory_space<vmem>>
    %dma_wait3A_159 = arith.constant 0 : i32
    %dma_wait3A_160 = tpu.memref_slice %arg2[%mul3A_6, %dma_wait3A_146, %multiple_of3A, %dma_wait3A_159] : memref<4x8x384x384xf32, #tpu.memory_space<hbm>> -> memref<1x1x40x384xf32, #tpu.memory_space<hbm>>
    %dma_wait3A_161 = tpu.memref_squeeze %dma_wait3A_160 : memref<1x1x40x384xf32, #tpu.memory_space<hbm>> -> memref<40x384xf32, #tpu.memory_space<hbm>>
    tpu.wait_dma2 semaphore(%arg13 : memref<!tpu.dma_semaphore, #tpu.memory_space<semaphore_mem>>) src(%dma_wait3A_161 : memref<40x384xf32, #tpu.memory_space<hbm>>) dst(%dma_wait3A_158 : memref<40x384xf32, #tpu.memory_space<vmem>>)
    %broadcast_in_dim3A_162 = arith.constant 0 : i32
    %broadcast_in_dim3A_163 = vector.broadcast %broadcast_in_dim3A_162 : i32 to vector<16xi32>
    %scan3A_164 = arith.constant 0 : i32
    %scan3A_165 = arith.constant 40 : i32
    %scan3A_166 = arith.addi %scan3A_164, %scan3A_165 : i32
    %scan3A_167 = arith.constant 1 : i32
    %scan3A_168:2 = scf.for %scan3A_509 = %scan3A_164 to %scan3A_166 step %scan3A_167 iter_args(%scan3A_510 = %broadcast_in_dim3A_163, %scan3A_511 = %broadcast_in_dim3A_163) -> (vector<16xi32>, vector<16xi32>)  : i32 {
      %scan3A_512 = arith.constant 0 : i32
      %scan3A_513 = arith.constant 4 : i32
      %scan3A_514 = arith.addi %scan3A_512, %scan3A_513 : i32
      %scan3A_515 = arith.constant 1 : i32
      %scan3A_516:2 = scf.for %scan3A_518 = %scan3A_512 to %scan3A_514 step %scan3A_515 iter_args(%scan3A_519 = %scan3A_510, %scan3A_520 = %scan3A_511) -> (vector<16xi32>, vector<16xi32>)  : i32 {
        %mul3A_521 = arith.constant 6 : i32
        %mul3A_522 = arith.muli %scan3A_518, %mul3A_521 : i32
        %add3A_523 = arith.constant 0 : i32
        %add3A_524 = arith.addi %mul3A_522, %add3A_523 : i32
        %add3A_525 = arith.addi %min3A, %scan3A_509 : i32
        %convert_element_type3A_526 = arith.sitofp %add3A_525 : i32 to f32
        %mul3A_527 = arith.constant 16 : i32
        %mul3A_528 = arith.muli %add3A_524, %mul3A_527 : i32
        %get3A = arith.index_cast %scan3A_509 : i32 to index
        %get3A_529 = arith.index_cast %mul3A_528 : i32 to index
        %get3A_530 = tpu.vector_load %arg4[%get3A, %get3A_529] {strides = array<i32>} : memref<40x384xf32, #tpu.memory_space<vmem>>, vector<16xf32>,
        %get3A_531 = arith.index_cast %scan3A_509 : i32 to index
        %get3A_532 = arith.index_cast %mul3A_528 : i32 to index
        %get3A_533 = tpu.vector_load %arg5[%get3A_531, %get3A_532] {strides = array<i32>} : memref<40x384xf32, #tpu.memory_space<vmem>>, vector<16xf32>,
        %convert_element_type3A_534 = arith.sitofp %mul3A_528 : i32 to f32
        %add3A_535 = vector.broadcast %convert_element_type3A_534 : f32 to vector<16xf32>
        %add3A_536 = arith.addf %add3A_535, %convert_element_type3A_1 : vector<16xf32>
        %add3A_537 = vector.broadcast %convert_element_type3A_526 : f32 to vector<16xf32>
        %add3A_538 = arith.addf %get3A_533, %add3A_537 : vector<16xf32>
        %add3A_539 = arith.constant 0x4B400000 : f32
        %add3A_540 = vector.broadcast %add3A_539 : f32 to vector<16xf32>
        %add3A_541 = arith.addf %add3A_538, %add3A_540 : vector<16xf32>
        %sub3A_542 = arith.constant 0x4B400000 : f32
        %sub3A_543 = vector.broadcast %sub3A_542 : f32 to vector<16xf32>
        %sub3A_544 = arith.subf %add3A_541, %sub3A_543 : vector<16xf32>
        %add3A_545 = arith.addf %get3A_530, %add3A_536 : vector<16xf32>
        %add3A_546 = arith.constant 0x4B400000 : f32
        %add3A_547 = vector.broadcast %add3A_546 : f32 to vector<16xf32>
        %add3A_548 = arith.addf %add3A_545, %add3A_547 : vector<16xf32>
        %sub3A_549 = arith.constant 0x4B400000 : f32
        %sub3A_550 = vector.broadcast %sub3A_549 : f32 to vector<16xf32>
        %sub3A_551 = arith.subf %add3A_548, %sub3A_550 : vector<16xf32>
        %ge3A = arith.constant 0.000000e+00 : f32
        %ge3A_552 = vector.broadcast %ge3A : f32 to vector<16xf32>
        %ge3A_553 = arith.cmpf oge, %sub3A_551, %ge3A_552 : vector<16xf32>
        %lt3A = arith.constant 3.840000e+02 : f32
        %lt3A_554 = vector.broadcast %lt3A : f32 to vector<16xf32>
        %lt3A_555 = arith.cmpf olt, %sub3A_551, %lt3A_554 : vector<16xf32>
        %and3A = arith.andi %ge3A_553, %lt3A_555 : vector<16xi1>
        %ge3A_556 = vector.broadcast %convert_element_type3A : f32 to vector<16xf32>
        %ge3A_557 = arith.cmpf oge, %sub3A_544, %ge3A_556 : vector<16xf32>
        %add3A_558 = arith.constant 2.400000e+01 : f32
        %add3A_559 = arith.addf %convert_element_type3A, %add3A_558 : f32
        %lt3A_560 = vector.broadcast %add3A_559 : f32 to vector<16xf32>
        %lt3A_561 = arith.cmpf olt, %sub3A_544, %lt3A_560 : vector<16xf32>
        %and3A_562 = arith.andi %ge3A_557, %lt3A_561 : vector<16xi1>
        %and3A_563 = arith.andi %and3A_562, %and3A : vector<16xi1>
        %convert_element_type3A_564 = arith.fptosi %sub3A_544 : vector<16xf32> to vector<16xi32>
        %sub3A_565 = vector.broadcast %mul3A_0 : i32 to vector<16xi32>
        %sub3A_566 = arith.subi %convert_element_type3A_564, %sub3A_565 : vector<16xi32>
        %mul3A_567 = arith.constant 384 : i32
        %mul3A_568 = vector.broadcast %mul3A_567 : i32 to vector<16xi32>
        %mul3A_569 = arith.muli %sub3A_566, %mul3A_568 : vector<16xi32>
        %convert_element_type3A_570 = arith.fptosi %sub3A_551 : vector<16xf32> to vector<16xi32>
        %add3A_571 = arith.addi %mul3A_569, %convert_element_type3A_570 : vector<16xi32>
        tpu.vector_store_idx %arg7[%add3A_571], %convert_element_type3A_1 masked %and3A_563 : memref<9216xf32, #tpu.memory_space<vmem>>[vector<16xi32>], vector<16xf32>, vector<16xi1>
        %gather3A = tpu.vector_load_idx %arg7[%add3A_571] masked %and3A_563 : memref<9216xf32, #tpu.memory_space<vmem>>[vector<16xi32>], vector<16xf32>, vector<16xi1>
        %eq3A = arith.cmpf oeq, %gather3A, %convert_element_type3A_1 : vector<16xf32>
        %and3A_572 = arith.andi %and3A_563, %eq3A : vector<16xi1>
        %lt3A_573 = arith.cmpf olt, %gather3A, %convert_element_type3A_1 : vector<16xf32>
        %and3A_574 = arith.andi %and3A_563, %lt3A_573 : vector<16xi1>
        %convert_element_type3A_575 = arith.extui %and3A_574 : vector<16xi1> to vector<16xi32>
        %or3A_576 = arith.ori %scan3A_520, %convert_element_type3A_575 : vector<16xi32>
        %get3A_577 = arith.constant 0 : i32
        %get3A_578 = arith.index_cast %get3A_577 : i32 to index
        %get3A_579 = arith.index_cast %scan3A_509 : i32 to index
        %get3A_580 = arith.index_cast %mul3A_528 : i32 to index
        %get3A_581 = tpu.vector_load %arg6[%get3A_578, %get3A_579, %get3A_580] {strides = array<i32>} : memref<3x40x384xf32, #tpu.memory_space<vmem>>, vector<16xf32>,
        tpu.vector_store_idx %arg7[%add3A_571], %get3A_581 masked %and3A_572 : memref<9216xf32, #tpu.memory_space<vmem>>[vector<16xi32>], vector<16xf32>, vector<16xi1>
        %get3A_582 = arith.constant 1 : i32
        %get3A_583 = arith.index_cast %get3A_582 : i32 to index
        %get3A_584 = arith.index_cast %scan3A_509 : i32 to index
        %get3A_585 = arith.index_cast %mul3A_528 : i32 to index
        %get3A_586 = tpu.vector_load %arg6[%get3A_583, %get3A_584, %get3A_585] {strides = array<i32>} : memref<3x40x384xf32, #tpu.memory_space<vmem>>, vector<16xf32>,
        tpu.vector_store_idx %arg8[%add3A_571], %get3A_586 masked %and3A_572 : memref<9216xf32, #tpu.memory_space<vmem>>[vector<16xi32>], vector<16xf32>, vector<16xi1>
        %get3A_587 = arith.constant 2 : i32
        %get3A_588 = arith.index_cast %get3A_587 : i32 to index
        %get3A_589 = arith.index_cast %scan3A_509 : i32 to index
        %get3A_590 = arith.index_cast %mul3A_528 : i32 to index
        %get3A_591 = tpu.vector_load %arg6[%get3A_588, %get3A_589, %get3A_590] {strides = array<i32>} : memref<3x40x384xf32, #tpu.memory_space<vmem>>, vector<16xf32>,
        tpu.vector_store_idx %arg9[%add3A_571], %get3A_591 masked %and3A_572 : memref<9216xf32, #tpu.memory_space<vmem>>[vector<16xi32>], vector<16xf32>, vector<16xi1>
        %add3A_592 = arith.addi %min3A, %scan3A_509 : i32
        %ge3A_593 = arith.cmpi sge, %add3A_592, %mul3A_0 : i32
        %add3A_594 = arith.constant 24 : i32
        %add3A_595 = arith.addi %mul3A_0, %add3A_594 : i32
        %lt3A_596 = arith.cmpi slt, %add3A_592, %add3A_595 : i32
        %and3A_597 = arith.andi %ge3A_593, %lt3A_596 : i1
        %sub3A_598 = vector.broadcast %convert_element_type3A_526 : f32 to vector<16xf32>
        %sub3A_599 = arith.subf %sub3A_544, %sub3A_598 : vector<16xf32>
        %abs3A = math.absf %sub3A_599 : vector<16xf32>
        %gt3A = arith.constant 8.000000e+00 : f32
        %gt3A_600 = vector.broadcast %gt3A : f32 to vector<16xf32>
        %gt3A_601 = arith.cmpf ogt, %abs3A, %gt3A_600 : vector<16xf32>
        %convert_element_type3A_602 = arith.extui %gt3A_601 : vector<16xi1> to vector<16xi32>
        %jit3A_603 = arith.constant 0 : i32
        %broadcast_in_dim3A_604 = vector.broadcast %jit3A_603 : i32 to vector<16xi32>
        %select_n3A = arith.select %and3A_597, %convert_element_type3A_602, %broadcast_in_dim3A_604 : vector<16xi32>
        %or3A_605 = arith.ori %scan3A_519, %select_n3A : vector<16xi32>
        %mul3A_606 = arith.constant 6 : i32
        %mul3A_607 = arith.muli %scan3A_518, %mul3A_606 : i32
        %add3A_608 = arith.constant 1 : i32
        %add3A_609 = arith.addi %mul3A_607, %add3A_608 : i32
        %add3A_610 = arith.addi %min3A, %scan3A_509 : i32
        %convert_element_type3A_611 = arith.sitofp %add3A_610 : i32 to f32
        %mul3A_612 = arith.constant 16 : i32
        %mul3A_613 = arith.muli %add3A_609, %mul3A_612 : i32
        %get3A_614 = arith.index_cast %scan3A_509 : i32 to index
        %get3A_615 = arith.index_cast %mul3A_613 : i32 to index
        %get3A_616 = tpu.vector_load %arg4[%get3A_614, %get3A_615] {strides = array<i32>} : memref<40x384xf32, #tpu.memory_space<vmem>>, vector<16xf32>,
        %get3A_617 = arith.index_cast %scan3A_509 : i32 to index
        %get3A_618 = arith.index_cast %mul3A_613 : i32 to index
        %get3A_619 = tpu.vector_load %arg5[%get3A_617, %get3A_618] {strides = array<i32>} : memref<40x384xf32, #tpu.memory_space<vmem>>, vector<16xf32>,
        %convert_element_type3A_620 = arith.sitofp %mul3A_613 : i32 to f32
        %add3A_621 = vector.broadcast %convert_element_type3A_620 : f32 to vector<16xf32>
        %add3A_622 = arith.addf %add3A_621, %convert_element_type3A_1 : vector<16xf32>
        %add3A_623 = vector.broadcast %convert_element_type3A_611 : f32 to vector<16xf32>
        %add3A_624 = arith.addf %get3A_619, %add3A_623 : vector<16xf32>
        %add3A_625 = arith.constant 0x4B400000 : f32
        %add3A_626 = vector.broadcast %add3A_625 : f32 to vector<16xf32>
        %add3A_627 = arith.addf %add3A_624, %add3A_626 : vector<16xf32>
        %sub3A_628 = arith.constant 0x4B400000 : f32
        %sub3A_629 = vector.broadcast %sub3A_628 : f32 to vector<16xf32>
        %sub3A_630 = arith.subf %add3A_627, %sub3A_629 : vector<16xf32>
        %add3A_631 = arith.addf %get3A_616, %add3A_622 : vector<16xf32>
        %add3A_632 = arith.constant 0x4B400000 : f32
        %add3A_633 = vector.broadcast %add3A_632 : f32 to vector<16xf32>
        %add3A_634 = arith.addf %add3A_631, %add3A_633 : vector<16xf32>
        %sub3A_635 = arith.constant 0x4B400000 : f32
        %sub3A_636 = vector.broadcast %sub3A_635 : f32 to vector<16xf32>
        %sub3A_637 = arith.subf %add3A_634, %sub3A_636 : vector<16xf32>
        %ge3A_638 = arith.constant 0.000000e+00 : f32
        %ge3A_639 = vector.broadcast %ge3A_638 : f32 to vector<16xf32>
        %ge3A_640 = arith.cmpf oge, %sub3A_637, %ge3A_639 : vector<16xf32>
        %lt3A_641 = arith.constant 3.840000e+02 : f32
        %lt3A_642 = vector.broadcast %lt3A_641 : f32 to vector<16xf32>
        %lt3A_643 = arith.cmpf olt, %sub3A_637, %lt3A_642 : vector<16xf32>
        %and3A_644 = arith.andi %ge3A_640, %lt3A_643 : vector<16xi1>
        %ge3A_645 = vector.broadcast %convert_element_type3A : f32 to vector<16xf32>
        %ge3A_646 = arith.cmpf oge, %sub3A_630, %ge3A_645 : vector<16xf32>
        %add3A_647 = arith.constant 2.400000e+01 : f32
        %add3A_648 = arith.addf %convert_element_type3A, %add3A_647 : f32
        %lt3A_649 = vector.broadcast %add3A_648 : f32 to vector<16xf32>
        %lt3A_650 = arith.cmpf olt, %sub3A_630, %lt3A_649 : vector<16xf32>
        %and3A_651 = arith.andi %ge3A_646, %lt3A_650 : vector<16xi1>
        %and3A_652 = arith.andi %and3A_651, %and3A_644 : vector<16xi1>
        %convert_element_type3A_653 = arith.fptosi %sub3A_630 : vector<16xf32> to vector<16xi32>
        %sub3A_654 = vector.broadcast %mul3A_0 : i32 to vector<16xi32>
        %sub3A_655 = arith.subi %convert_element_type3A_653, %sub3A_654 : vector<16xi32>
        %mul3A_656 = arith.constant 384 : i32
        %mul3A_657 = vector.broadcast %mul3A_656 : i32 to vector<16xi32>
        %mul3A_658 = arith.muli %sub3A_655, %mul3A_657 : vector<16xi32>
        %convert_element_type3A_659 = arith.fptosi %sub3A_637 : vector<16xf32> to vector<16xi32>
        %add3A_660 = arith.addi %mul3A_658, %convert_element_type3A_659 : vector<16xi32>
        tpu.vector_store_idx %arg7[%add3A_660], %convert_element_type3A_1 masked %and3A_652 : memref<9216xf32, #tpu.memory_space<vmem>>[vector<16xi32>], vector<16xf32>, vector<16xi1>
        %gather3A_661 = tpu.vector_load_idx %arg7[%add3A_660] masked %and3A_652 : memref<9216xf32, #tpu.memory_space<vmem>>[vector<16xi32>], vector<16xf32>, vector<16xi1>
        %eq3A_662 = arith.cmpf oeq, %gather3A_661, %convert_element_type3A_1 : vector<16xf32>
        %and3A_663 = arith.andi %and3A_652, %eq3A_662 : vector<16xi1>
        %lt3A_664 = arith.cmpf olt, %gather3A_661, %convert_element_type3A_1 : vector<16xf32>
        %and3A_665 = arith.andi %and3A_652, %lt3A_664 : vector<16xi1>
        %convert_element_type3A_666 = arith.extui %and3A_665 : vector<16xi1> to vector<16xi32>
        %or3A_667 = arith.ori %or3A_576, %convert_element_type3A_666 : vector<16xi32>
        %get3A_668 = arith.constant 0 : i32
        %get3A_669 = arith.index_cast %get3A_668 : i32 to index
        %get3A_670 = arith.index_cast %scan3A_509 : i32 to index
        %get3A_671 = arith.index_cast %mul3A_613 : i32 to index
        %get3A_672 = tpu.vector_load %arg6[%get3A_669, %get3A_670, %get3A_671] {strides = array<i32>} : memref<3x40x384xf32, #tpu.memory_space<vmem>>, vector<16xf32>,
        tpu.vector_store_idx %arg7[%add3A_660], %get3A_672 masked %and3A_663 : memref<9216xf32, #tpu.memory_space<vmem>>[vector<16xi32>], vector<16xf32>, vector<16xi1>
        %get3A_673 = arith.constant 1 : i32
        %get3A_674 = arith.index_cast %get3A_673 : i32 to index
        %get3A_675 = arith.index_cast %scan3A_509 : i32 to index
        %get3A_676 = arith.index_cast %mul3A_613 : i32 to index
        %get3A_677 = tpu.vector_load %arg6[%get3A_674, %get3A_675, %get3A_676] {strides = array<i32>} : memref<3x40x384xf32, #tpu.memory_space<vmem>>, vector<16xf32>,
        tpu.vector_store_idx %arg8[%add3A_660], %get3A_677 masked %and3A_663 : memref<9216xf32, #tpu.memory_space<vmem>>[vector<16xi32>], vector<16xf32>, vector<16xi1>
        %get3A_678 = arith.constant 2 : i32
        %get3A_679 = arith.index_cast %get3A_678 : i32 to index
        %get3A_680 = arith.index_cast %scan3A_509 : i32 to index
        %get3A_681 = arith.index_cast %mul3A_613 : i32 to index
        %get3A_682 = tpu.vector_load %arg6[%get3A_679, %get3A_680, %get3A_681] {strides = array<i32>} : memref<3x40x384xf32, #tpu.memory_space<vmem>>, vector<16xf32>,
        tpu.vector_store_idx %arg9[%add3A_660], %get3A_682 masked %and3A_663 : memref<9216xf32, #tpu.memory_space<vmem>>[vector<16xi32>], vector<16xf32>, vector<16xi1>
        %add3A_683 = arith.addi %min3A, %scan3A_509 : i32
        %ge3A_684 = arith.cmpi sge, %add3A_683, %mul3A_0 : i32
        %add3A_685 = arith.constant 24 : i32
        %add3A_686 = arith.addi %mul3A_0, %add3A_685 : i32
        %lt3A_687 = arith.cmpi slt, %add3A_683, %add3A_686 : i32
        %and3A_688 = arith.andi %ge3A_684, %lt3A_687 : i1
        %sub3A_689 = vector.broadcast %convert_element_type3A_611 : f32 to vector<16xf32>
        %sub3A_690 = arith.subf %sub3A_630, %sub3A_689 : vector<16xf32>
        %abs3A_691 = math.absf %sub3A_690 : vector<16xf32>
        %gt3A_692 = arith.constant 8.000000e+00 : f32
        %gt3A_693 = vector.broadcast %gt3A_692 : f32 to vector<16xf32>
        %gt3A_694 = arith.cmpf ogt, %abs3A_691, %gt3A_693 : vector<16xf32>
        %convert_element_type3A_695 = arith.extui %gt3A_694 : vector<16xi1> to vector<16xi32>
        %jit3A_696 = arith.constant 0 : i32
        %broadcast_in_dim3A_697 = vector.broadcast %jit3A_696 : i32 to vector<16xi32>
        %select_n3A_698 = arith.select %and3A_688, %convert_element_type3A_695, %broadcast_in_dim3A_697 : vector<16xi32>
        %or3A_699 = arith.ori %or3A_605, %select_n3A_698 : vector<16xi32>
        %mul3A_700 = arith.constant 6 : i32
        %mul3A_701 = arith.muli %scan3A_518, %mul3A_700 : i32
        %add3A_702 = arith.constant 2 : i32
        %add3A_703 = arith.addi %mul3A_701, %add3A_702 : i32
        %add3A_704 = arith.addi %min3A, %scan3A_509 : i32
        %convert_element_type3A_705 = arith.sitofp %add3A_704 : i32 to f32
        %mul3A_706 = arith.constant 16 : i32
        %mul3A_707 = arith.muli %add3A_703, %mul3A_706 : i32
        %get3A_708 = arith.index_cast %scan3A_509 : i32 to index
        %get3A_709 = arith.index_cast %mul3A_707 : i32 to index
        %get3A_710 = tpu.vector_load %arg4[%get3A_708, %get3A_709] {strides = array<i32>} : memref<40x384xf32, #tpu.memory_space<vmem>>, vector<16xf32>,
        %get3A_711 = arith.index_cast %scan3A_509 : i32 to index
        %get3A_712 = arith.index_cast %mul3A_707 : i32 to index
        %get3A_713 = tpu.vector_load %arg5[%get3A_711, %get3A_712] {strides = array<i32>} : memref<40x384xf32, #tpu.memory_space<vmem>>, vector<16xf32>,
        %convert_element_type3A_714 = arith.sitofp %mul3A_707 : i32 to f32
        %add3A_715 = vector.broadcast %convert_element_type3A_714 : f32 to vector<16xf32>
        %add3A_716 = arith.addf %add3A_715, %convert_element_type3A_1 : vector<16xf32>
        %add3A_717 = vector.broadcast %convert_element_type3A_705 : f32 to vector<16xf32>
        %add3A_718 = arith.addf %get3A_713, %add3A_717 : vector<16xf32>
        %add3A_719 = arith.constant 0x4B400000 : f32
        %add3A_720 = vector.broadcast %add3A_719 : f32 to vector<16xf32>
        %add3A_721 = arith.addf %add3A_718, %add3A_720 : vector<16xf32>
        %sub3A_722 = arith.constant 0x4B400000 : f32
        %sub3A_723 = vector.broadcast %sub3A_722 : f32 to vector<16xf32>
        %sub3A_724 = arith.subf %add3A_721, %sub3A_723 : vector<16xf32>
        %add3A_725 = arith.addf %get3A_710, %add3A_716 : vector<16xf32>
        %add3A_726 = arith.constant 0x4B400000 : f32
        %add3A_727 = vector.broadcast %add3A_726 : f32 to vector<16xf32>
        %add3A_728 = arith.addf %add3A_725, %add3A_727 : vector<16xf32>
        %sub3A_729 = arith.constant 0x4B400000 : f32
        %sub3A_730 = vector.broadcast %sub3A_729 : f32 to vector<16xf32>
        %sub3A_731 = arith.subf %add3A_728, %sub3A_730 : vector<16xf32>
        %ge3A_732 = arith.constant 0.000000e+00 : f32
        %ge3A_733 = vector.broadcast %ge3A_732 : f32 to vector<16xf32>
        %ge3A_734 = arith.cmpf oge, %sub3A_731, %ge3A_733 : vector<16xf32>
        %lt3A_735 = arith.constant 3.840000e+02 : f32
        %lt3A_736 = vector.broadcast %lt3A_735 : f32 to vector<16xf32>
        %lt3A_737 = arith.cmpf olt, %sub3A_731, %lt3A_736 : vector<16xf32>
        %and3A_738 = arith.andi %ge3A_734, %lt3A_737 : vector<16xi1>
        %ge3A_739 = vector.broadcast %convert_element_type3A : f32 to vector<16xf32>
        %ge3A_740 = arith.cmpf oge, %sub3A_724, %ge3A_739 : vector<16xf32>
        %add3A_741 = arith.constant 2.400000e+01 : f32
        %add3A_742 = arith.addf %convert_element_type3A, %add3A_741 : f32
        %lt3A_743 = vector.broadcast %add3A_742 : f32 to vector<16xf32>
        %lt3A_744 = arith.cmpf olt, %sub3A_724, %lt3A_743 : vector<16xf32>
        %and3A_745 = arith.andi %ge3A_740, %lt3A_744 : vector<16xi1>
        %and3A_746 = arith.andi %and3A_745, %and3A_738 : vector<16xi1>
        %convert_element_type3A_747 = arith.fptosi %sub3A_724 : vector<16xf32> to vector<16xi32>
        %sub3A_748 = vector.broadcast %mul3A_0 : i32 to vector<16xi32>
        %sub3A_749 = arith.subi %convert_element_type3A_747, %sub3A_748 : vector<16xi32>
        %mul3A_750 = arith.constant 384 : i32
        %mul3A_751 = vector.broadcast %mul3A_750 : i32 to vector<16xi32>
        %mul3A_752 = arith.muli %sub3A_749, %mul3A_751 : vector<16xi32>
        %convert_element_type3A_753 = arith.fptosi %sub3A_731 : vector<16xf32> to vector<16xi32>
        %add3A_754 = arith.addi %mul3A_752, %convert_element_type3A_753 : vector<16xi32>
        tpu.vector_store_idx %arg7[%add3A_754], %convert_element_type3A_1 masked %and3A_746 : memref<9216xf32, #tpu.memory_space<vmem>>[vector<16xi32>], vector<16xf32>, vector<16xi1>
        %gather3A_755 = tpu.vector_load_idx %arg7[%add3A_754] masked %and3A_746 : memref<9216xf32, #tpu.memory_space<vmem>>[vector<16xi32>], vector<16xf32>, vector<16xi1>
        %eq3A_756 = arith.cmpf oeq, %gather3A_755, %convert_element_type3A_1 : vector<16xf32>
        %and3A_757 = arith.andi %and3A_746, %eq3A_756 : vector<16xi1>
        %lt3A_758 = arith.cmpf olt, %gather3A_755, %convert_element_type3A_1 : vector<16xf32>
        %and3A_759 = arith.andi %and3A_746, %lt3A_758 : vector<16xi1>
        %convert_element_type3A_760 = arith.extui %and3A_759 : vector<16xi1> to vector<16xi32>
        %or3A_761 = arith.ori %or3A_667, %convert_element_type3A_760 : vector<16xi32>
        %get3A_762 = arith.constant 0 : i32
        %get3A_763 = arith.index_cast %get3A_762 : i32 to index
        %get3A_764 = arith.index_cast %scan3A_509 : i32 to index
        %get3A_765 = arith.index_cast %mul3A_707 : i32 to index
        %get3A_766 = tpu.vector_load %arg6[%get3A_763, %get3A_764, %get3A_765] {strides = array<i32>} : memref<3x40x384xf32, #tpu.memory_space<vmem>>, vector<16xf32>,
        tpu.vector_store_idx %arg7[%add3A_754], %get3A_766 masked %and3A_757 : memref<9216xf32, #tpu.memory_space<vmem>>[vector<16xi32>], vector<16xf32>, vector<16xi1>
        %get3A_767 = arith.constant 1 : i32
        %get3A_768 = arith.index_cast %get3A_767 : i32 to index
        %get3A_769 = arith.index_cast %scan3A_509 : i32 to index
        %get3A_770 = arith.index_cast %mul3A_707 : i32 to index
        %get3A_771 = tpu.vector_load %arg6[%get3A_768, %get3A_769, %get3A_770] {strides = array<i32>} : memref<3x40x384xf32, #tpu.memory_space<vmem>>, vector<16xf32>,
        tpu.vector_store_idx %arg8[%add3A_754], %get3A_771 masked %and3A_757 : memref<9216xf32, #tpu.memory_space<vmem>>[vector<16xi32>], vector<16xf32>, vector<16xi1>
        %get3A_772 = arith.constant 2 : i32
        %get3A_773 = arith.index_cast %get3A_772 : i32 to index
        %get3A_774 = arith.index_cast %scan3A_509 : i32 to index
        %get3A_775 = arith.index_cast %mul3A_707 : i32 to index
        %get3A_776 = tpu.vector_load %arg6[%get3A_773, %get3A_774, %get3A_775] {strides = array<i32>} : memref<3x40x384xf32, #tpu.memory_space<vmem>>, vector<16xf32>,
        tpu.vector_store_idx %arg9[%add3A_754], %get3A_776 masked %and3A_757 : memref<9216xf32, #tpu.memory_space<vmem>>[vector<16xi32>], vector<16xf32>, vector<16xi1>
        %add3A_777 = arith.addi %min3A, %scan3A_509 : i32
        %ge3A_778 = arith.cmpi sge, %add3A_777, %mul3A_0 : i32
        %add3A_779 = arith.constant 24 : i32
        %add3A_780 = arith.addi %mul3A_0, %add3A_779 : i32
        %lt3A_781 = arith.cmpi slt, %add3A_777, %add3A_780 : i32
        %and3A_782 = arith.andi %ge3A_778, %lt3A_781 : i1
        %sub3A_783 = vector.broadcast %convert_element_type3A_705 : f32 to vector<16xf32>
        %sub3A_784 = arith.subf %sub3A_724, %sub3A_783 : vector<16xf32>
        %abs3A_785 = math.absf %sub3A_784 : vector<16xf32>
        %gt3A_786 = arith.constant 8.000000e+00 : f32
        %gt3A_787 = vector.broadcast %gt3A_786 : f32 to vector<16xf32>
        %gt3A_788 = arith.cmpf ogt, %abs3A_785, %gt3A_787 : vector<16xf32>
        %convert_element_type3A_789 = arith.extui %gt3A_788 : vector<16xi1> to vector<16xi32>
        %jit3A_790 = arith.constant 0 : i32
        %broadcast_in_dim3A_791 = vector.broadcast %jit3A_790 : i32 to vector<16xi32>
        %select_n3A_792 = arith.select %and3A_782, %convert_element_type3A_789, %broadcast_in_dim3A_791 : vector<16xi32>
        %or3A_793 = arith.ori %or3A_699, %select_n3A_792 : vector<16xi32>
        %mul3A_794 = arith.constant 6 : i32
        %mul3A_795 = arith.muli %scan3A_518, %mul3A_794 : i32
        %add3A_796 = arith.constant 3 : i32
        %add3A_797 = arith.addi %mul3A_795, %add3A_796 : i32
        %add3A_798 = arith.addi %min3A, %scan3A_509 : i32
        %convert_element_type3A_799 = arith.sitofp %add3A_798 : i32 to f32
        %mul3A_800 = arith.constant 16 : i32
        %mul3A_801 = arith.muli %add3A_797, %mul3A_800 : i32
        %get3A_802 = arith.index_cast %scan3A_509 : i32 to index
        %get3A_803 = arith.index_cast %mul3A_801 : i32 to index
        %get3A_804 = tpu.vector_load %arg4[%get3A_802, %get3A_803] {strides = array<i32>} : memref<40x384xf32, #tpu.memory_space<vmem>>, vector<16xf32>,
        %get3A_805 = arith.index_cast %scan3A_509 : i32 to index
        %get3A_806 = arith.index_cast %mul3A_801 : i32 to index
        %get3A_807 = tpu.vector_load %arg5[%get3A_805, %get3A_806] {strides = array<i32>} : memref<40x384xf32, #tpu.memory_space<vmem>>, vector<16xf32>,
        %convert_element_type3A_808 = arith.sitofp %mul3A_801 : i32 to f32
        %add3A_809 = vector.broadcast %convert_element_type3A_808 : f32 to vector<16xf32>
        %add3A_810 = arith.addf %add3A_809, %convert_element_type3A_1 : vector<16xf32>
        %add3A_811 = vector.broadcast %convert_element_type3A_799 : f32 to vector<16xf32>
        %add3A_812 = arith.addf %get3A_807, %add3A_811 : vector<16xf32>
        %add3A_813 = arith.constant 0x4B400000 : f32
        %add3A_814 = vector.broadcast %add3A_813 : f32 to vector<16xf32>
        %add3A_815 = arith.addf %add3A_812, %add3A_814 : vector<16xf32>
        %sub3A_816 = arith.constant 0x4B400000 : f32
        %sub3A_817 = vector.broadcast %sub3A_816 : f32 to vector<16xf32>
        %sub3A_818 = arith.subf %add3A_815, %sub3A_817 : vector<16xf32>
        %add3A_819 = arith.addf %get3A_804, %add3A_810 : vector<16xf32>
        %add3A_820 = arith.constant 0x4B400000 : f32
        %add3A_821 = vector.broadcast %add3A_820 : f32 to vector<16xf32>
        %add3A_822 = arith.addf %add3A_819, %add3A_821 : vector<16xf32>
        %sub3A_823 = arith.constant 0x4B400000 : f32
        %sub3A_824 = vector.broadcast %sub3A_823 : f32 to vector<16xf32>
        %sub3A_825 = arith.subf %add3A_822, %sub3A_824 : vector<16xf32>
        %ge3A_826 = arith.constant 0.000000e+00 : f32
        %ge3A_827 = vector.broadcast %ge3A_826 : f32 to vector<16xf32>
        %ge3A_828 = arith.cmpf oge, %sub3A_825, %ge3A_827 : vector<16xf32>
        %lt3A_829 = arith.constant 3.840000e+02 : f32
        %lt3A_830 = vector.broadcast %lt3A_829 : f32 to vector<16xf32>
        %lt3A_831 = arith.cmpf olt, %sub3A_825, %lt3A_830 : vector<16xf32>
        %and3A_832 = arith.andi %ge3A_828, %lt3A_831 : vector<16xi1>
        %ge3A_833 = vector.broadcast %convert_element_type3A : f32 to vector<16xf32>
        %ge3A_834 = arith.cmpf oge, %sub3A_818, %ge3A_833 : vector<16xf32>
        %add3A_835 = arith.constant 2.400000e+01 : f32
        %add3A_836 = arith.addf %convert_element_type3A, %add3A_835 : f32
        %lt3A_837 = vector.broadcast %add3A_836 : f32 to vector<16xf32>
        %lt3A_838 = arith.cmpf olt, %sub3A_818, %lt3A_837 : vector<16xf32>
        %and3A_839 = arith.andi %ge3A_834, %lt3A_838 : vector<16xi1>
        %and3A_840 = arith.andi %and3A_839, %and3A_832 : vector<16xi1>
        %convert_element_type3A_841 = arith.fptosi %sub3A_818 : vector<16xf32> to vector<16xi32>
        %sub3A_842 = vector.broadcast %mul3A_0 : i32 to vector<16xi32>
        %sub3A_843 = arith.subi %convert_element_type3A_841, %sub3A_842 : vector<16xi32>
        %mul3A_844 = arith.constant 384 : i32
        %mul3A_845 = vector.broadcast %mul3A_844 : i32 to vector<16xi32>
        %mul3A_846 = arith.muli %sub3A_843, %mul3A_845 : vector<16xi32>
        %convert_element_type3A_847 = arith.fptosi %sub3A_825 : vector<16xf32> to vector<16xi32>
        %add3A_848 = arith.addi %mul3A_846, %convert_element_type3A_847 : vector<16xi32>
        tpu.vector_store_idx %arg7[%add3A_848], %convert_element_type3A_1 masked %and3A_840 : memref<9216xf32, #tpu.memory_space<vmem>>[vector<16xi32>], vector<16xf32>, vector<16xi1>
        %gather3A_849 = tpu.vector_load_idx %arg7[%add3A_848] masked %and3A_840 : memref<9216xf32, #tpu.memory_space<vmem>>[vector<16xi32>], vector<16xf32>, vector<16xi1>
        %eq3A_850 = arith.cmpf oeq, %gather3A_849, %convert_element_type3A_1 : vector<16xf32>
        %and3A_851 = arith.andi %and3A_840, %eq3A_850 : vector<16xi1>
        %lt3A_852 = arith.cmpf olt, %gather3A_849, %convert_element_type3A_1 : vector<16xf32>
        %and3A_853 = arith.andi %and3A_840, %lt3A_852 : vector<16xi1>
        %convert_element_type3A_854 = arith.extui %and3A_853 : vector<16xi1> to vector<16xi32>
        %or3A_855 = arith.ori %or3A_761, %convert_element_type3A_854 : vector<16xi32>
        %get3A_856 = arith.constant 0 : i32
        %get3A_857 = arith.index_cast %get3A_856 : i32 to index
        %get3A_858 = arith.index_cast %scan3A_509 : i32 to index
        %get3A_859 = arith.index_cast %mul3A_801 : i32 to index
        %get3A_860 = tpu.vector_load %arg6[%get3A_857, %get3A_858, %get3A_859] {strides = array<i32>} : memref<3x40x384xf32, #tpu.memory_space<vmem>>, vector<16xf32>,
        tpu.vector_store_idx %arg7[%add3A_848], %get3A_860 masked %and3A_851 : memref<9216xf32, #tpu.memory_space<vmem>>[vector<16xi32>], vector<16xf32>, vector<16xi1>
        %get3A_861 = arith.constant 1 : i32
        %get3A_862 = arith.index_cast %get3A_861 : i32 to index
        %get3A_863 = arith.index_cast %scan3A_509 : i32 to index
        %get3A_864 = arith.index_cast %mul3A_801 : i32 to index
        %get3A_865 = tpu.vector_load %arg6[%get3A_862, %get3A_863, %get3A_864] {strides = array<i32>} : memref<3x40x384xf32, #tpu.memory_space<vmem>>, vector<16xf32>,
        tpu.vector_store_idx %arg8[%add3A_848], %get3A_865 masked %and3A_851 : memref<9216xf32, #tpu.memory_space<vmem>>[vector<16xi32>], vector<16xf32>, vector<16xi1>
        %get3A_866 = arith.constant 2 : i32
        %get3A_867 = arith.index_cast %get3A_866 : i32 to index
        %get3A_868 = arith.index_cast %scan3A_509 : i32 to index
        %get3A_869 = arith.index_cast %mul3A_801 : i32 to index
        %get3A_870 = tpu.vector_load %arg6[%get3A_867, %get3A_868, %get3A_869] {strides = array<i32>} : memref<3x40x384xf32, #tpu.memory_space<vmem>>, vector<16xf32>,
        tpu.vector_store_idx %arg9[%add3A_848], %get3A_870 masked %and3A_851 : memref<9216xf32, #tpu.memory_space<vmem>>[vector<16xi32>], vector<16xf32>, vector<16xi1>
        %add3A_871 = arith.addi %min3A, %scan3A_509 : i32
        %ge3A_872 = arith.cmpi sge, %add3A_871, %mul3A_0 : i32
        %add3A_873 = arith.constant 24 : i32
        %add3A_874 = arith.addi %mul3A_0, %add3A_873 : i32
        %lt3A_875 = arith.cmpi slt, %add3A_871, %add3A_874 : i32
        %and3A_876 = arith.andi %ge3A_872, %lt3A_875 : i1
        %sub3A_877 = vector.broadcast %convert_element_type3A_799 : f32 to vector<16xf32>
        %sub3A_878 = arith.subf %sub3A_818, %sub3A_877 : vector<16xf32>
        %abs3A_879 = math.absf %sub3A_878 : vector<16xf32>
        %gt3A_880 = arith.constant 8.000000e+00 : f32
        %gt3A_881 = vector.broadcast %gt3A_880 : f32 to vector<16xf32>
        %gt3A_882 = arith.cmpf ogt, %abs3A_879, %gt3A_881 : vector<16xf32>
        %convert_element_type3A_883 = arith.extui %gt3A_882 : vector<16xi1> to vector<16xi32>
        %jit3A_884 = arith.constant 0 : i32
        %broadcast_in_dim3A_885 = vector.broadcast %jit3A_884 : i32 to vector<16xi32>
        %select_n3A_886 = arith.select %and3A_876, %convert_element_type3A_883, %broadcast_in_dim3A_885 : vector<16xi32>
        %or3A_887 = arith.ori %or3A_793, %select_n3A_886 : vector<16xi32>
        %mul3A_888 = arith.constant 6 : i32
        %mul3A_889 = arith.muli %scan3A_518, %mul3A_888 : i32
        %add3A_890 = arith.constant 4 : i32
        %add3A_891 = arith.addi %mul3A_889, %add3A_890 : i32
        %add3A_892 = arith.addi %min3A, %scan3A_509 : i32
        %convert_element_type3A_893 = arith.sitofp %add3A_892 : i32 to f32
        %mul3A_894 = arith.constant 16 : i32
        %mul3A_895 = arith.muli %add3A_891, %mul3A_894 : i32
        %get3A_896 = arith.index_cast %scan3A_509 : i32 to index
        %get3A_897 = arith.index_cast %mul3A_895 : i32 to index
        %get3A_898 = tpu.vector_load %arg4[%get3A_896, %get3A_897] {strides = array<i32>} : memref<40x384xf32, #tpu.memory_space<vmem>>, vector<16xf32>,
        %get3A_899 = arith.index_cast %scan3A_509 : i32 to index
        %get3A_900 = arith.index_cast %mul3A_895 : i32 to index
        %get3A_901 = tpu.vector_load %arg5[%get3A_899, %get3A_900] {strides = array<i32>} : memref<40x384xf32, #tpu.memory_space<vmem>>, vector<16xf32>,
        %convert_element_type3A_902 = arith.sitofp %mul3A_895 : i32 to f32
        %add3A_903 = vector.broadcast %convert_element_type3A_902 : f32 to vector<16xf32>
        %add3A_904 = arith.addf %add3A_903, %convert_element_type3A_1 : vector<16xf32>
        %add3A_905 = vector.broadcast %convert_element_type3A_893 : f32 to vector<16xf32>
        %add3A_906 = arith.addf %get3A_901, %add3A_905 : vector<16xf32>
        %add3A_907 = arith.constant 0x4B400000 : f32
        %add3A_908 = vector.broadcast %add3A_907 : f32 to vector<16xf32>
        %add3A_909 = arith.addf %add3A_906, %add3A_908 : vector<16xf32>
        %sub3A_910 = arith.constant 0x4B400000 : f32
        %sub3A_911 = vector.broadcast %sub3A_910 : f32 to vector<16xf32>
        %sub3A_912 = arith.subf %add3A_909, %sub3A_911 : vector<16xf32>
        %add3A_913 = arith.addf %get3A_898, %add3A_904 : vector<16xf32>
        %add3A_914 = arith.constant 0x4B400000 : f32
        %add3A_915 = vector.broadcast %add3A_914 : f32 to vector<16xf32>
        %add3A_916 = arith.addf %add3A_913, %add3A_915 : vector<16xf32>
        %sub3A_917 = arith.constant 0x4B400000 : f32
        %sub3A_918 = vector.broadcast %sub3A_917 : f32 to vector<16xf32>
        %sub3A_919 = arith.subf %add3A_916, %sub3A_918 : vector<16xf32>
        %ge3A_920 = arith.constant 0.000000e+00 : f32
        %ge3A_921 = vector.broadcast %ge3A_920 : f32 to vector<16xf32>
        %ge3A_922 = arith.cmpf oge, %sub3A_919, %ge3A_921 : vector<16xf32>
        %lt3A_923 = arith.constant 3.840000e+02 : f32
        %lt3A_924 = vector.broadcast %lt3A_923 : f32 to vector<16xf32>
        %lt3A_925 = arith.cmpf olt, %sub3A_919, %lt3A_924 : vector<16xf32>
        %and3A_926 = arith.andi %ge3A_922, %lt3A_925 : vector<16xi1>
        %ge3A_927 = vector.broadcast %convert_element_type3A : f32 to vector<16xf32>
        %ge3A_928 = arith.cmpf oge, %sub3A_912, %ge3A_927 : vector<16xf32>
        %add3A_929 = arith.constant 2.400000e+01 : f32
        %add3A_930 = arith.addf %convert_element_type3A, %add3A_929 : f32
        %lt3A_931 = vector.broadcast %add3A_930 : f32 to vector<16xf32>
        %lt3A_932 = arith.cmpf olt, %sub3A_912, %lt3A_931 : vector<16xf32>
        %and3A_933 = arith.andi %ge3A_928, %lt3A_932 : vector<16xi1>
        %and3A_934 = arith.andi %and3A_933, %and3A_926 : vector<16xi1>
        %convert_element_type3A_935 = arith.fptosi %sub3A_912 : vector<16xf32> to vector<16xi32>
        %sub3A_936 = vector.broadcast %mul3A_0 : i32 to vector<16xi32>
        %sub3A_937 = arith.subi %convert_element_type3A_935, %sub3A_936 : vector<16xi32>
        %mul3A_938 = arith.constant 384 : i32
        %mul3A_939 = vector.broadcast %mul3A_938 : i32 to vector<16xi32>
        %mul3A_940 = arith.muli %sub3A_937, %mul3A_939 : vector<16xi32>
        %convert_element_type3A_941 = arith.fptosi %sub3A_919 : vector<16xf32> to vector<16xi32>
        %add3A_942 = arith.addi %mul3A_940, %convert_element_type3A_941 : vector<16xi32>
        tpu.vector_store_idx %arg7[%add3A_942], %convert_element_type3A_1 masked %and3A_934 : memref<9216xf32, #tpu.memory_space<vmem>>[vector<16xi32>], vector<16xf32>, vector<16xi1>
        %gather3A_943 = tpu.vector_load_idx %arg7[%add3A_942] masked %and3A_934 : memref<9216xf32, #tpu.memory_space<vmem>>[vector<16xi32>], vector<16xf32>, vector<16xi1>
        %eq3A_944 = arith.cmpf oeq, %gather3A_943, %convert_element_type3A_1 : vector<16xf32>
        %and3A_945 = arith.andi %and3A_934, %eq3A_944 : vector<16xi1>
        %lt3A_946 = arith.cmpf olt, %gather3A_943, %convert_element_type3A_1 : vector<16xf32>
        %and3A_947 = arith.andi %and3A_934, %lt3A_946 : vector<16xi1>
        %convert_element_type3A_948 = arith.extui %and3A_947 : vector<16xi1> to vector<16xi32>
        %or3A_949 = arith.ori %or3A_855, %convert_element_type3A_948 : vector<16xi32>
        %get3A_950 = arith.constant 0 : i32
        %get3A_951 = arith.index_cast %get3A_950 : i32 to index
        %get3A_952 = arith.index_cast %scan3A_509 : i32 to index
        %get3A_953 = arith.index_cast %mul3A_895 : i32 to index
        %get3A_954 = tpu.vector_load %arg6[%get3A_951, %get3A_952, %get3A_953] {strides = array<i32>} : memref<3x40x384xf32, #tpu.memory_space<vmem>>, vector<16xf32>,
        tpu.vector_store_idx %arg7[%add3A_942], %get3A_954 masked %and3A_945 : memref<9216xf32, #tpu.memory_space<vmem>>[vector<16xi32>], vector<16xf32>, vector<16xi1>
        %get3A_955 = arith.constant 1 : i32
        %get3A_956 = arith.index_cast %get3A_955 : i32 to index
        %get3A_957 = arith.index_cast %scan3A_509 : i32 to index
        %get3A_958 = arith.index_cast %mul3A_895 : i32 to index
        %get3A_959 = tpu.vector_load %arg6[%get3A_956, %get3A_957, %get3A_958] {strides = array<i32>} : memref<3x40x384xf32, #tpu.memory_space<vmem>>, vector<16xf32>,
        tpu.vector_store_idx %arg8[%add3A_942], %get3A_959 masked %and3A_945 : memref<9216xf32, #tpu.memory_space<vmem>>[vector<16xi32>], vector<16xf32>, vector<16xi1>
        %get3A_960 = arith.constant 2 : i32
        %get3A_961 = arith.index_cast %get3A_960 : i32 to index
        %get3A_962 = arith.index_cast %scan3A_509 : i32 to index
        %get3A_963 = arith.index_cast %mul3A_895 : i32 to index
        %get3A_964 = tpu.vector_load %arg6[%get3A_961, %get3A_962, %get3A_963] {strides = array<i32>} : memref<3x40x384xf32, #tpu.memory_space<vmem>>, vector<16xf32>,
        tpu.vector_store_idx %arg9[%add3A_942], %get3A_964 masked %and3A_945 : memref<9216xf32, #tpu.memory_space<vmem>>[vector<16xi32>], vector<16xf32>, vector<16xi1>
        %add3A_965 = arith.addi %min3A, %scan3A_509 : i32
        %ge3A_966 = arith.cmpi sge, %add3A_965, %mul3A_0 : i32
        %add3A_967 = arith.constant 24 : i32
        %add3A_968 = arith.addi %mul3A_0, %add3A_967 : i32
        %lt3A_969 = arith.cmpi slt, %add3A_965, %add3A_968 : i32
        %and3A_970 = arith.andi %ge3A_966, %lt3A_969 : i1
        %sub3A_971 = vector.broadcast %convert_element_type3A_893 : f32 to vector<16xf32>
        %sub3A_972 = arith.subf %sub3A_912, %sub3A_971 : vector<16xf32>
        %abs3A_973 = math.absf %sub3A_972 : vector<16xf32>
        %gt3A_974 = arith.constant 8.000000e+00 : f32
        %gt3A_975 = vector.broadcast %gt3A_974 : f32 to vector<16xf32>
        %gt3A_976 = arith.cmpf ogt, %abs3A_973, %gt3A_975 : vector<16xf32>
        %convert_element_type3A_977 = arith.extui %gt3A_976 : vector<16xi1> to vector<16xi32>
        %jit3A_978 = arith.constant 0 : i32
        %broadcast_in_dim3A_979 = vector.broadcast %jit3A_978 : i32 to vector<16xi32>
        %select_n3A_980 = arith.select %and3A_970, %convert_element_type3A_977, %broadcast_in_dim3A_979 : vector<16xi32>
        %or3A_981 = arith.ori %or3A_887, %select_n3A_980 : vector<16xi32>
        %mul3A_982 = arith.constant 6 : i32
        %mul3A_983 = arith.muli %scan3A_518, %mul3A_982 : i32
        %add3A_984 = arith.constant 5 : i32
        %add3A_985 = arith.addi %mul3A_983, %add3A_984 : i32
        %add3A_986 = arith.addi %min3A, %scan3A_509 : i32
        %convert_element_type3A_987 = arith.sitofp %add3A_986 : i32 to f32
        %mul3A_988 = arith.constant 16 : i32
        %mul3A_989 = arith.muli %add3A_985, %mul3A_988 : i32
        %get3A_990 = arith.index_cast %scan3A_509 : i32 to index
        %get3A_991 = arith.index_cast %mul3A_989 : i32 to index
        %get3A_992 = tpu.vector_load %arg4[%get3A_990, %get3A_991] {strides = array<i32>} : memref<40x384xf32, #tpu.memory_space<vmem>>, vector<16xf32>,
        %get3A_993 = arith.index_cast %scan3A_509 : i32 to index
        %get3A_994 = arith.index_cast %mul3A_989 : i32 to index
        %get3A_995 = tpu.vector_load %arg5[%get3A_993, %get3A_994] {strides = array<i32>} : memref<40x384xf32, #tpu.memory_space<vmem>>, vector<16xf32>,
        %convert_element_type3A_996 = arith.sitofp %mul3A_989 : i32 to f32
        %add3A_997 = vector.broadcast %convert_element_type3A_996 : f32 to vector<16xf32>
        %add3A_998 = arith.addf %add3A_997, %convert_element_type3A_1 : vector<16xf32>
        %add3A_999 = vector.broadcast %convert_element_type3A_987 : f32 to vector<16xf32>
        %add3A_1000 = arith.addf %get3A_995, %add3A_999 : vector<16xf32>
        %add3A_1001 = arith.constant 0x4B400000 : f32
        %add3A_1002 = vector.broadcast %add3A_1001 : f32 to vector<16xf32>
        %add3A_1003 = arith.addf %add3A_1000, %add3A_1002 : vector<16xf32>
        %sub3A_1004 = arith.constant 0x4B400000 : f32
        %sub3A_1005 = vector.broadcast %sub3A_1004 : f32 to vector<16xf32>
        %sub3A_1006 = arith.subf %add3A_1003, %sub3A_1005 : vector<16xf32>
        %add3A_1007 = arith.addf %get3A_992, %add3A_998 : vector<16xf32>
        %add3A_1008 = arith.constant 0x4B400000 : f32
        %add3A_1009 = vector.broadcast %add3A_1008 : f32 to vector<16xf32>
        %add3A_1010 = arith.addf %add3A_1007, %add3A_1009 : vector<16xf32>
        %sub3A_1011 = arith.constant 0x4B400000 : f32
        %sub3A_1012 = vector.broadcast %sub3A_1011 : f32 to vector<16xf32>
        %sub3A_1013 = arith.subf %add3A_1010, %sub3A_1012 : vector<16xf32>
        %ge3A_1014 = arith.constant 0.000000e+00 : f32
        %ge3A_1015 = vector.broadcast %ge3A_1014 : f32 to vector<16xf32>
        %ge3A_1016 = arith.cmpf oge, %sub3A_1013, %ge3A_1015 : vector<16xf32>
        %lt3A_1017 = arith.constant 3.840000e+02 : f32
        %lt3A_1018 = vector.broadcast %lt3A_1017 : f32 to vector<16xf32>
        %lt3A_1019 = arith.cmpf olt, %sub3A_1013, %lt3A_1018 : vector<16xf32>
        %and3A_1020 = arith.andi %ge3A_1016, %lt3A_1019 : vector<16xi1>
        %ge3A_1021 = vector.broadcast %convert_element_type3A : f32 to vector<16xf32>
        %ge3A_1022 = arith.cmpf oge, %sub3A_1006, %ge3A_1021 : vector<16xf32>
        %add3A_1023 = arith.constant 2.400000e+01 : f32
        %add3A_1024 = arith.addf %convert_element_type3A, %add3A_1023 : f32
        %lt3A_1025 = vector.broadcast %add3A_1024 : f32 to vector<16xf32>
        %lt3A_1026 = arith.cmpf olt, %sub3A_1006, %lt3A_1025 : vector<16xf32>
        %and3A_1027 = arith.andi %ge3A_1022, %lt3A_1026 : vector<16xi1>
        %and3A_1028 = arith.andi %and3A_1027, %and3A_1020 : vector<16xi1>
        %convert_element_type3A_1029 = arith.fptosi %sub3A_1006 : vector<16xf32> to vector<16xi32>
        %sub3A_1030 = vector.broadcast %mul3A_0 : i32 to vector<16xi32>
        %sub3A_1031 = arith.subi %convert_element_type3A_1029, %sub3A_1030 : vector<16xi32>
        %mul3A_1032 = arith.constant 384 : i32
        %mul3A_1033 = vector.broadcast %mul3A_1032 : i32 to vector<16xi32>
        %mul3A_1034 = arith.muli %sub3A_1031, %mul3A_1033 : vector<16xi32>
        %convert_element_type3A_1035 = arith.fptosi %sub3A_1013 : vector<16xf32> to vector<16xi32>
        %add3A_1036 = arith.addi %mul3A_1034, %convert_element_type3A_1035 : vector<16xi32>
        tpu.vector_store_idx %arg7[%add3A_1036], %convert_element_type3A_1 masked %and3A_1028 : memref<9216xf32, #tpu.memory_space<vmem>>[vector<16xi32>], vector<16xf32>, vector<16xi1>
        %gather3A_1037 = tpu.vector_load_idx %arg7[%add3A_1036] masked %and3A_1028 : memref<9216xf32, #tpu.memory_space<vmem>>[vector<16xi32>], vector<16xf32>, vector<16xi1>
        %eq3A_1038 = arith.cmpf oeq, %gather3A_1037, %convert_element_type3A_1 : vector<16xf32>
        %and3A_1039 = arith.andi %and3A_1028, %eq3A_1038 : vector<16xi1>
        %lt3A_1040 = arith.cmpf olt, %gather3A_1037, %convert_element_type3A_1 : vector<16xf32>
        %and3A_1041 = arith.andi %and3A_1028, %lt3A_1040 : vector<16xi1>
        %convert_element_type3A_1042 = arith.extui %and3A_1041 : vector<16xi1> to vector<16xi32>
        %or3A_1043 = arith.ori %or3A_949, %convert_element_type3A_1042 : vector<16xi32>
        %get3A_1044 = arith.constant 0 : i32
        %get3A_1045 = arith.index_cast %get3A_1044 : i32 to index
        %get3A_1046 = arith.index_cast %scan3A_509 : i32 to index
        %get3A_1047 = arith.index_cast %mul3A_989 : i32 to index
        %get3A_1048 = tpu.vector_load %arg6[%get3A_1045, %get3A_1046, %get3A_1047] {strides = array<i32>} : memref<3x40x384xf32, #tpu.memory_space<vmem>>, vector<16xf32>,
        tpu.vector_store_idx %arg7[%add3A_1036], %get3A_1048 masked %and3A_1039 : memref<9216xf32, #tpu.memory_space<vmem>>[vector<16xi32>], vector<16xf32>, vector<16xi1>
        %get3A_1049 = arith.constant 1 : i32
        %get3A_1050 = arith.index_cast %get3A_1049 : i32 to index
        %get3A_1051 = arith.index_cast %scan3A_509 : i32 to index
        %get3A_1052 = arith.index_cast %mul3A_989 : i32 to index
        %get3A_1053 = tpu.vector_load %arg6[%get3A_1050, %get3A_1051, %get3A_1052] {strides = array<i32>} : memref<3x40x384xf32, #tpu.memory_space<vmem>>, vector<16xf32>,
        tpu.vector_store_idx %arg8[%add3A_1036], %get3A_1053 masked %and3A_1039 : memref<9216xf32, #tpu.memory_space<vmem>>[vector<16xi32>], vector<16xf32>, vector<16xi1>
        %get3A_1054 = arith.constant 2 : i32
        %get3A_1055 = arith.index_cast %get3A_1054 : i32 to index
        %get3A_1056 = arith.index_cast %scan3A_509 : i32 to index
        %get3A_1057 = arith.index_cast %mul3A_989 : i32 to index
        %get3A_1058 = tpu.vector_load %arg6[%get3A_1055, %get3A_1056, %get3A_1057] {strides = array<i32>} : memref<3x40x384xf32, #tpu.memory_space<vmem>>, vector<16xf32>,
        tpu.vector_store_idx %arg9[%add3A_1036], %get3A_1058 masked %and3A_1039 : memref<9216xf32, #tpu.memory_space<vmem>>[vector<16xi32>], vector<16xf32>, vector<16xi1>
        %add3A_1059 = arith.addi %min3A, %scan3A_509 : i32
        %ge3A_1060 = arith.cmpi sge, %add3A_1059, %mul3A_0 : i32
        %add3A_1061 = arith.constant 24 : i32
        %add3A_1062 = arith.addi %mul3A_0, %add3A_1061 : i32
        %lt3A_1063 = arith.cmpi slt, %add3A_1059, %add3A_1062 : i32
        %and3A_1064 = arith.andi %ge3A_1060, %lt3A_1063 : i1
        %sub3A_1065 = vector.broadcast %convert_element_type3A_987 : f32 to vector<16xf32>
        %sub3A_1066 = arith.subf %sub3A_1006, %sub3A_1065 : vector<16xf32>
        %abs3A_1067 = math.absf %sub3A_1066 : vector<16xf32>
        %gt3A_1068 = arith.constant 8.000000e+00 : f32
        %gt3A_1069 = vector.broadcast %gt3A_1068 : f32 to vector<16xf32>
        %gt3A_1070 = arith.cmpf ogt, %abs3A_1067, %gt3A_1069 : vector<16xf32>
        %convert_element_type3A_1071 = arith.extui %gt3A_1070 : vector<16xi1> to vector<16xi32>
        %jit3A_1072 = arith.constant 0 : i32
        %broadcast_in_dim3A_1073 = vector.broadcast %jit3A_1072 : i32 to vector<16xi32>
        %select_n3A_1074 = arith.select %and3A_1064, %convert_element_type3A_1071, %broadcast_in_dim3A_1073 : vector<16xi32>
        %or3A_1075 = arith.ori %or3A_981, %select_n3A_1074 : vector<16xi32>
        scf.yield %or3A_1075, %or3A_1043 : vector<16xi32>, vector<16xi32>
      }
      %scan3A_517 = arith.constant 4 : i32
      scf.yield %scan3A_516#0, %scan3A_516#1 : vector<16xi32>, vector<16xi32>
    }
    %scan3A_169 = arith.constant 40 : i32
    %swap3A = arith.constant 0 : index
    %swap3A_170 = tpu.vector_load %arg10[%swap3A] {strides = array<i32>} : memref<16xi32, #tpu.memory_space<vmem>>, vector<16xi32>,
    tpu.vector_store %arg10[%swap3A], %scan3A_168#0 {strides = array<i32>} : memref<16xi32, #tpu.memory_space<vmem>>, vector<16xi32>,
    %run_scoped3A = arith.constant 0 : i32
    "tpu.region"() ({
      %run_scoped3A_509 = tpu.sem_alloc : memref<!tpu.dma_semaphore, #tpu.memory_space<semaphore_mem>>
      %dma_start3A_510 = arith.constant 0 : i32
      %dma_start3A_511 = tpu.memref_slice %arg12[%run_scoped3A, %arg1, %dma_start3A_510] : memref<2x16x16xi32, #tpu.memory_space<vmem_shared>> -> memref<1x1x16xi32, #tpu.memory_space<vmem_shared>>
      %dma_start3A_512 = tpu.memref_squeeze %dma_start3A_511 : memref<1x1x16xi32, #tpu.memory_space<vmem_shared>> -> memref<16xi32, #tpu.memory_space<vmem_shared>>
      %dma_start3A_513 = arith.constant 0 : i32
      %dma_start3A_514 = tpu.memref_slice %arg12[%run_scoped3A, %arg1, %dma_start3A_513] : memref<2x16x16xi32, #tpu.memory_space<vmem_shared>> -> memref<1x1x16xi32, #tpu.memory_space<vmem_shared>>
      %dma_start3A_515 = tpu.memref_squeeze %dma_start3A_514 : memref<1x1x16xi32, #tpu.memory_space<vmem_shared>> -> memref<16xi32, #tpu.memory_space<vmem_shared>>
      tpu.enqueue_dma source(%arg10 : memref<16xi32, #tpu.memory_space<vmem>>) target(%dma_start3A_515 : memref<16xi32, #tpu.memory_space<vmem_shared>>) target_semaphore(%run_scoped3A_509 : memref<!tpu.dma_semaphore, #tpu.memory_space<semaphore_mem>>)
      %dma_wait3A_516 = arith.constant 0 : i32
      %dma_wait3A_517 = tpu.memref_slice %arg12[%run_scoped3A, %arg1, %dma_wait3A_516] : memref<2x16x16xi32, #tpu.memory_space<vmem_shared>> -> memref<1x1x16xi32, #tpu.memory_space<vmem_shared>>
      %dma_wait3A_518 = tpu.memref_squeeze %dma_wait3A_517 : memref<1x1x16xi32, #tpu.memory_space<vmem_shared>> -> memref<16xi32, #tpu.memory_space<vmem_shared>>
      %dma_wait3A_519 = arith.constant 0 : i32
      %dma_wait3A_520 = tpu.memref_slice %arg12[%run_scoped3A, %arg1, %dma_wait3A_519] : memref<2x16x16xi32, #tpu.memory_space<vmem_shared>> -> memref<1x1x16xi32, #tpu.memory_space<vmem_shared>>
      %dma_wait3A_521 = tpu.memref_squeeze %dma_wait3A_520 : memref<1x1x16xi32, #tpu.memory_space<vmem_shared>> -> memref<16xi32, #tpu.memory_space<vmem_shared>>
      tpu.wait_dma2 semaphore(%run_scoped3A_509 : memref<!tpu.dma_semaphore, #tpu.memory_space<semaphore_mem>>) src(%arg10 : memref<16xi32, #tpu.memory_space<vmem>>) dst(%dma_wait3A_521 : memref<16xi32, #tpu.memory_space<vmem_shared>>)
      tpu.yield
    }) : () -> ()
    %barrier3A = arith.constant 0 : index
    tpu.barrier barrier_id(%barrier3A)
    %run_scoped3A_171 = arith.constant 0 : i32
    "tpu.region"() ({
      %run_scoped3A_509 = tpu.sem_alloc : memref<!tpu.dma_semaphore, #tpu.memory_space<semaphore_mem>>
      %dma_start3A_510 = arith.constant 0 : i32
      %dma_start3A_511 = arith.constant 0 : i32
      %dma_start3A_512 = tpu.memref_slice %arg12[%run_scoped3A_171, %dma_start3A_510, %dma_start3A_511] : memref<2x16x16xi32, #tpu.memory_space<vmem_shared>> -> memref<1x16x16xi32, #tpu.memory_space<vmem_shared>>
      %dma_start3A_513 = tpu.memref_squeeze %dma_start3A_512 : memref<1x16x16xi32, #tpu.memory_space<vmem_shared>> -> memref<16x16xi32, #tpu.memory_space<vmem_shared>>
      %dma_start3A_514 = arith.constant 0 : i32
      %dma_start3A_515 = arith.constant 0 : i32
      %dma_start3A_516 = tpu.memref_slice %arg12[%run_scoped3A_171, %dma_start3A_514, %dma_start3A_515] : memref<2x16x16xi32, #tpu.memory_space<vmem_shared>> -> memref<1x16x16xi32, #tpu.memory_space<vmem_shared>>
      %dma_start3A_517 = tpu.memref_squeeze %dma_start3A_516 : memref<1x16x16xi32, #tpu.memory_space<vmem_shared>> -> memref<16x16xi32, #tpu.memory_space<vmem_shared>>
      tpu.enqueue_dma source(%dma_start3A_517 : memref<16x16xi32, #tpu.memory_space<vmem_shared>>) target(%arg11 : memref<16x16xi32, #tpu.memory_space<vmem>>) target_semaphore(%run_scoped3A_509 : memref<!tpu.dma_semaphore, #tpu.memory_space<semaphore_mem>>)
      %dma_wait3A_518 = arith.constant 0 : i32
      %dma_wait3A_519 = arith.constant 0 : i32
      %dma_wait3A_520 = tpu.memref_slice %arg12[%run_scoped3A_171, %dma_wait3A_518, %dma_wait3A_519] : memref<2x16x16xi32, #tpu.memory_space<vmem_shared>> -> memref<1x16x16xi32, #tpu.memory_space<vmem_shared>>
      %dma_wait3A_521 = tpu.memref_squeeze %dma_wait3A_520 : memref<1x16x16xi32, #tpu.memory_space<vmem_shared>> -> memref<16x16xi32, #tpu.memory_space<vmem_shared>>
      %dma_wait3A_522 = arith.constant 0 : i32
      %dma_wait3A_523 = arith.constant 0 : i32
      %dma_wait3A_524 = tpu.memref_slice %arg12[%run_scoped3A_171, %dma_wait3A_522, %dma_wait3A_523] : memref<2x16x16xi32, #tpu.memory_space<vmem_shared>> -> memref<1x16x16xi32, #tpu.memory_space<vmem_shared>>
      %dma_wait3A_525 = tpu.memref_squeeze %dma_wait3A_524 : memref<1x16x16xi32, #tpu.memory_space<vmem_shared>> -> memref<16x16xi32, #tpu.memory_space<vmem_shared>>
      tpu.wait_dma2 semaphore(%run_scoped3A_509 : memref<!tpu.dma_semaphore, #tpu.memory_space<semaphore_mem>>) src(%dma_wait3A_525 : memref<16x16xi32, #tpu.memory_space<vmem_shared>>) dst(%arg11 : memref<16x16xi32, #tpu.memory_space<vmem>>)
      tpu.yield
    }) : () -> ()
    %broadcast_in_dim3A_172 = arith.constant 0 : i32
    %broadcast_in_dim3A_173 = vector.broadcast %broadcast_in_dim3A_172 : i32 to vector<16xi32>
    %scan3A_174 = arith.constant 0 : i32
    %scan3A_175 = arith.constant 16 : i32
    %scan3A_176 = arith.addi %scan3A_174, %scan3A_175 : i32
    %scan3A_177 = arith.constant 1 : i32
    %scan3A_178 = scf.for %scan3A_509 = %scan3A_174 to %scan3A_176 step %scan3A_177 iter_args(%scan3A_510 = %broadcast_in_dim3A_173) -> (vector<16xi32>)  : i32 {
      %get3A = arith.index_cast %scan3A_509 : i32 to index
      %get3A_511 = arith.constant 0 : index
      %get3A_512 = tpu.vector_load %arg11[%get3A, %get3A_511] {strides = array<i32>} : memref<16x16xi32, #tpu.memory_space<vmem>>, vector<16xi32>,
      %or3A_513 = arith.ori %scan3A_510, %get3A_512 : vector<16xi32>
      scf.yield %or3A_513 : vector<16xi32>
    }
    %scan3A_179 = arith.constant 16 : i32
    %ne3A = arith.constant 0 : i32
    %ne3A_180 = vector.broadcast %ne3A : i32 to vector<16xi32>
    %ne3A_181 = arith.cmpi ne, %scan3A_178, %ne3A_180 : vector<16xi32>
    %reduce_or3A = arith.constant 1.000000e+00 : f32
    %reduce_or3A_182 = arith.constant 0.000000e+00 : f32
    %reduce_or3A_183 = vector.broadcast %reduce_or3A : f32 to vector<16xf32>
    %reduce_or3A_184 = vector.broadcast %reduce_or3A_182 : f32 to vector<16xf32>
    %reduce_or3A_185 = arith.select %ne3A_181, %reduce_or3A_183, %reduce_or3A_184 : vector<16xi1>, vector<16xf32>
    %reduce_or3A_186 = arith.constant true
    %reduce_or3A_187 = vector.broadcast %reduce_or3A_186 : i1 to vector<16xi1>
    %reduce_or3A_188 = tpu.scan <max>, %reduce_or3A_185 masked %reduce_or3A_187 : vector<16xf32>, vector<16xi1> -> vector<16xf32>
    %reduce_or3A_189 = vector.extract %reduce_or3A_188[15] : f32 from vector<16xf32>
    %reduce_or3A_190 = arith.constant 0.000000e+00 : f32
    %reduce_or3A_191 = arith.cmpf ogt, %reduce_or3A_189, %reduce_or3A_190 : f32
    %ne3A_192 = arith.constant 0 : i32
    %ne3A_193 = vector.broadcast %ne3A_192 : i32 to vector<16xi32>
    %ne3A_194 = arith.cmpi ne, %scan3A_168#1, %ne3A_193 : vector<16xi32>
    %reduce_or3A_195 = arith.constant 1.000000e+00 : f32
    %reduce_or3A_196 = arith.constant 0.000000e+00 : f32
    %reduce_or3A_197 = vector.broadcast %reduce_or3A_195 : f32 to vector<16xf32>
    %reduce_or3A_198 = vector.broadcast %reduce_or3A_196 : f32 to vector<16xf32>
    %reduce_or3A_199 = arith.select %ne3A_194, %reduce_or3A_197, %reduce_or3A_198 : vector<16xi1>, vector<16xf32>
    %reduce_or3A_200 = arith.constant true
    %reduce_or3A_201 = vector.broadcast %reduce_or3A_200 : i1 to vector<16xi1>
    %reduce_or3A_202 = tpu.scan <max>, %reduce_or3A_199 masked %reduce_or3A_201 : vector<16xf32>, vector<16xi1> -> vector<16xf32>
    %reduce_or3A_203 = vector.extract %reduce_or3A_202[15] : f32 from vector<16xf32>
    %reduce_or3A_204 = arith.constant 0.000000e+00 : f32
    %reduce_or3A_205 = arith.cmpf ogt, %reduce_or3A_203, %reduce_or3A_204 : f32
    %or3A = arith.ori %reduce_or3A_205, %reduce_or3A_191 : i1
    %convert_element_type3A_206 = arith.extui %or3A : i1 to i32
    %cond3A = arith.constant 0 : i32
    %cond3A_207 = arith.cmpi ne, %convert_element_type3A_206, %cond3A : i32
    scf.if %cond3A_207 {
      %scan3A_509 = arith.constant 0 : i32
      %scan3A_510 = arith.constant 0 : i32
      %scan3A_511 = arith.constant 96 : i32
      %scan3A_512 = arith.addi %scan3A_510, %scan3A_511 : i32
      %scan3A_513 = arith.constant 1 : i32
      %scan3A_514 = scf.for %scan3A_523 = %scan3A_510 to %scan3A_512 step %scan3A_513 iter_args(%scan3A_524 = %scan3A_509) -> (i32)  : i32 {
        %mul3A_525 = arith.constant 6 : i32
        %mul3A_526 = arith.muli %scan3A_523, %mul3A_525 : i32
        %add3A_527 = arith.constant 0 : i32
        %add3A_528 = arith.addi %mul3A_526, %add3A_527 : i32
        %mul3A_529 = arith.constant 16 : i32
        %mul3A_530 = arith.muli %add3A_528, %mul3A_529 : i32
        %swap3A_531 = arith.index_cast %mul3A_530 : i32 to index
        %swap3A_532 = tpu.vector_load %arg7[%swap3A_531] {strides = array<i32>} : memref<9216xf32, #tpu.memory_space<vmem>>, vector<16xf32>,
        tpu.vector_store %arg7[%swap3A_531], %broadcast_in_dim3A_2 {strides = array<i32>} : memref<9216xf32, #tpu.memory_space<vmem>>, vector<16xf32>,
        %swap3A_533 = arith.index_cast %mul3A_530 : i32 to index
        %swap3A_534 = tpu.vector_load %arg8[%swap3A_533] {strides = array<i32>} : memref<9216xf32, #tpu.memory_space<vmem>>, vector<16xf32>,
        tpu.vector_store %arg8[%swap3A_533], %broadcast_in_dim3A_2 {strides = array<i32>} : memref<9216xf32, #tpu.memory_space<vmem>>, vector<16xf32>,
        %swap3A_535 = arith.index_cast %mul3A_530 : i32 to index
        %swap3A_536 = tpu.vector_load %arg9[%swap3A_535] {strides = array<i32>} : memref<9216xf32, #tpu.memory_space<vmem>>, vector<16xf32>,
        tpu.vector_store %arg9[%swap3A_535], %broadcast_in_dim3A_2 {strides = array<i32>} : memref<9216xf32, #tpu.memory_space<vmem>>, vector<16xf32>,
        %mul3A_537 = arith.constant 6 : i32
        %mul3A_538 = arith.muli %scan3A_523, %mul3A_537 : i32
        %add3A_539 = arith.constant 1 : i32
        %add3A_540 = arith.addi %mul3A_538, %add3A_539 : i32
        %mul3A_541 = arith.constant 16 : i32
        %mul3A_542 = arith.muli %add3A_540, %mul3A_541 : i32
        %swap3A_543 = arith.index_cast %mul3A_542 : i32 to index
        %swap3A_544 = tpu.vector_load %arg7[%swap3A_543] {strides = array<i32>} : memref<9216xf32, #tpu.memory_space<vmem>>, vector<16xf32>,
        tpu.vector_store %arg7[%swap3A_543], %broadcast_in_dim3A_2 {strides = array<i32>} : memref<9216xf32, #tpu.memory_space<vmem>>, vector<16xf32>,
        %swap3A_545 = arith.index_cast %mul3A_542 : i32 to index
        %swap3A_546 = tpu.vector_load %arg8[%swap3A_545] {strides = array<i32>} : memref<9216xf32, #tpu.memory_space<vmem>>, vector<16xf32>,
        tpu.vector_store %arg8[%swap3A_545], %broadcast_in_dim3A_2 {strides = array<i32>} : memref<9216xf32, #tpu.memory_space<vmem>>, vector<16xf32>,
        %swap3A_547 = arith.index_cast %mul3A_542 : i32 to index
        %swap3A_548 = tpu.vector_load %arg9[%swap3A_547] {strides = array<i32>} : memref<9216xf32, #tpu.memory_space<vmem>>, vector<16xf32>,
        tpu.vector_store %arg9[%swap3A_547], %broadcast_in_dim3A_2 {strides = array<i32>} : memref<9216xf32, #tpu.memory_space<vmem>>, vector<16xf32>,
        %mul3A_549 = arith.constant 6 : i32
        %mul3A_550 = arith.muli %scan3A_523, %mul3A_549 : i32
        %add3A_551 = arith.constant 2 : i32
        %add3A_552 = arith.addi %mul3A_550, %add3A_551 : i32
        %mul3A_553 = arith.constant 16 : i32
        %mul3A_554 = arith.muli %add3A_552, %mul3A_553 : i32
        %swap3A_555 = arith.index_cast %mul3A_554 : i32 to index
        %swap3A_556 = tpu.vector_load %arg7[%swap3A_555] {strides = array<i32>} : memref<9216xf32, #tpu.memory_space<vmem>>, vector<16xf32>,
        tpu.vector_store %arg7[%swap3A_555], %broadcast_in_dim3A_2 {strides = array<i32>} : memref<9216xf32, #tpu.memory_space<vmem>>, vector<16xf32>,
        %swap3A_557 = arith.index_cast %mul3A_554 : i32 to index
        %swap3A_558 = tpu.vector_load %arg8[%swap3A_557] {strides = array<i32>} : memref<9216xf32, #tpu.memory_space<vmem>>, vector<16xf32>,
        tpu.vector_store %arg8[%swap3A_557], %broadcast_in_dim3A_2 {strides = array<i32>} : memref<9216xf32, #tpu.memory_space<vmem>>, vector<16xf32>,
        %swap3A_559 = arith.index_cast %mul3A_554 : i32 to index
        %swap3A_560 = tpu.vector_load %arg9[%swap3A_559] {strides = array<i32>} : memref<9216xf32, #tpu.memory_space<vmem>>, vector<16xf32>,
        tpu.vector_store %arg9[%swap3A_559], %broadcast_in_dim3A_2 {strides = array<i32>} : memref<9216xf32, #tpu.memory_space<vmem>>, vector<16xf32>,
        %mul3A_561 = arith.constant 6 : i32
        %mul3A_562 = arith.muli %scan3A_523, %mul3A_561 : i32
        %add3A_563 = arith.constant 3 : i32
        %add3A_564 = arith.addi %mul3A_562, %add3A_563 : i32
        %mul3A_565 = arith.constant 16 : i32
        %mul3A_566 = arith.muli %add3A_564, %mul3A_565 : i32
        %swap3A_567 = arith.index_cast %mul3A_566 : i32 to index
        %swap3A_568 = tpu.vector_load %arg7[%swap3A_567] {strides = array<i32>} : memref<9216xf32, #tpu.memory_space<vmem>>, vector<16xf32>,
        tpu.vector_store %arg7[%swap3A_567], %broadcast_in_dim3A_2 {strides = array<i32>} : memref<9216xf32, #tpu.memory_space<vmem>>, vector<16xf32>,
        %swap3A_569 = arith.index_cast %mul3A_566 : i32 to index
        %swap3A_570 = tpu.vector_load %arg8[%swap3A_569] {strides = array<i32>} : memref<9216xf32, #tpu.memory_space<vmem>>, vector<16xf32>,
        tpu.vector_store %arg8[%swap3A_569], %broadcast_in_dim3A_2 {strides = array<i32>} : memref<9216xf32, #tpu.memory_space<vmem>>, vector<16xf32>,
        %swap3A_571 = arith.index_cast %mul3A_566 : i32 to index
        %swap3A_572 = tpu.vector_load %arg9[%swap3A_571] {strides = array<i32>} : memref<9216xf32, #tpu.memory_space<vmem>>, vector<16xf32>,
        tpu.vector_store %arg9[%swap3A_571], %broadcast_in_dim3A_2 {strides = array<i32>} : memref<9216xf32, #tpu.memory_space<vmem>>, vector<16xf32>,
        %mul3A_573 = arith.constant 6 : i32
        %mul3A_574 = arith.muli %scan3A_523, %mul3A_573 : i32
        %add3A_575 = arith.constant 4 : i32
        %add3A_576 = arith.addi %mul3A_574, %add3A_575 : i32
        %mul3A_577 = arith.constant 16 : i32
        %mul3A_578 = arith.muli %add3A_576, %mul3A_577 : i32
        %swap3A_579 = arith.index_cast %mul3A_578 : i32 to index
        %swap3A_580 = tpu.vector_load %arg7[%swap3A_579] {strides = array<i32>} : memref<9216xf32, #tpu.memory_space<vmem>>, vector<16xf32>,
        tpu.vector_store %arg7[%swap3A_579], %broadcast_in_dim3A_2 {strides = array<i32>} : memref<9216xf32, #tpu.memory_space<vmem>>, vector<16xf32>,
        %swap3A_581 = arith.index_cast %mul3A_578 : i32 to index
        %swap3A_582 = tpu.vector_load %arg8[%swap3A_581] {strides = array<i32>} : memref<9216xf32, #tpu.memory_space<vmem>>, vector<16xf32>,
        tpu.vector_store %arg8[%swap3A_581], %broadcast_in_dim3A_2 {strides = array<i32>} : memref<9216xf32, #tpu.memory_space<vmem>>, vector<16xf32>,
        %swap3A_583 = arith.index_cast %mul3A_578 : i32 to index
        %swap3A_584 = tpu.vector_load %arg9[%swap3A_583] {strides = array<i32>} : memref<9216xf32, #tpu.memory_space<vmem>>, vector<16xf32>,
        tpu.vector_store %arg9[%swap3A_583], %broadcast_in_dim3A_2 {strides = array<i32>} : memref<9216xf32, #tpu.memory_space<vmem>>, vector<16xf32>,
        %mul3A_585 = arith.constant 6 : i32
        %mul3A_586 = arith.muli %scan3A_523, %mul3A_585 : i32
        %add3A_587 = arith.constant 5 : i32
        %add3A_588 = arith.addi %mul3A_586, %add3A_587 : i32
        %mul3A_589 = arith.constant 16 : i32
        %mul3A_590 = arith.muli %add3A_588, %mul3A_589 : i32
        %swap3A_591 = arith.index_cast %mul3A_590 : i32 to index
        %swap3A_592 = tpu.vector_load %arg7[%swap3A_591] {strides = array<i32>} : memref<9216xf32, #tpu.memory_space<vmem>>, vector<16xf32>,
        tpu.vector_store %arg7[%swap3A_591], %broadcast_in_dim3A_2 {strides = array<i32>} : memref<9216xf32, #tpu.memory_space<vmem>>, vector<16xf32>,
        %swap3A_593 = arith.index_cast %mul3A_590 : i32 to index
        %swap3A_594 = tpu.vector_load %arg8[%swap3A_593] {strides = array<i32>} : memref<9216xf32, #tpu.memory_space<vmem>>, vector<16xf32>,
        tpu.vector_store %arg8[%swap3A_593], %broadcast_in_dim3A_2 {strides = array<i32>} : memref<9216xf32, #tpu.memory_space<vmem>>, vector<16xf32>,
        %swap3A_595 = arith.index_cast %mul3A_590 : i32 to index
        %swap3A_596 = tpu.vector_load %arg9[%swap3A_595] {strides = array<i32>} : memref<9216xf32, #tpu.memory_space<vmem>>, vector<16xf32>,
        tpu.vector_store %arg9[%swap3A_595], %broadcast_in_dim3A_2 {strides = array<i32>} : memref<9216xf32, #tpu.memory_space<vmem>>, vector<16xf32>,
        %scan3A_597 = arith.constant 0 : i32
        scf.yield %scan3A_597 : i32
      }
      %scan3A_515 = arith.constant 96 : i32
      %scan3A_516 = arith.constant 0 : i32
      %scan3A_517 = arith.constant 0 : i32
      %scan3A_518 = arith.constant 12 : i32
      %scan3A_519 = arith.addi %scan3A_517, %scan3A_518 : i32
      %scan3A_520 = arith.constant 1 : i32
      %scan3A_521 = scf.for %scan3A_523 = %scan3A_517 to %scan3A_519 step %scan3A_520 iter_args(%scan3A_524 = %scan3A_516) -> (i32)  : i32 {
        %mul3A_525 = arith.constant 32 : i32
        %mul3A_526 = arith.muli %scan3A_523, %mul3A_525 : i32
        %multiple_of3A_527 = tpu.assume_multiple %mul3A_526, 8 : i32
        %run_scoped3A_528 = arith.constant 6 : i32
        "tpu.region"() ({
          %run_scoped3A_546 = tpu.sem_alloc : memref<!tpu.dma_semaphore, #tpu.memory_space<semaphore_mem>>
          %dma_start3A_547 = arith.constant 0 : i32
          %dma_start3A_548 = arith.constant 0 : i32
          %dma_start3A_549 = tpu.memref_slice %arg4[%dma_start3A_547, %dma_start3A_548] : memref<40x384xf32, #tpu.memory_space<vmem>> -> memref<32x384xf32, #tpu.memory_space<vmem>>
          %dma_start3A_550 = arith.constant 0 : i32
          %dma_start3A_551 = tpu.memref_slice %arg2[%add3A_82, %run_scoped3A_528, %multiple_of3A_527, %dma_start3A_550] : memref<4x8x384x384xf32, #tpu.memory_space<hbm>> -> memref<1x1x32x384xf32, #tpu.memory_space<hbm>>
          %dma_start3A_552 = tpu.memref_squeeze %dma_start3A_551 : memref<1x1x32x384xf32, #tpu.memory_space<hbm>> -> memref<32x384xf32, #tpu.memory_space<hbm>>
          %dma_start3A_553 = arith.constant 0 : i32
          %dma_start3A_554 = arith.constant 0 : i32
          %dma_start3A_555 = tpu.memref_slice %arg4[%dma_start3A_553, %dma_start3A_554] : memref<40x384xf32, #tpu.memory_space<vmem>> -> memref<32x384xf32, #tpu.memory_space<vmem>>
          %dma_start3A_556 = arith.constant 0 : i32
          %dma_start3A_557 = tpu.memref_slice %arg2[%add3A_82, %run_scoped3A_528, %multiple_of3A_527, %dma_start3A_556] : memref<4x8x384x384xf32, #tpu.memory_space<hbm>> -> memref<1x1x32x384xf32, #tpu.memory_space<hbm>>
          %dma_start3A_558 = tpu.memref_squeeze %dma_start3A_557 : memref<1x1x32x384xf32, #tpu.memory_space<hbm>> -> memref<32x384xf32, #tpu.memory_space<hbm>>
          tpu.enqueue_dma source(%dma_start3A_558 : memref<32x384xf32, #tpu.memory_space<hbm>>) target(%dma_start3A_555 : memref<32x384xf32, #tpu.memory_space<vmem>>) target_semaphore(%run_scoped3A_546 : memref<!tpu.dma_semaphore, #tpu.memory_space<semaphore_mem>>)
          %dma_wait3A_559 = arith.constant 0 : i32
          %dma_wait3A_560 = arith.constant 0 : i32
          %dma_wait3A_561 = tpu.memref_slice %arg4[%dma_wait3A_559, %dma_wait3A_560] : memref<40x384xf32, #tpu.memory_space<vmem>> -> memref<32x384xf32, #tpu.memory_space<vmem>>
          %dma_wait3A_562 = arith.constant 0 : i32
          %dma_wait3A_563 = tpu.memref_slice %arg2[%add3A_82, %run_scoped3A_528, %multiple_of3A_527, %dma_wait3A_562] : memref<4x8x384x384xf32, #tpu.memory_space<hbm>> -> memref<1x1x32x384xf32, #tpu.memory_space<hbm>>
          %dma_wait3A_564 = tpu.memref_squeeze %dma_wait3A_563 : memref<1x1x32x384xf32, #tpu.memory_space<hbm>> -> memref<32x384xf32, #tpu.memory_space<hbm>>
          %dma_wait3A_565 = arith.constant 0 : i32
          %dma_wait3A_566 = arith.constant 0 : i32
          %dma_wait3A_567 = tpu.memref_slice %arg4[%dma_wait3A_565, %dma_wait3A_566] : memref<40x384xf32, #tpu.memory_space<vmem>> -> memref<32x384xf32, #tpu.memory_space<vmem>>
          %dma_wait3A_568 = arith.constant 0 : i32
          %dma_wait3A_569 = tpu.memref_slice %arg2[%add3A_82, %run_scoped3A_528, %multiple_of3A_527, %dma_wait3A_568] : memref<4x8x384x384xf32, #tpu.memory_space<hbm>> -> memref<1x1x32x384xf32, #tpu.memory_space<hbm>>
          %dma_wait3A_570 = tpu.memref_squeeze %dma_wait3A_569 : memref<1x1x32x384xf32, #tpu.memory_space<hbm>> -> memref<32x384xf32, #tpu.memory_space<hbm>>
          tpu.wait_dma2 semaphore(%run_scoped3A_546 : memref<!tpu.dma_semaphore, #tpu.memory_space<semaphore_mem>>) src(%dma_wait3A_570 : memref<32x384xf32, #tpu.memory_space<hbm>>) dst(%dma_wait3A_567 : memref<32x384xf32, #tpu.memory_space<vmem>>)
          tpu.yield
        }) : () -> ()
        %run_scoped3A_529 = arith.constant 7 : i32
        "tpu.region"() ({
          %run_scoped3A_546 = tpu.sem_alloc : memref<!tpu.dma_semaphore, #tpu.memory_space<semaphore_mem>>
          %dma_start3A_547 = arith.constant 0 : i32
          %dma_start3A_548 = arith.constant 0 : i32
          %dma_start3A_549 = tpu.memref_slice %arg5[%dma_start3A_547, %dma_start3A_548] : memref<40x384xf32, #tpu.memory_space<vmem>> -> memref<32x384xf32, #tpu.memory_space<vmem>>
          %dma_start3A_550 = arith.constant 0 : i32
          %dma_start3A_551 = tpu.memref_slice %arg2[%add3A_82, %run_scoped3A_529, %multiple_of3A_527, %dma_start3A_550] : memref<4x8x384x384xf32, #tpu.memory_space<hbm>> -> memref<1x1x32x384xf32, #tpu.memory_space<hbm>>
          %dma_start3A_552 = tpu.memref_squeeze %dma_start3A_551 : memref<1x1x32x384xf32, #tpu.memory_space<hbm>> -> memref<32x384xf32, #tpu.memory_space<hbm>>
          %dma_start3A_553 = arith.constant 0 : i32
          %dma_start3A_554 = arith.constant 0 : i32
          %dma_start3A_555 = tpu.memref_slice %arg5[%dma_start3A_553, %dma_start3A_554] : memref<40x384xf32, #tpu.memory_space<vmem>> -> memref<32x384xf32, #tpu.memory_space<vmem>>
          %dma_start3A_556 = arith.constant 0 : i32
          %dma_start3A_557 = tpu.memref_slice %arg2[%add3A_82, %run_scoped3A_529, %multiple_of3A_527, %dma_start3A_556] : memref<4x8x384x384xf32, #tpu.memory_space<hbm>> -> memref<1x1x32x384xf32, #tpu.memory_space<hbm>>
          %dma_start3A_558 = tpu.memref_squeeze %dma_start3A_557 : memref<1x1x32x384xf32, #tpu.memory_space<hbm>> -> memref<32x384xf32, #tpu.memory_space<hbm>>
          tpu.enqueue_dma source(%dma_start3A_558 : memref<32x384xf32, #tpu.memory_space<hbm>>) target(%dma_start3A_555 : memref<32x384xf32, #tpu.memory_space<vmem>>) target_semaphore(%run_scoped3A_546 : memref<!tpu.dma_semaphore, #tpu.memory_space<semaphore_mem>>)
          %dma_wait3A_559 = arith.constant 0 : i32
          %dma_wait3A_560 = arith.constant 0 : i32
          %dma_wait3A_561 = tpu.memref_slice %arg5[%dma_wait3A_559, %dma_wait3A_560] : memref<40x384xf32, #tpu.memory_space<vmem>> -> memref<32x384xf32, #tpu.memory_space<vmem>>
          %dma_wait3A_562 = arith.constant 0 : i32
          %dma_wait3A_563 = tpu.memref_slice %arg2[%add3A_82, %run_scoped3A_529, %multiple_of3A_527, %dma_wait3A_562] : memref<4x8x384x384xf32, #tpu.memory_space<hbm>> -> memref<1x1x32x384xf32, #tpu.memory_space<hbm>>
          %dma_wait3A_564 = tpu.memref_squeeze %dma_wait3A_563 : memref<1x1x32x384xf32, #tpu.memory_space<hbm>> -> memref<32x384xf32, #tpu.memory_space<hbm>>
          %dma_wait3A_565 = arith.constant 0 : i32
          %dma_wait3A_566 = arith.constant 0 : i32
          %dma_wait3A_567 = tpu.memref_slice %arg5[%dma_wait3A_565, %dma_wait3A_566] : memref<40x384xf32, #tpu.memory_space<vmem>> -> memref<32x384xf32, #tpu.memory_space<vmem>>
          %dma_wait3A_568 = arith.constant 0 : i32
          %dma_wait3A_569 = tpu.memref_slice %arg2[%add3A_82, %run_scoped3A_529, %multiple_of3A_527, %dma_wait3A_568] : memref<4x8x384x384xf32, #tpu.memory_space<hbm>> -> memref<1x1x32x384xf32, #tpu.memory_space<hbm>>
          %dma_wait3A_570 = tpu.memref_squeeze %dma_wait3A_569 : memref<1x1x32x384xf32, #tpu.memory_space<hbm>> -> memref<32x384xf32, #tpu.memory_space<hbm>>
          tpu.wait_dma2 semaphore(%run_scoped3A_546 : memref<!tpu.dma_semaphore, #tpu.memory_space<semaphore_mem>>) src(%dma_wait3A_570 : memref<32x384xf32, #tpu.memory_space<hbm>>) dst(%dma_wait3A_567 : memref<32x384xf32, #tpu.memory_space<vmem>>)
          tpu.yield
        }) : () -> ()
        %run_scoped3A_530 = arith.constant 0 : i32
        %run_scoped3A_531 = arith.constant 0 : i32
        "tpu.region"() ({
          %run_scoped3A_546 = tpu.sem_alloc : memref<!tpu.dma_semaphore, #tpu.memory_space<semaphore_mem>>
          %dma_start3A_547 = arith.constant 0 : i32
          %dma_start3A_548 = arith.constant 0 : i32
          %dma_start3A_549 = tpu.memref_slice %arg6[%run_scoped3A_531, %dma_start3A_547, %dma_start3A_548] : memref<3x40x384xf32, #tpu.memory_space<vmem>> -> memref<1x32x384xf32, #tpu.memory_space<vmem>>
          %dma_start3A_550 = tpu.memref_squeeze %dma_start3A_549 : memref<1x32x384xf32, #tpu.memory_space<vmem>> -> memref<32x384xf32, #tpu.memory_space<vmem>>
          %dma_start3A_551 = arith.constant 0 : i32
          %dma_start3A_552 = tpu.memref_slice %arg2[%add3A_82, %run_scoped3A_530, %multiple_of3A_527, %dma_start3A_551] : memref<4x8x384x384xf32, #tpu.memory_space<hbm>> -> memref<1x1x32x384xf32, #tpu.memory_space<hbm>>
          %dma_start3A_553 = tpu.memref_squeeze %dma_start3A_552 : memref<1x1x32x384xf32, #tpu.memory_space<hbm>> -> memref<32x384xf32, #tpu.memory_space<hbm>>
          %dma_start3A_554 = arith.constant 0 : i32
          %dma_start3A_555 = arith.constant 0 : i32
          %dma_start3A_556 = tpu.memref_slice %arg6[%run_scoped3A_531, %dma_start3A_554, %dma_start3A_555] : memref<3x40x384xf32, #tpu.memory_space<vmem>> -> memref<1x32x384xf32, #tpu.memory_space<vmem>>
          %dma_start3A_557 = tpu.memref_squeeze %dma_start3A_556 : memref<1x32x384xf32, #tpu.memory_space<vmem>> -> memref<32x384xf32, #tpu.memory_space<vmem>>
          %dma_start3A_558 = arith.constant 0 : i32
          %dma_start3A_559 = tpu.memref_slice %arg2[%add3A_82, %run_scoped3A_530, %multiple_of3A_527, %dma_start3A_558] : memref<4x8x384x384xf32, #tpu.memory_space<hbm>> -> memref<1x1x32x384xf32, #tpu.memory_space<hbm>>
          %dma_start3A_560 = tpu.memref_squeeze %dma_start3A_559 : memref<1x1x32x384xf32, #tpu.memory_space<hbm>> -> memref<32x384xf32, #tpu.memory_space<hbm>>
          tpu.enqueue_dma source(%dma_start3A_560 : memref<32x384xf32, #tpu.memory_space<hbm>>) target(%dma_start3A_557 : memref<32x384xf32, #tpu.memory_space<vmem>>) target_semaphore(%run_scoped3A_546 : memref<!tpu.dma_semaphore, #tpu.memory_space<semaphore_mem>>)
          %dma_wait3A_561 = arith.constant 0 : i32
          %dma_wait3A_562 = arith.constant 0 : i32
          %dma_wait3A_563 = tpu.memref_slice %arg6[%run_scoped3A_531, %dma_wait3A_561, %dma_wait3A_562] : memref<3x40x384xf32, #tpu.memory_space<vmem>> -> memref<1x32x384xf32, #tpu.memory_space<vmem>>
          %dma_wait3A_564 = tpu.memref_squeeze %dma_wait3A_563 : memref<1x32x384xf32, #tpu.memory_space<vmem>> -> memref<32x384xf32, #tpu.memory_space<vmem>>
          %dma_wait3A_565 = arith.constant 0 : i32
          %dma_wait3A_566 = tpu.memref_slice %arg2[%add3A_82, %run_scoped3A_530, %multiple_of3A_527, %dma_wait3A_565] : memref<4x8x384x384xf32, #tpu.memory_space<hbm>> -> memref<1x1x32x384xf32, #tpu.memory_space<hbm>>
          %dma_wait3A_567 = tpu.memref_squeeze %dma_wait3A_566 : memref<1x1x32x384xf32, #tpu.memory_space<hbm>> -> memref<32x384xf32, #tpu.memory_space<hbm>>
          %dma_wait3A_568 = arith.constant 0 : i32
          %dma_wait3A_569 = arith.constant 0 : i32
          %dma_wait3A_570 = tpu.memref_slice %arg6[%run_scoped3A_531, %dma_wait3A_568, %dma_wait3A_569] : memref<3x40x384xf32, #tpu.memory_space<vmem>> -> memref<1x32x384xf32, #tpu.memory_space<vmem>>
          %dma_wait3A_571 = tpu.memref_squeeze %dma_wait3A_570 : memref<1x32x384xf32, #tpu.memory_space<vmem>> -> memref<32x384xf32, #tpu.memory_space<vmem>>
          %dma_wait3A_572 = arith.constant 0 : i32
          %dma_wait3A_573 = tpu.memref_slice %arg2[%add3A_82, %run_scoped3A_530, %multiple_of3A_527, %dma_wait3A_572] : memref<4x8x384x384xf32, #tpu.memory_space<hbm>> -> memref<1x1x32x384xf32, #tpu.memory_space<hbm>>
          %dma_wait3A_574 = tpu.memref_squeeze %dma_wait3A_573 : memref<1x1x32x384xf32, #tpu.memory_space<hbm>> -> memref<32x384xf32, #tpu.memory_space<hbm>>
          tpu.wait_dma2 semaphore(%run_scoped3A_546 : memref<!tpu.dma_semaphore, #tpu.memory_space<semaphore_mem>>) src(%dma_wait3A_574 : memref<32x384xf32, #tpu.memory_space<hbm>>) dst(%dma_wait3A_571 : memref<32x384xf32, #tpu.memory_space<vmem>>)
          tpu.yield
        }) : () -> ()
        %run_scoped3A_532 = arith.constant 1 : i32
        %run_scoped3A_533 = arith.constant 1 : i32
        "tpu.region"() ({
          %run_scoped3A_546 = tpu.sem_alloc : memref<!tpu.dma_semaphore, #tpu.memory_space<semaphore_mem>>
          %dma_start3A_547 = arith.constant 0 : i32
          %dma_start3A_548 = arith.constant 0 : i32
          %dma_start3A_549 = tpu.memref_slice %arg6[%run_scoped3A_533, %dma_start3A_547, %dma_start3A_548] : memref<3x40x384xf32, #tpu.memory_space<vmem>> -> memref<1x32x384xf32, #tpu.memory_space<vmem>>
          %dma_start3A_550 = tpu.memref_squeeze %dma_start3A_549 : memref<1x32x384xf32, #tpu.memory_space<vmem>> -> memref<32x384xf32, #tpu.memory_space<vmem>>
          %dma_start3A_551 = arith.constant 0 : i32
          %dma_start3A_552 = tpu.memref_slice %arg2[%add3A_82, %run_scoped3A_532, %multiple_of3A_527, %dma_start3A_551] : memref<4x8x384x384xf32, #tpu.memory_space<hbm>> -> memref<1x1x32x384xf32, #tpu.memory_space<hbm>>
          %dma_start3A_553 = tpu.memref_squeeze %dma_start3A_552 : memref<1x1x32x384xf32, #tpu.memory_space<hbm>> -> memref<32x384xf32, #tpu.memory_space<hbm>>
          %dma_start3A_554 = arith.constant 0 : i32
          %dma_start3A_555 = arith.constant 0 : i32
          %dma_start3A_556 = tpu.memref_slice %arg6[%run_scoped3A_533, %dma_start3A_554, %dma_start3A_555] : memref<3x40x384xf32, #tpu.memory_space<vmem>> -> memref<1x32x384xf32, #tpu.memory_space<vmem>>
          %dma_start3A_557 = tpu.memref_squeeze %dma_start3A_556 : memref<1x32x384xf32, #tpu.memory_space<vmem>> -> memref<32x384xf32, #tpu.memory_space<vmem>>
          %dma_start3A_558 = arith.constant 0 : i32
          %dma_start3A_559 = tpu.memref_slice %arg2[%add3A_82, %run_scoped3A_532, %multiple_of3A_527, %dma_start3A_558] : memref<4x8x384x384xf32, #tpu.memory_space<hbm>> -> memref<1x1x32x384xf32, #tpu.memory_space<hbm>>
          %dma_start3A_560 = tpu.memref_squeeze %dma_start3A_559 : memref<1x1x32x384xf32, #tpu.memory_space<hbm>> -> memref<32x384xf32, #tpu.memory_space<hbm>>
          tpu.enqueue_dma source(%dma_start3A_560 : memref<32x384xf32, #tpu.memory_space<hbm>>) target(%dma_start3A_557 : memref<32x384xf32, #tpu.memory_space<vmem>>) target_semaphore(%run_scoped3A_546 : memref<!tpu.dma_semaphore, #tpu.memory_space<semaphore_mem>>)
          %dma_wait3A_561 = arith.constant 0 : i32
          %dma_wait3A_562 = arith.constant 0 : i32
          %dma_wait3A_563 = tpu.memref_slice %arg6[%run_scoped3A_533, %dma_wait3A_561, %dma_wait3A_562] : memref<3x40x384xf32, #tpu.memory_space<vmem>> -> memref<1x32x384xf32, #tpu.memory_space<vmem>>
          %dma_wait3A_564 = tpu.memref_squeeze %dma_wait3A_563 : memref<1x32x384xf32, #tpu.memory_space<vmem>> -> memref<32x384xf32, #tpu.memory_space<vmem>>
          %dma_wait3A_565 = arith.constant 0 : i32
          %dma_wait3A_566 = tpu.memref_slice %arg2[%add3A_82, %run_scoped3A_532, %multiple_of3A_527, %dma_wait3A_565] : memref<4x8x384x384xf32, #tpu.memory_space<hbm>> -> memref<1x1x32x384xf32, #tpu.memory_space<hbm>>
          %dma_wait3A_567 = tpu.memref_squeeze %dma_wait3A_566 : memref<1x1x32x384xf32, #tpu.memory_space<hbm>> -> memref<32x384xf32, #tpu.memory_space<hbm>>
          %dma_wait3A_568 = arith.constant 0 : i32
          %dma_wait3A_569 = arith.constant 0 : i32
          %dma_wait3A_570 = tpu.memref_slice %arg6[%run_scoped3A_533, %dma_wait3A_568, %dma_wait3A_569] : memref<3x40x384xf32, #tpu.memory_space<vmem>> -> memref<1x32x384xf32, #tpu.memory_space<vmem>>
          %dma_wait3A_571 = tpu.memref_squeeze %dma_wait3A_570 : memref<1x32x384xf32, #tpu.memory_space<vmem>> -> memref<32x384xf32, #tpu.memory_space<vmem>>
          %dma_wait3A_572 = arith.constant 0 : i32
          %dma_wait3A_573 = tpu.memref_slice %arg2[%add3A_82, %run_scoped3A_532, %multiple_of3A_527, %dma_wait3A_572] : memref<4x8x384x384xf32, #tpu.memory_space<hbm>> -> memref<1x1x32x384xf32, #tpu.memory_space<hbm>>
          %dma_wait3A_574 = tpu.memref_squeeze %dma_wait3A_573 : memref<1x1x32x384xf32, #tpu.memory_space<hbm>> -> memref<32x384xf32, #tpu.memory_space<hbm>>
          tpu.wait_dma2 semaphore(%run_scoped3A_546 : memref<!tpu.dma_semaphore, #tpu.memory_space<semaphore_mem>>) src(%dma_wait3A_574 : memref<32x384xf32, #tpu.memory_space<hbm>>) dst(%dma_wait3A_571 : memref<32x384xf32, #tpu.memory_space<vmem>>)
          tpu.yield
        }) : () -> ()
        %run_scoped3A_534 = arith.constant 2 : i32
        %run_scoped3A_535 = arith.constant 2 : i32
        "tpu.region"() ({
          %run_scoped3A_546 = tpu.sem_alloc : memref<!tpu.dma_semaphore, #tpu.memory_space<semaphore_mem>>
          %dma_start3A_547 = arith.constant 0 : i32
          %dma_start3A_548 = arith.constant 0 : i32
          %dma_start3A_549 = tpu.memref_slice %arg6[%run_scoped3A_535, %dma_start3A_547, %dma_start3A_548] : memref<3x40x384xf32, #tpu.memory_space<vmem>> -> memref<1x32x384xf32, #tpu.memory_space<vmem>>
          %dma_start3A_550 = tpu.memref_squeeze %dma_start3A_549 : memref<1x32x384xf32, #tpu.memory_space<vmem>> -> memref<32x384xf32, #tpu.memory_space<vmem>>
          %dma_start3A_551 = arith.constant 0 : i32
          %dma_start3A_552 = tpu.memref_slice %arg2[%add3A_82, %run_scoped3A_534, %multiple_of3A_527, %dma_start3A_551] : memref<4x8x384x384xf32, #tpu.memory_space<hbm>> -> memref<1x1x32x384xf32, #tpu.memory_space<hbm>>
          %dma_start3A_553 = tpu.memref_squeeze %dma_start3A_552 : memref<1x1x32x384xf32, #tpu.memory_space<hbm>> -> memref<32x384xf32, #tpu.memory_space<hbm>>
          %dma_start3A_554 = arith.constant 0 : i32
          %dma_start3A_555 = arith.constant 0 : i32
          %dma_start3A_556 = tpu.memref_slice %arg6[%run_scoped3A_535, %dma_start3A_554, %dma_start3A_555] : memref<3x40x384xf32, #tpu.memory_space<vmem>> -> memref<1x32x384xf32, #tpu.memory_space<vmem>>
          %dma_start3A_557 = tpu.memref_squeeze %dma_start3A_556 : memref<1x32x384xf32, #tpu.memory_space<vmem>> -> memref<32x384xf32, #tpu.memory_space<vmem>>
          %dma_start3A_558 = arith.constant 0 : i32
          %dma_start3A_559 = tpu.memref_slice %arg2[%add3A_82, %run_scoped3A_534, %multiple_of3A_527, %dma_start3A_558] : memref<4x8x384x384xf32, #tpu.memory_space<hbm>> -> memref<1x1x32x384xf32, #tpu.memory_space<hbm>>
          %dma_start3A_560 = tpu.memref_squeeze %dma_start3A_559 : memref<1x1x32x384xf32, #tpu.memory_space<hbm>> -> memref<32x384xf32, #tpu.memory_space<hbm>>
          tpu.enqueue_dma source(%dma_start3A_560 : memref<32x384xf32, #tpu.memory_space<hbm>>) target(%dma_start3A_557 : memref<32x384xf32, #tpu.memory_space<vmem>>) target_semaphore(%run_scoped3A_546 : memref<!tpu.dma_semaphore, #tpu.memory_space<semaphore_mem>>)
          %dma_wait3A_561 = arith.constant 0 : i32
          %dma_wait3A_562 = arith.constant 0 : i32
          %dma_wait3A_563 = tpu.memref_slice %arg6[%run_scoped3A_535, %dma_wait3A_561, %dma_wait3A_562] : memref<3x40x384xf32, #tpu.memory_space<vmem>> -> memref<1x32x384xf32, #tpu.memory_space<vmem>>
          %dma_wait3A_564 = tpu.memref_squeeze %dma_wait3A_563 : memref<1x32x384xf32, #tpu.memory_space<vmem>> -> memref<32x384xf32, #tpu.memory_space<vmem>>
          %dma_wait3A_565 = arith.constant 0 : i32
          %dma_wait3A_566 = tpu.memref_slice %arg2[%add3A_82, %run_scoped3A_534, %multiple_of3A_527, %dma_wait3A_565] : memref<4x8x384x384xf32, #tpu.memory_space<hbm>> -> memref<1x1x32x384xf32, #tpu.memory_space<hbm>>
          %dma_wait3A_567 = tpu.memref_squeeze %dma_wait3A_566 : memref<1x1x32x384xf32, #tpu.memory_space<hbm>> -> memref<32x384xf32, #tpu.memory_space<hbm>>
          %dma_wait3A_568 = arith.constant 0 : i32
          %dma_wait3A_569 = arith.constant 0 : i32
          %dma_wait3A_570 = tpu.memref_slice %arg6[%run_scoped3A_535, %dma_wait3A_568, %dma_wait3A_569] : memref<3x40x384xf32, #tpu.memory_space<vmem>> -> memref<1x32x384xf32, #tpu.memory_space<vmem>>
          %dma_wait3A_571 = tpu.memref_squeeze %dma_wait3A_570 : memref<1x32x384xf32, #tpu.memory_space<vmem>> -> memref<32x384xf32, #tpu.memory_space<vmem>>
          %dma_wait3A_572 = arith.constant 0 : i32
          %dma_wait3A_573 = tpu.memref_slice %arg2[%add3A_82, %run_scoped3A_534, %multiple_of3A_527, %dma_wait3A_572] : memref<4x8x384x384xf32, #tpu.memory_space<hbm>> -> memref<1x1x32x384xf32, #tpu.memory_space<hbm>>
          %dma_wait3A_574 = tpu.memref_squeeze %dma_wait3A_573 : memref<1x1x32x384xf32, #tpu.memory_space<hbm>> -> memref<32x384xf32, #tpu.memory_space<hbm>>
          tpu.wait_dma2 semaphore(%run_scoped3A_546 : memref<!tpu.dma_semaphore, #tpu.memory_space<semaphore_mem>>) src(%dma_wait3A_574 : memref<32x384xf32, #tpu.memory_space<hbm>>) dst(%dma_wait3A_571 : memref<32x384xf32, #tpu.memory_space<vmem>>)
          tpu.yield
        }) : () -> ()
        %mul3A_536 = arith.constant 32 : i32
        %mul3A_537 = arith.muli %scan3A_523, %mul3A_536 : i32
        %scan3A_538 = arith.constant 0 : i32
        %scan3A_539 = arith.constant 0 : i32
        %scan3A_540 = arith.constant 32 : i32
        %scan3A_541 = arith.addi %scan3A_539, %scan3A_540 : i32
        %scan3A_542 = arith.constant 1 : i32
        %scan3A_543 = scf.for %scan3A_546 = %scan3A_539 to %scan3A_541 step %scan3A_542 iter_args(%scan3A_547 = %scan3A_538) -> (i32)  : i32 {
          %scan3A_548 = arith.constant 0 : i32
          %scan3A_549 = arith.constant 0 : i32
          %scan3A_550 = arith.constant 24 : i32
          %scan3A_551 = arith.addi %scan3A_549, %scan3A_550 : i32
          %scan3A_552 = arith.constant 1 : i32
          %scan3A_553 = scf.for %scan3A_555 = %scan3A_549 to %scan3A_551 step %scan3A_552 iter_args(%scan3A_556 = %scan3A_548) -> (i32)  : i32 {
            %add3A_557 = arith.addi %mul3A_537, %scan3A_546 : i32
            %convert_element_type3A_558 = arith.sitofp %add3A_557 : i32 to f32
            %mul3A_559 = arith.constant 16 : i32
            %mul3A_560 = arith.muli %scan3A_555, %mul3A_559 : i32
            %get3A = arith.index_cast %scan3A_546 : i32 to index
            %get3A_561 = arith.index_cast %mul3A_560 : i32 to index
            %get3A_562 = tpu.vector_load %arg4[%get3A, %get3A_561] {strides = array<i32>} : memref<40x384xf32, #tpu.memory_space<vmem>>, vector<16xf32>,
            %get3A_563 = arith.index_cast %scan3A_546 : i32 to index
            %get3A_564 = arith.index_cast %mul3A_560 : i32 to index
            %get3A_565 = tpu.vector_load %arg5[%get3A_563, %get3A_564] {strides = array<i32>} : memref<40x384xf32, #tpu.memory_space<vmem>>, vector<16xf32>,
            %convert_element_type3A_566 = arith.sitofp %mul3A_560 : i32 to f32
            %add3A_567 = vector.broadcast %convert_element_type3A_566 : f32 to vector<16xf32>
            %add3A_568 = arith.addf %add3A_567, %convert_element_type3A_1 : vector<16xf32>
            %add3A_569 = vector.broadcast %convert_element_type3A_558 : f32 to vector<16xf32>
            %add3A_570 = arith.addf %get3A_565, %add3A_569 : vector<16xf32>
            %add3A_571 = arith.constant 0x4B400000 : f32
            %add3A_572 = vector.broadcast %add3A_571 : f32 to vector<16xf32>
            %add3A_573 = arith.addf %add3A_570, %add3A_572 : vector<16xf32>
            %sub3A_574 = arith.constant 0x4B400000 : f32
            %sub3A_575 = vector.broadcast %sub3A_574 : f32 to vector<16xf32>
            %sub3A_576 = arith.subf %add3A_573, %sub3A_575 : vector<16xf32>
            %add3A_577 = arith.addf %get3A_562, %add3A_568 : vector<16xf32>
            %add3A_578 = arith.constant 0x4B400000 : f32
            %add3A_579 = vector.broadcast %add3A_578 : f32 to vector<16xf32>
            %add3A_580 = arith.addf %add3A_577, %add3A_579 : vector<16xf32>
            %sub3A_581 = arith.constant 0x4B400000 : f32
            %sub3A_582 = vector.broadcast %sub3A_581 : f32 to vector<16xf32>
            %sub3A_583 = arith.subf %add3A_580, %sub3A_582 : vector<16xf32>
            %ge3A = arith.constant 0.000000e+00 : f32
            %ge3A_584 = vector.broadcast %ge3A : f32 to vector<16xf32>
            %ge3A_585 = arith.cmpf oge, %sub3A_583, %ge3A_584 : vector<16xf32>
            %lt3A = arith.constant 3.840000e+02 : f32
            %lt3A_586 = vector.broadcast %lt3A : f32 to vector<16xf32>
            %lt3A_587 = arith.cmpf olt, %sub3A_583, %lt3A_586 : vector<16xf32>
            %and3A = arith.andi %ge3A_585, %lt3A_587 : vector<16xi1>
            %ge3A_588 = vector.broadcast %convert_element_type3A : f32 to vector<16xf32>
            %ge3A_589 = arith.cmpf oge, %sub3A_576, %ge3A_588 : vector<16xf32>
            %add3A_590 = arith.constant 2.400000e+01 : f32
            %add3A_591 = arith.addf %convert_element_type3A, %add3A_590 : f32
            %lt3A_592 = vector.broadcast %add3A_591 : f32 to vector<16xf32>
            %lt3A_593 = arith.cmpf olt, %sub3A_576, %lt3A_592 : vector<16xf32>
            %and3A_594 = arith.andi %ge3A_589, %lt3A_593 : vector<16xi1>
            %and3A_595 = arith.andi %and3A_594, %and3A : vector<16xi1>
            %convert_element_type3A_596 = arith.fptosi %sub3A_576 : vector<16xf32> to vector<16xi32>
            %sub3A_597 = vector.broadcast %mul3A_0 : i32 to vector<16xi32>
            %sub3A_598 = arith.subi %convert_element_type3A_596, %sub3A_597 : vector<16xi32>
            %mul3A_599 = arith.constant 384 : i32
            %mul3A_600 = vector.broadcast %mul3A_599 : i32 to vector<16xi32>
            %mul3A_601 = arith.muli %sub3A_598, %mul3A_600 : vector<16xi32>
            %convert_element_type3A_602 = arith.fptosi %sub3A_583 : vector<16xf32> to vector<16xi32>
            %add3A_603 = arith.addi %mul3A_601, %convert_element_type3A_602 : vector<16xi32>
            %sub3A_604 = arith.constant -1 : i32
            %sub3A_605 = vector.broadcast %sub3A_604 : i32 to vector<16xi32>
            %sub3A_606 = arith.subi %sub3A_605, %iota3A : vector<16xi32>
            %select_n3A = arith.select %and3A_595, %add3A_603, %sub3A_606 : vector<16xi1>, vector<16xi32>
            %broadcast_in_dim3A_607 = arith.constant false
            %broadcast_in_dim3A_608 = vector.broadcast %broadcast_in_dim3A_607 : i1 to vector<16xi1>
            %add3A_609 = arith.constant 1 : i32
            %add3A_610 = vector.broadcast %add3A_609 : i32 to vector<16xi32>
            %add3A_611 = arith.addi %iota3A, %add3A_610 : vector<16xi32>
            %min3A_612 = arith.constant 15 : i32
            %min3A_613 = vector.broadcast %min3A_612 : i32 to vector<16xi32>
            %min3A_614 = arith.minsi %add3A_611, %min3A_613 : vector<16xi32>
            %broadcast_in_dim3A_615 = vector.shape_cast %min3A_614 : vector<16xi32> to vector<16x1xi32>
            %gather3A = vector.shape_cast %broadcast_in_dim3A_615 : vector<16x1xi32> to vector<16xi32>
            %gather3A_616 = tpu.dynamic_gather %select_n3A[%gather3A] in [0] : vector<16xi32>, vector<16xi32> -> vector<16xi32>
            %eq3A = arith.cmpi eq, %gather3A_616, %select_n3A : vector<16xi32>
            %add3A_617 = arith.constant 1 : i32
            %add3A_618 = vector.broadcast %add3A_617 : i32 to vector<16xi32>
            %add3A_619 = arith.addi %iota3A, %add3A_618 : vector<16xi32>
            %lt3A_620 = arith.constant 16 : i32
            %lt3A_621 = vector.broadcast %lt3A_620 : i32 to vector<16xi32>
            %lt3A_622 = arith.cmpi slt, %add3A_619, %lt3A_621 : vector<16xi32>
            %and3A_623 = arith.andi %eq3A, %lt3A_622 : vector<16xi1>
            %or3A_624 = arith.ori %broadcast_in_dim3A_608, %and3A_623 : vector<16xi1>
            %add3A_625 = arith.constant 2 : i32
            %add3A_626 = vector.broadcast %add3A_625 : i32 to vector<16xi32>
            %add3A_627 = arith.addi %iota3A, %add3A_626 : vector<16xi32>
            %min3A_628 = arith.constant 15 : i32
            %min3A_629 = vector.broadcast %min3A_628 : i32 to vector<16xi32>
            %min3A_630 = arith.minsi %add3A_627, %min3A_629 : vector<16xi32>
            %broadcast_in_dim3A_631 = vector.shape_cast %min3A_630 : vector<16xi32> to vector<16x1xi32>
            %gather3A_632 = vector.shape_cast %broadcast_in_dim3A_631 : vector<16x1xi32> to vector<16xi32>
            %gather3A_633 = tpu.dynamic_gather %select_n3A[%gather3A_632] in [0] : vector<16xi32>, vector<16xi32> -> vector<16xi32>
            %eq3A_634 = arith.cmpi eq, %gather3A_633, %select_n3A : vector<16xi32>
            %add3A_635 = arith.constant 2 : i32
            %add3A_636 = vector.broadcast %add3A_635 : i32 to vector<16xi32>
            %add3A_637 = arith.addi %iota3A, %add3A_636 : vector<16xi32>
            %lt3A_638 = arith.constant 16 : i32
            %lt3A_639 = vector.broadcast %lt3A_638 : i32 to vector<16xi32>
            %lt3A_640 = arith.cmpi slt, %add3A_637, %lt3A_639 : vector<16xi32>
            %and3A_641 = arith.andi %eq3A_634, %lt3A_640 : vector<16xi1>
            %or3A_642 = arith.ori %or3A_624, %and3A_641 : vector<16xi1>
            %add3A_643 = arith.constant 3 : i32
            %add3A_644 = vector.broadcast %add3A_643 : i32 to vector<16xi32>
            %add3A_645 = arith.addi %iota3A, %add3A_644 : vector<16xi32>
            %min3A_646 = arith.constant 15 : i32
            %min3A_647 = vector.broadcast %min3A_646 : i32 to vector<16xi32>
            %min3A_648 = arith.minsi %add3A_645, %min3A_647 : vector<16xi32>
            %broadcast_in_dim3A_649 = vector.shape_cast %min3A_648 : vector<16xi32> to vector<16x1xi32>
            %gather3A_650 = vector.shape_cast %broadcast_in_dim3A_649 : vector<16x1xi32> to vector<16xi32>
            %gather3A_651 = tpu.dynamic_gather %select_n3A[%gather3A_650] in [0] : vector<16xi32>, vector<16xi32> -> vector<16xi32>
            %eq3A_652 = arith.cmpi eq, %gather3A_651, %select_n3A : vector<16xi32>
            %add3A_653 = arith.constant 3 : i32
            %add3A_654 = vector.broadcast %add3A_653 : i32 to vector<16xi32>
            %add3A_655 = arith.addi %iota3A, %add3A_654 : vector<16xi32>
            %lt3A_656 = arith.constant 16 : i32
            %lt3A_657 = vector.broadcast %lt3A_656 : i32 to vector<16xi32>
            %lt3A_658 = arith.cmpi slt, %add3A_655, %lt3A_657 : vector<16xi32>
            %and3A_659 = arith.andi %eq3A_652, %lt3A_658 : vector<16xi1>
            %or3A_660 = arith.ori %or3A_642, %and3A_659 : vector<16xi1>
            %add3A_661 = arith.constant 4 : i32
            %add3A_662 = vector.broadcast %add3A_661 : i32 to vector<16xi32>
            %add3A_663 = arith.addi %iota3A, %add3A_662 : vector<16xi32>
            %min3A_664 = arith.constant 15 : i32
            %min3A_665 = vector.broadcast %min3A_664 : i32 to vector<16xi32>
            %min3A_666 = arith.minsi %add3A_663, %min3A_665 : vector<16xi32>
            %broadcast_in_dim3A_667 = vector.shape_cast %min3A_666 : vector<16xi32> to vector<16x1xi32>
            %gather3A_668 = vector.shape_cast %broadcast_in_dim3A_667 : vector<16x1xi32> to vector<16xi32>
            %gather3A_669 = tpu.dynamic_gather %select_n3A[%gather3A_668] in [0] : vector<16xi32>, vector<16xi32> -> vector<16xi32>
            %eq3A_670 = arith.cmpi eq, %gather3A_669, %select_n3A : vector<16xi32>
            %add3A_671 = arith.constant 4 : i32
            %add3A_672 = vector.broadcast %add3A_671 : i32 to vector<16xi32>
            %add3A_673 = arith.addi %iota3A, %add3A_672 : vector<16xi32>
            %lt3A_674 = arith.constant 16 : i32
            %lt3A_675 = vector.broadcast %lt3A_674 : i32 to vector<16xi32>
            %lt3A_676 = arith.cmpi slt, %add3A_673, %lt3A_675 : vector<16xi32>
            %and3A_677 = arith.andi %eq3A_670, %lt3A_676 : vector<16xi1>
            %or3A_678 = arith.ori %or3A_660, %and3A_677 : vector<16xi1>
            %add3A_679 = arith.constant 5 : i32
            %add3A_680 = vector.broadcast %add3A_679 : i32 to vector<16xi32>
            %add3A_681 = arith.addi %iota3A, %add3A_680 : vector<16xi32>
            %min3A_682 = arith.constant 15 : i32
            %min3A_683 = vector.broadcast %min3A_682 : i32 to vector<16xi32>
            %min3A_684 = arith.minsi %add3A_681, %min3A_683 : vector<16xi32>
            %broadcast_in_dim3A_685 = vector.shape_cast %min3A_684 : vector<16xi32> to vector<16x1xi32>
            %gather3A_686 = vector.shape_cast %broadcast_in_dim3A_685 : vector<16x1xi32> to vector<16xi32>
            %gather3A_687 = tpu.dynamic_gather %select_n3A[%gather3A_686] in [0] : vector<16xi32>, vector<16xi32> -> vector<16xi32>
            %eq3A_688 = arith.cmpi eq, %gather3A_687, %select_n3A : vector<16xi32>
            %add3A_689 = arith.constant 5 : i32
            %add3A_690 = vector.broadcast %add3A_689 : i32 to vector<16xi32>
            %add3A_691 = arith.addi %iota3A, %add3A_690 : vector<16xi32>
            %lt3A_692 = arith.constant 16 : i32
            %lt3A_693 = vector.broadcast %lt3A_692 : i32 to vector<16xi32>
            %lt3A_694 = arith.cmpi slt, %add3A_691, %lt3A_693 : vector<16xi32>
            %and3A_695 = arith.andi %eq3A_688, %lt3A_694 : vector<16xi1>
            %or3A_696 = arith.ori %or3A_678, %and3A_695 : vector<16xi1>
            %add3A_697 = arith.constant 6 : i32
            %add3A_698 = vector.broadcast %add3A_697 : i32 to vector<16xi32>
            %add3A_699 = arith.addi %iota3A, %add3A_698 : vector<16xi32>
            %min3A_700 = arith.constant 15 : i32
            %min3A_701 = vector.broadcast %min3A_700 : i32 to vector<16xi32>
            %min3A_702 = arith.minsi %add3A_699, %min3A_701 : vector<16xi32>
            %broadcast_in_dim3A_703 = vector.shape_cast %min3A_702 : vector<16xi32> to vector<16x1xi32>
            %gather3A_704 = vector.shape_cast %broadcast_in_dim3A_703 : vector<16x1xi32> to vector<16xi32>
            %gather3A_705 = tpu.dynamic_gather %select_n3A[%gather3A_704] in [0] : vector<16xi32>, vector<16xi32> -> vector<16xi32>
            %eq3A_706 = arith.cmpi eq, %gather3A_705, %select_n3A : vector<16xi32>
            %add3A_707 = arith.constant 6 : i32
            %add3A_708 = vector.broadcast %add3A_707 : i32 to vector<16xi32>
            %add3A_709 = arith.addi %iota3A, %add3A_708 : vector<16xi32>
            %lt3A_710 = arith.constant 16 : i32
            %lt3A_711 = vector.broadcast %lt3A_710 : i32 to vector<16xi32>
            %lt3A_712 = arith.cmpi slt, %add3A_709, %lt3A_711 : vector<16xi32>
            %and3A_713 = arith.andi %eq3A_706, %lt3A_712 : vector<16xi1>
            %or3A_714 = arith.ori %or3A_696, %and3A_713 : vector<16xi1>
            %add3A_715 = arith.constant 7 : i32
            %add3A_716 = vector.broadcast %add3A_715 : i32 to vector<16xi32>
            %add3A_717 = arith.addi %iota3A, %add3A_716 : vector<16xi32>
            %min3A_718 = arith.constant 15 : i32
            %min3A_719 = vector.broadcast %min3A_718 : i32 to vector<16xi32>
            %min3A_720 = arith.minsi %add3A_717, %min3A_719 : vector<16xi32>
            %broadcast_in_dim3A_721 = vector.shape_cast %min3A_720 : vector<16xi32> to vector<16x1xi32>
            %gather3A_722 = vector.shape_cast %broadcast_in_dim3A_721 : vector<16x1xi32> to vector<16xi32>
            %gather3A_723 = tpu.dynamic_gather %select_n3A[%gather3A_722] in [0] : vector<16xi32>, vector<16xi32> -> vector<16xi32>
            %eq3A_724 = arith.cmpi eq, %gather3A_723, %select_n3A : vector<16xi32>
            %add3A_725 = arith.constant 7 : i32
            %add3A_726 = vector.broadcast %add3A_725 : i32 to vector<16xi32>
            %add3A_727 = arith.addi %iota3A, %add3A_726 : vector<16xi32>
            %lt3A_728 = arith.constant 16 : i32
            %lt3A_729 = vector.broadcast %lt3A_728 : i32 to vector<16xi32>
            %lt3A_730 = arith.cmpi slt, %add3A_727, %lt3A_729 : vector<16xi32>
            %and3A_731 = arith.andi %eq3A_724, %lt3A_730 : vector<16xi1>
            %or3A_732 = arith.ori %or3A_714, %and3A_731 : vector<16xi1>
            %add3A_733 = arith.constant 8 : i32
            %add3A_734 = vector.broadcast %add3A_733 : i32 to vector<16xi32>
            %add3A_735 = arith.addi %iota3A, %add3A_734 : vector<16xi32>
            %min3A_736 = arith.constant 15 : i32
            %min3A_737 = vector.broadcast %min3A_736 : i32 to vector<16xi32>
            %min3A_738 = arith.minsi %add3A_735, %min3A_737 : vector<16xi32>
            %broadcast_in_dim3A_739 = vector.shape_cast %min3A_738 : vector<16xi32> to vector<16x1xi32>
            %gather3A_740 = vector.shape_cast %broadcast_in_dim3A_739 : vector<16x1xi32> to vector<16xi32>
            %gather3A_741 = tpu.dynamic_gather %select_n3A[%gather3A_740] in [0] : vector<16xi32>, vector<16xi32> -> vector<16xi32>
            %eq3A_742 = arith.cmpi eq, %gather3A_741, %select_n3A : vector<16xi32>
            %add3A_743 = arith.constant 8 : i32
            %add3A_744 = vector.broadcast %add3A_743 : i32 to vector<16xi32>
            %add3A_745 = arith.addi %iota3A, %add3A_744 : vector<16xi32>
            %lt3A_746 = arith.constant 16 : i32
            %lt3A_747 = vector.broadcast %lt3A_746 : i32 to vector<16xi32>
            %lt3A_748 = arith.cmpi slt, %add3A_745, %lt3A_747 : vector<16xi32>
            %and3A_749 = arith.andi %eq3A_742, %lt3A_748 : vector<16xi1>
            %or3A_750 = arith.ori %or3A_732, %and3A_749 : vector<16xi1>
            %add3A_751 = arith.constant 9 : i32
            %add3A_752 = vector.broadcast %add3A_751 : i32 to vector<16xi32>
            %add3A_753 = arith.addi %iota3A, %add3A_752 : vector<16xi32>
            %min3A_754 = arith.constant 15 : i32
            %min3A_755 = vector.broadcast %min3A_754 : i32 to vector<16xi32>
            %min3A_756 = arith.minsi %add3A_753, %min3A_755 : vector<16xi32>
            %broadcast_in_dim3A_757 = vector.shape_cast %min3A_756 : vector<16xi32> to vector<16x1xi32>
            %gather3A_758 = vector.shape_cast %broadcast_in_dim3A_757 : vector<16x1xi32> to vector<16xi32>
            %gather3A_759 = tpu.dynamic_gather %select_n3A[%gather3A_758] in [0] : vector<16xi32>, vector<16xi32> -> vector<16xi32>
            %eq3A_760 = arith.cmpi eq, %gather3A_759, %select_n3A : vector<16xi32>
            %add3A_761 = arith.constant 9 : i32
            %add3A_762 = vector.broadcast %add3A_761 : i32 to vector<16xi32>
            %add3A_763 = arith.addi %iota3A, %add3A_762 : vector<16xi32>
            %lt3A_764 = arith.constant 16 : i32
            %lt3A_765 = vector.broadcast %lt3A_764 : i32 to vector<16xi32>
            %lt3A_766 = arith.cmpi slt, %add3A_763, %lt3A_765 : vector<16xi32>
            %and3A_767 = arith.andi %eq3A_760, %lt3A_766 : vector<16xi1>
            %or3A_768 = arith.ori %or3A_750, %and3A_767 : vector<16xi1>
            %add3A_769 = arith.constant 10 : i32
            %add3A_770 = vector.broadcast %add3A_769 : i32 to vector<16xi32>
            %add3A_771 = arith.addi %iota3A, %add3A_770 : vector<16xi32>
            %min3A_772 = arith.constant 15 : i32
            %min3A_773 = vector.broadcast %min3A_772 : i32 to vector<16xi32>
            %min3A_774 = arith.minsi %add3A_771, %min3A_773 : vector<16xi32>
            %broadcast_in_dim3A_775 = vector.shape_cast %min3A_774 : vector<16xi32> to vector<16x1xi32>
            %gather3A_776 = vector.shape_cast %broadcast_in_dim3A_775 : vector<16x1xi32> to vector<16xi32>
            %gather3A_777 = tpu.dynamic_gather %select_n3A[%gather3A_776] in [0] : vector<16xi32>, vector<16xi32> -> vector<16xi32>
            %eq3A_778 = arith.cmpi eq, %gather3A_777, %select_n3A : vector<16xi32>
            %add3A_779 = arith.constant 10 : i32
            %add3A_780 = vector.broadcast %add3A_779 : i32 to vector<16xi32>
            %add3A_781 = arith.addi %iota3A, %add3A_780 : vector<16xi32>
            %lt3A_782 = arith.constant 16 : i32
            %lt3A_783 = vector.broadcast %lt3A_782 : i32 to vector<16xi32>
            %lt3A_784 = arith.cmpi slt, %add3A_781, %lt3A_783 : vector<16xi32>
            %and3A_785 = arith.andi %eq3A_778, %lt3A_784 : vector<16xi1>
            %or3A_786 = arith.ori %or3A_768, %and3A_785 : vector<16xi1>
            %add3A_787 = arith.constant 11 : i32
            %add3A_788 = vector.broadcast %add3A_787 : i32 to vector<16xi32>
            %add3A_789 = arith.addi %iota3A, %add3A_788 : vector<16xi32>
            %min3A_790 = arith.constant 15 : i32
            %min3A_791 = vector.broadcast %min3A_790 : i32 to vector<16xi32>
            %min3A_792 = arith.minsi %add3A_789, %min3A_791 : vector<16xi32>
            %broadcast_in_dim3A_793 = vector.shape_cast %min3A_792 : vector<16xi32> to vector<16x1xi32>
            %gather3A_794 = vector.shape_cast %broadcast_in_dim3A_793 : vector<16x1xi32> to vector<16xi32>
            %gather3A_795 = tpu.dynamic_gather %select_n3A[%gather3A_794] in [0] : vector<16xi32>, vector<16xi32> -> vector<16xi32>
            %eq3A_796 = arith.cmpi eq, %gather3A_795, %select_n3A : vector<16xi32>
            %add3A_797 = arith.constant 11 : i32
            %add3A_798 = vector.broadcast %add3A_797 : i32 to vector<16xi32>
            %add3A_799 = arith.addi %iota3A, %add3A_798 : vector<16xi32>
            %lt3A_800 = arith.constant 16 : i32
            %lt3A_801 = vector.broadcast %lt3A_800 : i32 to vector<16xi32>
            %lt3A_802 = arith.cmpi slt, %add3A_799, %lt3A_801 : vector<16xi32>
            %and3A_803 = arith.andi %eq3A_796, %lt3A_802 : vector<16xi1>
            %or3A_804 = arith.ori %or3A_786, %and3A_803 : vector<16xi1>
            %add3A_805 = arith.constant 12 : i32
            %add3A_806 = vector.broadcast %add3A_805 : i32 to vector<16xi32>
            %add3A_807 = arith.addi %iota3A, %add3A_806 : vector<16xi32>
            %min3A_808 = arith.constant 15 : i32
            %min3A_809 = vector.broadcast %min3A_808 : i32 to vector<16xi32>
            %min3A_810 = arith.minsi %add3A_807, %min3A_809 : vector<16xi32>
            %broadcast_in_dim3A_811 = vector.shape_cast %min3A_810 : vector<16xi32> to vector<16x1xi32>
            %gather3A_812 = vector.shape_cast %broadcast_in_dim3A_811 : vector<16x1xi32> to vector<16xi32>
            %gather3A_813 = tpu.dynamic_gather %select_n3A[%gather3A_812] in [0] : vector<16xi32>, vector<16xi32> -> vector<16xi32>
            %eq3A_814 = arith.cmpi eq, %gather3A_813, %select_n3A : vector<16xi32>
            %add3A_815 = arith.constant 12 : i32
            %add3A_816 = vector.broadcast %add3A_815 : i32 to vector<16xi32>
            %add3A_817 = arith.addi %iota3A, %add3A_816 : vector<16xi32>
            %lt3A_818 = arith.constant 16 : i32
            %lt3A_819 = vector.broadcast %lt3A_818 : i32 to vector<16xi32>
            %lt3A_820 = arith.cmpi slt, %add3A_817, %lt3A_819 : vector<16xi32>
            %and3A_821 = arith.andi %eq3A_814, %lt3A_820 : vector<16xi1>
            %or3A_822 = arith.ori %or3A_804, %and3A_821 : vector<16xi1>
            %add3A_823 = arith.constant 13 : i32
            %add3A_824 = vector.broadcast %add3A_823 : i32 to vector<16xi32>
            %add3A_825 = arith.addi %iota3A, %add3A_824 : vector<16xi32>
            %min3A_826 = arith.constant 15 : i32
            %min3A_827 = vector.broadcast %min3A_826 : i32 to vector<16xi32>
            %min3A_828 = arith.minsi %add3A_825, %min3A_827 : vector<16xi32>
            %broadcast_in_dim3A_829 = vector.shape_cast %min3A_828 : vector<16xi32> to vector<16x1xi32>
            %gather3A_830 = vector.shape_cast %broadcast_in_dim3A_829 : vector<16x1xi32> to vector<16xi32>
            %gather3A_831 = tpu.dynamic_gather %select_n3A[%gather3A_830] in [0] : vector<16xi32>, vector<16xi32> -> vector<16xi32>
            %eq3A_832 = arith.cmpi eq, %gather3A_831, %select_n3A : vector<16xi32>
            %add3A_833 = arith.constant 13 : i32
            %add3A_834 = vector.broadcast %add3A_833 : i32 to vector<16xi32>
            %add3A_835 = arith.addi %iota3A, %add3A_834 : vector<16xi32>
            %lt3A_836 = arith.constant 16 : i32
            %lt3A_837 = vector.broadcast %lt3A_836 : i32 to vector<16xi32>
            %lt3A_838 = arith.cmpi slt, %add3A_835, %lt3A_837 : vector<16xi32>
            %and3A_839 = arith.andi %eq3A_832, %lt3A_838 : vector<16xi1>
            %or3A_840 = arith.ori %or3A_822, %and3A_839 : vector<16xi1>
            %add3A_841 = arith.constant 14 : i32
            %add3A_842 = vector.broadcast %add3A_841 : i32 to vector<16xi32>
            %add3A_843 = arith.addi %iota3A, %add3A_842 : vector<16xi32>
            %min3A_844 = arith.constant 15 : i32
            %min3A_845 = vector.broadcast %min3A_844 : i32 to vector<16xi32>
            %min3A_846 = arith.minsi %add3A_843, %min3A_845 : vector<16xi32>
            %broadcast_in_dim3A_847 = vector.shape_cast %min3A_846 : vector<16xi32> to vector<16x1xi32>
            %gather3A_848 = vector.shape_cast %broadcast_in_dim3A_847 : vector<16x1xi32> to vector<16xi32>
            %gather3A_849 = tpu.dynamic_gather %select_n3A[%gather3A_848] in [0] : vector<16xi32>, vector<16xi32> -> vector<16xi32>
            %eq3A_850 = arith.cmpi eq, %gather3A_849, %select_n3A : vector<16xi32>
            %add3A_851 = arith.constant 14 : i32
            %add3A_852 = vector.broadcast %add3A_851 : i32 to vector<16xi32>
            %add3A_853 = arith.addi %iota3A, %add3A_852 : vector<16xi32>
            %lt3A_854 = arith.constant 16 : i32
            %lt3A_855 = vector.broadcast %lt3A_854 : i32 to vector<16xi32>
            %lt3A_856 = arith.cmpi slt, %add3A_853, %lt3A_855 : vector<16xi32>
            %and3A_857 = arith.andi %eq3A_850, %lt3A_856 : vector<16xi1>
            %or3A_858 = arith.ori %or3A_840, %and3A_857 : vector<16xi1>
            %add3A_859 = arith.constant 15 : i32
            %add3A_860 = vector.broadcast %add3A_859 : i32 to vector<16xi32>
            %add3A_861 = arith.addi %iota3A, %add3A_860 : vector<16xi32>
            %min3A_862 = arith.constant 15 : i32
            %min3A_863 = vector.broadcast %min3A_862 : i32 to vector<16xi32>
            %min3A_864 = arith.minsi %add3A_861, %min3A_863 : vector<16xi32>
            %broadcast_in_dim3A_865 = vector.shape_cast %min3A_864 : vector<16xi32> to vector<16x1xi32>
            %gather3A_866 = vector.shape_cast %broadcast_in_dim3A_865 : vector<16x1xi32> to vector<16xi32>
            %gather3A_867 = tpu.dynamic_gather %select_n3A[%gather3A_866] in [0] : vector<16xi32>, vector<16xi32> -> vector<16xi32>
            %eq3A_868 = arith.cmpi eq, %gather3A_867, %select_n3A : vector<16xi32>
            %add3A_869 = arith.constant 15 : i32
            %add3A_870 = vector.broadcast %add3A_869 : i32 to vector<16xi32>
            %add3A_871 = arith.addi %iota3A, %add3A_870 : vector<16xi32>
            %lt3A_872 = arith.constant 16 : i32
            %lt3A_873 = vector.broadcast %lt3A_872 : i32 to vector<16xi32>
            %lt3A_874 = arith.cmpi slt, %add3A_871, %lt3A_873 : vector<16xi32>
            %and3A_875 = arith.andi %eq3A_868, %lt3A_874 : vector<16xi1>
            %or3A_876 = arith.ori %or3A_858, %and3A_875 : vector<16xi1>
            %not3A = arith.constant dense<true> : vector<16xi1>
            %not3A_877 = arith.xori %or3A_876, %not3A : vector<16xi1>
            %and3A_878 = arith.andi %and3A_595, %not3A_877 : vector<16xi1>
            %get3A_879 = arith.constant 0 : i32
            %get3A_880 = arith.index_cast %get3A_879 : i32 to index
            %get3A_881 = arith.index_cast %scan3A_546 : i32 to index
            %get3A_882 = arith.index_cast %mul3A_560 : i32 to index
            %get3A_883 = tpu.vector_load %arg6[%get3A_880, %get3A_881, %get3A_882] {strides = array<i32>} : memref<3x40x384xf32, #tpu.memory_space<vmem>>, vector<16xf32>,
            tpu.vector_store_idx %arg7[%add3A_603], %get3A_883 masked %and3A_878 : memref<9216xf32, #tpu.memory_space<vmem>>[vector<16xi32>], vector<16xf32>, vector<16xi1>
            %get3A_884 = arith.constant 1 : i32
            %get3A_885 = arith.index_cast %get3A_884 : i32 to index
            %get3A_886 = arith.index_cast %scan3A_546 : i32 to index
            %get3A_887 = arith.index_cast %mul3A_560 : i32 to index
            %get3A_888 = tpu.vector_load %arg6[%get3A_885, %get3A_886, %get3A_887] {strides = array<i32>} : memref<3x40x384xf32, #tpu.memory_space<vmem>>, vector<16xf32>,
            tpu.vector_store_idx %arg8[%add3A_603], %get3A_888 masked %and3A_878 : memref<9216xf32, #tpu.memory_space<vmem>>[vector<16xi32>], vector<16xf32>, vector<16xi1>
            %get3A_889 = arith.constant 2 : i32
            %get3A_890 = arith.index_cast %get3A_889 : i32 to index
            %get3A_891 = arith.index_cast %scan3A_546 : i32 to index
            %get3A_892 = arith.index_cast %mul3A_560 : i32 to index
            %get3A_893 = tpu.vector_load %arg6[%get3A_890, %get3A_891, %get3A_892] {strides = array<i32>} : memref<3x40x384xf32, #tpu.memory_space<vmem>>, vector<16xf32>,
            tpu.vector_store_idx %arg9[%add3A_603], %get3A_893 masked %and3A_878 : memref<9216xf32, #tpu.memory_space<vmem>>[vector<16xi32>], vector<16xf32>, vector<16xi1>
            %scan3A_894 = arith.constant 0 : i32
            scf.yield %scan3A_894 : i32
          }
          %scan3A_554 = arith.constant 24 : i32
          scf.yield %scan3A_553 : i32
        }
        %scan3A_544 = arith.constant 32 : i32
        %scan3A_545 = arith.constant 0 : i32
        scf.yield %scan3A_545 : i32
      }
      %scan3A_522 = arith.constant 12 : i32
    } else {
    }
    %mul3A_208 = arith.constant 2 : i32
    %mul3A_209 = arith.muli %arg0, %mul3A_208 : i32
    %add3A_210 = arith.constant 1 : i32
    %add3A_211 = arith.addi %mul3A_209, %add3A_210 : i32
    %multiple_of3A_212 = tpu.assume_multiple %min3A, 8 : i32
    %dma_start3A_213 = arith.constant 6 : i32
    %dma_start3A_214 = arith.constant 0 : i32
    %dma_start3A_215 = arith.constant 0 : i32
    %dma_start3A_216 = tpu.memref_slice %arg4[%dma_start3A_214, %dma_start3A_215] : memref<40x384xf32, #tpu.memory_space<vmem>> -> memref<40x384xf32, #tpu.memory_space<vmem>>
    %dma_start3A_217 = arith.constant 0 : i32
    %dma_start3A_218 = tpu.memref_slice %arg2[%add3A_211, %dma_start3A_213, %multiple_of3A_212, %dma_start3A_217] : memref<4x8x384x384xf32, #tpu.memory_space<hbm>> -> memref<1x1x40x384xf32, #tpu.memory_space<hbm>>
    %dma_start3A_219 = tpu.memref_squeeze %dma_start3A_218 : memref<1x1x40x384xf32, #tpu.memory_space<hbm>> -> memref<40x384xf32, #tpu.memory_space<hbm>>
    %dma_start3A_220 = arith.constant 0 : i32
    %dma_start3A_221 = arith.constant 0 : i32
    %dma_start3A_222 = tpu.memref_slice %arg4[%dma_start3A_220, %dma_start3A_221] : memref<40x384xf32, #tpu.memory_space<vmem>> -> memref<40x384xf32, #tpu.memory_space<vmem>>
    %dma_start3A_223 = arith.constant 0 : i32
    %dma_start3A_224 = tpu.memref_slice %arg2[%add3A_211, %dma_start3A_213, %multiple_of3A_212, %dma_start3A_223] : memref<4x8x384x384xf32, #tpu.memory_space<hbm>> -> memref<1x1x40x384xf32, #tpu.memory_space<hbm>>
    %dma_start3A_225 = tpu.memref_squeeze %dma_start3A_224 : memref<1x1x40x384xf32, #tpu.memory_space<hbm>> -> memref<40x384xf32, #tpu.memory_space<hbm>>
    tpu.enqueue_dma source(%dma_start3A_225 : memref<40x384xf32, #tpu.memory_space<hbm>>) target(%dma_start3A_222 : memref<40x384xf32, #tpu.memory_space<vmem>>) target_semaphore(%arg13 : memref<!tpu.dma_semaphore, #tpu.memory_space<semaphore_mem>>)
    %dma_start3A_226 = arith.constant 7 : i32
    %dma_start3A_227 = arith.constant 0 : i32
    %dma_start3A_228 = arith.constant 0 : i32
    %dma_start3A_229 = tpu.memref_slice %arg5[%dma_start3A_227, %dma_start3A_228] : memref<40x384xf32, #tpu.memory_space<vmem>> -> memref<40x384xf32, #tpu.memory_space<vmem>>
    %dma_start3A_230 = arith.constant 0 : i32
    %dma_start3A_231 = tpu.memref_slice %arg2[%add3A_211, %dma_start3A_226, %multiple_of3A_212, %dma_start3A_230] : memref<4x8x384x384xf32, #tpu.memory_space<hbm>> -> memref<1x1x40x384xf32, #tpu.memory_space<hbm>>
    %dma_start3A_232 = tpu.memref_squeeze %dma_start3A_231 : memref<1x1x40x384xf32, #tpu.memory_space<hbm>> -> memref<40x384xf32, #tpu.memory_space<hbm>>
    %dma_start3A_233 = arith.constant 0 : i32
    %dma_start3A_234 = arith.constant 0 : i32
    %dma_start3A_235 = tpu.memref_slice %arg5[%dma_start3A_233, %dma_start3A_234] : memref<40x384xf32, #tpu.memory_space<vmem>> -> memref<40x384xf32, #tpu.memory_space<vmem>>
    %dma_start3A_236 = arith.constant 0 : i32
    %dma_start3A_237 = tpu.memref_slice %arg2[%add3A_211, %dma_start3A_226, %multiple_of3A_212, %dma_start3A_236] : memref<4x8x384x384xf32, #tpu.memory_space<hbm>> -> memref<1x1x40x384xf32, #tpu.memory_space<hbm>>
    %dma_start3A_238 = tpu.memref_squeeze %dma_start3A_237 : memref<1x1x40x384xf32, #tpu.memory_space<hbm>> -> memref<40x384xf32, #tpu.memory_space<hbm>>
    tpu.enqueue_dma source(%dma_start3A_238 : memref<40x384xf32, #tpu.memory_space<hbm>>) target(%dma_start3A_235 : memref<40x384xf32, #tpu.memory_space<vmem>>) target_semaphore(%arg13 : memref<!tpu.dma_semaphore, #tpu.memory_space<semaphore_mem>>)
    %dma_start3A_239 = arith.constant 0 : i32
    %dma_start3A_240 = arith.constant 0 : i32
    %dma_start3A_241 = arith.constant 0 : i32
    %dma_start3A_242 = arith.constant 0 : i32
    %dma_start3A_243 = tpu.memref_slice %arg6[%dma_start3A_240, %dma_start3A_241, %dma_start3A_242] : memref<3x40x384xf32, #tpu.memory_space<vmem>> -> memref<1x40x384xf32, #tpu.memory_space<vmem>>
    %dma_start3A_244 = tpu.memref_squeeze %dma_start3A_243 : memref<1x40x384xf32, #tpu.memory_space<vmem>> -> memref<40x384xf32, #tpu.memory_space<vmem>>
    %dma_start3A_245 = arith.constant 0 : i32
    %dma_start3A_246 = tpu.memref_slice %arg2[%add3A_211, %dma_start3A_239, %multiple_of3A_212, %dma_start3A_245] : memref<4x8x384x384xf32, #tpu.memory_space<hbm>> -> memref<1x1x40x384xf32, #tpu.memory_space<hbm>>
    %dma_start3A_247 = tpu.memref_squeeze %dma_start3A_246 : memref<1x1x40x384xf32, #tpu.memory_space<hbm>> -> memref<40x384xf32, #tpu.memory_space<hbm>>
    %dma_start3A_248 = arith.constant 0 : i32
    %dma_start3A_249 = arith.constant 0 : i32
    %dma_start3A_250 = tpu.memref_slice %arg6[%dma_start3A_240, %dma_start3A_248, %dma_start3A_249] : memref<3x40x384xf32, #tpu.memory_space<vmem>> -> memref<1x40x384xf32, #tpu.memory_space<vmem>>
    %dma_start3A_251 = tpu.memref_squeeze %dma_start3A_250 : memref<1x40x384xf32, #tpu.memory_space<vmem>> -> memref<40x384xf32, #tpu.memory_space<vmem>>
    %dma_start3A_252 = arith.constant 0 : i32
    %dma_start3A_253 = tpu.memref_slice %arg2[%add3A_211, %dma_start3A_239, %multiple_of3A_212, %dma_start3A_252] : memref<4x8x384x384xf32, #tpu.memory_space<hbm>> -> memref<1x1x40x384xf32, #tpu.memory_space<hbm>>
    %dma_start3A_254 = tpu.memref_squeeze %dma_start3A_253 : memref<1x1x40x384xf32, #tpu.memory_space<hbm>> -> memref<40x384xf32, #tpu.memory_space<hbm>>
    tpu.enqueue_dma source(%dma_start3A_254 : memref<40x384xf32, #tpu.memory_space<hbm>>) target(%dma_start3A_251 : memref<40x384xf32, #tpu.memory_space<vmem>>) target_semaphore(%arg13 : memref<!tpu.dma_semaphore, #tpu.memory_space<semaphore_mem>>)
    %dma_start3A_255 = arith.constant 1 : i32
    %dma_start3A_256 = arith.constant 1 : i32
    %dma_start3A_257 = arith.constant 0 : i32
    %dma_start3A_258 = arith.constant 0 : i32
    %dma_start3A_259 = tpu.memref_slice %arg6[%dma_start3A_256, %dma_start3A_257, %dma_start3A_258] : memref<3x40x384xf32, #tpu.memory_space<vmem>> -> memref<1x40x384xf32, #tpu.memory_space<vmem>>
    %dma_start3A_260 = tpu.memref_squeeze %dma_start3A_259 : memref<1x40x384xf32, #tpu.memory_space<vmem>> -> memref<40x384xf32, #tpu.memory_space<vmem>>
    %dma_start3A_261 = arith.constant 0 : i32
    %dma_start3A_262 = tpu.memref_slice %arg2[%add3A_211, %dma_start3A_255, %multiple_of3A_212, %dma_start3A_261] : memref<4x8x384x384xf32, #tpu.memory_space<hbm>> -> memref<1x1x40x384xf32, #tpu.memory_space<hbm>>
    %dma_start3A_263 = tpu.memref_squeeze %dma_start3A_262 : memref<1x1x40x384xf32, #tpu.memory_space<hbm>> -> memref<40x384xf32, #tpu.memory_space<hbm>>
    %dma_start3A_264 = arith.constant 0 : i32
    %dma_start3A_265 = arith.constant 0 : i32
    %dma_start3A_266 = tpu.memref_slice %arg6[%dma_start3A_256, %dma_start3A_264, %dma_start3A_265] : memref<3x40x384xf32, #tpu.memory_space<vmem>> -> memref<1x40x384xf32, #tpu.memory_space<vmem>>
    %dma_start3A_267 = tpu.memref_squeeze %dma_start3A_266 : memref<1x40x384xf32, #tpu.memory_space<vmem>> -> memref<40x384xf32, #tpu.memory_space<vmem>>
    %dma_start3A_268 = arith.constant 0 : i32
    %dma_start3A_269 = tpu.memref_slice %arg2[%add3A_211, %dma_start3A_255, %multiple_of3A_212, %dma_start3A_268] : memref<4x8x384x384xf32, #tpu.memory_space<hbm>> -> memref<1x1x40x384xf32, #tpu.memory_space<hbm>>
    %dma_start3A_270 = tpu.memref_squeeze %dma_start3A_269 : memref<1x1x40x384xf32, #tpu.memory_space<hbm>> -> memref<40x384xf32, #tpu.memory_space<hbm>>
    tpu.enqueue_dma source(%dma_start3A_270 : memref<40x384xf32, #tpu.memory_space<hbm>>) target(%dma_start3A_267 : memref<40x384xf32, #tpu.memory_space<vmem>>) target_semaphore(%arg13 : memref<!tpu.dma_semaphore, #tpu.memory_space<semaphore_mem>>)
    %dma_start3A_271 = arith.constant 2 : i32
    %dma_start3A_272 = arith.constant 2 : i32
    %dma_start3A_273 = arith.constant 0 : i32
    %dma_start3A_274 = arith.constant 0 : i32
    %dma_start3A_275 = tpu.memref_slice %arg6[%dma_start3A_272, %dma_start3A_273, %dma_start3A_274] : memref<3x40x384xf32, #tpu.memory_space<vmem>> -> memref<1x40x384xf32, #tpu.memory_space<vmem>>
    %dma_start3A_276 = tpu.memref_squeeze %dma_start3A_275 : memref<1x40x384xf32, #tpu.memory_space<vmem>> -> memref<40x384xf32, #tpu.memory_space<vmem>>
    %dma_start3A_277 = arith.constant 0 : i32
    %dma_start3A_278 = tpu.memref_slice %arg2[%add3A_211, %dma_start3A_271, %multiple_of3A_212, %dma_start3A_277] : memref<4x8x384x384xf32, #tpu.memory_space<hbm>> -> memref<1x1x40x384xf32, #tpu.memory_space<hbm>>
    %dma_start3A_279 = tpu.memref_squeeze %dma_start3A_278 : memref<1x1x40x384xf32, #tpu.memory_space<hbm>> -> memref<40x384xf32, #tpu.memory_space<hbm>>
    %dma_start3A_280 = arith.constant 0 : i32
    %dma_start3A_281 = arith.constant 0 : i32
    %dma_start3A_282 = tpu.memref_slice %arg6[%dma_start3A_272, %dma_start3A_280, %dma_start3A_281] : memref<3x40x384xf32, #tpu.memory_space<vmem>> -> memref<1x40x384xf32, #tpu.memory_space<vmem>>
    %dma_start3A_283 = tpu.memref_squeeze %dma_start3A_282 : memref<1x40x384xf32, #tpu.memory_space<vmem>> -> memref<40x384xf32, #tpu.memory_space<vmem>>
    %dma_start3A_284 = arith.constant 0 : i32
    %dma_start3A_285 = tpu.memref_slice %arg2[%add3A_211, %dma_start3A_271, %multiple_of3A_212, %dma_start3A_284] : memref<4x8x384x384xf32, #tpu.memory_space<hbm>> -> memref<1x1x40x384xf32, #tpu.memory_space<hbm>>
    %dma_start3A_286 = tpu.memref_squeeze %dma_start3A_285 : memref<1x1x40x384xf32, #tpu.memory_space<hbm>> -> memref<40x384xf32, #tpu.memory_space<hbm>>
    tpu.enqueue_dma source(%dma_start3A_286 : memref<40x384xf32, #tpu.memory_space<hbm>>) target(%dma_start3A_283 : memref<40x384xf32, #tpu.memory_space<vmem>>) target_semaphore(%arg13 : memref<!tpu.dma_semaphore, #tpu.memory_space<semaphore_mem>>)
    %mul3A_287 = arith.constant 3 : i32
    %mul3A_288 = arith.muli %add3A_82, %mul3A_287 : i32
    %add3A_289 = arith.constant 0 : i32
    %add3A_290 = arith.addi %mul3A_288, %add3A_289 : i32
    %mul3A_291 = arith.constant 147456 : i32
    %mul3A_292 = arith.muli %add3A_290, %mul3A_291 : i32
    %mul3A_293 = arith.constant 384 : i32
    %mul3A_294 = arith.muli %mul3A_0, %mul3A_293 : i32
    %add3A_295 = arith.addi %mul3A_292, %mul3A_294 : i32
    %multiple_of3A_296 = tpu.assume_multiple %add3A_295, 1024 : i32
    %dma_start3A_297 = tpu.memref_slice %arg3[%multiple_of3A_296] : memref<1769472xf32, #tpu.memory_space<hbm>> -> memref<9216xf32, #tpu.memory_space<hbm>>
    %dma_start3A_298 = tpu.memref_slice %arg3[%multiple_of3A_296] : memref<1769472xf32, #tpu.memory_space<hbm>> -> memref<9216xf32, #tpu.memory_space<hbm>>
    tpu.enqueue_dma source(%arg7 : memref<9216xf32, #tpu.memory_space<vmem>>) target(%dma_start3A_298 : memref<9216xf32, #tpu.memory_space<hbm>>) target_semaphore(%arg14 : memref<!tpu.dma_semaphore, #tpu.memory_space<semaphore_mem>>)
    %mul3A_299 = arith.constant 3 : i32
    %mul3A_300 = arith.muli %add3A_82, %mul3A_299 : i32
    %add3A_301 = arith.constant 1 : i32
    %add3A_302 = arith.addi %mul3A_300, %add3A_301 : i32
    %mul3A_303 = arith.constant 147456 : i32
    %mul3A_304 = arith.muli %add3A_302, %mul3A_303 : i32
    %mul3A_305 = arith.constant 384 : i32
    %mul3A_306 = arith.muli %mul3A_0, %mul3A_305 : i32
    %add3A_307 = arith.addi %mul3A_304, %mul3A_306 : i32
    %multiple_of3A_308 = tpu.assume_multiple %add3A_307, 1024 : i32
    %dma_start3A_309 = tpu.memref_slice %arg3[%multiple_of3A_308] : memref<1769472xf32, #tpu.memory_space<hbm>> -> memref<9216xf32, #tpu.memory_space<hbm>>
    %dma_start3A_310 = tpu.memref_slice %arg3[%multiple_of3A_308] : memref<1769472xf32, #tpu.memory_space<hbm>> -> memref<9216xf32, #tpu.memory_space<hbm>>
    tpu.enqueue_dma source(%arg8 : memref<9216xf32, #tpu.memory_space<vmem>>) target(%dma_start3A_310 : memref<9216xf32, #tpu.memory_space<hbm>>) target_semaphore(%arg14 : memref<!tpu.dma_semaphore, #tpu.memory_space<semaphore_mem>>)
    %mul3A_311 = arith.constant 3 : i32
    %mul3A_312 = arith.muli %add3A_82, %mul3A_311 : i32
    %add3A_313 = arith.constant 2 : i32
    %add3A_314 = arith.addi %mul3A_312, %add3A_313 : i32
    %mul3A_315 = arith.constant 147456 : i32
    %mul3A_316 = arith.muli %add3A_314, %mul3A_315 : i32
    %mul3A_317 = arith.constant 384 : i32
    %mul3A_318 = arith.muli %mul3A_0, %mul3A_317 : i32
    %add3A_319 = arith.addi %mul3A_316, %mul3A_318 : i32
    %multiple_of3A_320 = tpu.assume_multiple %add3A_319, 1024 : i32
    %dma_start3A_321 = tpu.memref_slice %arg3[%multiple_of3A_320] : memref<1769472xf32, #tpu.memory_space<hbm>> -> memref<9216xf32, #tpu.memory_space<hbm>>
    %dma_start3A_322 = tpu.memref_slice %arg3[%multiple_of3A_320] : memref<1769472xf32, #tpu.memory_space<hbm>> -> memref<9216xf32, #tpu.memory_space<hbm>>
    tpu.enqueue_dma source(%arg9 : memref<9216xf32, #tpu.memory_space<vmem>>) target(%dma_start3A_322 : memref<9216xf32, #tpu.memory_space<hbm>>) target_semaphore(%arg14 : memref<!tpu.dma_semaphore, #tpu.memory_space<semaphore_mem>>)
    %dma_wait3A_323 = tpu.memref_slice %arg3[%multiple_of3A_296] : memref<1769472xf32, #tpu.memory_space<hbm>> -> memref<9216xf32, #tpu.memory_space<hbm>>
    %dma_wait3A_324 = tpu.memref_slice %arg3[%multiple_of3A_296] : memref<1769472xf32, #tpu.memory_space<hbm>> -> memref<9216xf32, #tpu.memory_space<hbm>>
    tpu.wait_dma2 semaphore(%arg14 : memref<!tpu.dma_semaphore, #tpu.memory_space<semaphore_mem>>) src(%arg7 : memref<9216xf32, #tpu.memory_space<vmem>>) dst(%dma_wait3A_324 : memref<9216xf32, #tpu.memory_space<hbm>>)
    %dma_wait3A_325 = tpu.memref_slice %arg3[%multiple_of3A_308] : memref<1769472xf32, #tpu.memory_space<hbm>> -> memref<9216xf32, #tpu.memory_space<hbm>>
    %dma_wait3A_326 = tpu.memref_slice %arg3[%multiple_of3A_308] : memref<1769472xf32, #tpu.memory_space<hbm>> -> memref<9216xf32, #tpu.memory_space<hbm>>
    tpu.wait_dma2 semaphore(%arg14 : memref<!tpu.dma_semaphore, #tpu.memory_space<semaphore_mem>>) src(%arg8 : memref<9216xf32, #tpu.memory_space<vmem>>) dst(%dma_wait3A_326 : memref<9216xf32, #tpu.memory_space<hbm>>)
    %dma_wait3A_327 = tpu.memref_slice %arg3[%multiple_of3A_320] : memref<1769472xf32, #tpu.memory_space<hbm>> -> memref<9216xf32, #tpu.memory_space<hbm>>
    %dma_wait3A_328 = tpu.memref_slice %arg3[%multiple_of3A_320] : memref<1769472xf32, #tpu.memory_space<hbm>> -> memref<9216xf32, #tpu.memory_space<hbm>>
    tpu.wait_dma2 semaphore(%arg14 : memref<!tpu.dma_semaphore, #tpu.memory_space<semaphore_mem>>) src(%arg9 : memref<9216xf32, #tpu.memory_space<vmem>>) dst(%dma_wait3A_328 : memref<9216xf32, #tpu.memory_space<hbm>>)
    %mul3A_329 = arith.constant 2 : i32
    %mul3A_330 = arith.muli %arg0, %mul3A_329 : i32
    %add3A_331 = arith.constant 1 : i32
    %add3A_332 = arith.addi %mul3A_330, %add3A_331 : i32
    %scan3A_333 = arith.constant 0 : i32
    %scan3A_334 = arith.constant 0 : i32
    %scan3A_335 = arith.constant 96 : i32
    %scan3A_336 = arith.addi %scan3A_334, %scan3A_335 : i32
    %scan3A_337 = arith.constant 1 : i32
    %scan3A_338 = scf.for %scan3A_509 = %scan3A_334 to %scan3A_336 step %scan3A_337 iter_args(%scan3A_510 = %scan3A_333) -> (i32)  : i32 {
      %mul3A_511 = arith.constant 6 : i32
      %mul3A_512 = arith.muli %scan3A_509, %mul3A_511 : i32
      %add3A_513 = arith.constant 0 : i32
      %add3A_514 = arith.addi %mul3A_512, %add3A_513 : i32
      %mul3A_515 = arith.constant 16 : i32
      %mul3A_516 = arith.muli %add3A_514, %mul3A_515 : i32
      %swap3A_517 = arith.index_cast %mul3A_516 : i32 to index
      %swap3A_518 = tpu.vector_load %arg7[%swap3A_517] {strides = array<i32>} : memref<9216xf32, #tpu.memory_space<vmem>>, vector<16xf32>,
      tpu.vector_store %arg7[%swap3A_517], %broadcast_in_dim3A_2 {strides = array<i32>} : memref<9216xf32, #tpu.memory_space<vmem>>, vector<16xf32>,
      %swap3A_519 = arith.index_cast %mul3A_516 : i32 to index
      %swap3A_520 = tpu.vector_load %arg8[%swap3A_519] {strides = array<i32>} : memref<9216xf32, #tpu.memory_space<vmem>>, vector<16xf32>,
      tpu.vector_store %arg8[%swap3A_519], %broadcast_in_dim3A_2 {strides = array<i32>} : memref<9216xf32, #tpu.memory_space<vmem>>, vector<16xf32>,
      %swap3A_521 = arith.index_cast %mul3A_516 : i32 to index
      %swap3A_522 = tpu.vector_load %arg9[%swap3A_521] {strides = array<i32>} : memref<9216xf32, #tpu.memory_space<vmem>>, vector<16xf32>,
      tpu.vector_store %arg9[%swap3A_521], %broadcast_in_dim3A_2 {strides = array<i32>} : memref<9216xf32, #tpu.memory_space<vmem>>, vector<16xf32>,
      %mul3A_523 = arith.constant 6 : i32
      %mul3A_524 = arith.muli %scan3A_509, %mul3A_523 : i32
      %add3A_525 = arith.constant 1 : i32
      %add3A_526 = arith.addi %mul3A_524, %add3A_525 : i32
      %mul3A_527 = arith.constant 16 : i32
      %mul3A_528 = arith.muli %add3A_526, %mul3A_527 : i32
      %swap3A_529 = arith.index_cast %mul3A_528 : i32 to index
      %swap3A_530 = tpu.vector_load %arg7[%swap3A_529] {strides = array<i32>} : memref<9216xf32, #tpu.memory_space<vmem>>, vector<16xf32>,
      tpu.vector_store %arg7[%swap3A_529], %broadcast_in_dim3A_2 {strides = array<i32>} : memref<9216xf32, #tpu.memory_space<vmem>>, vector<16xf32>,
      %swap3A_531 = arith.index_cast %mul3A_528 : i32 to index
      %swap3A_532 = tpu.vector_load %arg8[%swap3A_531] {strides = array<i32>} : memref<9216xf32, #tpu.memory_space<vmem>>, vector<16xf32>,
      tpu.vector_store %arg8[%swap3A_531], %broadcast_in_dim3A_2 {strides = array<i32>} : memref<9216xf32, #tpu.memory_space<vmem>>, vector<16xf32>,
      %swap3A_533 = arith.index_cast %mul3A_528 : i32 to index
      %swap3A_534 = tpu.vector_load %arg9[%swap3A_533] {strides = array<i32>} : memref<9216xf32, #tpu.memory_space<vmem>>, vector<16xf32>,
      tpu.vector_store %arg9[%swap3A_533], %broadcast_in_dim3A_2 {strides = array<i32>} : memref<9216xf32, #tpu.memory_space<vmem>>, vector<16xf32>,
      %mul3A_535 = arith.constant 6 : i32
      %mul3A_536 = arith.muli %scan3A_509, %mul3A_535 : i32
      %add3A_537 = arith.constant 2 : i32
      %add3A_538 = arith.addi %mul3A_536, %add3A_537 : i32
      %mul3A_539 = arith.constant 16 : i32
      %mul3A_540 = arith.muli %add3A_538, %mul3A_539 : i32
      %swap3A_541 = arith.index_cast %mul3A_540 : i32 to index
      %swap3A_542 = tpu.vector_load %arg7[%swap3A_541] {strides = array<i32>} : memref<9216xf32, #tpu.memory_space<vmem>>, vector<16xf32>,
      tpu.vector_store %arg7[%swap3A_541], %broadcast_in_dim3A_2 {strides = array<i32>} : memref<9216xf32, #tpu.memory_space<vmem>>, vector<16xf32>,
      %swap3A_543 = arith.index_cast %mul3A_540 : i32 to index
      %swap3A_544 = tpu.vector_load %arg8[%swap3A_543] {strides = array<i32>} : memref<9216xf32, #tpu.memory_space<vmem>>, vector<16xf32>,
      tpu.vector_store %arg8[%swap3A_543], %broadcast_in_dim3A_2 {strides = array<i32>} : memref<9216xf32, #tpu.memory_space<vmem>>, vector<16xf32>,
      %swap3A_545 = arith.index_cast %mul3A_540 : i32 to index
      %swap3A_546 = tpu.vector_load %arg9[%swap3A_545] {strides = array<i32>} : memref<9216xf32, #tpu.memory_space<vmem>>, vector<16xf32>,
      tpu.vector_store %arg9[%swap3A_545], %broadcast_in_dim3A_2 {strides = array<i32>} : memref<9216xf32, #tpu.memory_space<vmem>>, vector<16xf32>,
      %mul3A_547 = arith.constant 6 : i32
      %mul3A_548 = arith.muli %scan3A_509, %mul3A_547 : i32
      %add3A_549 = arith.constant 3 : i32
      %add3A_550 = arith.addi %mul3A_548, %add3A_549 : i32
      %mul3A_551 = arith.constant 16 : i32
      %mul3A_552 = arith.muli %add3A_550, %mul3A_551 : i32
      %swap3A_553 = arith.index_cast %mul3A_552 : i32 to index
      %swap3A_554 = tpu.vector_load %arg7[%swap3A_553] {strides = array<i32>} : memref<9216xf32, #tpu.memory_space<vmem>>, vector<16xf32>,
      tpu.vector_store %arg7[%swap3A_553], %broadcast_in_dim3A_2 {strides = array<i32>} : memref<9216xf32, #tpu.memory_space<vmem>>, vector<16xf32>,
      %swap3A_555 = arith.index_cast %mul3A_552 : i32 to index
      %swap3A_556 = tpu.vector_load %arg8[%swap3A_555] {strides = array<i32>} : memref<9216xf32, #tpu.memory_space<vmem>>, vector<16xf32>,
      tpu.vector_store %arg8[%swap3A_555], %broadcast_in_dim3A_2 {strides = array<i32>} : memref<9216xf32, #tpu.memory_space<vmem>>, vector<16xf32>,
      %swap3A_557 = arith.index_cast %mul3A_552 : i32 to index
      %swap3A_558 = tpu.vector_load %arg9[%swap3A_557] {strides = array<i32>} : memref<9216xf32, #tpu.memory_space<vmem>>, vector<16xf32>,
      tpu.vector_store %arg9[%swap3A_557], %broadcast_in_dim3A_2 {strides = array<i32>} : memref<9216xf32, #tpu.memory_space<vmem>>, vector<16xf32>,
      %mul3A_559 = arith.constant 6 : i32
      %mul3A_560 = arith.muli %scan3A_509, %mul3A_559 : i32
      %add3A_561 = arith.constant 4 : i32
      %add3A_562 = arith.addi %mul3A_560, %add3A_561 : i32
      %mul3A_563 = arith.constant 16 : i32
      %mul3A_564 = arith.muli %add3A_562, %mul3A_563 : i32
      %swap3A_565 = arith.index_cast %mul3A_564 : i32 to index
      %swap3A_566 = tpu.vector_load %arg7[%swap3A_565] {strides = array<i32>} : memref<9216xf32, #tpu.memory_space<vmem>>, vector<16xf32>,
      tpu.vector_store %arg7[%swap3A_565], %broadcast_in_dim3A_2 {strides = array<i32>} : memref<9216xf32, #tpu.memory_space<vmem>>, vector<16xf32>,
      %swap3A_567 = arith.index_cast %mul3A_564 : i32 to index
      %swap3A_568 = tpu.vector_load %arg8[%swap3A_567] {strides = array<i32>} : memref<9216xf32, #tpu.memory_space<vmem>>, vector<16xf32>,
      tpu.vector_store %arg8[%swap3A_567], %broadcast_in_dim3A_2 {strides = array<i32>} : memref<9216xf32, #tpu.memory_space<vmem>>, vector<16xf32>,
      %swap3A_569 = arith.index_cast %mul3A_564 : i32 to index
      %swap3A_570 = tpu.vector_load %arg9[%swap3A_569] {strides = array<i32>} : memref<9216xf32, #tpu.memory_space<vmem>>, vector<16xf32>,
      tpu.vector_store %arg9[%swap3A_569], %broadcast_in_dim3A_2 {strides = array<i32>} : memref<9216xf32, #tpu.memory_space<vmem>>, vector<16xf32>,
      %mul3A_571 = arith.constant 6 : i32
      %mul3A_572 = arith.muli %scan3A_509, %mul3A_571 : i32
      %add3A_573 = arith.constant 5 : i32
      %add3A_574 = arith.addi %mul3A_572, %add3A_573 : i32
      %mul3A_575 = arith.constant 16 : i32
      %mul3A_576 = arith.muli %add3A_574, %mul3A_575 : i32
      %swap3A_577 = arith.index_cast %mul3A_576 : i32 to index
      %swap3A_578 = tpu.vector_load %arg7[%swap3A_577] {strides = array<i32>} : memref<9216xf32, #tpu.memory_space<vmem>>, vector<16xf32>,
      tpu.vector_store %arg7[%swap3A_577], %broadcast_in_dim3A_2 {strides = array<i32>} : memref<9216xf32, #tpu.memory_space<vmem>>, vector<16xf32>,
      %swap3A_579 = arith.index_cast %mul3A_576 : i32 to index
      %swap3A_580 = tpu.vector_load %arg8[%swap3A_579] {strides = array<i32>} : memref<9216xf32, #tpu.memory_space<vmem>>, vector<16xf32>,
      tpu.vector_store %arg8[%swap3A_579], %broadcast_in_dim3A_2 {strides = array<i32>} : memref<9216xf32, #tpu.memory_space<vmem>>, vector<16xf32>,
      %swap3A_581 = arith.index_cast %mul3A_576 : i32 to index
      %swap3A_582 = tpu.vector_load %arg9[%swap3A_581] {strides = array<i32>} : memref<9216xf32, #tpu.memory_space<vmem>>, vector<16xf32>,
      tpu.vector_store %arg9[%swap3A_581], %broadcast_in_dim3A_2 {strides = array<i32>} : memref<9216xf32, #tpu.memory_space<vmem>>, vector<16xf32>,
      %scan3A_583 = arith.constant 0 : i32
      scf.yield %scan3A_583 : i32
    }
    %scan3A_339 = arith.constant 96 : i32
    %dma_wait3A_340 = arith.constant 6 : i32
    %dma_wait3A_341 = arith.constant 0 : i32
    %dma_wait3A_342 = arith.constant 0 : i32
    %dma_wait3A_343 = tpu.memref_slice %arg4[%dma_wait3A_341, %dma_wait3A_342] : memref<40x384xf32, #tpu.memory_space<vmem>> -> memref<40x384xf32, #tpu.memory_space<vmem>>
    %dma_wait3A_344 = arith.constant 0 : i32
    %dma_wait3A_345 = tpu.memref_slice %arg2[%add3A_211, %dma_wait3A_340, %multiple_of3A_212, %dma_wait3A_344] : memref<4x8x384x384xf32, #tpu.memory_space<hbm>> -> memref<1x1x40x384xf32, #tpu.memory_space<hbm>>
    %dma_wait3A_346 = tpu.memref_squeeze %dma_wait3A_345 : memref<1x1x40x384xf32, #tpu.memory_space<hbm>> -> memref<40x384xf32, #tpu.memory_space<hbm>>
    %dma_wait3A_347 = arith.constant 0 : i32
    %dma_wait3A_348 = arith.constant 0 : i32
    %dma_wait3A_349 = tpu.memref_slice %arg4[%dma_wait3A_347, %dma_wait3A_348] : memref<40x384xf32, #tpu.memory_space<vmem>> -> memref<40x384xf32, #tpu.memory_space<vmem>>
    %dma_wait3A_350 = arith.constant 0 : i32
    %dma_wait3A_351 = tpu.memref_slice %arg2[%add3A_211, %dma_wait3A_340, %multiple_of3A_212, %dma_wait3A_350] : memref<4x8x384x384xf32, #tpu.memory_space<hbm>> -> memref<1x1x40x384xf32, #tpu.memory_space<hbm>>
    %dma_wait3A_352 = tpu.memref_squeeze %dma_wait3A_351 : memref<1x1x40x384xf32, #tpu.memory_space<hbm>> -> memref<40x384xf32, #tpu.memory_space<hbm>>
    tpu.wait_dma2 semaphore(%arg13 : memref<!tpu.dma_semaphore, #tpu.memory_space<semaphore_mem>>) src(%dma_wait3A_352 : memref<40x384xf32, #tpu.memory_space<hbm>>) dst(%dma_wait3A_349 : memref<40x384xf32, #tpu.memory_space<vmem>>)
    %dma_wait3A_353 = arith.constant 7 : i32
    %dma_wait3A_354 = arith.constant 0 : i32
    %dma_wait3A_355 = arith.constant 0 : i32
    %dma_wait3A_356 = tpu.memref_slice %arg5[%dma_wait3A_354, %dma_wait3A_355] : memref<40x384xf32, #tpu.memory_space<vmem>> -> memref<40x384xf32, #tpu.memory_space<vmem>>
    %dma_wait3A_357 = arith.constant 0 : i32
    %dma_wait3A_358 = tpu.memref_slice %arg2[%add3A_211, %dma_wait3A_353, %multiple_of3A_212, %dma_wait3A_357] : memref<4x8x384x384xf32, #tpu.memory_space<hbm>> -> memref<1x1x40x384xf32, #tpu.memory_space<hbm>>
    %dma_wait3A_359 = tpu.memref_squeeze %dma_wait3A_358 : memref<1x1x40x384xf32, #tpu.memory_space<hbm>> -> memref<40x384xf32, #tpu.memory_space<hbm>>
    %dma_wait3A_360 = arith.constant 0 : i32
    %dma_wait3A_361 = arith.constant 0 : i32
    %dma_wait3A_362 = tpu.memref_slice %arg5[%dma_wait3A_360, %dma_wait3A_361] : memref<40x384xf32, #tpu.memory_space<vmem>> -> memref<40x384xf32, #tpu.memory_space<vmem>>
    %dma_wait3A_363 = arith.constant 0 : i32
    %dma_wait3A_364 = tpu.memref_slice %arg2[%add3A_211, %dma_wait3A_353, %multiple_of3A_212, %dma_wait3A_363] : memref<4x8x384x384xf32, #tpu.memory_space<hbm>> -> memref<1x1x40x384xf32, #tpu.memory_space<hbm>>
    %dma_wait3A_365 = tpu.memref_squeeze %dma_wait3A_364 : memref<1x1x40x384xf32, #tpu.memory_space<hbm>> -> memref<40x384xf32, #tpu.memory_space<hbm>>
    tpu.wait_dma2 semaphore(%arg13 : memref<!tpu.dma_semaphore, #tpu.memory_space<semaphore_mem>>) src(%dma_wait3A_365 : memref<40x384xf32, #tpu.memory_space<hbm>>) dst(%dma_wait3A_362 : memref<40x384xf32, #tpu.memory_space<vmem>>)
    %dma_wait3A_366 = arith.constant 0 : i32
    %dma_wait3A_367 = arith.constant 0 : i32
    %dma_wait3A_368 = arith.constant 0 : i32
    %dma_wait3A_369 = arith.constant 0 : i32
    %dma_wait3A_370 = tpu.memref_slice %arg6[%dma_wait3A_367, %dma_wait3A_368, %dma_wait3A_369] : memref<3x40x384xf32, #tpu.memory_space<vmem>> -> memref<1x40x384xf32, #tpu.memory_space<vmem>>
    %dma_wait3A_371 = tpu.memref_squeeze %dma_wait3A_370 : memref<1x40x384xf32, #tpu.memory_space<vmem>> -> memref<40x384xf32, #tpu.memory_space<vmem>>
    %dma_wait3A_372 = arith.constant 0 : i32
    %dma_wait3A_373 = tpu.memref_slice %arg2[%add3A_211, %dma_wait3A_366, %multiple_of3A_212, %dma_wait3A_372] : memref<4x8x384x384xf32, #tpu.memory_space<hbm>> -> memref<1x1x40x384xf32, #tpu.memory_space<hbm>>
    %dma_wait3A_374 = tpu.memref_squeeze %dma_wait3A_373 : memref<1x1x40x384xf32, #tpu.memory_space<hbm>> -> memref<40x384xf32, #tpu.memory_space<hbm>>
    %dma_wait3A_375 = arith.constant 0 : i32
    %dma_wait3A_376 = arith.constant 0 : i32
    %dma_wait3A_377 = tpu.memref_slice %arg6[%dma_wait3A_367, %dma_wait3A_375, %dma_wait3A_376] : memref<3x40x384xf32, #tpu.memory_space<vmem>> -> memref<1x40x384xf32, #tpu.memory_space<vmem>>
    %dma_wait3A_378 = tpu.memref_squeeze %dma_wait3A_377 : memref<1x40x384xf32, #tpu.memory_space<vmem>> -> memref<40x384xf32, #tpu.memory_space<vmem>>
    %dma_wait3A_379 = arith.constant 0 : i32
    %dma_wait3A_380 = tpu.memref_slice %arg2[%add3A_211, %dma_wait3A_366, %multiple_of3A_212, %dma_wait3A_379] : memref<4x8x384x384xf32, #tpu.memory_space<hbm>> -> memref<1x1x40x384xf32, #tpu.memory_space<hbm>>
    %dma_wait3A_381 = tpu.memref_squeeze %dma_wait3A_380 : memref<1x1x40x384xf32, #tpu.memory_space<hbm>> -> memref<40x384xf32, #tpu.memory_space<hbm>>
    tpu.wait_dma2 semaphore(%arg13 : memref<!tpu.dma_semaphore, #tpu.memory_space<semaphore_mem>>) src(%dma_wait3A_381 : memref<40x384xf32, #tpu.memory_space<hbm>>) dst(%dma_wait3A_378 : memref<40x384xf32, #tpu.memory_space<vmem>>)
    %dma_wait3A_382 = arith.constant 1 : i32
    %dma_wait3A_383 = arith.constant 1 : i32
    %dma_wait3A_384 = arith.constant 0 : i32
    %dma_wait3A_385 = arith.constant 0 : i32
    %dma_wait3A_386 = tpu.memref_slice %arg6[%dma_wait3A_383, %dma_wait3A_384, %dma_wait3A_385] : memref<3x40x384xf32, #tpu.memory_space<vmem>> -> memref<1x40x384xf32, #tpu.memory_space<vmem>>
    %dma_wait3A_387 = tpu.memref_squeeze %dma_wait3A_386 : memref<1x40x384xf32, #tpu.memory_space<vmem>> -> memref<40x384xf32, #tpu.memory_space<vmem>>
    %dma_wait3A_388 = arith.constant 0 : i32
    %dma_wait3A_389 = tpu.memref_slice %arg2[%add3A_211, %dma_wait3A_382, %multiple_of3A_212, %dma_wait3A_388] : memref<4x8x384x384xf32, #tpu.memory_space<hbm>> -> memref<1x1x40x384xf32, #tpu.memory_space<hbm>>
    %dma_wait3A_390 = tpu.memref_squeeze %dma_wait3A_389 : memref<1x1x40x384xf32, #tpu.memory_space<hbm>> -> memref<40x384xf32, #tpu.memory_space<hbm>>
    %dma_wait3A_391 = arith.constant 0 : i32
    %dma_wait3A_392 = arith.constant 0 : i32
    %dma_wait3A_393 = tpu.memref_slice %arg6[%dma_wait3A_383, %dma_wait3A_391, %dma_wait3A_392] : memref<3x40x384xf32, #tpu.memory_space<vmem>> -> memref<1x40x384xf32, #tpu.memory_space<vmem>>
    %dma_wait3A_394 = tpu.memref_squeeze %dma_wait3A_393 : memref<1x40x384xf32, #tpu.memory_space<vmem>> -> memref<40x384xf32, #tpu.memory_space<vmem>>
    %dma_wait3A_395 = arith.constant 0 : i32
    %dma_wait3A_396 = tpu.memref_slice %arg2[%add3A_211, %dma_wait3A_382, %multiple_of3A_212, %dma_wait3A_395] : memref<4x8x384x384xf32, #tpu.memory_space<hbm>> -> memref<1x1x40x384xf32, #tpu.memory_space<hbm>>
    %dma_wait3A_397 = tpu.memref_squeeze %dma_wait3A_396 : memref<1x1x40x384xf32, #tpu.memory_space<hbm>> -> memref<40x384xf32, #tpu.memory_space<hbm>>
    tpu.wait_dma2 semaphore(%arg13 : memref<!tpu.dma_semaphore, #tpu.memory_space<semaphore_mem>>) src(%dma_wait3A_397 : memref<40x384xf32, #tpu.memory_space<hbm>>) dst(%dma_wait3A_394 : memref<40x384xf32, #tpu.memory_space<vmem>>)
    %dma_wait3A_398 = arith.constant 2 : i32
    %dma_wait3A_399 = arith.constant 2 : i32
    %dma_wait3A_400 = arith.constant 0 : i32
    %dma_wait3A_401 = arith.constant 0 : i32
    %dma_wait3A_402 = tpu.memref_slice %arg6[%dma_wait3A_399, %dma_wait3A_400, %dma_wait3A_401] : memref<3x40x384xf32, #tpu.memory_space<vmem>> -> memref<1x40x384xf32, #tpu.memory_space<vmem>>
    %dma_wait3A_403 = tpu.memref_squeeze %dma_wait3A_402 : memref<1x40x384xf32, #tpu.memory_space<vmem>> -> memref<40x384xf32, #tpu.memory_space<vmem>>
    %dma_wait3A_404 = arith.constant 0 : i32
    %dma_wait3A_405 = tpu.memref_slice %arg2[%add3A_211, %dma_wait3A_398, %multiple_of3A_212, %dma_wait3A_404] : memref<4x8x384x384xf32, #tpu.memory_space<hbm>> -> memref<1x1x40x384xf32, #tpu.memory_space<hbm>>
    %dma_wait3A_406 = tpu.memref_squeeze %dma_wait3A_405 : memref<1x1x40x384xf32, #tpu.memory_space<hbm>> -> memref<40x384xf32, #tpu.memory_space<hbm>>
    %dma_wait3A_407 = arith.constant 0 : i32
    %dma_wait3A_408 = arith.constant 0 : i32
    %dma_wait3A_409 = tpu.memref_slice %arg6[%dma_wait3A_399, %dma_wait3A_407, %dma_wait3A_408] : memref<3x40x384xf32, #tpu.memory_space<vmem>> -> memref<1x40x384xf32, #tpu.memory_space<vmem>>
    %dma_wait3A_410 = tpu.memref_squeeze %dma_wait3A_409 : memref<1x40x384xf32, #tpu.memory_space<vmem>> -> memref<40x384xf32, #tpu.memory_space<vmem>>
    %dma_wait3A_411 = arith.constant 0 : i32
    %dma_wait3A_412 = tpu.memref_slice %arg2[%add3A_211, %dma_wait3A_398, %multiple_of3A_212, %dma_wait3A_411] : memref<4x8x384x384xf32, #tpu.memory_space<hbm>> -> memref<1x1x40x384xf32, #tpu.memory_space<hbm>>
    %dma_wait3A_413 = tpu.memref_squeeze %dma_wait3A_412 : memref<1x1x40x384xf32, #tpu.memory_space<hbm>> -> memref<40x384xf32, #tpu.memory_space<hbm>>
    tpu.wait_dma2 semaphore(%arg13 : memref<!tpu.dma_semaphore, #tpu.memory_space<semaphore_mem>>) src(%dma_wait3A_413 : memref<40x384xf32, #tpu.memory_space<hbm>>) dst(%dma_wait3A_410 : memref<40x384xf32, #tpu.memory_space<vmem>>)
    %broadcast_in_dim3A_414 = arith.constant 0 : i32
    %broadcast_in_dim3A_415 = vector.broadcast %broadcast_in_dim3A_414 : i32 to vector<16xi32>
    %scan3A_416 = arith.constant 0 : i32
    %scan3A_417 = arith.constant 40 : i32
    %scan3A_418 = arith.addi %scan3A_416, %scan3A_417 : i32
    %scan3A_419 = arith.constant 1 : i32
    %scan3A_420:2 = scf.for %scan3A_509 = %scan3A_416 to %scan3A_418 step %scan3A_419 iter_args(%scan3A_510 = %broadcast_in_dim3A_415, %scan3A_511 = %broadcast_in_dim3A_415) -> (vector<16xi32>, vector<16xi32>)  : i32 {
      %scan3A_512 = arith.constant 0 : i32
      %scan3A_513 = arith.constant 4 : i32
      %scan3A_514 = arith.addi %scan3A_512, %scan3A_513 : i32
      %scan3A_515 = arith.constant 1 : i32
      %scan3A_516:2 = scf.for %scan3A_518 = %scan3A_512 to %scan3A_514 step %scan3A_515 iter_args(%scan3A_519 = %scan3A_510, %scan3A_520 = %scan3A_511) -> (vector<16xi32>, vector<16xi32>)  : i32 {
        %mul3A_521 = arith.constant 6 : i32
        %mul3A_522 = arith.muli %scan3A_518, %mul3A_521 : i32
        %add3A_523 = arith.constant 0 : i32
        %add3A_524 = arith.addi %mul3A_522, %add3A_523 : i32
        %add3A_525 = arith.addi %min3A, %scan3A_509 : i32
        %convert_element_type3A_526 = arith.sitofp %add3A_525 : i32 to f32
        %mul3A_527 = arith.constant 16 : i32
        %mul3A_528 = arith.muli %add3A_524, %mul3A_527 : i32
        %get3A = arith.index_cast %scan3A_509 : i32 to index
        %get3A_529 = arith.index_cast %mul3A_528 : i32 to index
        %get3A_530 = tpu.vector_load %arg4[%get3A, %get3A_529] {strides = array<i32>} : memref<40x384xf32, #tpu.memory_space<vmem>>, vector<16xf32>,
        %get3A_531 = arith.index_cast %scan3A_509 : i32 to index
        %get3A_532 = arith.index_cast %mul3A_528 : i32 to index
        %get3A_533 = tpu.vector_load %arg5[%get3A_531, %get3A_532] {strides = array<i32>} : memref<40x384xf32, #tpu.memory_space<vmem>>, vector<16xf32>,
        %convert_element_type3A_534 = arith.sitofp %mul3A_528 : i32 to f32
        %add3A_535 = vector.broadcast %convert_element_type3A_534 : f32 to vector<16xf32>
        %add3A_536 = arith.addf %add3A_535, %convert_element_type3A_1 : vector<16xf32>
        %add3A_537 = vector.broadcast %convert_element_type3A_526 : f32 to vector<16xf32>
        %add3A_538 = arith.addf %get3A_533, %add3A_537 : vector<16xf32>
        %add3A_539 = arith.constant 0x4B400000 : f32
        %add3A_540 = vector.broadcast %add3A_539 : f32 to vector<16xf32>
        %add3A_541 = arith.addf %add3A_538, %add3A_540 : vector<16xf32>
        %sub3A_542 = arith.constant 0x4B400000 : f32
        %sub3A_543 = vector.broadcast %sub3A_542 : f32 to vector<16xf32>
        %sub3A_544 = arith.subf %add3A_541, %sub3A_543 : vector<16xf32>
        %add3A_545 = arith.addf %get3A_530, %add3A_536 : vector<16xf32>
        %add3A_546 = arith.constant 0x4B400000 : f32
        %add3A_547 = vector.broadcast %add3A_546 : f32 to vector<16xf32>
        %add3A_548 = arith.addf %add3A_545, %add3A_547 : vector<16xf32>
        %sub3A_549 = arith.constant 0x4B400000 : f32
        %sub3A_550 = vector.broadcast %sub3A_549 : f32 to vector<16xf32>
        %sub3A_551 = arith.subf %add3A_548, %sub3A_550 : vector<16xf32>
        %ge3A = arith.constant 0.000000e+00 : f32
        %ge3A_552 = vector.broadcast %ge3A : f32 to vector<16xf32>
        %ge3A_553 = arith.cmpf oge, %sub3A_551, %ge3A_552 : vector<16xf32>
        %lt3A = arith.constant 3.840000e+02 : f32
        %lt3A_554 = vector.broadcast %lt3A : f32 to vector<16xf32>
        %lt3A_555 = arith.cmpf olt, %sub3A_551, %lt3A_554 : vector<16xf32>
        %and3A = arith.andi %ge3A_553, %lt3A_555 : vector<16xi1>
        %ge3A_556 = vector.broadcast %convert_element_type3A : f32 to vector<16xf32>
        %ge3A_557 = arith.cmpf oge, %sub3A_544, %ge3A_556 : vector<16xf32>
        %add3A_558 = arith.constant 2.400000e+01 : f32
        %add3A_559 = arith.addf %convert_element_type3A, %add3A_558 : f32
        %lt3A_560 = vector.broadcast %add3A_559 : f32 to vector<16xf32>
        %lt3A_561 = arith.cmpf olt, %sub3A_544, %lt3A_560 : vector<16xf32>
        %and3A_562 = arith.andi %ge3A_557, %lt3A_561 : vector<16xi1>
        %and3A_563 = arith.andi %and3A_562, %and3A : vector<16xi1>
        %convert_element_type3A_564 = arith.fptosi %sub3A_544 : vector<16xf32> to vector<16xi32>
        %sub3A_565 = vector.broadcast %mul3A_0 : i32 to vector<16xi32>
        %sub3A_566 = arith.subi %convert_element_type3A_564, %sub3A_565 : vector<16xi32>
        %mul3A_567 = arith.constant 384 : i32
        %mul3A_568 = vector.broadcast %mul3A_567 : i32 to vector<16xi32>
        %mul3A_569 = arith.muli %sub3A_566, %mul3A_568 : vector<16xi32>
        %convert_element_type3A_570 = arith.fptosi %sub3A_551 : vector<16xf32> to vector<16xi32>
        %add3A_571 = arith.addi %mul3A_569, %convert_element_type3A_570 : vector<16xi32>
        tpu.vector_store_idx %arg7[%add3A_571], %convert_element_type3A_1 masked %and3A_563 : memref<9216xf32, #tpu.memory_space<vmem>>[vector<16xi32>], vector<16xf32>, vector<16xi1>
        %gather3A = tpu.vector_load_idx %arg7[%add3A_571] masked %and3A_563 : memref<9216xf32, #tpu.memory_space<vmem>>[vector<16xi32>], vector<16xf32>, vector<16xi1>
        %eq3A = arith.cmpf oeq, %gather3A, %convert_element_type3A_1 : vector<16xf32>
        %and3A_572 = arith.andi %and3A_563, %eq3A : vector<16xi1>
        %lt3A_573 = arith.cmpf olt, %gather3A, %convert_element_type3A_1 : vector<16xf32>
        %and3A_574 = arith.andi %and3A_563, %lt3A_573 : vector<16xi1>
        %convert_element_type3A_575 = arith.extui %and3A_574 : vector<16xi1> to vector<16xi32>
        %or3A_576 = arith.ori %scan3A_520, %convert_element_type3A_575 : vector<16xi32>
        %get3A_577 = arith.constant 0 : i32
        %get3A_578 = arith.index_cast %get3A_577 : i32 to index
        %get3A_579 = arith.index_cast %scan3A_509 : i32 to index
        %get3A_580 = arith.index_cast %mul3A_528 : i32 to index
        %get3A_581 = tpu.vector_load %arg6[%get3A_578, %get3A_579, %get3A_580] {strides = array<i32>} : memref<3x40x384xf32, #tpu.memory_space<vmem>>, vector<16xf32>,
        tpu.vector_store_idx %arg7[%add3A_571], %get3A_581 masked %and3A_572 : memref<9216xf32, #tpu.memory_space<vmem>>[vector<16xi32>], vector<16xf32>, vector<16xi1>
        %get3A_582 = arith.constant 1 : i32
        %get3A_583 = arith.index_cast %get3A_582 : i32 to index
        %get3A_584 = arith.index_cast %scan3A_509 : i32 to index
        %get3A_585 = arith.index_cast %mul3A_528 : i32 to index
        %get3A_586 = tpu.vector_load %arg6[%get3A_583, %get3A_584, %get3A_585] {strides = array<i32>} : memref<3x40x384xf32, #tpu.memory_space<vmem>>, vector<16xf32>,
        tpu.vector_store_idx %arg8[%add3A_571], %get3A_586 masked %and3A_572 : memref<9216xf32, #tpu.memory_space<vmem>>[vector<16xi32>], vector<16xf32>, vector<16xi1>
        %get3A_587 = arith.constant 2 : i32
        %get3A_588 = arith.index_cast %get3A_587 : i32 to index
        %get3A_589 = arith.index_cast %scan3A_509 : i32 to index
        %get3A_590 = arith.index_cast %mul3A_528 : i32 to index
        %get3A_591 = tpu.vector_load %arg6[%get3A_588, %get3A_589, %get3A_590] {strides = array<i32>} : memref<3x40x384xf32, #tpu.memory_space<vmem>>, vector<16xf32>,
        tpu.vector_store_idx %arg9[%add3A_571], %get3A_591 masked %and3A_572 : memref<9216xf32, #tpu.memory_space<vmem>>[vector<16xi32>], vector<16xf32>, vector<16xi1>
        %add3A_592 = arith.addi %min3A, %scan3A_509 : i32
        %ge3A_593 = arith.cmpi sge, %add3A_592, %mul3A_0 : i32
        %add3A_594 = arith.constant 24 : i32
        %add3A_595 = arith.addi %mul3A_0, %add3A_594 : i32
        %lt3A_596 = arith.cmpi slt, %add3A_592, %add3A_595 : i32
        %and3A_597 = arith.andi %ge3A_593, %lt3A_596 : i1
        %sub3A_598 = vector.broadcast %convert_element_type3A_526 : f32 to vector<16xf32>
        %sub3A_599 = arith.subf %sub3A_544, %sub3A_598 : vector<16xf32>
        %abs3A = math.absf %sub3A_599 : vector<16xf32>
        %gt3A = arith.constant 8.000000e+00 : f32
        %gt3A_600 = vector.broadcast %gt3A : f32 to vector<16xf32>
        %gt3A_601 = arith.cmpf ogt, %abs3A, %gt3A_600 : vector<16xf32>
        %convert_element_type3A_602 = arith.extui %gt3A_601 : vector<16xi1> to vector<16xi32>
        %jit3A_603 = arith.constant 0 : i32
        %broadcast_in_dim3A_604 = vector.broadcast %jit3A_603 : i32 to vector<16xi32>
        %select_n3A = arith.select %and3A_597, %convert_element_type3A_602, %broadcast_in_dim3A_604 : vector<16xi32>
        %or3A_605 = arith.ori %scan3A_519, %select_n3A : vector<16xi32>
        %mul3A_606 = arith.constant 6 : i32
        %mul3A_607 = arith.muli %scan3A_518, %mul3A_606 : i32
        %add3A_608 = arith.constant 1 : i32
        %add3A_609 = arith.addi %mul3A_607, %add3A_608 : i32
        %add3A_610 = arith.addi %min3A, %scan3A_509 : i32
        %convert_element_type3A_611 = arith.sitofp %add3A_610 : i32 to f32
        %mul3A_612 = arith.constant 16 : i32
        %mul3A_613 = arith.muli %add3A_609, %mul3A_612 : i32
        %get3A_614 = arith.index_cast %scan3A_509 : i32 to index
        %get3A_615 = arith.index_cast %mul3A_613 : i32 to index
        %get3A_616 = tpu.vector_load %arg4[%get3A_614, %get3A_615] {strides = array<i32>} : memref<40x384xf32, #tpu.memory_space<vmem>>, vector<16xf32>,
        %get3A_617 = arith.index_cast %scan3A_509 : i32 to index
        %get3A_618 = arith.index_cast %mul3A_613 : i32 to index
        %get3A_619 = tpu.vector_load %arg5[%get3A_617, %get3A_618] {strides = array<i32>} : memref<40x384xf32, #tpu.memory_space<vmem>>, vector<16xf32>,
        %convert_element_type3A_620 = arith.sitofp %mul3A_613 : i32 to f32
        %add3A_621 = vector.broadcast %convert_element_type3A_620 : f32 to vector<16xf32>
        %add3A_622 = arith.addf %add3A_621, %convert_element_type3A_1 : vector<16xf32>
        %add3A_623 = vector.broadcast %convert_element_type3A_611 : f32 to vector<16xf32>
        %add3A_624 = arith.addf %get3A_619, %add3A_623 : vector<16xf32>
        %add3A_625 = arith.constant 0x4B400000 : f32
        %add3A_626 = vector.broadcast %add3A_625 : f32 to vector<16xf32>
        %add3A_627 = arith.addf %add3A_624, %add3A_626 : vector<16xf32>
        %sub3A_628 = arith.constant 0x4B400000 : f32
        %sub3A_629 = vector.broadcast %sub3A_628 : f32 to vector<16xf32>
        %sub3A_630 = arith.subf %add3A_627, %sub3A_629 : vector<16xf32>
        %add3A_631 = arith.addf %get3A_616, %add3A_622 : vector<16xf32>
        %add3A_632 = arith.constant 0x4B400000 : f32
        %add3A_633 = vector.broadcast %add3A_632 : f32 to vector<16xf32>
        %add3A_634 = arith.addf %add3A_631, %add3A_633 : vector<16xf32>
        %sub3A_635 = arith.constant 0x4B400000 : f32
        %sub3A_636 = vector.broadcast %sub3A_635 : f32 to vector<16xf32>
        %sub3A_637 = arith.subf %add3A_634, %sub3A_636 : vector<16xf32>
        %ge3A_638 = arith.constant 0.000000e+00 : f32
        %ge3A_639 = vector.broadcast %ge3A_638 : f32 to vector<16xf32>
        %ge3A_640 = arith.cmpf oge, %sub3A_637, %ge3A_639 : vector<16xf32>
        %lt3A_641 = arith.constant 3.840000e+02 : f32
        %lt3A_642 = vector.broadcast %lt3A_641 : f32 to vector<16xf32>
        %lt3A_643 = arith.cmpf olt, %sub3A_637, %lt3A_642 : vector<16xf32>
        %and3A_644 = arith.andi %ge3A_640, %lt3A_643 : vector<16xi1>
        %ge3A_645 = vector.broadcast %convert_element_type3A : f32 to vector<16xf32>
        %ge3A_646 = arith.cmpf oge, %sub3A_630, %ge3A_645 : vector<16xf32>
        %add3A_647 = arith.constant 2.400000e+01 : f32
        %add3A_648 = arith.addf %convert_element_type3A, %add3A_647 : f32
        %lt3A_649 = vector.broadcast %add3A_648 : f32 to vector<16xf32>
        %lt3A_650 = arith.cmpf olt, %sub3A_630, %lt3A_649 : vector<16xf32>
        %and3A_651 = arith.andi %ge3A_646, %lt3A_650 : vector<16xi1>
        %and3A_652 = arith.andi %and3A_651, %and3A_644 : vector<16xi1>
        %convert_element_type3A_653 = arith.fptosi %sub3A_630 : vector<16xf32> to vector<16xi32>
        %sub3A_654 = vector.broadcast %mul3A_0 : i32 to vector<16xi32>
        %sub3A_655 = arith.subi %convert_element_type3A_653, %sub3A_654 : vector<16xi32>
        %mul3A_656 = arith.constant 384 : i32
        %mul3A_657 = vector.broadcast %mul3A_656 : i32 to vector<16xi32>
        %mul3A_658 = arith.muli %sub3A_655, %mul3A_657 : vector<16xi32>
        %convert_element_type3A_659 = arith.fptosi %sub3A_637 : vector<16xf32> to vector<16xi32>
        %add3A_660 = arith.addi %mul3A_658, %convert_element_type3A_659 : vector<16xi32>
        tpu.vector_store_idx %arg7[%add3A_660], %convert_element_type3A_1 masked %and3A_652 : memref<9216xf32, #tpu.memory_space<vmem>>[vector<16xi32>], vector<16xf32>, vector<16xi1>
        %gather3A_661 = tpu.vector_load_idx %arg7[%add3A_660] masked %and3A_652 : memref<9216xf32, #tpu.memory_space<vmem>>[vector<16xi32>], vector<16xf32>, vector<16xi1>
        %eq3A_662 = arith.cmpf oeq, %gather3A_661, %convert_element_type3A_1 : vector<16xf32>
        %and3A_663 = arith.andi %and3A_652, %eq3A_662 : vector<16xi1>
        %lt3A_664 = arith.cmpf olt, %gather3A_661, %convert_element_type3A_1 : vector<16xf32>
        %and3A_665 = arith.andi %and3A_652, %lt3A_664 : vector<16xi1>
        %convert_element_type3A_666 = arith.extui %and3A_665 : vector<16xi1> to vector<16xi32>
        %or3A_667 = arith.ori %or3A_576, %convert_element_type3A_666 : vector<16xi32>
        %get3A_668 = arith.constant 0 : i32
        %get3A_669 = arith.index_cast %get3A_668 : i32 to index
        %get3A_670 = arith.index_cast %scan3A_509 : i32 to index
        %get3A_671 = arith.index_cast %mul3A_613 : i32 to index
        %get3A_672 = tpu.vector_load %arg6[%get3A_669, %get3A_670, %get3A_671] {strides = array<i32>} : memref<3x40x384xf32, #tpu.memory_space<vmem>>, vector<16xf32>,
        tpu.vector_store_idx %arg7[%add3A_660], %get3A_672 masked %and3A_663 : memref<9216xf32, #tpu.memory_space<vmem>>[vector<16xi32>], vector<16xf32>, vector<16xi1>
        %get3A_673 = arith.constant 1 : i32
        %get3A_674 = arith.index_cast %get3A_673 : i32 to index
        %get3A_675 = arith.index_cast %scan3A_509 : i32 to index
        %get3A_676 = arith.index_cast %mul3A_613 : i32 to index
        %get3A_677 = tpu.vector_load %arg6[%get3A_674, %get3A_675, %get3A_676] {strides = array<i32>} : memref<3x40x384xf32, #tpu.memory_space<vmem>>, vector<16xf32>,
        tpu.vector_store_idx %arg8[%add3A_660], %get3A_677 masked %and3A_663 : memref<9216xf32, #tpu.memory_space<vmem>>[vector<16xi32>], vector<16xf32>, vector<16xi1>
        %get3A_678 = arith.constant 2 : i32
        %get3A_679 = arith.index_cast %get3A_678 : i32 to index
        %get3A_680 = arith.index_cast %scan3A_509 : i32 to index
        %get3A_681 = arith.index_cast %mul3A_613 : i32 to index
        %get3A_682 = tpu.vector_load %arg6[%get3A_679, %get3A_680, %get3A_681] {strides = array<i32>} : memref<3x40x384xf32, #tpu.memory_space<vmem>>, vector<16xf32>,
        tpu.vector_store_idx %arg9[%add3A_660], %get3A_682 masked %and3A_663 : memref<9216xf32, #tpu.memory_space<vmem>>[vector<16xi32>], vector<16xf32>, vector<16xi1>
        %add3A_683 = arith.addi %min3A, %scan3A_509 : i32
        %ge3A_684 = arith.cmpi sge, %add3A_683, %mul3A_0 : i32
        %add3A_685 = arith.constant 24 : i32
        %add3A_686 = arith.addi %mul3A_0, %add3A_685 : i32
        %lt3A_687 = arith.cmpi slt, %add3A_683, %add3A_686 : i32
        %and3A_688 = arith.andi %ge3A_684, %lt3A_687 : i1
        %sub3A_689 = vector.broadcast %convert_element_type3A_611 : f32 to vector<16xf32>
        %sub3A_690 = arith.subf %sub3A_630, %sub3A_689 : vector<16xf32>
        %abs3A_691 = math.absf %sub3A_690 : vector<16xf32>
        %gt3A_692 = arith.constant 8.000000e+00 : f32
        %gt3A_693 = vector.broadcast %gt3A_692 : f32 to vector<16xf32>
        %gt3A_694 = arith.cmpf ogt, %abs3A_691, %gt3A_693 : vector<16xf32>
        %convert_element_type3A_695 = arith.extui %gt3A_694 : vector<16xi1> to vector<16xi32>
        %jit3A_696 = arith.constant 0 : i32
        %broadcast_in_dim3A_697 = vector.broadcast %jit3A_696 : i32 to vector<16xi32>
        %select_n3A_698 = arith.select %and3A_688, %convert_element_type3A_695, %broadcast_in_dim3A_697 : vector<16xi32>
        %or3A_699 = arith.ori %or3A_605, %select_n3A_698 : vector<16xi32>
        %mul3A_700 = arith.constant 6 : i32
        %mul3A_701 = arith.muli %scan3A_518, %mul3A_700 : i32
        %add3A_702 = arith.constant 2 : i32
        %add3A_703 = arith.addi %mul3A_701, %add3A_702 : i32
        %add3A_704 = arith.addi %min3A, %scan3A_509 : i32
        %convert_element_type3A_705 = arith.sitofp %add3A_704 : i32 to f32
        %mul3A_706 = arith.constant 16 : i32
        %mul3A_707 = arith.muli %add3A_703, %mul3A_706 : i32
        %get3A_708 = arith.index_cast %scan3A_509 : i32 to index
        %get3A_709 = arith.index_cast %mul3A_707 : i32 to index
        %get3A_710 = tpu.vector_load %arg4[%get3A_708, %get3A_709] {strides = array<i32>} : memref<40x384xf32, #tpu.memory_space<vmem>>, vector<16xf32>,
        %get3A_711 = arith.index_cast %scan3A_509 : i32 to index
        %get3A_712 = arith.index_cast %mul3A_707 : i32 to index
        %get3A_713 = tpu.vector_load %arg5[%get3A_711, %get3A_712] {strides = array<i32>} : memref<40x384xf32, #tpu.memory_space<vmem>>, vector<16xf32>,
        %convert_element_type3A_714 = arith.sitofp %mul3A_707 : i32 to f32
        %add3A_715 = vector.broadcast %convert_element_type3A_714 : f32 to vector<16xf32>
        %add3A_716 = arith.addf %add3A_715, %convert_element_type3A_1 : vector<16xf32>
        %add3A_717 = vector.broadcast %convert_element_type3A_705 : f32 to vector<16xf32>
        %add3A_718 = arith.addf %get3A_713, %add3A_717 : vector<16xf32>
        %add3A_719 = arith.constant 0x4B400000 : f32
        %add3A_720 = vector.broadcast %add3A_719 : f32 to vector<16xf32>
        %add3A_721 = arith.addf %add3A_718, %add3A_720 : vector<16xf32>
        %sub3A_722 = arith.constant 0x4B400000 : f32
        %sub3A_723 = vector.broadcast %sub3A_722 : f32 to vector<16xf32>
        %sub3A_724 = arith.subf %add3A_721, %sub3A_723 : vector<16xf32>
        %add3A_725 = arith.addf %get3A_710, %add3A_716 : vector<16xf32>
        %add3A_726 = arith.constant 0x4B400000 : f32
        %add3A_727 = vector.broadcast %add3A_726 : f32 to vector<16xf32>
        %add3A_728 = arith.addf %add3A_725, %add3A_727 : vector<16xf32>
        %sub3A_729 = arith.constant 0x4B400000 : f32
        %sub3A_730 = vector.broadcast %sub3A_729 : f32 to vector<16xf32>
        %sub3A_731 = arith.subf %add3A_728, %sub3A_730 : vector<16xf32>
        %ge3A_732 = arith.constant 0.000000e+00 : f32
        %ge3A_733 = vector.broadcast %ge3A_732 : f32 to vector<16xf32>
        %ge3A_734 = arith.cmpf oge, %sub3A_731, %ge3A_733 : vector<16xf32>
        %lt3A_735 = arith.constant 3.840000e+02 : f32
        %lt3A_736 = vector.broadcast %lt3A_735 : f32 to vector<16xf32>
        %lt3A_737 = arith.cmpf olt, %sub3A_731, %lt3A_736 : vector<16xf32>
        %and3A_738 = arith.andi %ge3A_734, %lt3A_737 : vector<16xi1>
        %ge3A_739 = vector.broadcast %convert_element_type3A : f32 to vector<16xf32>
        %ge3A_740 = arith.cmpf oge, %sub3A_724, %ge3A_739 : vector<16xf32>
        %add3A_741 = arith.constant 2.400000e+01 : f32
        %add3A_742 = arith.addf %convert_element_type3A, %add3A_741 : f32
        %lt3A_743 = vector.broadcast %add3A_742 : f32 to vector<16xf32>
        %lt3A_744 = arith.cmpf olt, %sub3A_724, %lt3A_743 : vector<16xf32>
        %and3A_745 = arith.andi %ge3A_740, %lt3A_744 : vector<16xi1>
        %and3A_746 = arith.andi %and3A_745, %and3A_738 : vector<16xi1>
        %convert_element_type3A_747 = arith.fptosi %sub3A_724 : vector<16xf32> to vector<16xi32>
        %sub3A_748 = vector.broadcast %mul3A_0 : i32 to vector<16xi32>
        %sub3A_749 = arith.subi %convert_element_type3A_747, %sub3A_748 : vector<16xi32>
        %mul3A_750 = arith.constant 384 : i32
        %mul3A_751 = vector.broadcast %mul3A_750 : i32 to vector<16xi32>
        %mul3A_752 = arith.muli %sub3A_749, %mul3A_751 : vector<16xi32>
        %convert_element_type3A_753 = arith.fptosi %sub3A_731 : vector<16xf32> to vector<16xi32>
        %add3A_754 = arith.addi %mul3A_752, %convert_element_type3A_753 : vector<16xi32>
        tpu.vector_store_idx %arg7[%add3A_754], %convert_element_type3A_1 masked %and3A_746 : memref<9216xf32, #tpu.memory_space<vmem>>[vector<16xi32>], vector<16xf32>, vector<16xi1>
        %gather3A_755 = tpu.vector_load_idx %arg7[%add3A_754] masked %and3A_746 : memref<9216xf32, #tpu.memory_space<vmem>>[vector<16xi32>], vector<16xf32>, vector<16xi1>
        %eq3A_756 = arith.cmpf oeq, %gather3A_755, %convert_element_type3A_1 : vector<16xf32>
        %and3A_757 = arith.andi %and3A_746, %eq3A_756 : vector<16xi1>
        %lt3A_758 = arith.cmpf olt, %gather3A_755, %convert_element_type3A_1 : vector<16xf32>
        %and3A_759 = arith.andi %and3A_746, %lt3A_758 : vector<16xi1>
        %convert_element_type3A_760 = arith.extui %and3A_759 : vector<16xi1> to vector<16xi32>
        %or3A_761 = arith.ori %or3A_667, %convert_element_type3A_760 : vector<16xi32>
        %get3A_762 = arith.constant 0 : i32
        %get3A_763 = arith.index_cast %get3A_762 : i32 to index
        %get3A_764 = arith.index_cast %scan3A_509 : i32 to index
        %get3A_765 = arith.index_cast %mul3A_707 : i32 to index
        %get3A_766 = tpu.vector_load %arg6[%get3A_763, %get3A_764, %get3A_765] {strides = array<i32>} : memref<3x40x384xf32, #tpu.memory_space<vmem>>, vector<16xf32>,
        tpu.vector_store_idx %arg7[%add3A_754], %get3A_766 masked %and3A_757 : memref<9216xf32, #tpu.memory_space<vmem>>[vector<16xi32>], vector<16xf32>, vector<16xi1>
        %get3A_767 = arith.constant 1 : i32
        %get3A_768 = arith.index_cast %get3A_767 : i32 to index
        %get3A_769 = arith.index_cast %scan3A_509 : i32 to index
        %get3A_770 = arith.index_cast %mul3A_707 : i32 to index
        %get3A_771 = tpu.vector_load %arg6[%get3A_768, %get3A_769, %get3A_770] {strides = array<i32>} : memref<3x40x384xf32, #tpu.memory_space<vmem>>, vector<16xf32>,
        tpu.vector_store_idx %arg8[%add3A_754], %get3A_771 masked %and3A_757 : memref<9216xf32, #tpu.memory_space<vmem>>[vector<16xi32>], vector<16xf32>, vector<16xi1>
        %get3A_772 = arith.constant 2 : i32
        %get3A_773 = arith.index_cast %get3A_772 : i32 to index
        %get3A_774 = arith.index_cast %scan3A_509 : i32 to index
        %get3A_775 = arith.index_cast %mul3A_707 : i32 to index
        %get3A_776 = tpu.vector_load %arg6[%get3A_773, %get3A_774, %get3A_775] {strides = array<i32>} : memref<3x40x384xf32, #tpu.memory_space<vmem>>, vector<16xf32>,
        tpu.vector_store_idx %arg9[%add3A_754], %get3A_776 masked %and3A_757 : memref<9216xf32, #tpu.memory_space<vmem>>[vector<16xi32>], vector<16xf32>, vector<16xi1>
        %add3A_777 = arith.addi %min3A, %scan3A_509 : i32
        %ge3A_778 = arith.cmpi sge, %add3A_777, %mul3A_0 : i32
        %add3A_779 = arith.constant 24 : i32
        %add3A_780 = arith.addi %mul3A_0, %add3A_779 : i32
        %lt3A_781 = arith.cmpi slt, %add3A_777, %add3A_780 : i32
        %and3A_782 = arith.andi %ge3A_778, %lt3A_781 : i1
        %sub3A_783 = vector.broadcast %convert_element_type3A_705 : f32 to vector<16xf32>
        %sub3A_784 = arith.subf %sub3A_724, %sub3A_783 : vector<16xf32>
        %abs3A_785 = math.absf %sub3A_784 : vector<16xf32>
        %gt3A_786 = arith.constant 8.000000e+00 : f32
        %gt3A_787 = vector.broadcast %gt3A_786 : f32 to vector<16xf32>
        %gt3A_788 = arith.cmpf ogt, %abs3A_785, %gt3A_787 : vector<16xf32>
        %convert_element_type3A_789 = arith.extui %gt3A_788 : vector<16xi1> to vector<16xi32>
        %jit3A_790 = arith.constant 0 : i32
        %broadcast_in_dim3A_791 = vector.broadcast %jit3A_790 : i32 to vector<16xi32>
        %select_n3A_792 = arith.select %and3A_782, %convert_element_type3A_789, %broadcast_in_dim3A_791 : vector<16xi32>
        %or3A_793 = arith.ori %or3A_699, %select_n3A_792 : vector<16xi32>
        %mul3A_794 = arith.constant 6 : i32
        %mul3A_795 = arith.muli %scan3A_518, %mul3A_794 : i32
        %add3A_796 = arith.constant 3 : i32
        %add3A_797 = arith.addi %mul3A_795, %add3A_796 : i32
        %add3A_798 = arith.addi %min3A, %scan3A_509 : i32
        %convert_element_type3A_799 = arith.sitofp %add3A_798 : i32 to f32
        %mul3A_800 = arith.constant 16 : i32
        %mul3A_801 = arith.muli %add3A_797, %mul3A_800 : i32
        %get3A_802 = arith.index_cast %scan3A_509 : i32 to index
        %get3A_803 = arith.index_cast %mul3A_801 : i32 to index
        %get3A_804 = tpu.vector_load %arg4[%get3A_802, %get3A_803] {strides = array<i32>} : memref<40x384xf32, #tpu.memory_space<vmem>>, vector<16xf32>,
        %get3A_805 = arith.index_cast %scan3A_509 : i32 to index
        %get3A_806 = arith.index_cast %mul3A_801 : i32 to index
        %get3A_807 = tpu.vector_load %arg5[%get3A_805, %get3A_806] {strides = array<i32>} : memref<40x384xf32, #tpu.memory_space<vmem>>, vector<16xf32>,
        %convert_element_type3A_808 = arith.sitofp %mul3A_801 : i32 to f32
        %add3A_809 = vector.broadcast %convert_element_type3A_808 : f32 to vector<16xf32>
        %add3A_810 = arith.addf %add3A_809, %convert_element_type3A_1 : vector<16xf32>
        %add3A_811 = vector.broadcast %convert_element_type3A_799 : f32 to vector<16xf32>
        %add3A_812 = arith.addf %get3A_807, %add3A_811 : vector<16xf32>
        %add3A_813 = arith.constant 0x4B400000 : f32
        %add3A_814 = vector.broadcast %add3A_813 : f32 to vector<16xf32>
        %add3A_815 = arith.addf %add3A_812, %add3A_814 : vector<16xf32>
        %sub3A_816 = arith.constant 0x4B400000 : f32
        %sub3A_817 = vector.broadcast %sub3A_816 : f32 to vector<16xf32>
        %sub3A_818 = arith.subf %add3A_815, %sub3A_817 : vector<16xf32>
        %add3A_819 = arith.addf %get3A_804, %add3A_810 : vector<16xf32>
        %add3A_820 = arith.constant 0x4B400000 : f32
        %add3A_821 = vector.broadcast %add3A_820 : f32 to vector<16xf32>
        %add3A_822 = arith.addf %add3A_819, %add3A_821 : vector<16xf32>
        %sub3A_823 = arith.constant 0x4B400000 : f32
        %sub3A_824 = vector.broadcast %sub3A_823 : f32 to vector<16xf32>
        %sub3A_825 = arith.subf %add3A_822, %sub3A_824 : vector<16xf32>
        %ge3A_826 = arith.constant 0.000000e+00 : f32
        %ge3A_827 = vector.broadcast %ge3A_826 : f32 to vector<16xf32>
        %ge3A_828 = arith.cmpf oge, %sub3A_825, %ge3A_827 : vector<16xf32>
        %lt3A_829 = arith.constant 3.840000e+02 : f32
        %lt3A_830 = vector.broadcast %lt3A_829 : f32 to vector<16xf32>
        %lt3A_831 = arith.cmpf olt, %sub3A_825, %lt3A_830 : vector<16xf32>
        %and3A_832 = arith.andi %ge3A_828, %lt3A_831 : vector<16xi1>
        %ge3A_833 = vector.broadcast %convert_element_type3A : f32 to vector<16xf32>
        %ge3A_834 = arith.cmpf oge, %sub3A_818, %ge3A_833 : vector<16xf32>
        %add3A_835 = arith.constant 2.400000e+01 : f32
        %add3A_836 = arith.addf %convert_element_type3A, %add3A_835 : f32
        %lt3A_837 = vector.broadcast %add3A_836 : f32 to vector<16xf32>
        %lt3A_838 = arith.cmpf olt, %sub3A_818, %lt3A_837 : vector<16xf32>
        %and3A_839 = arith.andi %ge3A_834, %lt3A_838 : vector<16xi1>
        %and3A_840 = arith.andi %and3A_839, %and3A_832 : vector<16xi1>
        %convert_element_type3A_841 = arith.fptosi %sub3A_818 : vector<16xf32> to vector<16xi32>
        %sub3A_842 = vector.broadcast %mul3A_0 : i32 to vector<16xi32>
        %sub3A_843 = arith.subi %convert_element_type3A_841, %sub3A_842 : vector<16xi32>
        %mul3A_844 = arith.constant 384 : i32
        %mul3A_845 = vector.broadcast %mul3A_844 : i32 to vector<16xi32>
        %mul3A_846 = arith.muli %sub3A_843, %mul3A_845 : vector<16xi32>
        %convert_element_type3A_847 = arith.fptosi %sub3A_825 : vector<16xf32> to vector<16xi32>
        %add3A_848 = arith.addi %mul3A_846, %convert_element_type3A_847 : vector<16xi32>
        tpu.vector_store_idx %arg7[%add3A_848], %convert_element_type3A_1 masked %and3A_840 : memref<9216xf32, #tpu.memory_space<vmem>>[vector<16xi32>], vector<16xf32>, vector<16xi1>
        %gather3A_849 = tpu.vector_load_idx %arg7[%add3A_848] masked %and3A_840 : memref<9216xf32, #tpu.memory_space<vmem>>[vector<16xi32>], vector<16xf32>, vector<16xi1>
        %eq3A_850 = arith.cmpf oeq, %gather3A_849, %convert_element_type3A_1 : vector<16xf32>
        %and3A_851 = arith.andi %and3A_840, %eq3A_850 : vector<16xi1>
        %lt3A_852 = arith.cmpf olt, %gather3A_849, %convert_element_type3A_1 : vector<16xf32>
        %and3A_853 = arith.andi %and3A_840, %lt3A_852 : vector<16xi1>
        %convert_element_type3A_854 = arith.extui %and3A_853 : vector<16xi1> to vector<16xi32>
        %or3A_855 = arith.ori %or3A_761, %convert_element_type3A_854 : vector<16xi32>
        %get3A_856 = arith.constant 0 : i32
        %get3A_857 = arith.index_cast %get3A_856 : i32 to index
        %get3A_858 = arith.index_cast %scan3A_509 : i32 to index
        %get3A_859 = arith.index_cast %mul3A_801 : i32 to index
        %get3A_860 = tpu.vector_load %arg6[%get3A_857, %get3A_858, %get3A_859] {strides = array<i32>} : memref<3x40x384xf32, #tpu.memory_space<vmem>>, vector<16xf32>,
        tpu.vector_store_idx %arg7[%add3A_848], %get3A_860 masked %and3A_851 : memref<9216xf32, #tpu.memory_space<vmem>>[vector<16xi32>], vector<16xf32>, vector<16xi1>
        %get3A_861 = arith.constant 1 : i32
        %get3A_862 = arith.index_cast %get3A_861 : i32 to index
        %get3A_863 = arith.index_cast %scan3A_509 : i32 to index
        %get3A_864 = arith.index_cast %mul3A_801 : i32 to index
        %get3A_865 = tpu.vector_load %arg6[%get3A_862, %get3A_863, %get3A_864] {strides = array<i32>} : memref<3x40x384xf32, #tpu.memory_space<vmem>>, vector<16xf32>,
        tpu.vector_store_idx %arg8[%add3A_848], %get3A_865 masked %and3A_851 : memref<9216xf32, #tpu.memory_space<vmem>>[vector<16xi32>], vector<16xf32>, vector<16xi1>
        %get3A_866 = arith.constant 2 : i32
        %get3A_867 = arith.index_cast %get3A_866 : i32 to index
        %get3A_868 = arith.index_cast %scan3A_509 : i32 to index
        %get3A_869 = arith.index_cast %mul3A_801 : i32 to index
        %get3A_870 = tpu.vector_load %arg6[%get3A_867, %get3A_868, %get3A_869] {strides = array<i32>} : memref<3x40x384xf32, #tpu.memory_space<vmem>>, vector<16xf32>,
        tpu.vector_store_idx %arg9[%add3A_848], %get3A_870 masked %and3A_851 : memref<9216xf32, #tpu.memory_space<vmem>>[vector<16xi32>], vector<16xf32>, vector<16xi1>
        %add3A_871 = arith.addi %min3A, %scan3A_509 : i32
        %ge3A_872 = arith.cmpi sge, %add3A_871, %mul3A_0 : i32
        %add3A_873 = arith.constant 24 : i32
        %add3A_874 = arith.addi %mul3A_0, %add3A_873 : i32
        %lt3A_875 = arith.cmpi slt, %add3A_871, %add3A_874 : i32
        %and3A_876 = arith.andi %ge3A_872, %lt3A_875 : i1
        %sub3A_877 = vector.broadcast %convert_element_type3A_799 : f32 to vector<16xf32>
        %sub3A_878 = arith.subf %sub3A_818, %sub3A_877 : vector<16xf32>
        %abs3A_879 = math.absf %sub3A_878 : vector<16xf32>
        %gt3A_880 = arith.constant 8.000000e+00 : f32
        %gt3A_881 = vector.broadcast %gt3A_880 : f32 to vector<16xf32>
        %gt3A_882 = arith.cmpf ogt, %abs3A_879, %gt3A_881 : vector<16xf32>
        %convert_element_type3A_883 = arith.extui %gt3A_882 : vector<16xi1> to vector<16xi32>
        %jit3A_884 = arith.constant 0 : i32
        %broadcast_in_dim3A_885 = vector.broadcast %jit3A_884 : i32 to vector<16xi32>
        %select_n3A_886 = arith.select %and3A_876, %convert_element_type3A_883, %broadcast_in_dim3A_885 : vector<16xi32>
        %or3A_887 = arith.ori %or3A_793, %select_n3A_886 : vector<16xi32>
        %mul3A_888 = arith.constant 6 : i32
        %mul3A_889 = arith.muli %scan3A_518, %mul3A_888 : i32
        %add3A_890 = arith.constant 4 : i32
        %add3A_891 = arith.addi %mul3A_889, %add3A_890 : i32
        %add3A_892 = arith.addi %min3A, %scan3A_509 : i32
        %convert_element_type3A_893 = arith.sitofp %add3A_892 : i32 to f32
        %mul3A_894 = arith.constant 16 : i32
        %mul3A_895 = arith.muli %add3A_891, %mul3A_894 : i32
        %get3A_896 = arith.index_cast %scan3A_509 : i32 to index
        %get3A_897 = arith.index_cast %mul3A_895 : i32 to index
        %get3A_898 = tpu.vector_load %arg4[%get3A_896, %get3A_897] {strides = array<i32>} : memref<40x384xf32, #tpu.memory_space<vmem>>, vector<16xf32>,
        %get3A_899 = arith.index_cast %scan3A_509 : i32 to index
        %get3A_900 = arith.index_cast %mul3A_895 : i32 to index
        %get3A_901 = tpu.vector_load %arg5[%get3A_899, %get3A_900] {strides = array<i32>} : memref<40x384xf32, #tpu.memory_space<vmem>>, vector<16xf32>,
        %convert_element_type3A_902 = arith.sitofp %mul3A_895 : i32 to f32
        %add3A_903 = vector.broadcast %convert_element_type3A_902 : f32 to vector<16xf32>
        %add3A_904 = arith.addf %add3A_903, %convert_element_type3A_1 : vector<16xf32>
        %add3A_905 = vector.broadcast %convert_element_type3A_893 : f32 to vector<16xf32>
        %add3A_906 = arith.addf %get3A_901, %add3A_905 : vector<16xf32>
        %add3A_907 = arith.constant 0x4B400000 : f32
        %add3A_908 = vector.broadcast %add3A_907 : f32 to vector<16xf32>
        %add3A_909 = arith.addf %add3A_906, %add3A_908 : vector<16xf32>
        %sub3A_910 = arith.constant 0x4B400000 : f32
        %sub3A_911 = vector.broadcast %sub3A_910 : f32 to vector<16xf32>
        %sub3A_912 = arith.subf %add3A_909, %sub3A_911 : vector<16xf32>
        %add3A_913 = arith.addf %get3A_898, %add3A_904 : vector<16xf32>
        %add3A_914 = arith.constant 0x4B400000 : f32
        %add3A_915 = vector.broadcast %add3A_914 : f32 to vector<16xf32>
        %add3A_916 = arith.addf %add3A_913, %add3A_915 : vector<16xf32>
        %sub3A_917 = arith.constant 0x4B400000 : f32
        %sub3A_918 = vector.broadcast %sub3A_917 : f32 to vector<16xf32>
        %sub3A_919 = arith.subf %add3A_916, %sub3A_918 : vector<16xf32>
        %ge3A_920 = arith.constant 0.000000e+00 : f32
        %ge3A_921 = vector.broadcast %ge3A_920 : f32 to vector<16xf32>
        %ge3A_922 = arith.cmpf oge, %sub3A_919, %ge3A_921 : vector<16xf32>
        %lt3A_923 = arith.constant 3.840000e+02 : f32
        %lt3A_924 = vector.broadcast %lt3A_923 : f32 to vector<16xf32>
        %lt3A_925 = arith.cmpf olt, %sub3A_919, %lt3A_924 : vector<16xf32>
        %and3A_926 = arith.andi %ge3A_922, %lt3A_925 : vector<16xi1>
        %ge3A_927 = vector.broadcast %convert_element_type3A : f32 to vector<16xf32>
        %ge3A_928 = arith.cmpf oge, %sub3A_912, %ge3A_927 : vector<16xf32>
        %add3A_929 = arith.constant 2.400000e+01 : f32
        %add3A_930 = arith.addf %convert_element_type3A, %add3A_929 : f32
        %lt3A_931 = vector.broadcast %add3A_930 : f32 to vector<16xf32>
        %lt3A_932 = arith.cmpf olt, %sub3A_912, %lt3A_931 : vector<16xf32>
        %and3A_933 = arith.andi %ge3A_928, %lt3A_932 : vector<16xi1>
        %and3A_934 = arith.andi %and3A_933, %and3A_926 : vector<16xi1>
        %convert_element_type3A_935 = arith.fptosi %sub3A_912 : vector<16xf32> to vector<16xi32>
        %sub3A_936 = vector.broadcast %mul3A_0 : i32 to vector<16xi32>
        %sub3A_937 = arith.subi %convert_element_type3A_935, %sub3A_936 : vector<16xi32>
        %mul3A_938 = arith.constant 384 : i32
        %mul3A_939 = vector.broadcast %mul3A_938 : i32 to vector<16xi32>
        %mul3A_940 = arith.muli %sub3A_937, %mul3A_939 : vector<16xi32>
        %convert_element_type3A_941 = arith.fptosi %sub3A_919 : vector<16xf32> to vector<16xi32>
        %add3A_942 = arith.addi %mul3A_940, %convert_element_type3A_941 : vector<16xi32>
        tpu.vector_store_idx %arg7[%add3A_942], %convert_element_type3A_1 masked %and3A_934 : memref<9216xf32, #tpu.memory_space<vmem>>[vector<16xi32>], vector<16xf32>, vector<16xi1>
        %gather3A_943 = tpu.vector_load_idx %arg7[%add3A_942] masked %and3A_934 : memref<9216xf32, #tpu.memory_space<vmem>>[vector<16xi32>], vector<16xf32>, vector<16xi1>
        %eq3A_944 = arith.cmpf oeq, %gather3A_943, %convert_element_type3A_1 : vector<16xf32>
        %and3A_945 = arith.andi %and3A_934, %eq3A_944 : vector<16xi1>
        %lt3A_946 = arith.cmpf olt, %gather3A_943, %convert_element_type3A_1 : vector<16xf32>
        %and3A_947 = arith.andi %and3A_934, %lt3A_946 : vector<16xi1>
        %convert_element_type3A_948 = arith.extui %and3A_947 : vector<16xi1> to vector<16xi32>
        %or3A_949 = arith.ori %or3A_855, %convert_element_type3A_948 : vector<16xi32>
        %get3A_950 = arith.constant 0 : i32
        %get3A_951 = arith.index_cast %get3A_950 : i32 to index
        %get3A_952 = arith.index_cast %scan3A_509 : i32 to index
        %get3A_953 = arith.index_cast %mul3A_895 : i32 to index
        %get3A_954 = tpu.vector_load %arg6[%get3A_951, %get3A_952, %get3A_953] {strides = array<i32>} : memref<3x40x384xf32, #tpu.memory_space<vmem>>, vector<16xf32>,
        tpu.vector_store_idx %arg7[%add3A_942], %get3A_954 masked %and3A_945 : memref<9216xf32, #tpu.memory_space<vmem>>[vector<16xi32>], vector<16xf32>, vector<16xi1>
        %get3A_955 = arith.constant 1 : i32
        %get3A_956 = arith.index_cast %get3A_955 : i32 to index
        %get3A_957 = arith.index_cast %scan3A_509 : i32 to index
        %get3A_958 = arith.index_cast %mul3A_895 : i32 to index
        %get3A_959 = tpu.vector_load %arg6[%get3A_956, %get3A_957, %get3A_958] {strides = array<i32>} : memref<3x40x384xf32, #tpu.memory_space<vmem>>, vector<16xf32>,
        tpu.vector_store_idx %arg8[%add3A_942], %get3A_959 masked %and3A_945 : memref<9216xf32, #tpu.memory_space<vmem>>[vector<16xi32>], vector<16xf32>, vector<16xi1>
        %get3A_960 = arith.constant 2 : i32
        %get3A_961 = arith.index_cast %get3A_960 : i32 to index
        %get3A_962 = arith.index_cast %scan3A_509 : i32 to index
        %get3A_963 = arith.index_cast %mul3A_895 : i32 to index
        %get3A_964 = tpu.vector_load %arg6[%get3A_961, %get3A_962, %get3A_963] {strides = array<i32>} : memref<3x40x384xf32, #tpu.memory_space<vmem>>, vector<16xf32>,
        tpu.vector_store_idx %arg9[%add3A_942], %get3A_964 masked %and3A_945 : memref<9216xf32, #tpu.memory_space<vmem>>[vector<16xi32>], vector<16xf32>, vector<16xi1>
        %add3A_965 = arith.addi %min3A, %scan3A_509 : i32
        %ge3A_966 = arith.cmpi sge, %add3A_965, %mul3A_0 : i32
        %add3A_967 = arith.constant 24 : i32
        %add3A_968 = arith.addi %mul3A_0, %add3A_967 : i32
        %lt3A_969 = arith.cmpi slt, %add3A_965, %add3A_968 : i32
        %and3A_970 = arith.andi %ge3A_966, %lt3A_969 : i1
        %sub3A_971 = vector.broadcast %convert_element_type3A_893 : f32 to vector<16xf32>
        %sub3A_972 = arith.subf %sub3A_912, %sub3A_971 : vector<16xf32>
        %abs3A_973 = math.absf %sub3A_972 : vector<16xf32>
        %gt3A_974 = arith.constant 8.000000e+00 : f32
        %gt3A_975 = vector.broadcast %gt3A_974 : f32 to vector<16xf32>
        %gt3A_976 = arith.cmpf ogt, %abs3A_973, %gt3A_975 : vector<16xf32>
        %convert_element_type3A_977 = arith.extui %gt3A_976 : vector<16xi1> to vector<16xi32>
        %jit3A_978 = arith.constant 0 : i32
        %broadcast_in_dim3A_979 = vector.broadcast %jit3A_978 : i32 to vector<16xi32>
        %select_n3A_980 = arith.select %and3A_970, %convert_element_type3A_977, %broadcast_in_dim3A_979 : vector<16xi32>
        %or3A_981 = arith.ori %or3A_887, %select_n3A_980 : vector<16xi32>
        %mul3A_982 = arith.constant 6 : i32
        %mul3A_983 = arith.muli %scan3A_518, %mul3A_982 : i32
        %add3A_984 = arith.constant 5 : i32
        %add3A_985 = arith.addi %mul3A_983, %add3A_984 : i32
        %add3A_986 = arith.addi %min3A, %scan3A_509 : i32
        %convert_element_type3A_987 = arith.sitofp %add3A_986 : i32 to f32
        %mul3A_988 = arith.constant 16 : i32
        %mul3A_989 = arith.muli %add3A_985, %mul3A_988 : i32
        %get3A_990 = arith.index_cast %scan3A_509 : i32 to index
        %get3A_991 = arith.index_cast %mul3A_989 : i32 to index
        %get3A_992 = tpu.vector_load %arg4[%get3A_990, %get3A_991] {strides = array<i32>} : memref<40x384xf32, #tpu.memory_space<vmem>>, vector<16xf32>,
        %get3A_993 = arith.index_cast %scan3A_509 : i32 to index
        %get3A_994 = arith.index_cast %mul3A_989 : i32 to index
        %get3A_995 = tpu.vector_load %arg5[%get3A_993, %get3A_994] {strides = array<i32>} : memref<40x384xf32, #tpu.memory_space<vmem>>, vector<16xf32>,
        %convert_element_type3A_996 = arith.sitofp %mul3A_989 : i32 to f32
        %add3A_997 = vector.broadcast %convert_element_type3A_996 : f32 to vector<16xf32>
        %add3A_998 = arith.addf %add3A_997, %convert_element_type3A_1 : vector<16xf32>
        %add3A_999 = vector.broadcast %convert_element_type3A_987 : f32 to vector<16xf32>
        %add3A_1000 = arith.addf %get3A_995, %add3A_999 : vector<16xf32>
        %add3A_1001 = arith.constant 0x4B400000 : f32
        %add3A_1002 = vector.broadcast %add3A_1001 : f32 to vector<16xf32>
        %add3A_1003 = arith.addf %add3A_1000, %add3A_1002 : vector<16xf32>
        %sub3A_1004 = arith.constant 0x4B400000 : f32
        %sub3A_1005 = vector.broadcast %sub3A_1004 : f32 to vector<16xf32>
        %sub3A_1006 = arith.subf %add3A_1003, %sub3A_1005 : vector<16xf32>
        %add3A_1007 = arith.addf %get3A_992, %add3A_998 : vector<16xf32>
        %add3A_1008 = arith.constant 0x4B400000 : f32
        %add3A_1009 = vector.broadcast %add3A_1008 : f32 to vector<16xf32>
        %add3A_1010 = arith.addf %add3A_1007, %add3A_1009 : vector<16xf32>
        %sub3A_1011 = arith.constant 0x4B400000 : f32
        %sub3A_1012 = vector.broadcast %sub3A_1011 : f32 to vector<16xf32>
        %sub3A_1013 = arith.subf %add3A_1010, %sub3A_1012 : vector<16xf32>
        %ge3A_1014 = arith.constant 0.000000e+00 : f32
        %ge3A_1015 = vector.broadcast %ge3A_1014 : f32 to vector<16xf32>
        %ge3A_1016 = arith.cmpf oge, %sub3A_1013, %ge3A_1015 : vector<16xf32>
        %lt3A_1017 = arith.constant 3.840000e+02 : f32
        %lt3A_1018 = vector.broadcast %lt3A_1017 : f32 to vector<16xf32>
        %lt3A_1019 = arith.cmpf olt, %sub3A_1013, %lt3A_1018 : vector<16xf32>
        %and3A_1020 = arith.andi %ge3A_1016, %lt3A_1019 : vector<16xi1>
        %ge3A_1021 = vector.broadcast %convert_element_type3A : f32 to vector<16xf32>
        %ge3A_1022 = arith.cmpf oge, %sub3A_1006, %ge3A_1021 : vector<16xf32>
        %add3A_1023 = arith.constant 2.400000e+01 : f32
        %add3A_1024 = arith.addf %convert_element_type3A, %add3A_1023 : f32
        %lt3A_1025 = vector.broadcast %add3A_1024 : f32 to vector<16xf32>
        %lt3A_1026 = arith.cmpf olt, %sub3A_1006, %lt3A_1025 : vector<16xf32>
        %and3A_1027 = arith.andi %ge3A_1022, %lt3A_1026 : vector<16xi1>
        %and3A_1028 = arith.andi %and3A_1027, %and3A_1020 : vector<16xi1>
        %convert_element_type3A_1029 = arith.fptosi %sub3A_1006 : vector<16xf32> to vector<16xi32>
        %sub3A_1030 = vector.broadcast %mul3A_0 : i32 to vector<16xi32>
        %sub3A_1031 = arith.subi %convert_element_type3A_1029, %sub3A_1030 : vector<16xi32>
        %mul3A_1032 = arith.constant 384 : i32
        %mul3A_1033 = vector.broadcast %mul3A_1032 : i32 to vector<16xi32>
        %mul3A_1034 = arith.muli %sub3A_1031, %mul3A_1033 : vector<16xi32>
        %convert_element_type3A_1035 = arith.fptosi %sub3A_1013 : vector<16xf32> to vector<16xi32>
        %add3A_1036 = arith.addi %mul3A_1034, %convert_element_type3A_1035 : vector<16xi32>
        tpu.vector_store_idx %arg7[%add3A_1036], %convert_element_type3A_1 masked %and3A_1028 : memref<9216xf32, #tpu.memory_space<vmem>>[vector<16xi32>], vector<16xf32>, vector<16xi1>
        %gather3A_1037 = tpu.vector_load_idx %arg7[%add3A_1036] masked %and3A_1028 : memref<9216xf32, #tpu.memory_space<vmem>>[vector<16xi32>], vector<16xf32>, vector<16xi1>
        %eq3A_1038 = arith.cmpf oeq, %gather3A_1037, %convert_element_type3A_1 : vector<16xf32>
        %and3A_1039 = arith.andi %and3A_1028, %eq3A_1038 : vector<16xi1>
        %lt3A_1040 = arith.cmpf olt, %gather3A_1037, %convert_element_type3A_1 : vector<16xf32>
        %and3A_1041 = arith.andi %and3A_1028, %lt3A_1040 : vector<16xi1>
        %convert_element_type3A_1042 = arith.extui %and3A_1041 : vector<16xi1> to vector<16xi32>
        %or3A_1043 = arith.ori %or3A_949, %convert_element_type3A_1042 : vector<16xi32>
        %get3A_1044 = arith.constant 0 : i32
        %get3A_1045 = arith.index_cast %get3A_1044 : i32 to index
        %get3A_1046 = arith.index_cast %scan3A_509 : i32 to index
        %get3A_1047 = arith.index_cast %mul3A_989 : i32 to index
        %get3A_1048 = tpu.vector_load %arg6[%get3A_1045, %get3A_1046, %get3A_1047] {strides = array<i32>} : memref<3x40x384xf32, #tpu.memory_space<vmem>>, vector<16xf32>,
        tpu.vector_store_idx %arg7[%add3A_1036], %get3A_1048 masked %and3A_1039 : memref<9216xf32, #tpu.memory_space<vmem>>[vector<16xi32>], vector<16xf32>, vector<16xi1>
        %get3A_1049 = arith.constant 1 : i32
        %get3A_1050 = arith.index_cast %get3A_1049 : i32 to index
        %get3A_1051 = arith.index_cast %scan3A_509 : i32 to index
        %get3A_1052 = arith.index_cast %mul3A_989 : i32 to index
        %get3A_1053 = tpu.vector_load %arg6[%get3A_1050, %get3A_1051, %get3A_1052] {strides = array<i32>} : memref<3x40x384xf32, #tpu.memory_space<vmem>>, vector<16xf32>,
        tpu.vector_store_idx %arg8[%add3A_1036], %get3A_1053 masked %and3A_1039 : memref<9216xf32, #tpu.memory_space<vmem>>[vector<16xi32>], vector<16xf32>, vector<16xi1>
        %get3A_1054 = arith.constant 2 : i32
        %get3A_1055 = arith.index_cast %get3A_1054 : i32 to index
        %get3A_1056 = arith.index_cast %scan3A_509 : i32 to index
        %get3A_1057 = arith.index_cast %mul3A_989 : i32 to index
        %get3A_1058 = tpu.vector_load %arg6[%get3A_1055, %get3A_1056, %get3A_1057] {strides = array<i32>} : memref<3x40x384xf32, #tpu.memory_space<vmem>>, vector<16xf32>,
        tpu.vector_store_idx %arg9[%add3A_1036], %get3A_1058 masked %and3A_1039 : memref<9216xf32, #tpu.memory_space<vmem>>[vector<16xi32>], vector<16xf32>, vector<16xi1>
        %add3A_1059 = arith.addi %min3A, %scan3A_509 : i32
        %ge3A_1060 = arith.cmpi sge, %add3A_1059, %mul3A_0 : i32
        %add3A_1061 = arith.constant 24 : i32
        %add3A_1062 = arith.addi %mul3A_0, %add3A_1061 : i32
        %lt3A_1063 = arith.cmpi slt, %add3A_1059, %add3A_1062 : i32
        %and3A_1064 = arith.andi %ge3A_1060, %lt3A_1063 : i1
        %sub3A_1065 = vector.broadcast %convert_element_type3A_987 : f32 to vector<16xf32>
        %sub3A_1066 = arith.subf %sub3A_1006, %sub3A_1065 : vector<16xf32>
        %abs3A_1067 = math.absf %sub3A_1066 : vector<16xf32>
        %gt3A_1068 = arith.constant 8.000000e+00 : f32
        %gt3A_1069 = vector.broadcast %gt3A_1068 : f32 to vector<16xf32>
        %gt3A_1070 = arith.cmpf ogt, %abs3A_1067, %gt3A_1069 : vector<16xf32>
        %convert_element_type3A_1071 = arith.extui %gt3A_1070 : vector<16xi1> to vector<16xi32>
        %jit3A_1072 = arith.constant 0 : i32
        %broadcast_in_dim3A_1073 = vector.broadcast %jit3A_1072 : i32 to vector<16xi32>
        %select_n3A_1074 = arith.select %and3A_1064, %convert_element_type3A_1071, %broadcast_in_dim3A_1073 : vector<16xi32>
        %or3A_1075 = arith.ori %or3A_981, %select_n3A_1074 : vector<16xi32>
        scf.yield %or3A_1075, %or3A_1043 : vector<16xi32>, vector<16xi32>
      }
      %scan3A_517 = arith.constant 4 : i32
      scf.yield %scan3A_516#0, %scan3A_516#1 : vector<16xi32>, vector<16xi32>
    }
    %scan3A_421 = arith.constant 40 : i32
    %swap3A_422 = arith.constant 0 : index
    %swap3A_423 = tpu.vector_load %arg10[%swap3A_422] {strides = array<i32>} : memref<16xi32, #tpu.memory_space<vmem>>, vector<16xi32>,
    tpu.vector_store %arg10[%swap3A_422], %scan3A_420#0 {strides = array<i32>} : memref<16xi32, #tpu.memory_space<vmem>>, vector<16xi32>,
    %run_scoped3A_424 = arith.constant 1 : i32
    "tpu.region"() ({
      %run_scoped3A_509 = tpu.sem_alloc : memref<!tpu.dma_semaphore, #tpu.memory_space<semaphore_mem>>
      %dma_start3A_510 = arith.constant 0 : i32
      %dma_start3A_511 = tpu.memref_slice %arg12[%run_scoped3A_424, %arg1, %dma_start3A_510] : memref<2x16x16xi32, #tpu.memory_space<vmem_shared>> -> memref<1x1x16xi32, #tpu.memory_space<vmem_shared>>
      %dma_start3A_512 = tpu.memref_squeeze %dma_start3A_511 : memref<1x1x16xi32, #tpu.memory_space<vmem_shared>> -> memref<16xi32, #tpu.memory_space<vmem_shared>>
      %dma_start3A_513 = arith.constant 0 : i32
      %dma_start3A_514 = tpu.memref_slice %arg12[%run_scoped3A_424, %arg1, %dma_start3A_513] : memref<2x16x16xi32, #tpu.memory_space<vmem_shared>> -> memref<1x1x16xi32, #tpu.memory_space<vmem_shared>>
      %dma_start3A_515 = tpu.memref_squeeze %dma_start3A_514 : memref<1x1x16xi32, #tpu.memory_space<vmem_shared>> -> memref<16xi32, #tpu.memory_space<vmem_shared>>
      tpu.enqueue_dma source(%arg10 : memref<16xi32, #tpu.memory_space<vmem>>) target(%dma_start3A_515 : memref<16xi32, #tpu.memory_space<vmem_shared>>) target_semaphore(%run_scoped3A_509 : memref<!tpu.dma_semaphore, #tpu.memory_space<semaphore_mem>>)
      %dma_wait3A_516 = arith.constant 0 : i32
      %dma_wait3A_517 = tpu.memref_slice %arg12[%run_scoped3A_424, %arg1, %dma_wait3A_516] : memref<2x16x16xi32, #tpu.memory_space<vmem_shared>> -> memref<1x1x16xi32, #tpu.memory_space<vmem_shared>>
      %dma_wait3A_518 = tpu.memref_squeeze %dma_wait3A_517 : memref<1x1x16xi32, #tpu.memory_space<vmem_shared>> -> memref<16xi32, #tpu.memory_space<vmem_shared>>
      %dma_wait3A_519 = arith.constant 0 : i32
      %dma_wait3A_520 = tpu.memref_slice %arg12[%run_scoped3A_424, %arg1, %dma_wait3A_519] : memref<2x16x16xi32, #tpu.memory_space<vmem_shared>> -> memref<1x1x16xi32, #tpu.memory_space<vmem_shared>>
      %dma_wait3A_521 = tpu.memref_squeeze %dma_wait3A_520 : memref<1x1x16xi32, #tpu.memory_space<vmem_shared>> -> memref<16xi32, #tpu.memory_space<vmem_shared>>
      tpu.wait_dma2 semaphore(%run_scoped3A_509 : memref<!tpu.dma_semaphore, #tpu.memory_space<semaphore_mem>>) src(%arg10 : memref<16xi32, #tpu.memory_space<vmem>>) dst(%dma_wait3A_521 : memref<16xi32, #tpu.memory_space<vmem_shared>>)
      tpu.yield
    }) : () -> ()
    %barrier3A_425 = arith.constant 0 : index
    tpu.barrier barrier_id(%barrier3A_425)
    %run_scoped3A_426 = arith.constant 1 : i32
    "tpu.region"() ({
      %run_scoped3A_509 = tpu.sem_alloc : memref<!tpu.dma_semaphore, #tpu.memory_space<semaphore_mem>>
      %dma_start3A_510 = arith.constant 0 : i32
      %dma_start3A_511 = arith.constant 0 : i32
      %dma_start3A_512 = tpu.memref_slice %arg12[%run_scoped3A_426, %dma_start3A_510, %dma_start3A_511] : memref<2x16x16xi32, #tpu.memory_space<vmem_shared>> -> memref<1x16x16xi32, #tpu.memory_space<vmem_shared>>
      %dma_start3A_513 = tpu.memref_squeeze %dma_start3A_512 : memref<1x16x16xi32, #tpu.memory_space<vmem_shared>> -> memref<16x16xi32, #tpu.memory_space<vmem_shared>>
      %dma_start3A_514 = arith.constant 0 : i32
      %dma_start3A_515 = arith.constant 0 : i32
      %dma_start3A_516 = tpu.memref_slice %arg12[%run_scoped3A_426, %dma_start3A_514, %dma_start3A_515] : memref<2x16x16xi32, #tpu.memory_space<vmem_shared>> -> memref<1x16x16xi32, #tpu.memory_space<vmem_shared>>
      %dma_start3A_517 = tpu.memref_squeeze %dma_start3A_516 : memref<1x16x16xi32, #tpu.memory_space<vmem_shared>> -> memref<16x16xi32, #tpu.memory_space<vmem_shared>>
      tpu.enqueue_dma source(%dma_start3A_517 : memref<16x16xi32, #tpu.memory_space<vmem_shared>>) target(%arg11 : memref<16x16xi32, #tpu.memory_space<vmem>>) target_semaphore(%run_scoped3A_509 : memref<!tpu.dma_semaphore, #tpu.memory_space<semaphore_mem>>)
      %dma_wait3A_518 = arith.constant 0 : i32
      %dma_wait3A_519 = arith.constant 0 : i32
      %dma_wait3A_520 = tpu.memref_slice %arg12[%run_scoped3A_426, %dma_wait3A_518, %dma_wait3A_519] : memref<2x16x16xi32, #tpu.memory_space<vmem_shared>> -> memref<1x16x16xi32, #tpu.memory_space<vmem_shared>>
      %dma_wait3A_521 = tpu.memref_squeeze %dma_wait3A_520 : memref<1x16x16xi32, #tpu.memory_space<vmem_shared>> -> memref<16x16xi32, #tpu.memory_space<vmem_shared>>
      %dma_wait3A_522 = arith.constant 0 : i32
      %dma_wait3A_523 = arith.constant 0 : i32
      %dma_wait3A_524 = tpu.memref_slice %arg12[%run_scoped3A_426, %dma_wait3A_522, %dma_wait3A_523] : memref<2x16x16xi32, #tpu.memory_space<vmem_shared>> -> memref<1x16x16xi32, #tpu.memory_space<vmem_shared>>
      %dma_wait3A_525 = tpu.memref_squeeze %dma_wait3A_524 : memref<1x16x16xi32, #tpu.memory_space<vmem_shared>> -> memref<16x16xi32, #tpu.memory_space<vmem_shared>>
      tpu.wait_dma2 semaphore(%run_scoped3A_509 : memref<!tpu.dma_semaphore, #tpu.memory_space<semaphore_mem>>) src(%dma_wait3A_525 : memref<16x16xi32, #tpu.memory_space<vmem_shared>>) dst(%arg11 : memref<16x16xi32, #tpu.memory_space<vmem>>)
      tpu.yield
    }) : () -> ()
    %broadcast_in_dim3A_427 = arith.constant 0 : i32
    %broadcast_in_dim3A_428 = vector.broadcast %broadcast_in_dim3A_427 : i32 to vector<16xi32>
    %scan3A_429 = arith.constant 0 : i32
    %scan3A_430 = arith.constant 16 : i32
    %scan3A_431 = arith.addi %scan3A_429, %scan3A_430 : i32
    %scan3A_432 = arith.constant 1 : i32
    %scan3A_433 = scf.for %scan3A_509 = %scan3A_429 to %scan3A_431 step %scan3A_432 iter_args(%scan3A_510 = %broadcast_in_dim3A_428) -> (vector<16xi32>)  : i32 {
      %get3A = arith.index_cast %scan3A_509 : i32 to index
      %get3A_511 = arith.constant 0 : index
      %get3A_512 = tpu.vector_load %arg11[%get3A, %get3A_511] {strides = array<i32>} : memref<16x16xi32, #tpu.memory_space<vmem>>, vector<16xi32>,
      %or3A_513 = arith.ori %scan3A_510, %get3A_512 : vector<16xi32>
      scf.yield %or3A_513 : vector<16xi32>
    }
    %scan3A_434 = arith.constant 16 : i32
    %ne3A_435 = arith.constant 0 : i32
    %ne3A_436 = vector.broadcast %ne3A_435 : i32 to vector<16xi32>
    %ne3A_437 = arith.cmpi ne, %scan3A_433, %ne3A_436 : vector<16xi32>
    %reduce_or3A_438 = arith.constant 1.000000e+00 : f32
    %reduce_or3A_439 = arith.constant 0.000000e+00 : f32
    %reduce_or3A_440 = vector.broadcast %reduce_or3A_438 : f32 to vector<16xf32>
    %reduce_or3A_441 = vector.broadcast %reduce_or3A_439 : f32 to vector<16xf32>
    %reduce_or3A_442 = arith.select %ne3A_437, %reduce_or3A_440, %reduce_or3A_441 : vector<16xi1>, vector<16xf32>
    %reduce_or3A_443 = arith.constant true
    %reduce_or3A_444 = vector.broadcast %reduce_or3A_443 : i1 to vector<16xi1>
    %reduce_or3A_445 = tpu.scan <max>, %reduce_or3A_442 masked %reduce_or3A_444 : vector<16xf32>, vector<16xi1> -> vector<16xf32>
    %reduce_or3A_446 = vector.extract %reduce_or3A_445[15] : f32 from vector<16xf32>
    %reduce_or3A_447 = arith.constant 0.000000e+00 : f32
    %reduce_or3A_448 = arith.cmpf ogt, %reduce_or3A_446, %reduce_or3A_447 : f32
    %ne3A_449 = arith.constant 0 : i32
    %ne3A_450 = vector.broadcast %ne3A_449 : i32 to vector<16xi32>
    %ne3A_451 = arith.cmpi ne, %scan3A_420#1, %ne3A_450 : vector<16xi32>
    %reduce_or3A_452 = arith.constant 1.000000e+00 : f32
    %reduce_or3A_453 = arith.constant 0.000000e+00 : f32
    %reduce_or3A_454 = vector.broadcast %reduce_or3A_452 : f32 to vector<16xf32>
    %reduce_or3A_455 = vector.broadcast %reduce_or3A_453 : f32 to vector<16xf32>
    %reduce_or3A_456 = arith.select %ne3A_451, %reduce_or3A_454, %reduce_or3A_455 : vector<16xi1>, vector<16xf32>
    %reduce_or3A_457 = arith.constant true
    %reduce_or3A_458 = vector.broadcast %reduce_or3A_457 : i1 to vector<16xi1>
    %reduce_or3A_459 = tpu.scan <max>, %reduce_or3A_456 masked %reduce_or3A_458 : vector<16xf32>, vector<16xi1> -> vector<16xf32>
    %reduce_or3A_460 = vector.extract %reduce_or3A_459[15] : f32 from vector<16xf32>
    %reduce_or3A_461 = arith.constant 0.000000e+00 : f32
    %reduce_or3A_462 = arith.cmpf ogt, %reduce_or3A_460, %reduce_or3A_461 : f32
    %or3A_463 = arith.ori %reduce_or3A_462, %reduce_or3A_448 : i1
    %convert_element_type3A_464 = arith.extui %or3A_463 : i1 to i32
    %cond3A_465 = arith.constant 0 : i32
    %cond3A_466 = arith.cmpi ne, %convert_element_type3A_464, %cond3A_465 : i32
    scf.if %cond3A_466 {
      %scan3A_509 = arith.constant 0 : i32
      %scan3A_510 = arith.constant 0 : i32
      %scan3A_511 = arith.constant 96 : i32
      %scan3A_512 = arith.addi %scan3A_510, %scan3A_511 : i32
      %scan3A_513 = arith.constant 1 : i32
      %scan3A_514 = scf.for %scan3A_523 = %scan3A_510 to %scan3A_512 step %scan3A_513 iter_args(%scan3A_524 = %scan3A_509) -> (i32)  : i32 {
        %mul3A_525 = arith.constant 6 : i32
        %mul3A_526 = arith.muli %scan3A_523, %mul3A_525 : i32
        %add3A_527 = arith.constant 0 : i32
        %add3A_528 = arith.addi %mul3A_526, %add3A_527 : i32
        %mul3A_529 = arith.constant 16 : i32
        %mul3A_530 = arith.muli %add3A_528, %mul3A_529 : i32
        %swap3A_531 = arith.index_cast %mul3A_530 : i32 to index
        %swap3A_532 = tpu.vector_load %arg7[%swap3A_531] {strides = array<i32>} : memref<9216xf32, #tpu.memory_space<vmem>>, vector<16xf32>,
        tpu.vector_store %arg7[%swap3A_531], %broadcast_in_dim3A_2 {strides = array<i32>} : memref<9216xf32, #tpu.memory_space<vmem>>, vector<16xf32>,
        %swap3A_533 = arith.index_cast %mul3A_530 : i32 to index
        %swap3A_534 = tpu.vector_load %arg8[%swap3A_533] {strides = array<i32>} : memref<9216xf32, #tpu.memory_space<vmem>>, vector<16xf32>,
        tpu.vector_store %arg8[%swap3A_533], %broadcast_in_dim3A_2 {strides = array<i32>} : memref<9216xf32, #tpu.memory_space<vmem>>, vector<16xf32>,
        %swap3A_535 = arith.index_cast %mul3A_530 : i32 to index
        %swap3A_536 = tpu.vector_load %arg9[%swap3A_535] {strides = array<i32>} : memref<9216xf32, #tpu.memory_space<vmem>>, vector<16xf32>,
        tpu.vector_store %arg9[%swap3A_535], %broadcast_in_dim3A_2 {strides = array<i32>} : memref<9216xf32, #tpu.memory_space<vmem>>, vector<16xf32>,
        %mul3A_537 = arith.constant 6 : i32
        %mul3A_538 = arith.muli %scan3A_523, %mul3A_537 : i32
        %add3A_539 = arith.constant 1 : i32
        %add3A_540 = arith.addi %mul3A_538, %add3A_539 : i32
        %mul3A_541 = arith.constant 16 : i32
        %mul3A_542 = arith.muli %add3A_540, %mul3A_541 : i32
        %swap3A_543 = arith.index_cast %mul3A_542 : i32 to index
        %swap3A_544 = tpu.vector_load %arg7[%swap3A_543] {strides = array<i32>} : memref<9216xf32, #tpu.memory_space<vmem>>, vector<16xf32>,
        tpu.vector_store %arg7[%swap3A_543], %broadcast_in_dim3A_2 {strides = array<i32>} : memref<9216xf32, #tpu.memory_space<vmem>>, vector<16xf32>,
        %swap3A_545 = arith.index_cast %mul3A_542 : i32 to index
        %swap3A_546 = tpu.vector_load %arg8[%swap3A_545] {strides = array<i32>} : memref<9216xf32, #tpu.memory_space<vmem>>, vector<16xf32>,
        tpu.vector_store %arg8[%swap3A_545], %broadcast_in_dim3A_2 {strides = array<i32>} : memref<9216xf32, #tpu.memory_space<vmem>>, vector<16xf32>,
        %swap3A_547 = arith.index_cast %mul3A_542 : i32 to index
        %swap3A_548 = tpu.vector_load %arg9[%swap3A_547] {strides = array<i32>} : memref<9216xf32, #tpu.memory_space<vmem>>, vector<16xf32>,
        tpu.vector_store %arg9[%swap3A_547], %broadcast_in_dim3A_2 {strides = array<i32>} : memref<9216xf32, #tpu.memory_space<vmem>>, vector<16xf32>,
        %mul3A_549 = arith.constant 6 : i32
        %mul3A_550 = arith.muli %scan3A_523, %mul3A_549 : i32
        %add3A_551 = arith.constant 2 : i32
        %add3A_552 = arith.addi %mul3A_550, %add3A_551 : i32
        %mul3A_553 = arith.constant 16 : i32
        %mul3A_554 = arith.muli %add3A_552, %mul3A_553 : i32
        %swap3A_555 = arith.index_cast %mul3A_554 : i32 to index
        %swap3A_556 = tpu.vector_load %arg7[%swap3A_555] {strides = array<i32>} : memref<9216xf32, #tpu.memory_space<vmem>>, vector<16xf32>,
        tpu.vector_store %arg7[%swap3A_555], %broadcast_in_dim3A_2 {strides = array<i32>} : memref<9216xf32, #tpu.memory_space<vmem>>, vector<16xf32>,
        %swap3A_557 = arith.index_cast %mul3A_554 : i32 to index
        %swap3A_558 = tpu.vector_load %arg8[%swap3A_557] {strides = array<i32>} : memref<9216xf32, #tpu.memory_space<vmem>>, vector<16xf32>,
        tpu.vector_store %arg8[%swap3A_557], %broadcast_in_dim3A_2 {strides = array<i32>} : memref<9216xf32, #tpu.memory_space<vmem>>, vector<16xf32>,
        %swap3A_559 = arith.index_cast %mul3A_554 : i32 to index
        %swap3A_560 = tpu.vector_load %arg9[%swap3A_559] {strides = array<i32>} : memref<9216xf32, #tpu.memory_space<vmem>>, vector<16xf32>,
        tpu.vector_store %arg9[%swap3A_559], %broadcast_in_dim3A_2 {strides = array<i32>} : memref<9216xf32, #tpu.memory_space<vmem>>, vector<16xf32>,
        %mul3A_561 = arith.constant 6 : i32
        %mul3A_562 = arith.muli %scan3A_523, %mul3A_561 : i32
        %add3A_563 = arith.constant 3 : i32
        %add3A_564 = arith.addi %mul3A_562, %add3A_563 : i32
        %mul3A_565 = arith.constant 16 : i32
        %mul3A_566 = arith.muli %add3A_564, %mul3A_565 : i32
        %swap3A_567 = arith.index_cast %mul3A_566 : i32 to index
        %swap3A_568 = tpu.vector_load %arg7[%swap3A_567] {strides = array<i32>} : memref<9216xf32, #tpu.memory_space<vmem>>, vector<16xf32>,
        tpu.vector_store %arg7[%swap3A_567], %broadcast_in_dim3A_2 {strides = array<i32>} : memref<9216xf32, #tpu.memory_space<vmem>>, vector<16xf32>,
        %swap3A_569 = arith.index_cast %mul3A_566 : i32 to index
        %swap3A_570 = tpu.vector_load %arg8[%swap3A_569] {strides = array<i32>} : memref<9216xf32, #tpu.memory_space<vmem>>, vector<16xf32>,
        tpu.vector_store %arg8[%swap3A_569], %broadcast_in_dim3A_2 {strides = array<i32>} : memref<9216xf32, #tpu.memory_space<vmem>>, vector<16xf32>,
        %swap3A_571 = arith.index_cast %mul3A_566 : i32 to index
        %swap3A_572 = tpu.vector_load %arg9[%swap3A_571] {strides = array<i32>} : memref<9216xf32, #tpu.memory_space<vmem>>, vector<16xf32>,
        tpu.vector_store %arg9[%swap3A_571], %broadcast_in_dim3A_2 {strides = array<i32>} : memref<9216xf32, #tpu.memory_space<vmem>>, vector<16xf32>,
        %mul3A_573 = arith.constant 6 : i32
        %mul3A_574 = arith.muli %scan3A_523, %mul3A_573 : i32
        %add3A_575 = arith.constant 4 : i32
        %add3A_576 = arith.addi %mul3A_574, %add3A_575 : i32
        %mul3A_577 = arith.constant 16 : i32
        %mul3A_578 = arith.muli %add3A_576, %mul3A_577 : i32
        %swap3A_579 = arith.index_cast %mul3A_578 : i32 to index
        %swap3A_580 = tpu.vector_load %arg7[%swap3A_579] {strides = array<i32>} : memref<9216xf32, #tpu.memory_space<vmem>>, vector<16xf32>,
        tpu.vector_store %arg7[%swap3A_579], %broadcast_in_dim3A_2 {strides = array<i32>} : memref<9216xf32, #tpu.memory_space<vmem>>, vector<16xf32>,
        %swap3A_581 = arith.index_cast %mul3A_578 : i32 to index
        %swap3A_582 = tpu.vector_load %arg8[%swap3A_581] {strides = array<i32>} : memref<9216xf32, #tpu.memory_space<vmem>>, vector<16xf32>,
        tpu.vector_store %arg8[%swap3A_581], %broadcast_in_dim3A_2 {strides = array<i32>} : memref<9216xf32, #tpu.memory_space<vmem>>, vector<16xf32>,
        %swap3A_583 = arith.index_cast %mul3A_578 : i32 to index
        %swap3A_584 = tpu.vector_load %arg9[%swap3A_583] {strides = array<i32>} : memref<9216xf32, #tpu.memory_space<vmem>>, vector<16xf32>,
        tpu.vector_store %arg9[%swap3A_583], %broadcast_in_dim3A_2 {strides = array<i32>} : memref<9216xf32, #tpu.memory_space<vmem>>, vector<16xf32>,
        %mul3A_585 = arith.constant 6 : i32
        %mul3A_586 = arith.muli %scan3A_523, %mul3A_585 : i32
        %add3A_587 = arith.constant 5 : i32
        %add3A_588 = arith.addi %mul3A_586, %add3A_587 : i32
        %mul3A_589 = arith.constant 16 : i32
        %mul3A_590 = arith.muli %add3A_588, %mul3A_589 : i32
        %swap3A_591 = arith.index_cast %mul3A_590 : i32 to index
        %swap3A_592 = tpu.vector_load %arg7[%swap3A_591] {strides = array<i32>} : memref<9216xf32, #tpu.memory_space<vmem>>, vector<16xf32>,
        tpu.vector_store %arg7[%swap3A_591], %broadcast_in_dim3A_2 {strides = array<i32>} : memref<9216xf32, #tpu.memory_space<vmem>>, vector<16xf32>,
        %swap3A_593 = arith.index_cast %mul3A_590 : i32 to index
        %swap3A_594 = tpu.vector_load %arg8[%swap3A_593] {strides = array<i32>} : memref<9216xf32, #tpu.memory_space<vmem>>, vector<16xf32>,
        tpu.vector_store %arg8[%swap3A_593], %broadcast_in_dim3A_2 {strides = array<i32>} : memref<9216xf32, #tpu.memory_space<vmem>>, vector<16xf32>,
        %swap3A_595 = arith.index_cast %mul3A_590 : i32 to index
        %swap3A_596 = tpu.vector_load %arg9[%swap3A_595] {strides = array<i32>} : memref<9216xf32, #tpu.memory_space<vmem>>, vector<16xf32>,
        tpu.vector_store %arg9[%swap3A_595], %broadcast_in_dim3A_2 {strides = array<i32>} : memref<9216xf32, #tpu.memory_space<vmem>>, vector<16xf32>,
        %scan3A_597 = arith.constant 0 : i32
        scf.yield %scan3A_597 : i32
      }
      %scan3A_515 = arith.constant 96 : i32
      %scan3A_516 = arith.constant 0 : i32
      %scan3A_517 = arith.constant 0 : i32
      %scan3A_518 = arith.constant 12 : i32
      %scan3A_519 = arith.addi %scan3A_517, %scan3A_518 : i32
      %scan3A_520 = arith.constant 1 : i32
      %scan3A_521 = scf.for %scan3A_523 = %scan3A_517 to %scan3A_519 step %scan3A_520 iter_args(%scan3A_524 = %scan3A_516) -> (i32)  : i32 {
        %mul3A_525 = arith.constant 32 : i32
        %mul3A_526 = arith.muli %scan3A_523, %mul3A_525 : i32
        %multiple_of3A_527 = tpu.assume_multiple %mul3A_526, 8 : i32
        %run_scoped3A_528 = arith.constant 6 : i32
        "tpu.region"() ({
          %run_scoped3A_546 = tpu.sem_alloc : memref<!tpu.dma_semaphore, #tpu.memory_space<semaphore_mem>>
          %dma_start3A_547 = arith.constant 0 : i32
          %dma_start3A_548 = arith.constant 0 : i32
          %dma_start3A_549 = tpu.memref_slice %arg4[%dma_start3A_547, %dma_start3A_548] : memref<40x384xf32, #tpu.memory_space<vmem>> -> memref<32x384xf32, #tpu.memory_space<vmem>>
          %dma_start3A_550 = arith.constant 0 : i32
          %dma_start3A_551 = tpu.memref_slice %arg2[%add3A_332, %run_scoped3A_528, %multiple_of3A_527, %dma_start3A_550] : memref<4x8x384x384xf32, #tpu.memory_space<hbm>> -> memref<1x1x32x384xf32, #tpu.memory_space<hbm>>
          %dma_start3A_552 = tpu.memref_squeeze %dma_start3A_551 : memref<1x1x32x384xf32, #tpu.memory_space<hbm>> -> memref<32x384xf32, #tpu.memory_space<hbm>>
          %dma_start3A_553 = arith.constant 0 : i32
          %dma_start3A_554 = arith.constant 0 : i32
          %dma_start3A_555 = tpu.memref_slice %arg4[%dma_start3A_553, %dma_start3A_554] : memref<40x384xf32, #tpu.memory_space<vmem>> -> memref<32x384xf32, #tpu.memory_space<vmem>>
          %dma_start3A_556 = arith.constant 0 : i32
          %dma_start3A_557 = tpu.memref_slice %arg2[%add3A_332, %run_scoped3A_528, %multiple_of3A_527, %dma_start3A_556] : memref<4x8x384x384xf32, #tpu.memory_space<hbm>> -> memref<1x1x32x384xf32, #tpu.memory_space<hbm>>
          %dma_start3A_558 = tpu.memref_squeeze %dma_start3A_557 : memref<1x1x32x384xf32, #tpu.memory_space<hbm>> -> memref<32x384xf32, #tpu.memory_space<hbm>>
          tpu.enqueue_dma source(%dma_start3A_558 : memref<32x384xf32, #tpu.memory_space<hbm>>) target(%dma_start3A_555 : memref<32x384xf32, #tpu.memory_space<vmem>>) target_semaphore(%run_scoped3A_546 : memref<!tpu.dma_semaphore, #tpu.memory_space<semaphore_mem>>)
          %dma_wait3A_559 = arith.constant 0 : i32
          %dma_wait3A_560 = arith.constant 0 : i32
          %dma_wait3A_561 = tpu.memref_slice %arg4[%dma_wait3A_559, %dma_wait3A_560] : memref<40x384xf32, #tpu.memory_space<vmem>> -> memref<32x384xf32, #tpu.memory_space<vmem>>
          %dma_wait3A_562 = arith.constant 0 : i32
          %dma_wait3A_563 = tpu.memref_slice %arg2[%add3A_332, %run_scoped3A_528, %multiple_of3A_527, %dma_wait3A_562] : memref<4x8x384x384xf32, #tpu.memory_space<hbm>> -> memref<1x1x32x384xf32, #tpu.memory_space<hbm>>
          %dma_wait3A_564 = tpu.memref_squeeze %dma_wait3A_563 : memref<1x1x32x384xf32, #tpu.memory_space<hbm>> -> memref<32x384xf32, #tpu.memory_space<hbm>>
          %dma_wait3A_565 = arith.constant 0 : i32
          %dma_wait3A_566 = arith.constant 0 : i32
          %dma_wait3A_567 = tpu.memref_slice %arg4[%dma_wait3A_565, %dma_wait3A_566] : memref<40x384xf32, #tpu.memory_space<vmem>> -> memref<32x384xf32, #tpu.memory_space<vmem>>
          %dma_wait3A_568 = arith.constant 0 : i32
          %dma_wait3A_569 = tpu.memref_slice %arg2[%add3A_332, %run_scoped3A_528, %multiple_of3A_527, %dma_wait3A_568] : memref<4x8x384x384xf32, #tpu.memory_space<hbm>> -> memref<1x1x32x384xf32, #tpu.memory_space<hbm>>
          %dma_wait3A_570 = tpu.memref_squeeze %dma_wait3A_569 : memref<1x1x32x384xf32, #tpu.memory_space<hbm>> -> memref<32x384xf32, #tpu.memory_space<hbm>>
          tpu.wait_dma2 semaphore(%run_scoped3A_546 : memref<!tpu.dma_semaphore, #tpu.memory_space<semaphore_mem>>) src(%dma_wait3A_570 : memref<32x384xf32, #tpu.memory_space<hbm>>) dst(%dma_wait3A_567 : memref<32x384xf32, #tpu.memory_space<vmem>>)
          tpu.yield
        }) : () -> ()
        %run_scoped3A_529 = arith.constant 7 : i32
        "tpu.region"() ({
          %run_scoped3A_546 = tpu.sem_alloc : memref<!tpu.dma_semaphore, #tpu.memory_space<semaphore_mem>>
          %dma_start3A_547 = arith.constant 0 : i32
          %dma_start3A_548 = arith.constant 0 : i32
          %dma_start3A_549 = tpu.memref_slice %arg5[%dma_start3A_547, %dma_start3A_548] : memref<40x384xf32, #tpu.memory_space<vmem>> -> memref<32x384xf32, #tpu.memory_space<vmem>>
          %dma_start3A_550 = arith.constant 0 : i32
          %dma_start3A_551 = tpu.memref_slice %arg2[%add3A_332, %run_scoped3A_529, %multiple_of3A_527, %dma_start3A_550] : memref<4x8x384x384xf32, #tpu.memory_space<hbm>> -> memref<1x1x32x384xf32, #tpu.memory_space<hbm>>
          %dma_start3A_552 = tpu.memref_squeeze %dma_start3A_551 : memref<1x1x32x384xf32, #tpu.memory_space<hbm>> -> memref<32x384xf32, #tpu.memory_space<hbm>>
          %dma_start3A_553 = arith.constant 0 : i32
          %dma_start3A_554 = arith.constant 0 : i32
          %dma_start3A_555 = tpu.memref_slice %arg5[%dma_start3A_553, %dma_start3A_554] : memref<40x384xf32, #tpu.memory_space<vmem>> -> memref<32x384xf32, #tpu.memory_space<vmem>>
          %dma_start3A_556 = arith.constant 0 : i32
          %dma_start3A_557 = tpu.memref_slice %arg2[%add3A_332, %run_scoped3A_529, %multiple_of3A_527, %dma_start3A_556] : memref<4x8x384x384xf32, #tpu.memory_space<hbm>> -> memref<1x1x32x384xf32, #tpu.memory_space<hbm>>
          %dma_start3A_558 = tpu.memref_squeeze %dma_start3A_557 : memref<1x1x32x384xf32, #tpu.memory_space<hbm>> -> memref<32x384xf32, #tpu.memory_space<hbm>>
          tpu.enqueue_dma source(%dma_start3A_558 : memref<32x384xf32, #tpu.memory_space<hbm>>) target(%dma_start3A_555 : memref<32x384xf32, #tpu.memory_space<vmem>>) target_semaphore(%run_scoped3A_546 : memref<!tpu.dma_semaphore, #tpu.memory_space<semaphore_mem>>)
          %dma_wait3A_559 = arith.constant 0 : i32
          %dma_wait3A_560 = arith.constant 0 : i32
          %dma_wait3A_561 = tpu.memref_slice %arg5[%dma_wait3A_559, %dma_wait3A_560] : memref<40x384xf32, #tpu.memory_space<vmem>> -> memref<32x384xf32, #tpu.memory_space<vmem>>
          %dma_wait3A_562 = arith.constant 0 : i32
          %dma_wait3A_563 = tpu.memref_slice %arg2[%add3A_332, %run_scoped3A_529, %multiple_of3A_527, %dma_wait3A_562] : memref<4x8x384x384xf32, #tpu.memory_space<hbm>> -> memref<1x1x32x384xf32, #tpu.memory_space<hbm>>
          %dma_wait3A_564 = tpu.memref_squeeze %dma_wait3A_563 : memref<1x1x32x384xf32, #tpu.memory_space<hbm>> -> memref<32x384xf32, #tpu.memory_space<hbm>>
          %dma_wait3A_565 = arith.constant 0 : i32
          %dma_wait3A_566 = arith.constant 0 : i32
          %dma_wait3A_567 = tpu.memref_slice %arg5[%dma_wait3A_565, %dma_wait3A_566] : memref<40x384xf32, #tpu.memory_space<vmem>> -> memref<32x384xf32, #tpu.memory_space<vmem>>
          %dma_wait3A_568 = arith.constant 0 : i32
          %dma_wait3A_569 = tpu.memref_slice %arg2[%add3A_332, %run_scoped3A_529, %multiple_of3A_527, %dma_wait3A_568] : memref<4x8x384x384xf32, #tpu.memory_space<hbm>> -> memref<1x1x32x384xf32, #tpu.memory_space<hbm>>
          %dma_wait3A_570 = tpu.memref_squeeze %dma_wait3A_569 : memref<1x1x32x384xf32, #tpu.memory_space<hbm>> -> memref<32x384xf32, #tpu.memory_space<hbm>>
          tpu.wait_dma2 semaphore(%run_scoped3A_546 : memref<!tpu.dma_semaphore, #tpu.memory_space<semaphore_mem>>) src(%dma_wait3A_570 : memref<32x384xf32, #tpu.memory_space<hbm>>) dst(%dma_wait3A_567 : memref<32x384xf32, #tpu.memory_space<vmem>>)
          tpu.yield
        }) : () -> ()
        %run_scoped3A_530 = arith.constant 0 : i32
        %run_scoped3A_531 = arith.constant 0 : i32
        "tpu.region"() ({
          %run_scoped3A_546 = tpu.sem_alloc : memref<!tpu.dma_semaphore, #tpu.memory_space<semaphore_mem>>
          %dma_start3A_547 = arith.constant 0 : i32
          %dma_start3A_548 = arith.constant 0 : i32
          %dma_start3A_549 = tpu.memref_slice %arg6[%run_scoped3A_531, %dma_start3A_547, %dma_start3A_548] : memref<3x40x384xf32, #tpu.memory_space<vmem>> -> memref<1x32x384xf32, #tpu.memory_space<vmem>>
          %dma_start3A_550 = tpu.memref_squeeze %dma_start3A_549 : memref<1x32x384xf32, #tpu.memory_space<vmem>> -> memref<32x384xf32, #tpu.memory_space<vmem>>
          %dma_start3A_551 = arith.constant 0 : i32
          %dma_start3A_552 = tpu.memref_slice %arg2[%add3A_332, %run_scoped3A_530, %multiple_of3A_527, %dma_start3A_551] : memref<4x8x384x384xf32, #tpu.memory_space<hbm>> -> memref<1x1x32x384xf32, #tpu.memory_space<hbm>>
          %dma_start3A_553 = tpu.memref_squeeze %dma_start3A_552 : memref<1x1x32x384xf32, #tpu.memory_space<hbm>> -> memref<32x384xf32, #tpu.memory_space<hbm>>
          %dma_start3A_554 = arith.constant 0 : i32
          %dma_start3A_555 = arith.constant 0 : i32
          %dma_start3A_556 = tpu.memref_slice %arg6[%run_scoped3A_531, %dma_start3A_554, %dma_start3A_555] : memref<3x40x384xf32, #tpu.memory_space<vmem>> -> memref<1x32x384xf32, #tpu.memory_space<vmem>>
          %dma_start3A_557 = tpu.memref_squeeze %dma_start3A_556 : memref<1x32x384xf32, #tpu.memory_space<vmem>> -> memref<32x384xf32, #tpu.memory_space<vmem>>
          %dma_start3A_558 = arith.constant 0 : i32
          %dma_start3A_559 = tpu.memref_slice %arg2[%add3A_332, %run_scoped3A_530, %multiple_of3A_527, %dma_start3A_558] : memref<4x8x384x384xf32, #tpu.memory_space<hbm>> -> memref<1x1x32x384xf32, #tpu.memory_space<hbm>>
          %dma_start3A_560 = tpu.memref_squeeze %dma_start3A_559 : memref<1x1x32x384xf32, #tpu.memory_space<hbm>> -> memref<32x384xf32, #tpu.memory_space<hbm>>
          tpu.enqueue_dma source(%dma_start3A_560 : memref<32x384xf32, #tpu.memory_space<hbm>>) target(%dma_start3A_557 : memref<32x384xf32, #tpu.memory_space<vmem>>) target_semaphore(%run_scoped3A_546 : memref<!tpu.dma_semaphore, #tpu.memory_space<semaphore_mem>>)
          %dma_wait3A_561 = arith.constant 0 : i32
          %dma_wait3A_562 = arith.constant 0 : i32
          %dma_wait3A_563 = tpu.memref_slice %arg6[%run_scoped3A_531, %dma_wait3A_561, %dma_wait3A_562] : memref<3x40x384xf32, #tpu.memory_space<vmem>> -> memref<1x32x384xf32, #tpu.memory_space<vmem>>
          %dma_wait3A_564 = tpu.memref_squeeze %dma_wait3A_563 : memref<1x32x384xf32, #tpu.memory_space<vmem>> -> memref<32x384xf32, #tpu.memory_space<vmem>>
          %dma_wait3A_565 = arith.constant 0 : i32
          %dma_wait3A_566 = tpu.memref_slice %arg2[%add3A_332, %run_scoped3A_530, %multiple_of3A_527, %dma_wait3A_565] : memref<4x8x384x384xf32, #tpu.memory_space<hbm>> -> memref<1x1x32x384xf32, #tpu.memory_space<hbm>>
          %dma_wait3A_567 = tpu.memref_squeeze %dma_wait3A_566 : memref<1x1x32x384xf32, #tpu.memory_space<hbm>> -> memref<32x384xf32, #tpu.memory_space<hbm>>
          %dma_wait3A_568 = arith.constant 0 : i32
          %dma_wait3A_569 = arith.constant 0 : i32
          %dma_wait3A_570 = tpu.memref_slice %arg6[%run_scoped3A_531, %dma_wait3A_568, %dma_wait3A_569] : memref<3x40x384xf32, #tpu.memory_space<vmem>> -> memref<1x32x384xf32, #tpu.memory_space<vmem>>
          %dma_wait3A_571 = tpu.memref_squeeze %dma_wait3A_570 : memref<1x32x384xf32, #tpu.memory_space<vmem>> -> memref<32x384xf32, #tpu.memory_space<vmem>>
          %dma_wait3A_572 = arith.constant 0 : i32
          %dma_wait3A_573 = tpu.memref_slice %arg2[%add3A_332, %run_scoped3A_530, %multiple_of3A_527, %dma_wait3A_572] : memref<4x8x384x384xf32, #tpu.memory_space<hbm>> -> memref<1x1x32x384xf32, #tpu.memory_space<hbm>>
          %dma_wait3A_574 = tpu.memref_squeeze %dma_wait3A_573 : memref<1x1x32x384xf32, #tpu.memory_space<hbm>> -> memref<32x384xf32, #tpu.memory_space<hbm>>
          tpu.wait_dma2 semaphore(%run_scoped3A_546 : memref<!tpu.dma_semaphore, #tpu.memory_space<semaphore_mem>>) src(%dma_wait3A_574 : memref<32x384xf32, #tpu.memory_space<hbm>>) dst(%dma_wait3A_571 : memref<32x384xf32, #tpu.memory_space<vmem>>)
          tpu.yield
        }) : () -> ()
        %run_scoped3A_532 = arith.constant 1 : i32
        %run_scoped3A_533 = arith.constant 1 : i32
        "tpu.region"() ({
          %run_scoped3A_546 = tpu.sem_alloc : memref<!tpu.dma_semaphore, #tpu.memory_space<semaphore_mem>>
          %dma_start3A_547 = arith.constant 0 : i32
          %dma_start3A_548 = arith.constant 0 : i32
          %dma_start3A_549 = tpu.memref_slice %arg6[%run_scoped3A_533, %dma_start3A_547, %dma_start3A_548] : memref<3x40x384xf32, #tpu.memory_space<vmem>> -> memref<1x32x384xf32, #tpu.memory_space<vmem>>
          %dma_start3A_550 = tpu.memref_squeeze %dma_start3A_549 : memref<1x32x384xf32, #tpu.memory_space<vmem>> -> memref<32x384xf32, #tpu.memory_space<vmem>>
          %dma_start3A_551 = arith.constant 0 : i32
          %dma_start3A_552 = tpu.memref_slice %arg2[%add3A_332, %run_scoped3A_532, %multiple_of3A_527, %dma_start3A_551] : memref<4x8x384x384xf32, #tpu.memory_space<hbm>> -> memref<1x1x32x384xf32, #tpu.memory_space<hbm>>
          %dma_start3A_553 = tpu.memref_squeeze %dma_start3A_552 : memref<1x1x32x384xf32, #tpu.memory_space<hbm>> -> memref<32x384xf32, #tpu.memory_space<hbm>>
          %dma_start3A_554 = arith.constant 0 : i32
          %dma_start3A_555 = arith.constant 0 : i32
          %dma_start3A_556 = tpu.memref_slice %arg6[%run_scoped3A_533, %dma_start3A_554, %dma_start3A_555] : memref<3x40x384xf32, #tpu.memory_space<vmem>> -> memref<1x32x384xf32, #tpu.memory_space<vmem>>
          %dma_start3A_557 = tpu.memref_squeeze %dma_start3A_556 : memref<1x32x384xf32, #tpu.memory_space<vmem>> -> memref<32x384xf32, #tpu.memory_space<vmem>>
          %dma_start3A_558 = arith.constant 0 : i32
          %dma_start3A_559 = tpu.memref_slice %arg2[%add3A_332, %run_scoped3A_532, %multiple_of3A_527, %dma_start3A_558] : memref<4x8x384x384xf32, #tpu.memory_space<hbm>> -> memref<1x1x32x384xf32, #tpu.memory_space<hbm>>
          %dma_start3A_560 = tpu.memref_squeeze %dma_start3A_559 : memref<1x1x32x384xf32, #tpu.memory_space<hbm>> -> memref<32x384xf32, #tpu.memory_space<hbm>>
          tpu.enqueue_dma source(%dma_start3A_560 : memref<32x384xf32, #tpu.memory_space<hbm>>) target(%dma_start3A_557 : memref<32x384xf32, #tpu.memory_space<vmem>>) target_semaphore(%run_scoped3A_546 : memref<!tpu.dma_semaphore, #tpu.memory_space<semaphore_mem>>)
          %dma_wait3A_561 = arith.constant 0 : i32
          %dma_wait3A_562 = arith.constant 0 : i32
          %dma_wait3A_563 = tpu.memref_slice %arg6[%run_scoped3A_533, %dma_wait3A_561, %dma_wait3A_562] : memref<3x40x384xf32, #tpu.memory_space<vmem>> -> memref<1x32x384xf32, #tpu.memory_space<vmem>>
          %dma_wait3A_564 = tpu.memref_squeeze %dma_wait3A_563 : memref<1x32x384xf32, #tpu.memory_space<vmem>> -> memref<32x384xf32, #tpu.memory_space<vmem>>
          %dma_wait3A_565 = arith.constant 0 : i32
          %dma_wait3A_566 = tpu.memref_slice %arg2[%add3A_332, %run_scoped3A_532, %multiple_of3A_527, %dma_wait3A_565] : memref<4x8x384x384xf32, #tpu.memory_space<hbm>> -> memref<1x1x32x384xf32, #tpu.memory_space<hbm>>
          %dma_wait3A_567 = tpu.memref_squeeze %dma_wait3A_566 : memref<1x1x32x384xf32, #tpu.memory_space<hbm>> -> memref<32x384xf32, #tpu.memory_space<hbm>>
          %dma_wait3A_568 = arith.constant 0 : i32
          %dma_wait3A_569 = arith.constant 0 : i32
          %dma_wait3A_570 = tpu.memref_slice %arg6[%run_scoped3A_533, %dma_wait3A_568, %dma_wait3A_569] : memref<3x40x384xf32, #tpu.memory_space<vmem>> -> memref<1x32x384xf32, #tpu.memory_space<vmem>>
          %dma_wait3A_571 = tpu.memref_squeeze %dma_wait3A_570 : memref<1x32x384xf32, #tpu.memory_space<vmem>> -> memref<32x384xf32, #tpu.memory_space<vmem>>
          %dma_wait3A_572 = arith.constant 0 : i32
          %dma_wait3A_573 = tpu.memref_slice %arg2[%add3A_332, %run_scoped3A_532, %multiple_of3A_527, %dma_wait3A_572] : memref<4x8x384x384xf32, #tpu.memory_space<hbm>> -> memref<1x1x32x384xf32, #tpu.memory_space<hbm>>
          %dma_wait3A_574 = tpu.memref_squeeze %dma_wait3A_573 : memref<1x1x32x384xf32, #tpu.memory_space<hbm>> -> memref<32x384xf32, #tpu.memory_space<hbm>>
          tpu.wait_dma2 semaphore(%run_scoped3A_546 : memref<!tpu.dma_semaphore, #tpu.memory_space<semaphore_mem>>) src(%dma_wait3A_574 : memref<32x384xf32, #tpu.memory_space<hbm>>) dst(%dma_wait3A_571 : memref<32x384xf32, #tpu.memory_space<vmem>>)
          tpu.yield
        }) : () -> ()
        %run_scoped3A_534 = arith.constant 2 : i32
        %run_scoped3A_535 = arith.constant 2 : i32
        "tpu.region"() ({
          %run_scoped3A_546 = tpu.sem_alloc : memref<!tpu.dma_semaphore, #tpu.memory_space<semaphore_mem>>
          %dma_start3A_547 = arith.constant 0 : i32
          %dma_start3A_548 = arith.constant 0 : i32
          %dma_start3A_549 = tpu.memref_slice %arg6[%run_scoped3A_535, %dma_start3A_547, %dma_start3A_548] : memref<3x40x384xf32, #tpu.memory_space<vmem>> -> memref<1x32x384xf32, #tpu.memory_space<vmem>>
          %dma_start3A_550 = tpu.memref_squeeze %dma_start3A_549 : memref<1x32x384xf32, #tpu.memory_space<vmem>> -> memref<32x384xf32, #tpu.memory_space<vmem>>
          %dma_start3A_551 = arith.constant 0 : i32
          %dma_start3A_552 = tpu.memref_slice %arg2[%add3A_332, %run_scoped3A_534, %multiple_of3A_527, %dma_start3A_551] : memref<4x8x384x384xf32, #tpu.memory_space<hbm>> -> memref<1x1x32x384xf32, #tpu.memory_space<hbm>>
          %dma_start3A_553 = tpu.memref_squeeze %dma_start3A_552 : memref<1x1x32x384xf32, #tpu.memory_space<hbm>> -> memref<32x384xf32, #tpu.memory_space<hbm>>
          %dma_start3A_554 = arith.constant 0 : i32
          %dma_start3A_555 = arith.constant 0 : i32
          %dma_start3A_556 = tpu.memref_slice %arg6[%run_scoped3A_535, %dma_start3A_554, %dma_start3A_555] : memref<3x40x384xf32, #tpu.memory_space<vmem>> -> memref<1x32x384xf32, #tpu.memory_space<vmem>>
          %dma_start3A_557 = tpu.memref_squeeze %dma_start3A_556 : memref<1x32x384xf32, #tpu.memory_space<vmem>> -> memref<32x384xf32, #tpu.memory_space<vmem>>
          %dma_start3A_558 = arith.constant 0 : i32
          %dma_start3A_559 = tpu.memref_slice %arg2[%add3A_332, %run_scoped3A_534, %multiple_of3A_527, %dma_start3A_558] : memref<4x8x384x384xf32, #tpu.memory_space<hbm>> -> memref<1x1x32x384xf32, #tpu.memory_space<hbm>>
          %dma_start3A_560 = tpu.memref_squeeze %dma_start3A_559 : memref<1x1x32x384xf32, #tpu.memory_space<hbm>> -> memref<32x384xf32, #tpu.memory_space<hbm>>
          tpu.enqueue_dma source(%dma_start3A_560 : memref<32x384xf32, #tpu.memory_space<hbm>>) target(%dma_start3A_557 : memref<32x384xf32, #tpu.memory_space<vmem>>) target_semaphore(%run_scoped3A_546 : memref<!tpu.dma_semaphore, #tpu.memory_space<semaphore_mem>>)
          %dma_wait3A_561 = arith.constant 0 : i32
          %dma_wait3A_562 = arith.constant 0 : i32
          %dma_wait3A_563 = tpu.memref_slice %arg6[%run_scoped3A_535, %dma_wait3A_561, %dma_wait3A_562] : memref<3x40x384xf32, #tpu.memory_space<vmem>> -> memref<1x32x384xf32, #tpu.memory_space<vmem>>
          %dma_wait3A_564 = tpu.memref_squeeze %dma_wait3A_563 : memref<1x32x384xf32, #tpu.memory_space<vmem>> -> memref<32x384xf32, #tpu.memory_space<vmem>>
          %dma_wait3A_565 = arith.constant 0 : i32
          %dma_wait3A_566 = tpu.memref_slice %arg2[%add3A_332, %run_scoped3A_534, %multiple_of3A_527, %dma_wait3A_565] : memref<4x8x384x384xf32, #tpu.memory_space<hbm>> -> memref<1x1x32x384xf32, #tpu.memory_space<hbm>>
          %dma_wait3A_567 = tpu.memref_squeeze %dma_wait3A_566 : memref<1x1x32x384xf32, #tpu.memory_space<hbm>> -> memref<32x384xf32, #tpu.memory_space<hbm>>
          %dma_wait3A_568 = arith.constant 0 : i32
          %dma_wait3A_569 = arith.constant 0 : i32
          %dma_wait3A_570 = tpu.memref_slice %arg6[%run_scoped3A_535, %dma_wait3A_568, %dma_wait3A_569] : memref<3x40x384xf32, #tpu.memory_space<vmem>> -> memref<1x32x384xf32, #tpu.memory_space<vmem>>
          %dma_wait3A_571 = tpu.memref_squeeze %dma_wait3A_570 : memref<1x32x384xf32, #tpu.memory_space<vmem>> -> memref<32x384xf32, #tpu.memory_space<vmem>>
          %dma_wait3A_572 = arith.constant 0 : i32
          %dma_wait3A_573 = tpu.memref_slice %arg2[%add3A_332, %run_scoped3A_534, %multiple_of3A_527, %dma_wait3A_572] : memref<4x8x384x384xf32, #tpu.memory_space<hbm>> -> memref<1x1x32x384xf32, #tpu.memory_space<hbm>>
          %dma_wait3A_574 = tpu.memref_squeeze %dma_wait3A_573 : memref<1x1x32x384xf32, #tpu.memory_space<hbm>> -> memref<32x384xf32, #tpu.memory_space<hbm>>
          tpu.wait_dma2 semaphore(%run_scoped3A_546 : memref<!tpu.dma_semaphore, #tpu.memory_space<semaphore_mem>>) src(%dma_wait3A_574 : memref<32x384xf32, #tpu.memory_space<hbm>>) dst(%dma_wait3A_571 : memref<32x384xf32, #tpu.memory_space<vmem>>)
          tpu.yield
        }) : () -> ()
        %mul3A_536 = arith.constant 32 : i32
        %mul3A_537 = arith.muli %scan3A_523, %mul3A_536 : i32
        %scan3A_538 = arith.constant 0 : i32
        %scan3A_539 = arith.constant 0 : i32
        %scan3A_540 = arith.constant 32 : i32
        %scan3A_541 = arith.addi %scan3A_539, %scan3A_540 : i32
        %scan3A_542 = arith.constant 1 : i32
        %scan3A_543 = scf.for %scan3A_546 = %scan3A_539 to %scan3A_541 step %scan3A_542 iter_args(%scan3A_547 = %scan3A_538) -> (i32)  : i32 {
          %scan3A_548 = arith.constant 0 : i32
          %scan3A_549 = arith.constant 0 : i32
          %scan3A_550 = arith.constant 24 : i32
          %scan3A_551 = arith.addi %scan3A_549, %scan3A_550 : i32
          %scan3A_552 = arith.constant 1 : i32
          %scan3A_553 = scf.for %scan3A_555 = %scan3A_549 to %scan3A_551 step %scan3A_552 iter_args(%scan3A_556 = %scan3A_548) -> (i32)  : i32 {
            %add3A_557 = arith.addi %mul3A_537, %scan3A_546 : i32
            %convert_element_type3A_558 = arith.sitofp %add3A_557 : i32 to f32
            %mul3A_559 = arith.constant 16 : i32
            %mul3A_560 = arith.muli %scan3A_555, %mul3A_559 : i32
            %get3A = arith.index_cast %scan3A_546 : i32 to index
            %get3A_561 = arith.index_cast %mul3A_560 : i32 to index
            %get3A_562 = tpu.vector_load %arg4[%get3A, %get3A_561] {strides = array<i32>} : memref<40x384xf32, #tpu.memory_space<vmem>>, vector<16xf32>,
            %get3A_563 = arith.index_cast %scan3A_546 : i32 to index
            %get3A_564 = arith.index_cast %mul3A_560 : i32 to index
            %get3A_565 = tpu.vector_load %arg5[%get3A_563, %get3A_564] {strides = array<i32>} : memref<40x384xf32, #tpu.memory_space<vmem>>, vector<16xf32>,
            %convert_element_type3A_566 = arith.sitofp %mul3A_560 : i32 to f32
            %add3A_567 = vector.broadcast %convert_element_type3A_566 : f32 to vector<16xf32>
            %add3A_568 = arith.addf %add3A_567, %convert_element_type3A_1 : vector<16xf32>
            %add3A_569 = vector.broadcast %convert_element_type3A_558 : f32 to vector<16xf32>
            %add3A_570 = arith.addf %get3A_565, %add3A_569 : vector<16xf32>
            %add3A_571 = arith.constant 0x4B400000 : f32
            %add3A_572 = vector.broadcast %add3A_571 : f32 to vector<16xf32>
            %add3A_573 = arith.addf %add3A_570, %add3A_572 : vector<16xf32>
            %sub3A_574 = arith.constant 0x4B400000 : f32
            %sub3A_575 = vector.broadcast %sub3A_574 : f32 to vector<16xf32>
            %sub3A_576 = arith.subf %add3A_573, %sub3A_575 : vector<16xf32>
            %add3A_577 = arith.addf %get3A_562, %add3A_568 : vector<16xf32>
            %add3A_578 = arith.constant 0x4B400000 : f32
            %add3A_579 = vector.broadcast %add3A_578 : f32 to vector<16xf32>
            %add3A_580 = arith.addf %add3A_577, %add3A_579 : vector<16xf32>
            %sub3A_581 = arith.constant 0x4B400000 : f32
            %sub3A_582 = vector.broadcast %sub3A_581 : f32 to vector<16xf32>
            %sub3A_583 = arith.subf %add3A_580, %sub3A_582 : vector<16xf32>
            %ge3A = arith.constant 0.000000e+00 : f32
            %ge3A_584 = vector.broadcast %ge3A : f32 to vector<16xf32>
            %ge3A_585 = arith.cmpf oge, %sub3A_583, %ge3A_584 : vector<16xf32>
            %lt3A = arith.constant 3.840000e+02 : f32
            %lt3A_586 = vector.broadcast %lt3A : f32 to vector<16xf32>
            %lt3A_587 = arith.cmpf olt, %sub3A_583, %lt3A_586 : vector<16xf32>
            %and3A = arith.andi %ge3A_585, %lt3A_587 : vector<16xi1>
            %ge3A_588 = vector.broadcast %convert_element_type3A : f32 to vector<16xf32>
            %ge3A_589 = arith.cmpf oge, %sub3A_576, %ge3A_588 : vector<16xf32>
            %add3A_590 = arith.constant 2.400000e+01 : f32
            %add3A_591 = arith.addf %convert_element_type3A, %add3A_590 : f32
            %lt3A_592 = vector.broadcast %add3A_591 : f32 to vector<16xf32>
            %lt3A_593 = arith.cmpf olt, %sub3A_576, %lt3A_592 : vector<16xf32>
            %and3A_594 = arith.andi %ge3A_589, %lt3A_593 : vector<16xi1>
            %and3A_595 = arith.andi %and3A_594, %and3A : vector<16xi1>
            %convert_element_type3A_596 = arith.fptosi %sub3A_576 : vector<16xf32> to vector<16xi32>
            %sub3A_597 = vector.broadcast %mul3A_0 : i32 to vector<16xi32>
            %sub3A_598 = arith.subi %convert_element_type3A_596, %sub3A_597 : vector<16xi32>
            %mul3A_599 = arith.constant 384 : i32
            %mul3A_600 = vector.broadcast %mul3A_599 : i32 to vector<16xi32>
            %mul3A_601 = arith.muli %sub3A_598, %mul3A_600 : vector<16xi32>
            %convert_element_type3A_602 = arith.fptosi %sub3A_583 : vector<16xf32> to vector<16xi32>
            %add3A_603 = arith.addi %mul3A_601, %convert_element_type3A_602 : vector<16xi32>
            %sub3A_604 = arith.constant -1 : i32
            %sub3A_605 = vector.broadcast %sub3A_604 : i32 to vector<16xi32>
            %sub3A_606 = arith.subi %sub3A_605, %iota3A : vector<16xi32>
            %select_n3A = arith.select %and3A_595, %add3A_603, %sub3A_606 : vector<16xi1>, vector<16xi32>
            %broadcast_in_dim3A_607 = arith.constant false
            %broadcast_in_dim3A_608 = vector.broadcast %broadcast_in_dim3A_607 : i1 to vector<16xi1>
            %add3A_609 = arith.constant 1 : i32
            %add3A_610 = vector.broadcast %add3A_609 : i32 to vector<16xi32>
            %add3A_611 = arith.addi %iota3A, %add3A_610 : vector<16xi32>
            %min3A_612 = arith.constant 15 : i32
            %min3A_613 = vector.broadcast %min3A_612 : i32 to vector<16xi32>
            %min3A_614 = arith.minsi %add3A_611, %min3A_613 : vector<16xi32>
            %broadcast_in_dim3A_615 = vector.shape_cast %min3A_614 : vector<16xi32> to vector<16x1xi32>
            %gather3A = vector.shape_cast %broadcast_in_dim3A_615 : vector<16x1xi32> to vector<16xi32>
            %gather3A_616 = tpu.dynamic_gather %select_n3A[%gather3A] in [0] : vector<16xi32>, vector<16xi32> -> vector<16xi32>
            %eq3A = arith.cmpi eq, %gather3A_616, %select_n3A : vector<16xi32>
            %add3A_617 = arith.constant 1 : i32
            %add3A_618 = vector.broadcast %add3A_617 : i32 to vector<16xi32>
            %add3A_619 = arith.addi %iota3A, %add3A_618 : vector<16xi32>
            %lt3A_620 = arith.constant 16 : i32
            %lt3A_621 = vector.broadcast %lt3A_620 : i32 to vector<16xi32>
            %lt3A_622 = arith.cmpi slt, %add3A_619, %lt3A_621 : vector<16xi32>
            %and3A_623 = arith.andi %eq3A, %lt3A_622 : vector<16xi1>
            %or3A_624 = arith.ori %broadcast_in_dim3A_608, %and3A_623 : vector<16xi1>
            %add3A_625 = arith.constant 2 : i32
            %add3A_626 = vector.broadcast %add3A_625 : i32 to vector<16xi32>
            %add3A_627 = arith.addi %iota3A, %add3A_626 : vector<16xi32>
            %min3A_628 = arith.constant 15 : i32
            %min3A_629 = vector.broadcast %min3A_628 : i32 to vector<16xi32>
            %min3A_630 = arith.minsi %add3A_627, %min3A_629 : vector<16xi32>
            %broadcast_in_dim3A_631 = vector.shape_cast %min3A_630 : vector<16xi32> to vector<16x1xi32>
            %gather3A_632 = vector.shape_cast %broadcast_in_dim3A_631 : vector<16x1xi32> to vector<16xi32>
            %gather3A_633 = tpu.dynamic_gather %select_n3A[%gather3A_632] in [0] : vector<16xi32>, vector<16xi32> -> vector<16xi32>
            %eq3A_634 = arith.cmpi eq, %gather3A_633, %select_n3A : vector<16xi32>
            %add3A_635 = arith.constant 2 : i32
            %add3A_636 = vector.broadcast %add3A_635 : i32 to vector<16xi32>
            %add3A_637 = arith.addi %iota3A, %add3A_636 : vector<16xi32>
            %lt3A_638 = arith.constant 16 : i32
            %lt3A_639 = vector.broadcast %lt3A_638 : i32 to vector<16xi32>
            %lt3A_640 = arith.cmpi slt, %add3A_637, %lt3A_639 : vector<16xi32>
            %and3A_641 = arith.andi %eq3A_634, %lt3A_640 : vector<16xi1>
            %or3A_642 = arith.ori %or3A_624, %and3A_641 : vector<16xi1>
            %add3A_643 = arith.constant 3 : i32
            %add3A_644 = vector.broadcast %add3A_643 : i32 to vector<16xi32>
            %add3A_645 = arith.addi %iota3A, %add3A_644 : vector<16xi32>
            %min3A_646 = arith.constant 15 : i32
            %min3A_647 = vector.broadcast %min3A_646 : i32 to vector<16xi32>
            %min3A_648 = arith.minsi %add3A_645, %min3A_647 : vector<16xi32>
            %broadcast_in_dim3A_649 = vector.shape_cast %min3A_648 : vector<16xi32> to vector<16x1xi32>
            %gather3A_650 = vector.shape_cast %broadcast_in_dim3A_649 : vector<16x1xi32> to vector<16xi32>
            %gather3A_651 = tpu.dynamic_gather %select_n3A[%gather3A_650] in [0] : vector<16xi32>, vector<16xi32> -> vector<16xi32>
            %eq3A_652 = arith.cmpi eq, %gather3A_651, %select_n3A : vector<16xi32>
            %add3A_653 = arith.constant 3 : i32
            %add3A_654 = vector.broadcast %add3A_653 : i32 to vector<16xi32>
            %add3A_655 = arith.addi %iota3A, %add3A_654 : vector<16xi32>
            %lt3A_656 = arith.constant 16 : i32
            %lt3A_657 = vector.broadcast %lt3A_656 : i32 to vector<16xi32>
            %lt3A_658 = arith.cmpi slt, %add3A_655, %lt3A_657 : vector<16xi32>
            %and3A_659 = arith.andi %eq3A_652, %lt3A_658 : vector<16xi1>
            %or3A_660 = arith.ori %or3A_642, %and3A_659 : vector<16xi1>
            %add3A_661 = arith.constant 4 : i32
            %add3A_662 = vector.broadcast %add3A_661 : i32 to vector<16xi32>
            %add3A_663 = arith.addi %iota3A, %add3A_662 : vector<16xi32>
            %min3A_664 = arith.constant 15 : i32
            %min3A_665 = vector.broadcast %min3A_664 : i32 to vector<16xi32>
            %min3A_666 = arith.minsi %add3A_663, %min3A_665 : vector<16xi32>
            %broadcast_in_dim3A_667 = vector.shape_cast %min3A_666 : vector<16xi32> to vector<16x1xi32>
            %gather3A_668 = vector.shape_cast %broadcast_in_dim3A_667 : vector<16x1xi32> to vector<16xi32>
            %gather3A_669 = tpu.dynamic_gather %select_n3A[%gather3A_668] in [0] : vector<16xi32>, vector<16xi32> -> vector<16xi32>
            %eq3A_670 = arith.cmpi eq, %gather3A_669, %select_n3A : vector<16xi32>
            %add3A_671 = arith.constant 4 : i32
            %add3A_672 = vector.broadcast %add3A_671 : i32 to vector<16xi32>
            %add3A_673 = arith.addi %iota3A, %add3A_672 : vector<16xi32>
            %lt3A_674 = arith.constant 16 : i32
            %lt3A_675 = vector.broadcast %lt3A_674 : i32 to vector<16xi32>
            %lt3A_676 = arith.cmpi slt, %add3A_673, %lt3A_675 : vector<16xi32>
            %and3A_677 = arith.andi %eq3A_670, %lt3A_676 : vector<16xi1>
            %or3A_678 = arith.ori %or3A_660, %and3A_677 : vector<16xi1>
            %add3A_679 = arith.constant 5 : i32
            %add3A_680 = vector.broadcast %add3A_679 : i32 to vector<16xi32>
            %add3A_681 = arith.addi %iota3A, %add3A_680 : vector<16xi32>
            %min3A_682 = arith.constant 15 : i32
            %min3A_683 = vector.broadcast %min3A_682 : i32 to vector<16xi32>
            %min3A_684 = arith.minsi %add3A_681, %min3A_683 : vector<16xi32>
            %broadcast_in_dim3A_685 = vector.shape_cast %min3A_684 : vector<16xi32> to vector<16x1xi32>
            %gather3A_686 = vector.shape_cast %broadcast_in_dim3A_685 : vector<16x1xi32> to vector<16xi32>
            %gather3A_687 = tpu.dynamic_gather %select_n3A[%gather3A_686] in [0] : vector<16xi32>, vector<16xi32> -> vector<16xi32>
            %eq3A_688 = arith.cmpi eq, %gather3A_687, %select_n3A : vector<16xi32>
            %add3A_689 = arith.constant 5 : i32
            %add3A_690 = vector.broadcast %add3A_689 : i32 to vector<16xi32>
            %add3A_691 = arith.addi %iota3A, %add3A_690 : vector<16xi32>
            %lt3A_692 = arith.constant 16 : i32
            %lt3A_693 = vector.broadcast %lt3A_692 : i32 to vector<16xi32>
            %lt3A_694 = arith.cmpi slt, %add3A_691, %lt3A_693 : vector<16xi32>
            %and3A_695 = arith.andi %eq3A_688, %lt3A_694 : vector<16xi1>
            %or3A_696 = arith.ori %or3A_678, %and3A_695 : vector<16xi1>
            %add3A_697 = arith.constant 6 : i32
            %add3A_698 = vector.broadcast %add3A_697 : i32 to vector<16xi32>
            %add3A_699 = arith.addi %iota3A, %add3A_698 : vector<16xi32>
            %min3A_700 = arith.constant 15 : i32
            %min3A_701 = vector.broadcast %min3A_700 : i32 to vector<16xi32>
            %min3A_702 = arith.minsi %add3A_699, %min3A_701 : vector<16xi32>
            %broadcast_in_dim3A_703 = vector.shape_cast %min3A_702 : vector<16xi32> to vector<16x1xi32>
            %gather3A_704 = vector.shape_cast %broadcast_in_dim3A_703 : vector<16x1xi32> to vector<16xi32>
            %gather3A_705 = tpu.dynamic_gather %select_n3A[%gather3A_704] in [0] : vector<16xi32>, vector<16xi32> -> vector<16xi32>
            %eq3A_706 = arith.cmpi eq, %gather3A_705, %select_n3A : vector<16xi32>
            %add3A_707 = arith.constant 6 : i32
            %add3A_708 = vector.broadcast %add3A_707 : i32 to vector<16xi32>
            %add3A_709 = arith.addi %iota3A, %add3A_708 : vector<16xi32>
            %lt3A_710 = arith.constant 16 : i32
            %lt3A_711 = vector.broadcast %lt3A_710 : i32 to vector<16xi32>
            %lt3A_712 = arith.cmpi slt, %add3A_709, %lt3A_711 : vector<16xi32>
            %and3A_713 = arith.andi %eq3A_706, %lt3A_712 : vector<16xi1>
            %or3A_714 = arith.ori %or3A_696, %and3A_713 : vector<16xi1>
            %add3A_715 = arith.constant 7 : i32
            %add3A_716 = vector.broadcast %add3A_715 : i32 to vector<16xi32>
            %add3A_717 = arith.addi %iota3A, %add3A_716 : vector<16xi32>
            %min3A_718 = arith.constant 15 : i32
            %min3A_719 = vector.broadcast %min3A_718 : i32 to vector<16xi32>
            %min3A_720 = arith.minsi %add3A_717, %min3A_719 : vector<16xi32>
            %broadcast_in_dim3A_721 = vector.shape_cast %min3A_720 : vector<16xi32> to vector<16x1xi32>
            %gather3A_722 = vector.shape_cast %broadcast_in_dim3A_721 : vector<16x1xi32> to vector<16xi32>
            %gather3A_723 = tpu.dynamic_gather %select_n3A[%gather3A_722] in [0] : vector<16xi32>, vector<16xi32> -> vector<16xi32>
            %eq3A_724 = arith.cmpi eq, %gather3A_723, %select_n3A : vector<16xi32>
            %add3A_725 = arith.constant 7 : i32
            %add3A_726 = vector.broadcast %add3A_725 : i32 to vector<16xi32>
            %add3A_727 = arith.addi %iota3A, %add3A_726 : vector<16xi32>
            %lt3A_728 = arith.constant 16 : i32
            %lt3A_729 = vector.broadcast %lt3A_728 : i32 to vector<16xi32>
            %lt3A_730 = arith.cmpi slt, %add3A_727, %lt3A_729 : vector<16xi32>
            %and3A_731 = arith.andi %eq3A_724, %lt3A_730 : vector<16xi1>
            %or3A_732 = arith.ori %or3A_714, %and3A_731 : vector<16xi1>
            %add3A_733 = arith.constant 8 : i32
            %add3A_734 = vector.broadcast %add3A_733 : i32 to vector<16xi32>
            %add3A_735 = arith.addi %iota3A, %add3A_734 : vector<16xi32>
            %min3A_736 = arith.constant 15 : i32
            %min3A_737 = vector.broadcast %min3A_736 : i32 to vector<16xi32>
            %min3A_738 = arith.minsi %add3A_735, %min3A_737 : vector<16xi32>
            %broadcast_in_dim3A_739 = vector.shape_cast %min3A_738 : vector<16xi32> to vector<16x1xi32>
            %gather3A_740 = vector.shape_cast %broadcast_in_dim3A_739 : vector<16x1xi32> to vector<16xi32>
            %gather3A_741 = tpu.dynamic_gather %select_n3A[%gather3A_740] in [0] : vector<16xi32>, vector<16xi32> -> vector<16xi32>
            %eq3A_742 = arith.cmpi eq, %gather3A_741, %select_n3A : vector<16xi32>
            %add3A_743 = arith.constant 8 : i32
            %add3A_744 = vector.broadcast %add3A_743 : i32 to vector<16xi32>
            %add3A_745 = arith.addi %iota3A, %add3A_744 : vector<16xi32>
            %lt3A_746 = arith.constant 16 : i32
            %lt3A_747 = vector.broadcast %lt3A_746 : i32 to vector<16xi32>
            %lt3A_748 = arith.cmpi slt, %add3A_745, %lt3A_747 : vector<16xi32>
            %and3A_749 = arith.andi %eq3A_742, %lt3A_748 : vector<16xi1>
            %or3A_750 = arith.ori %or3A_732, %and3A_749 : vector<16xi1>
            %add3A_751 = arith.constant 9 : i32
            %add3A_752 = vector.broadcast %add3A_751 : i32 to vector<16xi32>
            %add3A_753 = arith.addi %iota3A, %add3A_752 : vector<16xi32>
            %min3A_754 = arith.constant 15 : i32
            %min3A_755 = vector.broadcast %min3A_754 : i32 to vector<16xi32>
            %min3A_756 = arith.minsi %add3A_753, %min3A_755 : vector<16xi32>
            %broadcast_in_dim3A_757 = vector.shape_cast %min3A_756 : vector<16xi32> to vector<16x1xi32>
            %gather3A_758 = vector.shape_cast %broadcast_in_dim3A_757 : vector<16x1xi32> to vector<16xi32>
            %gather3A_759 = tpu.dynamic_gather %select_n3A[%gather3A_758] in [0] : vector<16xi32>, vector<16xi32> -> vector<16xi32>
            %eq3A_760 = arith.cmpi eq, %gather3A_759, %select_n3A : vector<16xi32>
            %add3A_761 = arith.constant 9 : i32
            %add3A_762 = vector.broadcast %add3A_761 : i32 to vector<16xi32>
            %add3A_763 = arith.addi %iota3A, %add3A_762 : vector<16xi32>
            %lt3A_764 = arith.constant 16 : i32
            %lt3A_765 = vector.broadcast %lt3A_764 : i32 to vector<16xi32>
            %lt3A_766 = arith.cmpi slt, %add3A_763, %lt3A_765 : vector<16xi32>
            %and3A_767 = arith.andi %eq3A_760, %lt3A_766 : vector<16xi1>
            %or3A_768 = arith.ori %or3A_750, %and3A_767 : vector<16xi1>
            %add3A_769 = arith.constant 10 : i32
            %add3A_770 = vector.broadcast %add3A_769 : i32 to vector<16xi32>
            %add3A_771 = arith.addi %iota3A, %add3A_770 : vector<16xi32>
            %min3A_772 = arith.constant 15 : i32
            %min3A_773 = vector.broadcast %min3A_772 : i32 to vector<16xi32>
            %min3A_774 = arith.minsi %add3A_771, %min3A_773 : vector<16xi32>
            %broadcast_in_dim3A_775 = vector.shape_cast %min3A_774 : vector<16xi32> to vector<16x1xi32>
            %gather3A_776 = vector.shape_cast %broadcast_in_dim3A_775 : vector<16x1xi32> to vector<16xi32>
            %gather3A_777 = tpu.dynamic_gather %select_n3A[%gather3A_776] in [0] : vector<16xi32>, vector<16xi32> -> vector<16xi32>
            %eq3A_778 = arith.cmpi eq, %gather3A_777, %select_n3A : vector<16xi32>
            %add3A_779 = arith.constant 10 : i32
            %add3A_780 = vector.broadcast %add3A_779 : i32 to vector<16xi32>
            %add3A_781 = arith.addi %iota3A, %add3A_780 : vector<16xi32>
            %lt3A_782 = arith.constant 16 : i32
            %lt3A_783 = vector.broadcast %lt3A_782 : i32 to vector<16xi32>
            %lt3A_784 = arith.cmpi slt, %add3A_781, %lt3A_783 : vector<16xi32>
            %and3A_785 = arith.andi %eq3A_778, %lt3A_784 : vector<16xi1>
            %or3A_786 = arith.ori %or3A_768, %and3A_785 : vector<16xi1>
            %add3A_787 = arith.constant 11 : i32
            %add3A_788 = vector.broadcast %add3A_787 : i32 to vector<16xi32>
            %add3A_789 = arith.addi %iota3A, %add3A_788 : vector<16xi32>
            %min3A_790 = arith.constant 15 : i32
            %min3A_791 = vector.broadcast %min3A_790 : i32 to vector<16xi32>
            %min3A_792 = arith.minsi %add3A_789, %min3A_791 : vector<16xi32>
            %broadcast_in_dim3A_793 = vector.shape_cast %min3A_792 : vector<16xi32> to vector<16x1xi32>
            %gather3A_794 = vector.shape_cast %broadcast_in_dim3A_793 : vector<16x1xi32> to vector<16xi32>
            %gather3A_795 = tpu.dynamic_gather %select_n3A[%gather3A_794] in [0] : vector<16xi32>, vector<16xi32> -> vector<16xi32>
            %eq3A_796 = arith.cmpi eq, %gather3A_795, %select_n3A : vector<16xi32>
            %add3A_797 = arith.constant 11 : i32
            %add3A_798 = vector.broadcast %add3A_797 : i32 to vector<16xi32>
            %add3A_799 = arith.addi %iota3A, %add3A_798 : vector<16xi32>
            %lt3A_800 = arith.constant 16 : i32
            %lt3A_801 = vector.broadcast %lt3A_800 : i32 to vector<16xi32>
            %lt3A_802 = arith.cmpi slt, %add3A_799, %lt3A_801 : vector<16xi32>
            %and3A_803 = arith.andi %eq3A_796, %lt3A_802 : vector<16xi1>
            %or3A_804 = arith.ori %or3A_786, %and3A_803 : vector<16xi1>
            %add3A_805 = arith.constant 12 : i32
            %add3A_806 = vector.broadcast %add3A_805 : i32 to vector<16xi32>
            %add3A_807 = arith.addi %iota3A, %add3A_806 : vector<16xi32>
            %min3A_808 = arith.constant 15 : i32
            %min3A_809 = vector.broadcast %min3A_808 : i32 to vector<16xi32>
            %min3A_810 = arith.minsi %add3A_807, %min3A_809 : vector<16xi32>
            %broadcast_in_dim3A_811 = vector.shape_cast %min3A_810 : vector<16xi32> to vector<16x1xi32>
            %gather3A_812 = vector.shape_cast %broadcast_in_dim3A_811 : vector<16x1xi32> to vector<16xi32>
            %gather3A_813 = tpu.dynamic_gather %select_n3A[%gather3A_812] in [0] : vector<16xi32>, vector<16xi32> -> vector<16xi32>
            %eq3A_814 = arith.cmpi eq, %gather3A_813, %select_n3A : vector<16xi32>
            %add3A_815 = arith.constant 12 : i32
            %add3A_816 = vector.broadcast %add3A_815 : i32 to vector<16xi32>
            %add3A_817 = arith.addi %iota3A, %add3A_816 : vector<16xi32>
            %lt3A_818 = arith.constant 16 : i32
            %lt3A_819 = vector.broadcast %lt3A_818 : i32 to vector<16xi32>
            %lt3A_820 = arith.cmpi slt, %add3A_817, %lt3A_819 : vector<16xi32>
            %and3A_821 = arith.andi %eq3A_814, %lt3A_820 : vector<16xi1>
            %or3A_822 = arith.ori %or3A_804, %and3A_821 : vector<16xi1>
            %add3A_823 = arith.constant 13 : i32
            %add3A_824 = vector.broadcast %add3A_823 : i32 to vector<16xi32>
            %add3A_825 = arith.addi %iota3A, %add3A_824 : vector<16xi32>
            %min3A_826 = arith.constant 15 : i32
            %min3A_827 = vector.broadcast %min3A_826 : i32 to vector<16xi32>
            %min3A_828 = arith.minsi %add3A_825, %min3A_827 : vector<16xi32>
            %broadcast_in_dim3A_829 = vector.shape_cast %min3A_828 : vector<16xi32> to vector<16x1xi32>
            %gather3A_830 = vector.shape_cast %broadcast_in_dim3A_829 : vector<16x1xi32> to vector<16xi32>
            %gather3A_831 = tpu.dynamic_gather %select_n3A[%gather3A_830] in [0] : vector<16xi32>, vector<16xi32> -> vector<16xi32>
            %eq3A_832 = arith.cmpi eq, %gather3A_831, %select_n3A : vector<16xi32>
            %add3A_833 = arith.constant 13 : i32
            %add3A_834 = vector.broadcast %add3A_833 : i32 to vector<16xi32>
            %add3A_835 = arith.addi %iota3A, %add3A_834 : vector<16xi32>
            %lt3A_836 = arith.constant 16 : i32
            %lt3A_837 = vector.broadcast %lt3A_836 : i32 to vector<16xi32>
            %lt3A_838 = arith.cmpi slt, %add3A_835, %lt3A_837 : vector<16xi32>
            %and3A_839 = arith.andi %eq3A_832, %lt3A_838 : vector<16xi1>
            %or3A_840 = arith.ori %or3A_822, %and3A_839 : vector<16xi1>
            %add3A_841 = arith.constant 14 : i32
            %add3A_842 = vector.broadcast %add3A_841 : i32 to vector<16xi32>
            %add3A_843 = arith.addi %iota3A, %add3A_842 : vector<16xi32>
            %min3A_844 = arith.constant 15 : i32
            %min3A_845 = vector.broadcast %min3A_844 : i32 to vector<16xi32>
            %min3A_846 = arith.minsi %add3A_843, %min3A_845 : vector<16xi32>
            %broadcast_in_dim3A_847 = vector.shape_cast %min3A_846 : vector<16xi32> to vector<16x1xi32>
            %gather3A_848 = vector.shape_cast %broadcast_in_dim3A_847 : vector<16x1xi32> to vector<16xi32>
            %gather3A_849 = tpu.dynamic_gather %select_n3A[%gather3A_848] in [0] : vector<16xi32>, vector<16xi32> -> vector<16xi32>
            %eq3A_850 = arith.cmpi eq, %gather3A_849, %select_n3A : vector<16xi32>
            %add3A_851 = arith.constant 14 : i32
            %add3A_852 = vector.broadcast %add3A_851 : i32 to vector<16xi32>
            %add3A_853 = arith.addi %iota3A, %add3A_852 : vector<16xi32>
            %lt3A_854 = arith.constant 16 : i32
            %lt3A_855 = vector.broadcast %lt3A_854 : i32 to vector<16xi32>
            %lt3A_856 = arith.cmpi slt, %add3A_853, %lt3A_855 : vector<16xi32>
            %and3A_857 = arith.andi %eq3A_850, %lt3A_856 : vector<16xi1>
            %or3A_858 = arith.ori %or3A_840, %and3A_857 : vector<16xi1>
            %add3A_859 = arith.constant 15 : i32
            %add3A_860 = vector.broadcast %add3A_859 : i32 to vector<16xi32>
            %add3A_861 = arith.addi %iota3A, %add3A_860 : vector<16xi32>
            %min3A_862 = arith.constant 15 : i32
            %min3A_863 = vector.broadcast %min3A_862 : i32 to vector<16xi32>
            %min3A_864 = arith.minsi %add3A_861, %min3A_863 : vector<16xi32>
            %broadcast_in_dim3A_865 = vector.shape_cast %min3A_864 : vector<16xi32> to vector<16x1xi32>
            %gather3A_866 = vector.shape_cast %broadcast_in_dim3A_865 : vector<16x1xi32> to vector<16xi32>
            %gather3A_867 = tpu.dynamic_gather %select_n3A[%gather3A_866] in [0] : vector<16xi32>, vector<16xi32> -> vector<16xi32>
            %eq3A_868 = arith.cmpi eq, %gather3A_867, %select_n3A : vector<16xi32>
            %add3A_869 = arith.constant 15 : i32
            %add3A_870 = vector.broadcast %add3A_869 : i32 to vector<16xi32>
            %add3A_871 = arith.addi %iota3A, %add3A_870 : vector<16xi32>
            %lt3A_872 = arith.constant 16 : i32
            %lt3A_873 = vector.broadcast %lt3A_872 : i32 to vector<16xi32>
            %lt3A_874 = arith.cmpi slt, %add3A_871, %lt3A_873 : vector<16xi32>
            %and3A_875 = arith.andi %eq3A_868, %lt3A_874 : vector<16xi1>
            %or3A_876 = arith.ori %or3A_858, %and3A_875 : vector<16xi1>
            %not3A = arith.constant dense<true> : vector<16xi1>
            %not3A_877 = arith.xori %or3A_876, %not3A : vector<16xi1>
            %and3A_878 = arith.andi %and3A_595, %not3A_877 : vector<16xi1>
            %get3A_879 = arith.constant 0 : i32
            %get3A_880 = arith.index_cast %get3A_879 : i32 to index
            %get3A_881 = arith.index_cast %scan3A_546 : i32 to index
            %get3A_882 = arith.index_cast %mul3A_560 : i32 to index
            %get3A_883 = tpu.vector_load %arg6[%get3A_880, %get3A_881, %get3A_882] {strides = array<i32>} : memref<3x40x384xf32, #tpu.memory_space<vmem>>, vector<16xf32>,
            tpu.vector_store_idx %arg7[%add3A_603], %get3A_883 masked %and3A_878 : memref<9216xf32, #tpu.memory_space<vmem>>[vector<16xi32>], vector<16xf32>, vector<16xi1>
            %get3A_884 = arith.constant 1 : i32
            %get3A_885 = arith.index_cast %get3A_884 : i32 to index
            %get3A_886 = arith.index_cast %scan3A_546 : i32 to index
            %get3A_887 = arith.index_cast %mul3A_560 : i32 to index
            %get3A_888 = tpu.vector_load %arg6[%get3A_885, %get3A_886, %get3A_887] {strides = array<i32>} : memref<3x40x384xf32, #tpu.memory_space<vmem>>, vector<16xf32>,
            tpu.vector_store_idx %arg8[%add3A_603], %get3A_888 masked %and3A_878 : memref<9216xf32, #tpu.memory_space<vmem>>[vector<16xi32>], vector<16xf32>, vector<16xi1>
            %get3A_889 = arith.constant 2 : i32
            %get3A_890 = arith.index_cast %get3A_889 : i32 to index
            %get3A_891 = arith.index_cast %scan3A_546 : i32 to index
            %get3A_892 = arith.index_cast %mul3A_560 : i32 to index
            %get3A_893 = tpu.vector_load %arg6[%get3A_890, %get3A_891, %get3A_892] {strides = array<i32>} : memref<3x40x384xf32, #tpu.memory_space<vmem>>, vector<16xf32>,
            tpu.vector_store_idx %arg9[%add3A_603], %get3A_893 masked %and3A_878 : memref<9216xf32, #tpu.memory_space<vmem>>[vector<16xi32>], vector<16xf32>, vector<16xi1>
            %scan3A_894 = arith.constant 0 : i32
            scf.yield %scan3A_894 : i32
          }
          %scan3A_554 = arith.constant 24 : i32
          scf.yield %scan3A_553 : i32
        }
        %scan3A_544 = arith.constant 32 : i32
        %scan3A_545 = arith.constant 0 : i32
        scf.yield %scan3A_545 : i32
      }
      %scan3A_522 = arith.constant 12 : i32
    } else {
    }
    %mul3A_467 = arith.constant 3 : i32
    %mul3A_468 = arith.muli %add3A_332, %mul3A_467 : i32
    %add3A_469 = arith.constant 0 : i32
    %add3A_470 = arith.addi %mul3A_468, %add3A_469 : i32
    %mul3A_471 = arith.constant 147456 : i32
    %mul3A_472 = arith.muli %add3A_470, %mul3A_471 : i32
    %mul3A_473 = arith.constant 384 : i32
    %mul3A_474 = arith.muli %mul3A_0, %mul3A_473 : i32
    %add3A_475 = arith.addi %mul3A_472, %mul3A_474 : i32
    %multiple_of3A_476 = tpu.assume_multiple %add3A_475, 1024 : i32
    %dma_start3A_477 = tpu.memref_slice %arg3[%multiple_of3A_476] : memref<1769472xf32, #tpu.memory_space<hbm>> -> memref<9216xf32, #tpu.memory_space<hbm>>
    %dma_start3A_478 = tpu.memref_slice %arg3[%multiple_of3A_476] : memref<1769472xf32, #tpu.memory_space<hbm>> -> memref<9216xf32, #tpu.memory_space<hbm>>
    tpu.enqueue_dma source(%arg7 : memref<9216xf32, #tpu.memory_space<vmem>>) target(%dma_start3A_478 : memref<9216xf32, #tpu.memory_space<hbm>>) target_semaphore(%arg14 : memref<!tpu.dma_semaphore, #tpu.memory_space<semaphore_mem>>)
    %mul3A_479 = arith.constant 3 : i32
    %mul3A_480 = arith.muli %add3A_332, %mul3A_479 : i32
    %add3A_481 = arith.constant 1 : i32
    %add3A_482 = arith.addi %mul3A_480, %add3A_481 : i32
    %mul3A_483 = arith.constant 147456 : i32
    %mul3A_484 = arith.muli %add3A_482, %mul3A_483 : i32
    %mul3A_485 = arith.constant 384 : i32
    %mul3A_486 = arith.muli %mul3A_0, %mul3A_485 : i32
    %add3A_487 = arith.addi %mul3A_484, %mul3A_486 : i32
    %multiple_of3A_488 = tpu.assume_multiple %add3A_487, 1024 : i32
    %dma_start3A_489 = tpu.memref_slice %arg3[%multiple_of3A_488] : memref<1769472xf32, #tpu.memory_space<hbm>> -> memref<9216xf32, #tpu.memory_space<hbm>>
    %dma_start3A_490 = tpu.memref_slice %arg3[%multiple_of3A_488] : memref<1769472xf32, #tpu.memory_space<hbm>> -> memref<9216xf32, #tpu.memory_space<hbm>>
    tpu.enqueue_dma source(%arg8 : memref<9216xf32, #tpu.memory_space<vmem>>) target(%dma_start3A_490 : memref<9216xf32, #tpu.memory_space<hbm>>) target_semaphore(%arg14 : memref<!tpu.dma_semaphore, #tpu.memory_space<semaphore_mem>>)
    %mul3A_491 = arith.constant 3 : i32
    %mul3A_492 = arith.muli %add3A_332, %mul3A_491 : i32
    %add3A_493 = arith.constant 2 : i32
    %add3A_494 = arith.addi %mul3A_492, %add3A_493 : i32
    %mul3A_495 = arith.constant 147456 : i32
    %mul3A_496 = arith.muli %add3A_494, %mul3A_495 : i32
    %mul3A_497 = arith.constant 384 : i32
    %mul3A_498 = arith.muli %mul3A_0, %mul3A_497 : i32
    %add3A_499 = arith.addi %mul3A_496, %mul3A_498 : i32
    %multiple_of3A_500 = tpu.assume_multiple %add3A_499, 1024 : i32
    %dma_start3A_501 = tpu.memref_slice %arg3[%multiple_of3A_500] : memref<1769472xf32, #tpu.memory_space<hbm>> -> memref<9216xf32, #tpu.memory_space<hbm>>
    %dma_start3A_502 = tpu.memref_slice %arg3[%multiple_of3A_500] : memref<1769472xf32, #tpu.memory_space<hbm>> -> memref<9216xf32, #tpu.memory_space<hbm>>
    tpu.enqueue_dma source(%arg9 : memref<9216xf32, #tpu.memory_space<vmem>>) target(%dma_start3A_502 : memref<9216xf32, #tpu.memory_space<hbm>>) target_semaphore(%arg14 : memref<!tpu.dma_semaphore, #tpu.memory_space<semaphore_mem>>)
    %dma_wait3A_503 = tpu.memref_slice %arg3[%multiple_of3A_476] : memref<1769472xf32, #tpu.memory_space<hbm>> -> memref<9216xf32, #tpu.memory_space<hbm>>
    %dma_wait3A_504 = tpu.memref_slice %arg3[%multiple_of3A_476] : memref<1769472xf32, #tpu.memory_space<hbm>> -> memref<9216xf32, #tpu.memory_space<hbm>>
    tpu.wait_dma2 semaphore(%arg14 : memref<!tpu.dma_semaphore, #tpu.memory_space<semaphore_mem>>) src(%arg7 : memref<9216xf32, #tpu.memory_space<vmem>>) dst(%dma_wait3A_504 : memref<9216xf32, #tpu.memory_space<hbm>>)
    %dma_wait3A_505 = tpu.memref_slice %arg3[%multiple_of3A_488] : memref<1769472xf32, #tpu.memory_space<hbm>> -> memref<9216xf32, #tpu.memory_space<hbm>>
    %dma_wait3A_506 = tpu.memref_slice %arg3[%multiple_of3A_488] : memref<1769472xf32, #tpu.memory_space<hbm>> -> memref<9216xf32, #tpu.memory_space<hbm>>
    tpu.wait_dma2 semaphore(%arg14 : memref<!tpu.dma_semaphore, #tpu.memory_space<semaphore_mem>>) src(%arg8 : memref<9216xf32, #tpu.memory_space<vmem>>) dst(%dma_wait3A_506 : memref<9216xf32, #tpu.memory_space<hbm>>)
    %dma_wait3A_507 = tpu.memref_slice %arg3[%multiple_of3A_500] : memref<1769472xf32, #tpu.memory_space<hbm>> -> memref<9216xf32, #tpu.memory_space<hbm>>
    %dma_wait3A_508 = tpu.memref_slice %arg3[%multiple_of3A_500] : memref<1769472xf32, #tpu.memory_space<hbm>> -> memref<9216xf32, #tpu.memory_space<hbm>>
    tpu.wait_dma2 semaphore(%arg14 : memref<!tpu.dma_semaphore, #tpu.memory_space<semaphore_mem>>) src(%arg9 : memref<9216xf32, #tpu.memory_space<vmem>>) dst(%dma_wait3A_508 : memref<9216xf32, #tpu.memory_space<hbm>>)
    return
  }
}

module attributes {stable_mosaic.version = 14 : i64} {
  func.func @_tc_assemble_body(%arg0: i32, %arg1: i32, %arg2: memref<1x8x192x384xf32, #tpu.memory_space<vmem>>, %arg3: memref<1x3x192x384xf32, #tpu.memory_space<vmem>>, %arg4: memref<1x12x192x384xf32, #tpu.memory_space<vmem>>) attributes {dimension_semantics = [#tpu.dimension_semantics<arbitrary>, #tpu.dimension_semantics<arbitrary>], iteration_bounds = array<i64: 4, 2>, scalar_prefetch = 0 : i64, scratch_operands = 0 : i64, tpu.core_type = #tpu.core_type<tc>, window_params = [{transform_indices = @transform_0, window_bounds = array<i64: 1, 8, 192, 384>}, {transform_indices = @transform_1, window_bounds = array<i64: 1, 3, 192, 384>}, {transform_indices = @transform_2, window_bounds = array<i64: 1, 12, 192, 384>}]} {
    %get3A = arith.constant 0 : index
    %get3A_0 = arith.constant 0 : index
    %get3A_1 = arith.constant 0 : index
    %get3A_2 = arith.constant 0 : index
    %get3A_3 = vector.load %arg2[%get3A, %get3A_0, %get3A_1, %get3A_2] : memref<1x8x192x384xf32, #tpu.memory_space<vmem>>, vector<1x8x192x384xf32>
    %get3A_4 = vector.shape_cast %get3A_3 : vector<1x8x192x384xf32> to vector<8x192x384xf32>
    %get3A_5 = arith.constant 0 : index
    %get3A_6 = arith.constant 0 : index
    %get3A_7 = arith.constant 0 : index
    %get3A_8 = arith.constant 0 : index
    %get3A_9 = vector.load %arg3[%get3A_5, %get3A_6, %get3A_7, %get3A_8] : memref<1x3x192x384xf32, #tpu.memory_space<vmem>>, vector<1x3x192x384xf32>
    %get3A_10 = vector.shape_cast %get3A_9 : vector<1x3x192x384xf32> to vector<3x192x384xf32>
    %slice3A = vector.extract_strided_slice %get3A_4 {offsets = [3, 0, 0], sizes = [3, 192, 384], strides = [1, 1, 1]} : vector<8x192x384xf32> to vector<3x192x384xf32>
    %sub3A = arith.subf %get3A_10, %slice3A : vector<3x192x384xf32>
    %slice3A_11 = vector.extract_strided_slice %sub3A {offsets = [0, 0, 0], sizes = [1, 192, 384], strides = [1, 1, 1]} : vector<3x192x384xf32> to vector<1x192x384xf32>
    %squeeze3A = vector.shape_cast %slice3A_11 : vector<1x192x384xf32> to vector<192x384xf32>
    %slice3A_12 = vector.extract_strided_slice %sub3A {offsets = [0, 0, 0], sizes = [1, 192, 384], strides = [1, 1, 1]} : vector<3x192x384xf32> to vector<1x192x384xf32>
    %squeeze3A_13 = vector.shape_cast %slice3A_12 : vector<1x192x384xf32> to vector<192x384xf32>
    %mul3A = arith.mulf %squeeze3A, %squeeze3A_13 : vector<192x384xf32>
    %slice3A_14 = vector.extract_strided_slice %sub3A {offsets = [1, 0, 0], sizes = [1, 192, 384], strides = [1, 1, 1]} : vector<3x192x384xf32> to vector<1x192x384xf32>
    %squeeze3A_15 = vector.shape_cast %slice3A_14 : vector<1x192x384xf32> to vector<192x384xf32>
    %slice3A_16 = vector.extract_strided_slice %sub3A {offsets = [1, 0, 0], sizes = [1, 192, 384], strides = [1, 1, 1]} : vector<3x192x384xf32> to vector<1x192x384xf32>
    %squeeze3A_17 = vector.shape_cast %slice3A_16 : vector<1x192x384xf32> to vector<192x384xf32>
    %mul3A_18 = arith.mulf %squeeze3A_15, %squeeze3A_17 : vector<192x384xf32>
    %add3A = arith.addf %mul3A, %mul3A_18 : vector<192x384xf32>
    %slice3A_19 = vector.extract_strided_slice %sub3A {offsets = [2, 0, 0], sizes = [1, 192, 384], strides = [1, 1, 1]} : vector<3x192x384xf32> to vector<1x192x384xf32>
    %squeeze3A_20 = vector.shape_cast %slice3A_19 : vector<1x192x384xf32> to vector<192x384xf32>
    %slice3A_21 = vector.extract_strided_slice %sub3A {offsets = [2, 0, 0], sizes = [1, 192, 384], strides = [1, 1, 1]} : vector<3x192x384xf32> to vector<1x192x384xf32>
    %squeeze3A_22 = vector.shape_cast %slice3A_21 : vector<1x192x384xf32> to vector<192x384xf32>
    %mul3A_23 = arith.mulf %squeeze3A_20, %squeeze3A_22 : vector<192x384xf32>
    %add3A_24 = arith.addf %add3A, %mul3A_23 : vector<192x384xf32>
    %sqrt3A = math.sqrt %add3A_24 : vector<192x384xf32>
    %slice3A_25 = vector.extract_strided_slice %get3A_4 {offsets = [0, 0, 0], sizes = [3, 192, 384], strides = [1, 1, 1]} : vector<8x192x384xf32> to vector<3x192x384xf32>
    %swap3A = arith.constant 0 : index
    %swap3A_26 = arith.constant 0 : index
    %swap3A_27 = arith.constant 0 : index
    %swap3A_28 = arith.constant 0 : index
    %swap3A_29 = vector.load %arg4[%swap3A, %swap3A_26, %swap3A_27, %swap3A_28] : memref<1x12x192x384xf32, #tpu.memory_space<vmem>>, vector<1x3x192x384xf32>
    %swap3A_30 = vector.shape_cast %swap3A_29 : vector<1x3x192x384xf32> to vector<3x192x384xf32>
    %swap3A_31 = vector.shape_cast %slice3A_25 : vector<3x192x384xf32> to vector<1x3x192x384xf32>
    tpu.vector_store %arg4[%swap3A, %swap3A_26, %swap3A_27, %swap3A_28], %swap3A_31 {strides = array<i32>} : memref<1x12x192x384xf32, #tpu.memory_space<vmem>>, vector<1x3x192x384xf32>,
    %swap3A_32 = arith.constant 0 : index
    %swap3A_33 = arith.constant 3 : index
    %swap3A_34 = arith.constant 0 : index
    %swap3A_35 = arith.constant 0 : index
    %swap3A_36 = vector.load %arg4[%swap3A_32, %swap3A_33, %swap3A_34, %swap3A_35] : memref<1x12x192x384xf32, #tpu.memory_space<vmem>>, vector<1x3x192x384xf32>
    %swap3A_37 = vector.shape_cast %swap3A_36 : vector<1x3x192x384xf32> to vector<3x192x384xf32>
    %swap3A_38 = vector.shape_cast %get3A_10 : vector<3x192x384xf32> to vector<1x3x192x384xf32>
    tpu.vector_store %arg4[%swap3A_32, %swap3A_33, %swap3A_34, %swap3A_35], %swap3A_38 {strides = array<i32>} : memref<1x12x192x384xf32, #tpu.memory_space<vmem>>, vector<1x3x192x384xf32>,
    %swap3A_39 = arith.constant 0 : index
    %swap3A_40 = arith.constant 6 : index
    %swap3A_41 = arith.constant 0 : index
    %swap3A_42 = arith.constant 0 : index
    %swap3A_43 = vector.load %arg4[%swap3A_39, %swap3A_40, %swap3A_41, %swap3A_42] : memref<1x12x192x384xf32, #tpu.memory_space<vmem>>, vector<1x3x192x384xf32>
    %swap3A_44 = vector.shape_cast %swap3A_43 : vector<1x3x192x384xf32> to vector<3x192x384xf32>
    %swap3A_45 = vector.shape_cast %slice3A : vector<3x192x384xf32> to vector<1x3x192x384xf32>
    tpu.vector_store %arg4[%swap3A_39, %swap3A_40, %swap3A_41, %swap3A_42], %swap3A_45 {strides = array<i32>} : memref<1x12x192x384xf32, #tpu.memory_space<vmem>>, vector<1x3x192x384xf32>,
    %slice3A_46 = vector.extract_strided_slice %get3A_4 {offsets = [6, 0, 0], sizes = [2, 192, 384], strides = [1, 1, 1]} : vector<8x192x384xf32> to vector<2x192x384xf32>
    %swap3A_47 = arith.constant 0 : index
    %swap3A_48 = arith.constant 9 : index
    %swap3A_49 = arith.constant 0 : index
    %swap3A_50 = arith.constant 0 : index
    %swap3A_51 = vector.load %arg4[%swap3A_47, %swap3A_48, %swap3A_49, %swap3A_50] : memref<1x12x192x384xf32, #tpu.memory_space<vmem>>, vector<1x2x192x384xf32>
    %swap3A_52 = vector.shape_cast %swap3A_51 : vector<1x2x192x384xf32> to vector<2x192x384xf32>
    %swap3A_53 = vector.shape_cast %slice3A_46 : vector<2x192x384xf32> to vector<1x2x192x384xf32>
    tpu.vector_store %arg4[%swap3A_47, %swap3A_48, %swap3A_49, %swap3A_50], %swap3A_53 {strides = array<i32>} : memref<1x12x192x384xf32, #tpu.memory_space<vmem>>, vector<1x2x192x384xf32>,
    %swap3A_54 = arith.constant 0 : index
    %swap3A_55 = arith.constant 11 : index
    %swap3A_56 = arith.constant 0 : index
    %swap3A_57 = arith.constant 0 : index
    %swap3A_58 = vector.load %arg4[%swap3A_54, %swap3A_55, %swap3A_56, %swap3A_57] : memref<1x12x192x384xf32, #tpu.memory_space<vmem>>, vector<1x1x192x384xf32>
    %swap3A_59 = vector.shape_cast %swap3A_58 : vector<1x1x192x384xf32> to vector<192x384xf32>
    %swap3A_60 = vector.shape_cast %sqrt3A : vector<192x384xf32> to vector<1x1x192x384xf32>
    tpu.vector_store %arg4[%swap3A_54, %swap3A_55, %swap3A_56, %swap3A_57], %swap3A_60 {strides = array<i32>} : memref<1x12x192x384xf32, #tpu.memory_space<vmem>>, vector<1x1x192x384xf32>,
    return
  }
  func.func @transform_0(%arg0: i32, %arg1: i32) -> (i32, i32, i32, i32) {
    %c0_i32 = arith.constant 0 : i32
    %c0_i32_0 = arith.constant 0 : i32
    %c0_i32_1 = arith.constant 0 : i32
    return %arg0, %c0_i32, %arg1, %c0_i32_0 : i32, i32, i32, i32
  }
  func.func @transform_1(%arg0: i32, %arg1: i32) -> (i32, i32, i32, i32) {
    %c0_i32 = arith.constant 0 : i32
    %c0_i32_0 = arith.constant 0 : i32
    %c0_i32_1 = arith.constant 0 : i32
    return %arg0, %c0_i32, %arg1, %c0_i32_0 : i32, i32, i32, i32
  }
  func.func @transform_2(%arg0: i32, %arg1: i32) -> (i32, i32, i32, i32) {
    %c0_i32 = arith.constant 0 : i32
    %c0_i32_0 = arith.constant 0 : i32
    %c0_i32_1 = arith.constant 0 : i32
    return %arg0, %c0_i32, %arg1, %c0_i32_0 : i32, i32, i32, i32
  }
}

</mosaic_0001>

<sc_bundles>
// kernel: kernel.4.cloned.1.call-start
scs
__scs_entry_jumppad:
0x0: {  	(pc) =	sbr.rel $0x88, $3  }
0x1: {  	(tag) =	ssettag $0x0;
	lr =	simm.s32 $0x1  }
0x2: {  	[smem:$0x3FA0] =	sst lr;
	_ =	strace $0xD0000000  }
0x3: {  	_ = 	snop  }
0x4: {  	_ = 	snop  }
0x5: {  	_ = 	snop  }
0x6: {  	_ = 	snop  }
0x7: {  	_ = 	snop  }
__scs_overlays_trampoline_lowered:
0x8: {  	[smem:$0x3FAF] =	sst s0  }
0x9: {  	[smem:$0x3FB0] =	sst s1  }
0xa: {  	[smem:$0x3FB1] =	sst s2  }
0xb: {  	[smem:$0x3FB2] =	sst s3  }
0xc: {  	[smem:$0x3FB3] =	sst s4  }
0xd: {  	[smem:$0x3FB4] =	sst s5  }
0xe: {  	[smem:$0x3FB5] =	sst s6  }
0xf: {  	[smem:$0x3FB6] =	sst s7  }
0x10: {  	[smem:$0x3FB7] =	sst s8  }
0x11: {  	[smem:$0x3FB8] =	sst s9;
	s0 =	simm.s32 @!p0 $0x0  }
0x12: {  	s1 =	sld [smem:$0x3F9E];
	s0 =	simm.s32 @p0 $0x1  }
0x13: {  	[smem:$0x3FB9] =	sst s0;
	s0 =	simm.s32 @!p1 $0x0  }
0x14: {  	s2 =	sld [smem:$0x3F9D];
	s0 =	simm.s32 @p1 $0x1  }
0x15: {  	[smem:$0x3FBA] =	sst s0;
	s0 =	simm.s32 @!p2 $0x0  }
0x16: {  	s3 =	sld [smem:$0x3FDB];
	s0 =	simm.s32 @p2 $0x1  }
0x17: {  	s4 =	simm.s32 $0x1BF5;
	[smem:$0x3FBC] =	sst s0  }
0x18: {  	s0 =	sld [smem:$0x3F9F];
	_ =	swait.ge [sflag:s4], $0x0  }
0x19: {  	s7 =	sld [smem:$0x3FA0]  }
0x1a: {  	s8 =	sadd.s32 $0xFFFFE003, lr  }
0x1b: {  	s9 =	sadd.s32 $0xFFFFFEF7, lr;
	s5 =	simm.s32 $0xFFFFFFFF;
	p2 =	slt.u32 s8, $0xFFFFF086  }
0x1c: {  	p1 =	slt.u32 s9, $0xF7A;
	s5 =	simm.s32 @!p2 $0x0  }
0x1d: {  	s5 =	simm.s32 @p1 $0x1;
	p0 =	seq.s32 s7, s2  }
0x1e: {  	s7 =	smul.u32 @!p0 $0xF7A, s2;
	p2 =	seq.s32 @!p0 s5, $0x0  }
0x1f: {  	s9 =	smul.u32 $0xF7A, s1;
	s8 =	simm.s32 @!p0 $0x1BF5;
	p2 =	por !p2, p0  }
0x20: {  	[sflag:s8] =	ssyncset.s32 @!p0 $0xFFFFF086;
	s6 =	sadd.s32 @!p0 s3, s7;
	s7 =	simm.s32 @!p0 $0x108  }
0x21: {  	s3 =	sadd.s32 s3, s9;
	s6 =	sadd.s32 @!p0 $0x88, s6;
	s7 =	simm.s32 @p2 $0x1082  }
0x22: {  	[simem:s7], [sflag:s8] =	dma.local @!p0 [hbm:s6], $0xF7A  }
0x23: {  	s9 =	sor.u32 $0xD0000000, s2;
	s6 =	simm.s32 $0x108;
	_ =	swait.ge @!p0 [sflag:s8], $0x0  }
0x24: {  	s3 =	sadd.s32 $0x88, s3;
	s6 =	simm.s32 @!p1 $0x1082;
	[sflag:s4] =	ssyncset.s32 $0xFFFFF086  }
0x25: {  	[simem:s6], [sflag:s4] =	dma.local [hbm:s3], $0xF7A  }
0x26: {  	[smem:$0x3FA0] =	sst s1;
	(tag) =	ssettag s2;
	_ =	strace s9  }
0x27: {  	s1 =	sld [smem:$0x3FB0]  }
0x28: {  	s2 =	sld [smem:$0x3FB1]  }
0x29: {  	s4 =	sld [smem:$0x3FB3]  }
0x2a: {  	p0 =	seq.s32 s5, $0x0;
	s5 =	sld [smem:$0x3FB4]  }
0x2b: {  	s6 =	sld [smem:$0x3FB5]  }
0x2c: {  	s7 =	sld [smem:$0x3FB6]  }
0x2d: {  	s3 =	simm.s32 $0x108;
	s8 =	sld [smem:$0x3FB7]  }
0x2e: {  	s3 =	simm.s32 @!p0 $0x1082;
	s9 =	sld [smem:$0x3FB8]  }
0x2f: {  	lr =	sadd.s32 s0, s3;
	s0 =	sld [smem:$0x3FAF]  }
0x30: {  	s3 =	sld [smem:$0x3FB2]  }
0x31: {  	[smem:$0x3FBB] =	sst s10  }
0x32: {  	s10 =	sld [smem:$0x3FB9];
	_ =	sdelay $0x3  }
0x33: {  	p0 =	seq.s32 s10, $0x1;
	s10 =	sld [smem:$0x3FBB];
	_ =	sdelay $0x3  }
0x34: {  	[smem:$0x3FBB] =	sst s10  }
0x35: {  	s10 =	sld [smem:$0x3FBA];
	_ =	sdelay $0x3  }
0x36: {  	p1 =	seq.s32 s10, $0x1;
	s10 =	sld [smem:$0x3FBB];
	_ =	sdelay $0x3  }
0x37: {  	[smem:$0x3FBB] =	sst s10  }
0x38: {  	s10 =	sld [smem:$0x3FBC]  }
0x39: {  	_ = 	snop;
	(pc) =	sbr.ind lr, $3  }
0x3a: {  	_ = 	snop  }
0x3b: {  	_ = 	snop  }
0x3c: {  	p2 =	seq.s32 s10, $0x1;
	s10 =	sld [smem:$0x3FBB]  }
0x3d: {  	_ =	shalt  }
0x3e: {  	_ =	shalt  }
0x3f: {  	_ =	shalt  }
0x40: {  	_ =	shalt  }
0x41: {  	_ =	shalt  }
0x42: {  	_ =	shalt  }
0x43: {  	_ =	shalt  }
0x44: {  	_ =	shalt  }
0x45: {  	_ =	shalt  }
0x46: {  	_ =	shalt  }
0x47: {  	_ =	shalt  }
0x48: {  	_ =	shalt  }
0x49: {  	_ =	shalt  }
0x4a: {  	_ =	shalt  }
0x4b: {  	_ =	shalt  }
0x4c: {  	_ =	shalt  }
0x4d: {  	_ =	shalt  }
0x4e: {  	_ =	shalt  }
0x4f: {  	_ =	shalt  }
0x50: {  	_ =	shalt  }
0x51: {  	_ =	shalt  }
0x52: {  	_ =	shalt  }
0x53: {  	_ =	shalt  }
0x54: {  	_ =	shalt  }
0x55: {  	_ =	shalt  }
0x56: {  	_ =	shalt  }
0x57: {  	_ =	shalt  }
0x58: {  	_ =	shalt  }
0x59: {  	_ =	shalt  }
0x5a: {  	_ =	shalt  }
0x5b: {  	_ =	shalt  }
0x5c: {  	_ =	shalt  }
0x5d: {  	_ =	shalt  }
0x5e: {  	_ =	shalt  }
0x5f: {  	_ =	shalt  }
0x60: {  	_ =	shalt  }
0x61: {  	_ =	shalt  }
0x62: {  	_ =	shalt  }
0x63: {  	_ =	shalt  }
0x64: {  	_ =	shalt  }
0x65: {  	_ =	shalt  }
0x66: {  	_ =	shalt  }
0x67: {  	_ =	shalt  }
0x68: {  	_ =	shalt  }
0x69: {  	_ =	shalt  }
0x6a: {  	_ =	shalt  }
0x6b: {  	_ =	shalt  }
0x6c: {  	_ =	shalt  }
0x6d: {  	_ =	shalt  }
0x6e: {  	_ =	shalt  }
0x6f: {  	_ =	shalt  }
0x70: {  	_ =	shalt  }
0x71: {  	_ =	shalt  }
0x72: {  	_ =	shalt  }
0x73: {  	_ =	shalt  }
0x74: {  	_ =	shalt  }
0x75: {  	_ =	shalt  }
0x76: {  	_ =	shalt  }
0x77: {  	_ =	shalt  }
0x78: {  	_ =	shalt  }
0x79: {  	_ =	shalt  }
0x7a: {  	_ =	shalt  }
0x7b: {  	_ =	shalt  }
0x7c: {  	_ =	shalt  }
0x7d: {  	_ =	shalt  }
0x7e: {  	_ =	shalt  }
0x7f: {  	_ =	shalt  }
0x80: {  	_ =	shalt  }
0x81: {  	_ =	shalt  }
0x82: {  	_ =	shalt  }
0x83: {  	_ =	shalt  }
0x84: {  	_ =	shalt  }
0x85: {  	_ =	shalt  }
0x86: {  	_ =	shalt  }
0x87: {  	_ =	shalt  }
.Lfunc_end0:
.L_simem_size_0:
called_computation_lowered:
.L_overlay_start_0:
0x88: {  	s2 =	sld [smem:$0x3FD9]  }
0x89: {  	s3 =	sld [smem:$0x3FFE];
	_ =	sdelay $0x1  }
0x8a: {  	s1 =	srdreg.scid  }
0x8b: {  	s0 =	sand.u32 $0x1, s1  }
0x8c: {  	s18 =	sshll.u32 s0, $0xA;
	s2 =	sadd.s32 s3, s2  }
0x8d: {  	s2 =	sadd.s32 s2, s18  }
0x8e: {  	[smem:$0x3FC7] =	sst s2  }
0x8f: {  	_ = 	snop  }
0x90: {  	s2 =	sld [smem:$0x3FC9]  }
0x91: {  	s19 =	sld [smem:$0x3FD0];
	(tm) =	ssettm $0x1  }
0x92: {  	s4 =	sld [smem:$0x3FFB];
	_ =	sdelay $0x3  }
0x93: {  	_ =	strace s4  }
0x94: {  	s4 =	sld [smem:$0x3FFC];
	_ =	sdelay $0x3  }
0x95: {  	_ =	strace s4  }
0x96: {  	s4 =	sld [smem:$0x3FFD];
	_ =	sdelay $0x3  }
0x97: {  	_ =	strace s4  }
0x98: {  	_ =	strace $0x8FFFFFFF  }
0x99: {  	s20 =	sld [smem:$0x3FDB];
	_ =	sdelay $0x1  }
0x9a: {  	s5 =	simm.s32 $_scs_section_size  }
0x9b: {  	s6 =	simm.s32 $_size__tile_overlayer_lowered;
	s7 =	simm.s32 $_tile_overlayer_lowered  }
0x9c: {  	s23 =	simm.s32 $0x1BFF;
	s22 =	sshll.u32 s7, $0x1;
	s4 =	sadd.s32 s5, s20  }
0x9d: {  	s8 =	simm.s32 $0x0;
	s21 =	sshll.u32 s6, $0x1;
	s6 =	sadd.s32 s22, s4  }
0x9e: {  	[timem:s8], [sflag:s23] =	dma.local [hbm:s6], s21  }
0x9f: {  	_ =	swait.ge [sflag:s23], s21  }
0xa0: {  	s5 =	ssub.s32 $0x0, s21;
	[sflag:s23] =	ssyncset.done $0x0  }
0xa1: {  	[sflag:s23] =	ssyncadd.s32 s5;
	_ =	sdelay $0x1  }
0xa2: {  	s24 =	simm.s32 $0x1B8B  }
0xa3: {  	_ =	swait.ge [sflag:s24], $0x1  }
0xa4: {  	[sflag:s24] =	ssyncset.done $0x0  }
0xa5: {  	s25 =	simm.s32 $0x1B8E;
	[sflag:s24] =	ssyncadd.s32 $0xFFFFFFFF  }
0xa6: {  	s26 =	simm.s32 $execute0_lowered;
	[smem:$0x3FD2] =	sst s25  }
0xa7: {  	s5 =	sshll.u32 s26, $0x1;
	_ =	strace $0x80000046;
	[dreg:$0x1] =	wrdreg $0xFFFFFFFF  }
0xa8: {  	s28 =	simm.s32 $_size_execute0_lowered;
	s4 =	sadd.s32 s4, s5;
	[dreg:$0x0] =	wrdreg $0x0  }
0xa9: {  	s5 =	sshll.u32 s28, $0x1;
	[dreg:$0x2] =	wrdreg s4  }
0xaa: {  	[dreg:$0x3] =	wrdreg s5  }
0xab: {  	[dreg:$0x4] =	wrdreg $0xC0  }
0xac: {  	_ =	task [dreg:s8], $0x5FFFF  }
0xad: {  	[dreg:$0x1] =	wrdreg $0xFFFFFFFF  }
0xae: {  	[dreg:$0x0] =	wrdreg $0x60  }
0xaf: {  	[dreg:$0x2] =	wrdreg s2  }
0xb0: {  	[dreg:$0x3] =	wrdreg s19  }
0xb1: {  	[dreg:$0x4] =	wrdreg $0x1A0800  }
0xb2: {  	[dreg:$0x5] =	wrdreg $0x9  }
0xb3: {  	_ =	task.clear_ibuf [dreg:s8], $0x6FFFF;
	_ =	strace $0x90000046  }
0xb4: {  	s29 =	simm.s32 $0x9;
	_ =	strace $0x80000048  }
0xb5: {  	_ =	swait.ge [sflag:s29], $0x1  }
0xb6: {  	[sflag:s29] =	ssyncadd.s32 $0xFFFFFFFF  }
0xb7: {  	_ =	strace $0x90000048  }
0xb8: {  	_ =	sfence  }
0xb9: {  	s30 =	sld [smem:$0x0];
	_ =	sdelay $0x2  }
0xba: {  	s31 =	sshll.u32 s1, $0xD;
	s1 =	sshrl.u32 s1, $0x2  }
0xbb: {  	s3 =	sand.u32 $0x4000, s31;
	s1 =	sadd.s32 s1, s30  }
0xbc: {  	s0 =	sor.u32 s3, s0;
	s1 =	sshll.u32 s1, $0x11  }
0xbd: {  	s0 =	sor.u32 s1, s0  }
0xbe: {  	s0 =	sadd.s32 $0x8F2B, s0  }
0xbf: {  	[sflag:s0] =	ssyncadd.remote.s32 $0x1  }
0xc0: {  	_ =	sfence.sel $0xFFFF  }
0xc1: {  	[dreg:$0x0] =	wrdreg $0xFFFFFFFF;
	(pc) =	sbr.abs _section_cstart, $3  }
0xc2: {  	[dreg:$0x1] =	wrdreg $0xFFFFFFFF  }
0xc3: {  	_ =	task.clear_ibuf [dreg:s8], $0x2FFFF;
	_ =	strace $0x9FFFFFFF  }
0xc4: {  	(tm) =	ssettm $0x7FFFFFFF  }
0xc5: {  	_ =	shalt  }
tec
execute0_lowered:
.L_overlay_start_1:
0x0: {  	(tag) =	ssettag $0x1  }
0x1: {  	v0 =	vimm.f32 $1.500000000e+01;
	vm0 =	vcmask $0x300  }
0x2: {  	vm1 =	vcmask $0x704;
	vm6 =	vcmask $0x2320;
	v7 =	vimm.s32 $0x87654321  }
0x3: {  	v8 =	vlaneseq.u32;
	v9 =	vimm.s32 $0xFFEDCBA9;
	v10 =	vimm.s32 $0x98765432  }
0x4: {  	v11 =	vimm.s32 $0xFFFEDCBA;
	vm10 =	vcmask $0x1F00;
	v13 =	vimm.s32 $0xCBA98765  }
0x5: {  	vm5 =	vcmask $0x2F20;
	v14 =	vimm.s32 $0xF0F0E0D;
	v21 =	vimm.s32 $0x0  }
0x6: {  	vm9 =	vmmov $0xff;
	v0 =	vsel vm0, $0x0, v0;
	v7 =	vunpack.c.l.s4.s8 v7  }
0x7: {  	v9 =	vunpack.c.l.s4.s8 v9;
	v8 =	vmul.u32 $0xFFFFFFFF, v8;
	v10 =	vunpack.c.l.s4.s8 v10  }
0x8: {  	v11 =	vunpack.c.l.s4.s8 v11;
	v0 =	vsel vm1, $0x3F800000, v0;
	vm1 =	vcmask $0xB08  }
0x9: {  	v20 =	vunpack.c.0.s8.s32 v14;
	v0 =	vsel vm1, $0x40000000, v0;
	vm1 =	vcmask $0xF0C  }
0xa: {  	v12 =	vunpack.c.0.s8.s32 v7;
	v16 =	vunpack.c.0.s8.s32 v9;
	v7 =	vimm.s32 $0xA9876543  }
0xb: {  	v9 =	vunpack.c.0.s8.s32 v10;
	v17 =	vunpack.c.0.s8.s32 v11;
	v11 =	vimm.s32 $0xBA987654  }
0xc: {  	v0 =	vsel vm1, $0x40400000, v0;
	vm1 =	vcmask $0x1310;
	v10 =	vunpack.c.l.s4.s8 v7  }
0xd: {  	v7 =	vadd.s32 $0xFFFFFFFF, v8;
	v11 =	vunpack.c.l.s4.s8 v11;
	v0 =	vsel vm1, $0x40800000, v0  }
0xe: {  	vm1 =	vcmask $0x1714;
	v8 =	vcombine.low v12, v16;
	v12 =	vimm.s32 $0xE0D0C0B  }
0xf: {  	v0 =	vsel vm1, $0x40A00000, v0;
	vm1 =	vcmask $0x1B18;
	v10 =	vunpack.c.0.s8.s32 v10  }
0x10: {  	v18 =	vunpack.c.0.s8.s32 v12;
	v11 =	vunpack.c.0.s8.s32 v11;
	v12 =	vimm.s32 $0xF0E0D0C  }
0x11: {  	v0 =	vsel vm1, $0x40C00000, v0;
	vm1 =	vcmask $0x1F1C;
	v19 =	vunpack.c.0.s8.s32 v12  }
0x12: {  	v12 =	vunpack.c.l.s4.s8 v13;
	v13 =	vimm.s32 $0xDCBA9876;
	v0 =	vsel vm1, $0x40E00000, v0  }
0x13: {  	vm1 =	vcmask $0x2724;
	v10 =	vnsel vm10, $0xF, v10;
	v13 =	vunpack.c.l.s4.s8 v13  }
0x14: {  	s8 =	stileid.u32;
	v11 =	vnsel vm10, $0xF, v11;
	v0 =	vsel vm6, $0x41000000, v0;
	v12 =	vunpack.c.0.s8.s32 v12  }
0x15: {  	s1 =	smul.u32 $0x18, s8;
	v10 =	vsel vm5, v18, v10;
	v11 =	vsel vm5, v19, v11;
	v13 =	vunpack.c.0.s8.s32 v13  }
0x16: {  	v0 =	vsel vm1, $0x41100000, v0;
	vm1 =	vcmask $0x2B28;
	v12 =	vnsel vm10, $0xF, v12  }
0x17: {  	s4 =	srdreg.scid;
	s26 =	rddreg [dreg:$0x1];
	s2 =	sadd.s32 $0x18, s1;
	v12 =	vsel vm5, v20, v12;
	vm5 =	vmmov $0x7ff;
	v13 =	vnsel vm10, $0xF, v13  }
0x18: {  	s14 =	rddreg [dreg:$0x2];
	s15 =	simm.s32 $0x0;
	s3 =	scvt.s32.f32 s2;
	v13 =	vsel vm6, $0xE, v13;
	vm6 =	vmmov vm5;
	vm5 =	vmmov $0x1ff  }
0x19: {  	s6 =	sand.u32 $0x1, s4;
	[smem:$0x7FF] =	sst s15;
	s16 =	smul.u32 $0x2400, s8;
	v1 =	vsel vm1, $0x41200000, v0;
	vm1 =	vcmask $0x2F2C;
	v21 =	vsel vm5, $0xFFFFFFFF, v21  }
0x1a: {  	s7 =	smul.u32 $0x240000, s6;
	v2 =	vsel vm1, $0x41300000, v1;
	v1 =	vmov s3;
	s3 =	rddreg [dreg:$0x0];
	_ =	strace $0x80000047;
	[tilespmem:$0x1FF20] =	vst v21;
	v21 =	vimm.s32 $0x0  }
0x1b: {  	s9 =	ssub.s32 $0x2, s6;
	s12 =	sshllo.u32 s6, $0x1;
	s6 =	smul.u32 $0xD8000, s6;
	v21 =	vsel vm9, $0xFFFFFFFF, v21  }
0x1c: {  	s25 =	smax.u32 s1, $0x8;
	vm9 =	vmmov $0x3f;
	[tilespmem:$0x1FF30] =	vst v21;
	v21 =	vimm.s32 $0x0  }
0x1d: {  	s5 =	smin.u32 s25, $0x160;
	s6 =	sadd.s32 s16, s6;
	v21 =	vsel vm9, $0xFFFFFFFF, v21  }
0x1e: {  	s4 =	sadd.s32 $0xFFFFFFF8, s5;
	s6 =	sshrl.u32 s6, $0x3;
	[tilespmem:$0x1FF40] =	vst v21;
	v21 =	vimm.s32 $0xF  }
0x1f: {  	v23 =	vimm.s32 $0x0;
	s5 =	sshrl.u32 s4, $0x3;
	s6 =	sadd.s32 s26, s6;
	v22 =	vsel vm0, $0xE, v21;
	vm0 =	vmmov $0x1  }
0x20: {  	s5 =	smul.u32 $0xC00, s5;
	s24 =	sadd.s32 $0x4800, s6;
	v23 =	vsel vm0, $0xFFFFFFFF, v23  }
0x21: {  	vm7 =	vmmov $0x7fff;
	s17 =	sshll.u32 s8, $0x7;
	[dreg:$0x10] =	wrdreg s24;
	[tilespmem:$0x1FF50] =	vst v23;
	v23 =	vimm.s32 $0x0  }
0x22: {  	s25 =	sadd.s32 $0x9000, s6;
	s10 =	sor.u32 s7, s5;
	[dreg:$0xf] =	wrdreg s6;
	v23 =	vsel vm7, $0xFFFFFFFF, v23  }
0x23: {  	vm4 =	vmmov $0x1fff;
	s8 =	sadd.s32 s17, s14;
	s10 =	sshrl.u32 s10, $0x3;
	[dreg:$0x12] =	wrdreg s25;
	[tilespmem:$0x1FF60] =	vst v23;
	v23 =	vimm.s32 $0x0  }
0x24: {  	v15 =	vimm.s32 $0xEDCBA987;
	s31 =	simm.s32 $0x3C00;
	[dreg:$0x9] =	wrdreg s8;
	s28 =	sadd.s32 s3, s10;
	v23 =	vsel vm4, $0xFFFFFFFF, v23  }
0x25: {  	v14 =	vunpack.c.l.s4.s8 v15;
	v15 =	vimm.s32 $0xFEDCBA98;
	s0 =	scvt.s32.f32 s1;
	s13 =	sadd.s32 $0x1B000, s28;
	[dreg:$0x4] =	wrdreg s28;
	[tilespmem:$0x1FF70] =	vst v23;
	v23 =	vimm.s32 $0x0  }
0x26: {  	v15 =	vunpack.c.l.s4.s8 v15;
	s11 =	sshrl.u32 s9, $0x1;
	s29 =	sadd.s32 $0x1F800, s28;
	[dreg:$0x5] =	wrdreg s13;
	v23 =	vsel vm6, $0xFFFFFFFF, v23  }
0x27: {  	vm2 =	vmmov $0x3fff;
	v14 =	vunpack.c.0.s8.s32 v14;
	s10 =	smul.u32 $0x120000, s12;
	s30 =	sadd.s32 $0x4800, s28;
	[dreg:$0x6] =	wrdreg s29;
	[tilespmem:$0x1FF80] =	vst v23;
	v23 =	vimm.s32 $0x0  }
0x28: {  	vm3 =	vmmov $0xfff;
	s9 =	ssub.s32 s9, s11;
	v15 =	vunpack.c.0.s8.s32 v15;
	s11 =	sadd.s32 $0x9000, s28;
	[dreg:$0x7] =	wrdreg s30;
	v23 =	vsel vm2, $0xFFFFFFFF, v23  }
0x29: {  	v9 =	vcombine.low v9, v17;
	v14 =	vnsel vm10, $0xF, v14;
	s28 =	sadd.s32 $0x800, s8;
	[dreg:$0x8] =	wrdreg s11;
	s5 =	sadd.s32 s10, s5;
	[tilespmem:$0x1FF90] =	vst v23;
	v23 =	vimm.s32 $0x0  }
0x2a: {  	v16 =	vnsel vm10, $0xF, v16;
	v17 =	vnsel vm10, $0xF, v17;
	[dreg:$0x14] =	wrdreg s28;
	s29 =	sadd.s32 $0x800, s14;
	s5 =	sshrl.u32 s5, $0x3;
	v23 =	vsel vm3, $0xFFFFFFFF, v23  }
0x2b: {  	s19 =	smul.u32 $0x6C000, s12;
	v15 =	vnsel vm10, $0xF, v15;
	vm10 =	vmmov $0x3;
	[dreg:$0x15] =	wrdreg s29;
	s18 =	sadd.s32 s3, s5;
	[tilespmem:$0x1FFA0] =	vst v23;
	v23 =	vimm.s32 $0x0  }
0x2c: {  	v5 =	vimm.s32 $0x0;
	v6 =	vimm.f32 $1.000000000e+00;
	s6 =	simm.s32 $0xF000;
	s20 =	sadd.s32 $0x1B000, s18;
	[dreg:$0xa] =	wrdreg s18;
	v23 =	vsel vm10, $0xFFFFFFFF, v23  }
0x2d: {  	vm12 =	vmmov $0x3ff;
	s12 =	simm.s32 $0x12C00;
	s21 =	sadd.s32 $0x1F800, s18;
	vm9 =	vmmov $0x7;
	[dreg:$0xb] =	wrdreg s20;
	[tilespmem:$0x1FFB0] =	vst v23;
	v23 =	vimm.s32 $0x0  }
0x2e: {  	vm8 =	vmmov $0x7f;
	vm13 =	vcmask $0xF00;
	s11 =	simm.s32 $0x1;
	s22 =	sadd.s32 $0x4800, s18;
	[dreg:$0xc] =	wrdreg s21;
	v23 =	vsel vm9, $0xFFFFFFFF, v23  }
0x2f: {  	vm15 =	vmmov $0x1f;
	vm14 =	vmmov $0xf;
	s5 =	sadd.s32 s16, s19;
	s23 =	sadd.s32 $0x9000, s18;
	[dreg:$0xd] =	wrdreg s22;
	[tilespmem:$0x1FFC0] =	vst v23;
	v23 =	vimm.s32 $0x0  }
0x30: {  	v18 =	vnsel vm13, $0xF, v18;
	v19 =	vnsel vm13, $0xF, v19;
	s13 =	simm.s32 $0x15000;
	s5 =	sshrl.u32 s5, $0x3;
	[dreg:$0xe] =	wrdreg s23;
	v23 =	vsel vm14, $0xFFFFFFFF, v23  }
.Ltmp0:
0x31: {  	v0 =	vmov s0;
	vm1 =	vcmask $0x3330;
	s0 =	sadd.s32 s26, s5;
	s26 =	smax.u32 s9, $0x1;
	[tilespmem:$0x1FFD0] =	vst v23;
	v23 =	vimm.s32 $0x0;
	(pc) =	sbr.rel .LBB2_1-.Ltmp0, $4  }
0x32: {  	v20 =	vnsel vm13, $0xF, v20;
	v3 =	vsel vm1, $0x41400000, v2;
	s14 =	simm.s32 $0x17400;
	s18 =	simm.s32 $0x3;
	[dreg:$0x13] =	wrdreg s26;
	v23 =	vsel vm15, $0xFFFFFFFF, v23  }
0x33: {  	vm1 =	vcmask $0x3734;
	v2 =	vmov s1;
	s5 =	simm.s32 $0x7800;
	s30 =	sadd.s32 $0x4800, s0;
	[dreg:$0x11] =	wrdreg s0;
	[tilespmem:$0x1FFE0] =	vst v23;
	v23 =	vimm.s32 $0x0  }
0x34: {  	v4 =	vsel vm1, $0x41500000, v3;
	vm1 =	vcmask $0x3B38;
	s20 =	simm.s32 $0x2;
	s0 =	sadd.s32 $0x9000, s0;
	[dreg:$0x16] =	wrdreg s30;
	v23 =	vsel vm8, $0xFFFFFFFF, v23  }
0x35: {  	v3 =	vimm.f32 $0.0e+00;
	v4 =	vsel vm1, $0x41600000, v4;
	vm1 =	vmxor vm1, vm1;
	s22 =	simm.s32 $0x0;
	[dreg:$0x17] =	wrdreg s0;
	s0 =	simm.s32 $0xB400;
	[tilespmem:$0x1FFF0] =	vst v23  }
.LBB2_31:
0x36: {  	s15 =	simm.s32 $0x0;
	s8 =	rddreg [dreg:$0x11]  }
0x37: {  	[hbm4b:s8+s15] =	stream.linear.scatter [tilespmem:s12], [sflag:$0x2], $0x2400, $0x38;
	[tilespmem:$0x1A0A0] =	vst v63  }
0x38: {  	s28 =	rddreg [dreg:$0x16]  }
0x39: {  	[hbm4b:s28+s15] =	stream.linear.scatter [tilespmem:s13], [sflag:$0x2], $0x2400, $0x38;
	[tilespmem:$0x1A0A0] =	vst v63  }
0x3a: {  	s29 =	rddreg [dreg:$0x17]  }
0x3b: {  	[hbm4b:s29+s15] =	stream.linear.scatter [tilespmem:s14], [sflag:$0x2], $0x2400, $0x38;
	[tilespmem:$0x1A0A0] =	vst v63  }
0x3c: {  	_ =	swait.ge [sflag:s20], $0x2400  }
0x3d: {  	[sflag:s20] =	ssyncset.done $0x0  }
0x3e: {  	[sflag:s20] =	ssyncadd.s32 $0xFFFFDC00  }
0x3f: {  	_ =	swait.ge [sflag:s20], $0x2400  }
0x40: {  	[sflag:s20] =	ssyncset.done $0x0  }
0x41: {  	[sflag:s20] =	ssyncadd.s32 $0xFFFFDC00  }
0x42: {  	_ =	swait.ge [sflag:s20], $0x2400  }
0x43: {  	s22 =	sadd.s32 $0x1, s22;
	s30 =	rddreg [dreg:$0x13]  }
0x44: {  	p0 =	sne.s32 s22, s30  }
.Ltmp1:
0x45: {  	_ = 	snop;
	(pc) =	sbr.rel @!p0 .LBB2_32-.Ltmp1, $3  }
0x46: {  	_ =	sdelay $0x1  }
0x47: {  	[sflag:s20] =	ssyncset.done $0x0  }
0x48: {  	vm12 =	vmmov vm5;
	vm1 =	vmxor vm1, vm1;
	[sflag:s20] =	ssyncadd.s32 $0xFFFFDC00  }
.LBB2_1:
0x49: {  	s8 =	rddreg [dreg:$0x5]  }
0x4a: {  	[tilespmem:s15], [sflag:$0x1] =	stream.linear.gather [hbm4b:s8+s15], $0x3C00, $0x38;
	[tilespmem:$0x1A0A0] =	vst v63  }
0x4b: {  	s26 =	rddreg [dreg:$0x6]  }
0x4c: {  	[tilespmem:s31], [sflag:$0x1] =	stream.linear.gather [hbm4b:s26+s15], $0x3C00, $0x38;
	[tilespmem:$0x1A0A0] =	vst v63  }
0x4d: {  	s28 =	rddreg [dreg:$0x4]  }
0x4e: {  	[tilespmem:s5], [sflag:$0x1] =	stream.linear.gather [hbm4b:s28+s15], $0x3C00, $0x38;
	[tilespmem:$0x1A0A0] =	vst v63  }
0x4f: {  	s29 =	rddreg [dreg:$0x7]  }
0x50: {  	[tilespmem:s0], [sflag:$0x1] =	stream.linear.gather [hbm4b:s29+s15], $0x3C00, $0x38;
	[tilespmem:$0x1A0A0] =	vst v63  }
0x51: {  	s30 =	rddreg [dreg:$0x8]  }
0x52: {  	[tilespmem:s6], [sflag:$0x1] =	stream.linear.gather [hbm4b:s30+s15], $0x3C00, $0x38;
	[tilespmem:$0x1A0A0] =	vst v63  }
0x53: {  	s9 =	simm.s32 $0x0;
	s15 =	simm.s32 $0x180  }
.LBB2_2:
0x54: {  	p0 =	sne.s32 s15, $0x8E80;
	[tilespmem:s9+$0x17450] =	vst v3  }
0x55: {  	[tilespmem:s9+$0x12C00] =	vst v3  }
0x56: {  	[tilespmem:s9+$0x15000] =	vst v3  }
0x57: {  	[tilespmem:s9+$0x17400] =	vst v3  }
0x58: {  	[tilespmem:s9+$0x12C10] =	vst v3  }
0x59: {  	[tilespmem:s9+$0x15010] =	vst v3  }
0x5a: {  	[tilespmem:s9+$0x17410] =	vst v3  }
0x5b: {  	[tilespmem:s9+$0x12C20] =	vst v3  }
0x5c: {  	[tilespmem:s9+$0x15020] =	vst v3  }
0x5d: {  	[tilespmem:s9+$0x17420] =	vst v3  }
0x5e: {  	[tilespmem:s9+$0x12C30] =	vst v3  }
0x5f: {  	[tilespmem:s9+$0x15030] =	vst v3  }
0x60: {  	[tilespmem:s9+$0x17430] =	vst v3  }
.Ltmp2:
0x61: {  	[tilespmem:s9+$0x12C40] =	vst v3;
	(pc) =	sbr.rel @p0 .LBB2_2-.Ltmp2, $4  }
0x62: {  	[tilespmem:s9+$0x15040] =	vst v3  }
0x63: {  	[tilespmem:s9+$0x17440] =	vst v3  }
0x64: {  	[tilespmem:s9+$0x12C50] =	vst v3  }
0x65: {  	[tilespmem:s9+$0x15050] =	vst v3;
	s9 =	sshra.s32 s15, $0x2;
	s15 =	sadd.s32 $0x180, s15  }
0x66: {  	[tilespmem:s9+$0x17450] =	vst v3  }
0x67: {  	[tilespmem:s9+$0x12C00] =	vst v3  }
0x68: {  	[tilespmem:s9+$0x15000] =	vst v3  }
0x69: {  	[tilespmem:s9+$0x17400] =	vst v3  }
0x6a: {  	[tilespmem:s9+$0x12C10] =	vst v3  }
0x6b: {  	[tilespmem:s9+$0x15010] =	vst v3  }
0x6c: {  	[tilespmem:s9+$0x17410] =	vst v3  }
0x6d: {  	[tilespmem:s9+$0x12C20] =	vst v3  }
0x6e: {  	[tilespmem:s9+$0x15020] =	vst v3  }
0x6f: {  	[tilespmem:s9+$0x17420] =	vst v3  }
0x70: {  	[tilespmem:s9+$0x12C30] =	vst v3  }
0x71: {  	[tilespmem:s9+$0x15030] =	vst v3  }
0x72: {  	[tilespmem:s9+$0x17430] =	vst v3  }
0x73: {  	[tilespmem:s9+$0x12C40] =	vst v3  }
0x74: {  	[tilespmem:s9+$0x15040] =	vst v3  }
0x75: {  	[tilespmem:s9+$0x17440] =	vst v3  }
0x76: {  	[tilespmem:s9+$0x12C50] =	vst v3  }
0x77: {  	[tilespmem:s9+$0x15050] =	vst v3  }
0x78: {  	_ =	swait.ge [sflag:s11], $0x3C00  }
0x79: {  	[sflag:s11] =	ssyncset.done $0x0  }
0x7a: {  	[sflag:s11] =	ssyncadd.s32 $0xFFFFC400  }
0x7b: {  	_ =	swait.ge [sflag:s11], $0x3C00  }
0x7c: {  	[sflag:s11] =	ssyncset.done $0x0  }
0x7d: {  	[sflag:s11] =	ssyncadd.s32 $0xFFFFC400  }
0x7e: {  	_ =	swait.ge [sflag:s11], $0x3C00  }
0x7f: {  	[sflag:s11] =	ssyncset.done $0x0  }
0x80: {  	[sflag:s11] =	ssyncadd.s32 $0xFFFFC400  }
0x81: {  	_ =	swait.ge [sflag:s11], $0x3C00  }
0x82: {  	[sflag:s11] =	ssyncset.done $0x0  }
0x83: {  	[sflag:s11] =	ssyncadd.s32 $0xFFFFC400  }
0x84: {  	_ =	swait.ge [sflag:s11], $0x3C00  }
0x85: {  	[sflag:s11] =	ssyncset.done $0x0  }
0x86: {  	s24 =	simm.s32 $0x0;
	v23 =	vimm.s32 $0x0;
	v24 =	vimm.s32 $0x0;
	vm5 =	vmmov vm12;
	[sflag:s11] =	ssyncadd.s32 $0xFFFFC400  }
.LBB2_4:
0x87: {  	s9 =	sshrl.u32 s24, $0x3;
	s15 =	sadd.s32 s4, s24;
	s17 =	sshll.u32 s24, $0x7  }
0x88: {  	s9 =	smul.u32 $0xC00, s9;
	p0 =	sge.u32 s15, s1;
	p1 =	slt.u32 s15, s2  }
0x89: {  	s19 =	scvt.s32.f32 s15;
	s17 =	sand.u32 $0x380, s17;
	p0 =	por !p0, !p1  }
0x8a: {  	s28 =	simm.s32 $0x50;
	s25 =	sor.u32 s17, s9;
	p0 =	por !p0, !p0  }
0x8b: {  	v25 =	vmov s19;
	s19 =	simm.s32 $0x0;
	s17 =	sadd.s32 $0xB400, s25;
	s26 =	sadd.s32 $0xF000, s25  }
.LBB2_5:
0x8c: {  	s9 =	sadd.s32 $0xFFFFFFB0, s28;
	s15 =	sand.u32 $0xC00, s19  }
0x8d: {  	s21 =	sand.u32 $0x60, s9;
	s23 =	sadd.s32 s25, s15  }
0x8e: {  	s29 =	sor.u32 s21, s23  }
0x8f: {  	v26 =	vld [tilespmem:s29+$0x3C00]  }
0x90: {  	v27 =	vld [tilespmem:s29+$0x0]  }
0x91: {  	s9 =	scvt.s32.f32 s9;
	_ =	sdelay $0x1  }
0x92: {  	v28 =	vadd.f32 s9, v4  }
0x93: {  	v26 =	vadd.f32 v26, v25  }
0x94: {  	v27 =	vadd.f32 v27, v28  }
0x95: {  	v26 =	vadd.f32 $1.258291200e+07, v26  }
0x96: {  	v27 =	vadd.f32 $1.258291200e+07, v27  }
0x97: {  	v26 =	vadd.f32 $-1.258291200e+07, v26  }
0x98: {  	v27 =	vadd.f32 $-1.258291200e+07, v27  }
0x99: {  	v54 =	vtrunc.f32 v26  }
0x9a: {  	vm2 =	vge.f32 v27, $0.0e+00;
	v28 =	vcvt.f32.s32 v54  }
0x9b: {  	vm0 =	vlt.f32 v27, $3.840000000e+02;
	vm3 =	vge.f32 v26, v0;
	v27 =	vtrunc.f32 v27  }
0x9c: {  	vm2 =	vmand vm2, vm0;
	vm0 =	vlt.f32 v26, v1;
	v28 =	vsub.s32 v28, v2  }
0x9d: {  	v27 =	vcvt.f32.s32 v27;
	vm0 =	vmand vm3, vm0;
	v28 =	vmul.u32 $0x180, v28  }
0x9e: {  	vm12 =	vmand vm2, vm0  }
0x9f: {  	v28 =	vadd.s32 v27, v28;
	_ =	sdelay $0x4  }
0xa0: {  	[tilespmem:v28+s12+$0x0] =	vst.idx.msk vm12, v4  }
0xa1: {  	v27 =	vld.idx.msk [tilespmem:v28+s12+$0x0], vm12;
	_ =	sdelay $0x4  }
0xa2: {  	vm0 =	veq.f32 v27, v4  }
0xa3: {  	vm0 =	vmand vm0, vm12  }
0xa4: {  	v29 =	vld [tilespmem:s29+$0x7800];
	_ =	sdelay $0x3  }
0xa5: {  	s9 =	sadd.s32 s15, s17  }
0xa6: {  	s30 =	sadd.s32 s21, s9;
	[tilespmem:v28+s12+$0x0] =	vst.idx.msk vm0, v29  }
0xa7: {  	v29 =	vld [tilespmem:s30+$0x0];
	_ =	sdelay $0x3  }
0xa8: {  	s15 =	sadd.s32 s15, s26  }
0xa9: {  	s21 =	sadd.s32 s21, s15;
	[tilespmem:v28+s13+$0x0] =	vst.idx.msk vm0, v29  }
0xaa: {  	v29 =	vld [tilespmem:s21+$0x0];
	_ =	sdelay $0x2  }
0xab: {  	s8 =	sadd.s32 $0xFFFFFFC0, s28  }
0xac: {  	s16 =	sand.u32 $0x70, s8  }
0xad: {  	s23 =	sor.u32 s16, s23;
	[tilespmem:v28+s14+$0x0] =	vst.idx.msk vm0, v29  }
0xae: {  	v28 =	vld [tilespmem:s23+$0x3C00]  }
0xaf: {  	v29 =	vld [tilespmem:s23+$0x0]  }
0xb0: {  	s21 =	scvt.s32.f32 s8;
	_ =	sdelay $0x1  }
0xb1: {  	v30 =	vadd.f32 s21, v4  }
0xb2: {  	v28 =	vadd.f32 v28, v25  }
0xb3: {  	v29 =	vadd.f32 v29, v30  }
0xb4: {  	v28 =	vadd.f32 $1.258291200e+07, v28  }
0xb5: {  	v29 =	vadd.f32 $1.258291200e+07, v29  }
0xb6: {  	v28 =	vadd.f32 $-1.258291200e+07, v28  }
0xb7: {  	v29 =	vadd.f32 $-1.258291200e+07, v29  }
0xb8: {  	v55 =	vtrunc.f32 v28  }
0xb9: {  	vm2 =	vge.f32 v29, $0.0e+00;
	vm0 =	vlt.f32 v29, $3.840000000e+02;
	v30 =	vcvt.f32.s32 v55  }
0xba: {  	v29 =	vtrunc.f32 v29;
	vm3 =	vmand vm2, vm0  }
0xbb: {  	vm2 =	vge.f32 v28, v0;
	vm0 =	vlt.f32 v28, v1;
	v30 =	vsub.s32 v30, v2  }
0xbc: {  	v29 =	vcvt.f32.s32 v29;
	vm0 =	vmand vm2, vm0;
	v30 =	vmul.u32 $0x180, v30  }
0xbd: {  	vm2 =	vmmov vm1;
	vm1 =	vmand vm3, vm0  }
0xbe: {  	v30 =	vadd.s32 v29, v30;
	_ =	sdelay $0x4  }
0xbf: {  	[tilespmem:v30+s12+$0x0] =	vst.idx.msk vm1, v4  }
0xc0: {  	v29 =	vld.idx.msk [tilespmem:v30+s12+$0x0], vm1;
	_ =	sdelay $0x4  }
0xc1: {  	vm0 =	veq.f32 v29, v4  }
0xc2: {  	vm0 =	vmand vm0, vm1  }
0xc3: {  	v31 =	vld [tilespmem:s23+$0x7800];
	_ =	sdelay $0x4  }
0xc4: {  	s9 =	sadd.s32 s16, s9;
	[tilespmem:v30+s12+$0x0] =	vst.idx.msk vm0, v31  }
0xc5: {  	v31 =	vld [tilespmem:s9+$0x0];
	_ =	sdelay $0x4  }
0xc6: {  	s23 =	sadd.s32 s16, s15;
	[tilespmem:v30+s13+$0x0] =	vst.idx.msk vm0, v31  }
0xc7: {  	v31 =	vld [tilespmem:s23+$0x0];
	_ =	sdelay $0x1  }
0xc8: {  	s29 =	sadd.s32 $0x100, s19  }
0xc9: {  	s30 =	sadd.s32 $0xFFFFFFD0, s28;
	s9 =	sand.u32 $0x1C00, s29  }
0xca: {  	s8 =	sand.u32 $0x60, s30;
	s16 =	sadd.s32 s25, s9  }
0xcb: {  	s23 =	sor.u32 s8, s16;
	[tilespmem:v30+s14+$0x0] =	vst.idx.msk vm0, v31  }
0xcc: {  	v30 =	vld [tilespmem:s23+$0x3C00]  }
0xcd: {  	v31 =	vld [tilespmem:s23+$0x0]  }
0xce: {  	s15 =	scvt.s32.f32 s30;
	_ =	sdelay $0x1  }
0xcf: {  	v32 =	vadd.f32 s15, v4  }
0xd0: {  	v30 =	vadd.f32 v30, v25  }
0xd1: {  	v31 =	vadd.f32 v31, v32  }
0xd2: {  	v30 =	vadd.f32 $1.258291200e+07, v30  }
0xd3: {  	v31 =	vadd.f32 $1.258291200e+07, v31  }
0xd4: {  	v30 =	vadd.f32 $-1.258291200e+07, v30  }
0xd5: {  	v31 =	vadd.f32 $-1.258291200e+07, v31  }
0xd6: {  	v56 =	vtrunc.f32 v30  }
0xd7: {  	vm3 =	vge.f32 v31, $0.0e+00;
	v32 =	vcvt.f32.s32 v56  }
0xd8: {  	vm0 =	vlt.f32 v31, $3.840000000e+02;
	vm8 =	vge.f32 v30, v0;
	v31 =	vtrunc.f32 v31  }
0xd9: {  	vm3 =	vmand vm3, vm0;
	vm0 =	vlt.f32 v30, v1;
	v32 =	vsub.s32 v32, v2  }
0xda: {  	v31 =	vcvt.f32.s32 v31;
	vm0 =	vmand vm8, vm0;
	v32 =	vmul.u32 $0x180, v32  }
0xdb: {  	vm3 =	vmand vm3, vm0  }
0xdc: {  	v32 =	vadd.s32 v31, v32;
	_ =	sdelay $0x4  }
0xdd: {  	[tilespmem:v32+s12+$0x0] =	vst.idx.msk vm3, v4  }
0xde: {  	v31 =	vld.idx.msk [tilespmem:v32+s12+$0x0], vm3;
	_ =	sdelay $0x4  }
0xdf: {  	vm0 =	veq.f32 v31, v4  }
0xe0: {  	vm0 =	vmand vm0, vm3  }
0xe1: {  	v33 =	vld [tilespmem:s23+$0x7800];
	_ =	sdelay $0x3  }
0xe2: {  	s23 =	sadd.s32 s9, s17  }
0xe3: {  	s15 =	sadd.s32 s8, s23;
	[tilespmem:v32+s12+$0x0] =	vst.idx.msk vm0, v33  }
0xe4: {  	v33 =	vld [tilespmem:s15+$0x0];
	_ =	sdelay $0x3  }
0xe5: {  	s9 =	sadd.s32 s9, s26  }
0xe6: {  	s9 =	sadd.s32 s8, s9;
	[tilespmem:v32+s13+$0x0] =	vst.idx.msk vm0, v33  }
0xe7: {  	v33 =	vld [tilespmem:s9+$0x0];
	_ =	sdelay $0x1  }
0xe8: {  	s29 =	sadd.s32 $0x180, s19  }
0xe9: {  	s30 =	sadd.s32 $0xFFFFFFE0, s28;
	s9 =	sand.u32 $0x1C00, s29  }
0xea: {  	s8 =	sand.u32 $0x70, s30;
	s16 =	sadd.s32 s25, s9  }
0xeb: {  	s23 =	sor.u32 s8, s16;
	[tilespmem:v32+s14+$0x0] =	vst.idx.msk vm0, v33  }
0xec: {  	v32 =	vld [tilespmem:s23+$0x3C00]  }
0xed: {  	v33 =	vld [tilespmem:s23+$0x0]  }
0xee: {  	s15 =	scvt.s32.f32 s30;
	_ =	sdelay $0x1  }
0xef: {  	v34 =	vadd.f32 s15, v4  }
0xf0: {  	v32 =	vadd.f32 v32, v25  }
0xf1: {  	v33 =	vadd.f32 v33, v34  }
0xf2: {  	v32 =	vadd.f32 $1.258291200e+07, v32  }
0xf3: {  	v33 =	vadd.f32 $1.258291200e+07, v33  }
0xf4: {  	v32 =	vadd.f32 $-1.258291200e+07, v32  }
0xf5: {  	v33 =	vadd.f32 $-1.258291200e+07, v33  }
0xf6: {  	v57 =	vtrunc.f32 v32  }
0xf7: {  	vm8 =	vge.f32 v33, $0.0e+00;
	v34 =	vcvt.f32.s32 v57  }
0xf8: {  	vm0 =	vlt.f32 v33, $3.840000000e+02;
	vm10 =	vge.f32 v32, v0;
	v33 =	vtrunc.f32 v33  }
0xf9: {  	vm8 =	vmand vm8, vm0;
	vm0 =	vlt.f32 v32, v1;
	v34 =	vsub.s32 v34, v2  }
0xfa: {  	v33 =	vcvt.f32.s32 v33;
	vm0 =	vmand vm10, vm0;
	v34 =	vmul.u32 $0x180, v34  }
0xfb: {  	vm15 =	vmand vm8, vm0  }
0xfc: {  	v33 =	vadd.s32 v33, v34;
	_ =	sdelay $0x4  }
0xfd: {  	[tilespmem:v33+s12+$0x0] =	vst.idx.msk vm15, v4  }
0xfe: {  	v34 =	vld.idx.msk [tilespmem:v33+s12+$0x0], vm15;
	_ =	sdelay $0x4  }
0xff: {  	vm0 =	veq.f32 v34, v4  }
0x100: {  	vm0 =	vmand vm0, vm15  }
0x101: {  	v35 =	vld [tilespmem:s23+$0x7800];
	_ =	sdelay $0x3  }
0x102: {  	s29 =	sadd.s32 s9, s17  }
0x103: {  	s15 =	sadd.s32 s8, s29;
	[tilespmem:v33+s12+$0x0] =	vst.idx.msk vm0, v35  }
0x104: {  	v35 =	vld [tilespmem:s15+$0x0];
	_ =	sdelay $0x3  }
0x105: {  	s9 =	sadd.s32 s9, s26  }
0x106: {  	s9 =	sadd.s32 s8, s9;
	[tilespmem:v33+s13+$0x0] =	vst.idx.msk vm0, v35  }
0x107: {  	v35 =	vld [tilespmem:s9+$0x0];
	_ =	sdelay $0x1  }
0x108: {  	s30 =	sadd.s32 $0x200, s19  }
0x109: {  	s8 =	sadd.s32 $0xFFFFFFF0, s28;
	s9 =	sand.u32 $0x1C00, s30  }
0x10a: {  	s16 =	sand.u32 $0x60, s8;
	s29 =	sadd.s32 s25, s9  }
0x10b: {  	s23 =	sor.u32 s16, s29;
	[tilespmem:v33+s14+$0x0] =	vst.idx.msk vm0, v35  }
0x10c: {  	v33 =	vld [tilespmem:s23+$0x3C00]  }
0x10d: {  	v35 =	vld [tilespmem:s23+$0x0]  }
0x10e: {  	s15 =	scvt.s32.f32 s8;
	_ =	sdelay $0x1  }
0x10f: {  	v36 =	vadd.f32 s15, v4  }
0x110: {  	v33 =	vadd.f32 v33, v25  }
0x111: {  	v35 =	vadd.f32 v35, v36  }
0x112: {  	v33 =	vadd.f32 $1.258291200e+07, v33  }
0x113: {  	v35 =	vadd.f32 $1.258291200e+07, v35  }
0x114: {  	v33 =	vadd.f32 $-1.258291200e+07, v33  }
0x115: {  	v35 =	vadd.f32 $-1.258291200e+07, v35  }
0x116: {  	v58 =	vtrunc.f32 v33  }
0x117: {  	vm8 =	vge.f32 v35, $0.0e+00;
	v36 =	vcvt.f32.s32 v58  }
0x118: {  	vm0 =	vlt.f32 v35, $3.840000000e+02;
	vm10 =	vge.f32 v33, v0;
	v35 =	vtrunc.f32 v35  }
0x119: {  	vm8 =	vmand vm8, vm0;
	vm0 =	vlt.f32 v33, v1;
	v36 =	vsub.s32 v36, v2  }
0x11a: {  	v35 =	vcvt.f32.s32 v35;
	vm0 =	vmand vm10, vm0;
	v36 =	vmul.u32 $0x180, v36  }
0x11b: {  	vm10 =	vmand vm8, vm0  }
0x11c: {  	v35 =	vadd.s32 v35, v36;
	_ =	sdelay $0x4  }
0x11d: {  	[tilespmem:v35+s12+$0x0] =	vst.idx.msk vm10, v4  }
0x11e: {  	v36 =	vld.idx.msk [tilespmem:v35+s12+$0x0], vm10;
	_ =	sdelay $0x4  }
0x11f: {  	vm0 =	veq.f32 v36, v4  }
0x120: {  	vm0 =	vmand vm0, vm10  }
0x121: {  	v37 =	vld [tilespmem:s23+$0x7800];
	_ =	sdelay $0x3  }
0x122: {  	s30 =	sadd.s32 s9, s17  }
0x123: {  	s15 =	sadd.s32 s16, s30;
	[tilespmem:v35+s12+$0x0] =	vst.idx.msk vm0, v37  }
0x124: {  	v37 =	vld [tilespmem:s15+$0x0];
	_ =	sdelay $0x3  }
0x125: {  	s9 =	sadd.s32 s9, s26  }
0x126: {  	s9 =	sadd.s32 s16, s9;
	[tilespmem:v35+s13+$0x0] =	vst.idx.msk vm0, v37  }
0x127: {  	v37 =	vld [tilespmem:s9+$0x0];
	_ =	sdelay $0x1  }
0x128: {  	s8 =	sadd.s32 $0x280, s19  }
0x129: {  	s9 =	sand.u32 $0x1C00, s8  }
0x12a: {  	s16 =	sand.u32 $0x70, s28;
	s23 =	sadd.s32 s25, s9  }
0x12b: {  	s21 =	sor.u32 s16, s23;
	[tilespmem:v35+s14+$0x0] =	vst.idx.msk vm0, v37  }
0x12c: {  	v35 =	vld [tilespmem:s21+$0x3C00]  }
0x12d: {  	v37 =	vld [tilespmem:s21+$0x0]  }
0x12e: {  	s29 =	scvt.s32.f32 s28;
	_ =	sdelay $0x1  }
0x12f: {  	v38 =	vadd.f32 s29, v4  }
0x130: {  	v35 =	vadd.f32 v35, v25  }
0x131: {  	v37 =	vadd.f32 v37, v38  }
0x132: {  	v35 =	vadd.f32 $1.258291200e+07, v35  }
0x133: {  	v37 =	vadd.f32 $1.258291200e+07, v37  }
0x134: {  	v35 =	vadd.f32 $-1.258291200e+07, v35  }
0x135: {  	v37 =	vadd.f32 $-1.258291200e+07, v37  }
0x136: {  	v59 =	vtrunc.f32 v35  }
0x137: {  	vm8 =	vge.f32 v37, $0.0e+00;
	v38 =	vcvt.f32.s32 v59  }
0x138: {  	vm0 =	vlt.f32 v37, $3.840000000e+02;
	vm11 =	vge.f32 v35, v0;
	v37 =	vtrunc.f32 v37  }
0x139: {  	vm8 =	vmand vm8, vm0;
	vm0 =	vlt.f32 v35, v1;
	v38 =	vsub.s32 v38, v2  }
0x13a: {  	v37 =	vcvt.f32.s32 v37;
	vm0 =	vmand vm11, vm0;
	v38 =	vmul.u32 $0x180, v38  }
0x13b: {  	vm11 =	vmand vm8, vm0  }
0x13c: {  	v37 =	vadd.s32 v37, v38;
	_ =	sdelay $0x4  }
0x13d: {  	[tilespmem:v37+s12+$0x0] =	vst.idx.msk vm11, v4  }
0x13e: {  	v38 =	vld.idx.msk [tilespmem:v37+s12+$0x0], vm11;
	_ =	sdelay $0x4  }
0x13f: {  	vm13 =	vlt.f32 v29, v4;
	vm0 =	veq.f32 v38, v4  }
0x140: {  	vm8 =	vmand vm0, vm11;
	vm0 =	vlt.f32 v27, v4;
	v27 =	vimm.s32 $0x0  }
0x141: {  	v27 =	vsel vm13, $0xFFFFFFFF, v27  }
0x142: {  	[tilespmem:$0x1FF00] =	vst v27  }
0x143: {  	v60 =	vld [tilespmem:$0x1FF00];
	_ =	sdelay $0x3  }
0x144: {  	v26 =	vsub.f32 v26, v25  }
0x145: {  	vm0 =	vmand vm0, vm12;
	vm12 =	vnez.u8 v60  }
0x146: {  	v26 =	vand.u32 $0x7FFFFFFF, v26;
	vm12 =	vmand vm12, vm1  }
0x147: {  	v39 =	vld [tilespmem:s21+$0x7800];
	vm1 =	vmmov vm2;
	vm2 =	vgt.f32 v26, $8.000000000e+00;
	v26 =	vimm.s32 $0x0  }
0x148: {  	v26 =	vsel vm2, $0xFFFFFFFF, v26  }
0x149: {  	[tilespmem:$0x1FF10] =	vst v26  }
0x14a: {  	v27 =	vsub.f32 v28, v25;
	v26 =	vld [tilespmem:$0x1FF10]  }
0x14b: {  	s30 =	sadd.s32 s9, s17  }
0x14c: {  	s21 =	sadd.s32 s16, s30;
	v27 =	vand.u32 $0x7FFFFFFF, v27;
	[tilespmem:v37+s12+$0x0] =	vst.idx.msk vm8, v39  }
0x14d: {  	vm2 =	vmor vm0, vm12;
	vm0 =	vgt.f32 v27, $8.000000000e+00;
	v27 =	vld [tilespmem:s21+$0x0]  }
0x14e: {  	v61 =	vsub.f32 v30, v25  }
0x14f: {  	v62 =	vsub.f32 v33, v25;
	vm12 =	vnez.u8 v26  }
0x150: {  	v26 =	vand.u32 $0x7FFFFFFF, v61;
	vm12 =	vmor vm12, vm0;
	vm0 =	vlt.f32 v31, v4  }
0x151: {  	vm0 =	vmand vm0, vm3;
	vm3 =	vgt.f32 v26, $8.000000000e+00;
	v26 =	vsub.f32 v32, v25  }
0x152: {  	[tilespmem:v37+s13+$0x0] =	vst.idx.msk vm8, v27;
	v27 =	vand.u32 $0x7FFFFFFF, v62  }
0x153: {  	vm2 =	vmor vm2, vm0;
	vm0 =	vlt.f32 v34, v4;
	v26 =	vand.u32 $0x7FFFFFFF, v26  }
0x154: {  	vm3 =	vmor vm12, vm3;
	vm0 =	vmand vm0, vm15;
	vm12 =	vgt.f32 v26, $8.000000000e+00  }
0x155: {  	s15 =	sadd.s32 s9, s26;
	vm2 =	vmor vm2, vm0;
	v26 =	vsub.f32 v35, v25;
	vm0 =	vlt.f32 v36, v4  }
0x156: {  	s9 =	sadd.s32 s16, s15;
	vm3 =	vmor vm3, vm12;
	vm10 =	vmand vm0, vm10;
	vm0 =	vgt.f32 v27, $8.000000000e+00  }
0x157: {  	p1 =	sne.s32 s28, $0x170;
	v27 =	vld [tilespmem:s9+$0x0];
	v26 =	vand.u32 $0x7FFFFFFF, v26;
	vm3 =	vmor vm3, vm0  }
.Ltmp3:
0x158: {  	vm0 =	vlt.f32 v38, v4;
	vm2 =	vmor vm2, vm10;
	vm12 =	vgt.f32 v26, $8.000000000e+00;
	(pc) =	sbr.rel @p1 .LBB2_5-.Ltmp3, $4  }
0x159: {  	vm10 =	vmand vm0, vm11;
	vm0 =	vmmov vm1;
	vm3 =	vmor vm3, vm12  }
0x15a: {  	vm2 =	vmor vm2, vm10;
	vm0 =	vmmov @p0 vm3  }
0x15b: {  	v26 =	vsel vm2, $0x1, v5;
	v63 =	vsel vm0, $0x1, v5  }
0x15c: {  	s19 =	sadd.s32 $0x300, s19;
	s28 =	sadd.s32 $0x60, s28;
	v23 =	vor.u32 v26, v23;
	[tilespmem:v37+s14+$0x0] =	vst.idx.msk vm8, v27;
	v24 =	vor.u32 v63, v24  }
0x15d: {  	s24 =	sadd.s32 $0x1, s24  }
0x15e: {  	p0 =	sne.s32 s24, $0x28  }
.Ltmp4:
0x15f: {  	_ = 	snop;
	(pc) =	sbr.rel @p0 .LBB2_4-.Ltmp4, $1  }
0x160: {  	_ =	sdelay $0x3  }
0x161: {  	[tilespmem:$0x19800] =	vst v24;
	s8 =	rddreg [dreg:$0x9];
	s9 =	simm.s32 $0x19800  }
0x162: {  	[spmem:s8] =	stream.linear.scatter [tilespmem:s9], [sflag:$0x3], $0x80, $0x38;
	[tilespmem:$0x1A0A0] =	vst v63  }
0x163: {  	_ =	swait.ge [sflag:s18], $0x80  }
0x164: {  	[sflag:s18] =	ssyncset.done $0x0  }
0x165: {  	[sflag:s18] =	ssyncadd.s32 $0xFFFFFF80  }
0x166: {  	[bflag:$0x0] =	sbarrier.arrive $0xFFFF  }
0x167: {  	s30 =	simm.s32 $0x19880;
	s29 =	rddreg [dreg:$0x2]  }
0x168: {  	[tilespmem:s30], [sflag:$0x3] =	stream.linear.gather [spmem:s29], $0x800, $0x38;
	[tilespmem:$0x1A0A0] =	vst v63  }
0x169: {  	_ =	swait.ge [sflag:s18], $0x800  }
0x16a: {  	[sflag:s18] =	ssyncset.done $0x0  }
0x16b: {  	[sflag:s18] =	ssyncadd.s32 $0xFFFFF800  }
0x16c: {  	v53 =	vld [tilespmem:$0x19880]  }
0x16d: {  	v25 =	vld [tilespmem:$0x19900]  }
0x16e: {  	v26 =	vld [tilespmem:$0x19980]  }
0x16f: {  	v27 =	vld [tilespmem:$0x19A00]  }
0x170: {  	v28 =	vld [tilespmem:$0x19A80]  }
0x171: {  	v29 =	vld [tilespmem:$0x19B00]  }
0x172: {  	v54 =	vld [tilespmem:$0x19B80];
	v24 =	vor.u32 v53, v25  }
0x173: {  	v55 =	vld [tilespmem:$0x19C00];
	v24 =	vor.u32 v24, v26  }
0x174: {  	v56 =	vld [tilespmem:$0x19C80];
	v24 =	vor.u32 v24, v27  }
0x175: {  	v57 =	vld [tilespmem:$0x19D00];
	v24 =	vor.u32 v24, v28  }
0x176: {  	v58 =	vld [tilespmem:$0x19D80];
	v24 =	vor.u32 v24, v29  }
0x177: {  	v59 =	vld [tilespmem:$0x19E00];
	v24 =	vor.u32 v24, v54  }
0x178: {  	v60 =	vld [tilespmem:$0x19E80];
	v24 =	vor.u32 v24, v55  }
0x179: {  	v61 =	vld [tilespmem:$0x19F00];
	v24 =	vor.u32 v24, v56  }
0x17a: {  	v62 =	vld [tilespmem:$0x19F80];
	v24 =	vor.u32 v24, v57  }
0x17b: {  	v63 =	vld [tilespmem:$0x1A000];
	v24 =	vor.u32 v24, v58  }
0x17c: {  	v24 =	vor.u32 v24, v59  }
0x17d: {  	v24 =	vor.u32 v24, v60  }
0x17e: {  	v24 =	vor.u32 v24, v61  }
0x17f: {  	v24 =	vor.u32 v24, v62  }
0x180: {  	v24 =	vor.u32 v24, v63  }
0x181: {  	vm0 =	veq.s32 v24, $0x0  }
0x182: {  	v24 =	vsel vm0, $0x0, v6;
	vm0 =	veq.s32 v23, $0x0  }
0x183: {  	(xrf0) =	vmax.scan.msk.f32 $0xffff, v24;
	v23 =	vsel vm0, $0x0, v6  }
0x184: {  	(xrf0) =	vmax.scan.msk.f32 $0xffff, v23;
	_ =	sdelay $0x4  }
0x185: {  	v23, _, _ =	vpop (xrf0)  }
0x186: {  	(v2sf) =	vpush v23, $0xF;
	v23, _, _ =	vpop (xrf0)  }
0x187: {  	(v2sf) =	vpush v23, $0xF;
	_ =	sdelay $0x4  }
0x188: {  	v23 =	vld [tilespmem:$0x1FF50];
	_ =	sdelay $0x4  }
0x189: {  	vm12 =	vnez.u8 v23;
	v23 =	vld [tilespmem:$0x1FF90];
	_ =	sdelay $0x3  }
0x18a: {  	s9 =	spop (v2sf)  }
0x18b: {  	vm1 =	vnez.u8 v23;
	v23 =	vld [tilespmem:$0x1FFF0];
	s15 =	spop (v2sf)  }
0x18c: {  	p0 =	sgt.f32 s15, $0.0e+00;
	_ =	sdelay $0x1  }
0x18d: {  	p1 =	sgt.f32 @!p0 s9, $0.0e+00;
	_ =	sdelay $0x1  }
0x18e: {  	vm8 =	vnez.u8 v23;
	v23 =	vld [tilespmem:$0x1FFE0];
	p1 =	por p0, p1  }
.Ltmp5:
0x18f: {  	_ = 	snop;
	(pc) =	sbr.rel @!p1 .LBB2_16-.Ltmp5, $2  }
0x190: {  	_ =	sdelay $0x2  }
0x191: {  	vm15 =	vnez.u8 v23  }
0x192: {  	s15 =	simm.s32 $0x0  }
0x193: {  	s15 =	simm.s32 @p0 $0x0  }
0x194: {  	p0 =	sne.s32 s15, $0x8E80  }
.Ltmp6:
0x195: {  	_ = 	snop;
	(pc) =	sbr.rel @!p0 .LBB2_10-.Ltmp6, $2  }
0x196: {  	_ =	sdelay $0x2  }
0x197: {  	vm2 =	vmmov vm9;
	s9 =	sshra.s32 s15, $0x2;
	s15 =	sadd.s32 $0x180, s15  }
.LBB2_9:
0x198: {  	p0 =	sne.s32 s15, $0x8E80;
	[tilespmem:s9+$0x17450] =	vst v3  }
0x199: {  	[tilespmem:s9+$0x12C00] =	vst v3  }
0x19a: {  	[tilespmem:s9+$0x15000] =	vst v3  }
0x19b: {  	[tilespmem:s9+$0x17400] =	vst v3  }
0x19c: {  	[tilespmem:s9+$0x12C10] =	vst v3  }
0x19d: {  	[tilespmem:s9+$0x15010] =	vst v3  }
0x19e: {  	[tilespmem:s9+$0x17410] =	vst v3  }
0x19f: {  	[tilespmem:s9+$0x12C20] =	vst v3  }
0x1a0: {  	[tilespmem:s9+$0x15020] =	vst v3  }
0x1a1: {  	[tilespmem:s9+$0x17420] =	vst v3  }
0x1a2: {  	[tilespmem:s9+$0x12C30] =	vst v3  }
0x1a3: {  	[tilespmem:s9+$0x15030] =	vst v3  }
0x1a4: {  	[tilespmem:s9+$0x17430] =	vst v3  }
.Ltmp7:
0x1a5: {  	[tilespmem:s9+$0x12C40] =	vst v3;
	(pc) =	sbr.rel @p0 .LBB2_9-.Ltmp7, $4  }
0x1a6: {  	[tilespmem:s9+$0x15040] =	vst v3  }
0x1a7: {  	[tilespmem:s9+$0x17440] =	vst v3  }
0x1a8: {  	[tilespmem:s9+$0x12C50] =	vst v3  }
0x1a9: {  	[tilespmem:s9+$0x15050] =	vst v3;
	s9 =	sshra.s32 s15, $0x2;
	s15 =	sadd.s32 $0x180, s15  }
.LBB2_10:
0x1aa: {  	[tilespmem:s9+$0x17450] =	vst v3  }
0x1ab: {  	[tilespmem:s9+$0x12C00] =	vst v3  }
0x1ac: {  	[tilespmem:s9+$0x15000] =	vst v3  }
0x1ad: {  	[tilespmem:s9+$0x17400] =	vst v3  }
0x1ae: {  	[tilespmem:s9+$0x12C10] =	vst v3  }
0x1af: {  	[tilespmem:s9+$0x15010] =	vst v3  }
0x1b0: {  	[tilespmem:s9+$0x17410] =	vst v3  }
0x1b1: {  	[tilespmem:s9+$0x12C20] =	vst v3  }
0x1b2: {  	[tilespmem:s9+$0x15020] =	vst v3  }
0x1b3: {  	[tilespmem:s9+$0x17420] =	vst v3  }
0x1b4: {  	[tilespmem:s9+$0x12C30] =	vst v3  }
0x1b5: {  	[tilespmem:s9+$0x15030] =	vst v3  }
0x1b6: {  	[tilespmem:s9+$0x17430] =	vst v3  }
0x1b7: {  	[tilespmem:s9+$0x12C40] =	vst v3  }
0x1b8: {  	[tilespmem:s9+$0x15040] =	vst v3  }
0x1b9: {  	[tilespmem:s9+$0x17440] =	vst v3  }
0x1ba: {  	[tilespmem:s9+$0x12C50] =	vst v3  }
0x1bb: {  	s24 =	simm.s32 $0x0;
	[tilespmem:s9+$0x15050] =	vst v3;
	s25 =	simm.s32 $0x0  }
.LBB2_11:
0x1bc: {  	s9 =	smul.u32 $0x3000, s25;
	_ =	sdelay $0x1  }
0x1bd: {  	s9 =	sadd.s32 s7, s9  }
0x1be: {  	s9 =	sshrl.u32 s9, $0x3  }
0x1bf: {  	s9 =	sadd.s32 s3, s9  }
0x1c0: {  	s15 =	sadd.s32 $0x1B000, s9  }
0x1c1: {  	[tilespmem:s24], [sflag:$0x3] =	stream.linear.gather [hbm4b:s15+s24], $0x3000, $0x38;
	[tilespmem:$0x1A0A0] =	vst v63  }
0x1c2: {  	_ =	swait.ge [sflag:s18], $0x3000  }
0x1c3: {  	[sflag:s18] =	ssyncset.done $0x0  }
0x1c4: {  	s29 =	sadd.s32 $0x1F800, s9;
	[sflag:s18] =	ssyncadd.s32 $0xFFFFD000  }
0x1c5: {  	[tilespmem:s31], [sflag:$0x3] =	stream.linear.gather [hbm4b:s29+s24], $0x3000, $0x38;
	[tilespmem:$0x1A0A0] =	vst v63  }
0x1c6: {  	_ =	swait.ge [sflag:s18], $0x3000  }
0x1c7: {  	[sflag:s18] =	ssyncset.done $0x0  }
0x1c8: {  	[sflag:s18] =	ssyncadd.s32 $0xFFFFD000  }
0x1c9: {  	[tilespmem:s5], [sflag:$0x3] =	stream.linear.gather [hbm4b:s9+s24], $0x3000, $0x38;
	[tilespmem:$0x1A0A0] =	vst v63  }
0x1ca: {  	_ =	swait.ge [sflag:s18], $0x3000  }
0x1cb: {  	[sflag:s18] =	ssyncset.done $0x0  }
0x1cc: {  	s30 =	sadd.s32 $0x4800, s9;
	[sflag:s18] =	ssyncadd.s32 $0xFFFFD000  }
0x1cd: {  	[tilespmem:s0], [sflag:$0x3] =	stream.linear.gather [hbm4b:s30+s24], $0x3000, $0x38;
	[tilespmem:$0x1A0A0] =	vst v63  }
0x1ce: {  	_ =	swait.ge [sflag:s18], $0x3000  }
0x1cf: {  	[sflag:s18] =	ssyncset.done $0x0  }
0x1d0: {  	s9 =	sadd.s32 $0x9000, s9;
	[sflag:s18] =	ssyncadd.s32 $0xFFFFD000  }
0x1d1: {  	[tilespmem:s6], [sflag:$0x3] =	stream.linear.gather [hbm4b:s9+s24], $0x3000, $0x38;
	[tilespmem:$0x1A0A0] =	vst v63  }
0x1d2: {  	_ =	swait.ge [sflag:s18], $0x3000  }
0x1d3: {  	[sflag:s18] =	ssyncset.done $0x0  }
0x1d4: {  	s17 =	sshll.u32 s25, $0x5;
	s19 =	simm.s32 $0x0;
	[sflag:s18] =	ssyncadd.s32 $0xFFFFD000  }
.LBB2_12:
0x1d5: {  	s9 =	sshrl.u32 s19, $0x3  }
0x1d6: {  	s15 =	sshll.u32 s19, $0x7;
	s9 =	smul.u32 $0xC00, s9  }
0x1d7: {  	s26 =	simm.s32 $0x0;
	s15 =	sand.u32 $0x380, s15  }
0x1d8: {  	s28 =	sor.u32 s15, s9;
	s15 =	sand.u32 $0xC00, s26  }
0x1d9: {  	s8 =	sand.u32 $0x70, s26;
	s21 =	sadd.s32 s28, s15  }
0x1da: {  	s21 =	sor.u32 s8, s21  }
0x1db: {  	v24 =	vld [tilespmem:s21+$0x3C00]  }
0x1dc: {  	s23 =	sadd.s32 s17, s19  }
0x1dd: {  	s23 =	scvt.s32.f32 s23  }
0x1de: {  	v25 =	vld [tilespmem:s21+$0x0]  }
0x1df: {  	s16 =	scvt.s32.f32 s26;
	v23 =	vmov s23  }
0x1e0: {  	v24 =	vadd.f32 v24, v23  }
0x1e1: {  	v26 =	vadd.f32 s16, v4  }
0x1e2: {  	v24 =	vadd.f32 $1.258291200e+07, v24  }
0x1e3: {  	v25 =	vadd.f32 v25, v26  }
0x1e4: {  	v24 =	vadd.f32 $-1.258291200e+07, v24  }
0x1e5: {  	v25 =	vadd.f32 $1.258291200e+07, v25  }
0x1e6: {  	v26 =	vtrunc.f32 v24  }
0x1e7: {  	v25 =	vadd.f32 $-1.258291200e+07, v25;
	v26 =	vcvt.f32.s32 v26  }
0x1e8: {  	vm0 =	vge.f32 v24, v0  }
0x1e9: {  	vm3 =	vlt.f32 v24, v1;
	v24 =	vsub.s32 v26, v2;
	v26 =	vtrunc.f32 v25  }
0x1ea: {  	vm10 =	vge.f32 v25, $0.0e+00;
	vm11 =	vlt.f32 v25, $3.840000000e+02;
	v25 =	vcvt.f32.s32 v26;
	v26 =	vld [tilespmem:$0x1FF20];
	_ =	sdelay $0x4  }
0x1eb: {  	vm9 =	vmand vm0, vm3;
	vm3 =	vnez.u8 v26;
	v26 =	vld [tilespmem:$0x1FF40]  }
0x1ec: {  	v24 =	vmul.u32 $0x180, v24  }
0x1ed: {  	vm0 =	vmand vm10, vm11  }
0x1ee: {  	vm14 =	vmand vm0, vm9;
	v24 =	vadd.s32 v25, v24  }
0x1ef: {  	v25 =	vsel vm14, v24, v7  }
0x1f0: {  	vm10 =	vnez.u8 v26;
	v26 =	vperm.xlane v25, v8;
	_ =	sdelay $0x1  }
0x1f1: {  	v30 =	vperm.xlane v25, v9;
	vm11 =	veq.s32 v26, v25  }
0x1f2: {  	v46 =	vimm.s32 $0x0;
	vm11 =	vmand vm11, vm7  }
0x1f3: {  	vm0 =	veq.s32 v30, v25;
	v30 =	vsel vm11, $0xFFFFFFFF, v46  }
0x1f4: {  	[tilespmem:$0x1FE40] =	vst v30  }
0x1f5: {  	v32 =	vld [tilespmem:$0x1FE40];
	_ =	sdelay $0x1  }
0x1f6: {  	v28 =	vperm.xlane v25, v10;
	_ =	sdelay $0x1  }
0x1f7: {  	vm9 =	veq.s32 v28, v25;
	vm0 =	vmand vm0, vm1;
	v26 =	vperm.xlane v25, v12  }
0x1f8: {  	vm11 =	vmand vm9, vm4;
	vm9 =	vmmov vm1;
	vm1 =	vnez.u8 v32  }
0x1f9: {  	vm0 =	vmor vm1, vm0  }
0x1fa: {  	vm11 =	vmor vm11, vm0;
	vm0 =	veq.s32 v26, v25;
	v26 =	vld [tilespmem:$0x1FFA0];
	_ =	sdelay $0x4  }
0x1fb: {  	vm0 =	vmand vm0, vm6;
	vm1 =	vnez.u8 v26;
	v26 =	vimm.s32 $0x0  }
0x1fc: {  	v26 =	vsel vm0, $0xFFFFFFFF, v26  }
0x1fd: {  	[tilespmem:$0x1FE50] =	vst v26  }
0x1fe: {  	v26 =	vld [tilespmem:$0x1FE50]  }
0x1ff: {  	v45 =	vperm.xlane v25, v11  }
0x200: {  	v47 =	vperm.xlane v25, v13  }
0x201: {  	vm13 =	vmmov vm5;
	vm5 =	veq.s32 v45, v25  }
0x202: {  	v31 =	vperm.xlane v25, v14;
	vm5 =	vmand vm5, vm1;
	vm0 =	veq.s32 v47, v25  }
0x203: {  	vm5 =	vmor vm5, vm11;
	vm11 =	vmand vm0, vm13;
	vm0 =	vnez.u8 v26  }
0x204: {  	v26 =	vimm.s32 $0x0;
	vm0 =	vmor vm0, vm5  }
0x205: {  	v26 =	vsel vm0, $0xFFFFFFFF, v26;
	vm0 =	veq.s32 v31, v25  }
0x206: {  	v48 =	vimm.s32 $0x0;
	[tilespmem:$0x1FE60] =	vst v26;
	vm0 =	vmand vm0, vm3  }
0x207: {  	v28 =	vsel vm0, $0xFFFFFFFF, v48;
	v49 =	vld [tilespmem:$0x1FE60]  }
0x208: {  	[tilespmem:$0x1FE70] =	vst v28  }
0x209: {  	v52 =	vld [tilespmem:$0x1FE70];
	_ =	sdelay $0x1  }
0x20a: {  	v29 =	vperm.xlane v25, v15  }
0x20b: {  	vm0 =	vnez.u8 v49  }
0x20c: {  	v50 =	vimm.s32 $0x0;
	vm0 =	vmor vm11, vm0;
	vm11 =	veq.s32 v29, v25  }
0x20d: {  	v28 =	vsel vm11, $0xFFFFFFFF, v50;
	vm11 =	vnez.u8 v52  }
0x20e: {  	v53 =	vimm.s32 $0x0;
	v26 =	vperm.xlane v25, v16;
	vm0 =	vmor vm11, vm0  }
0x20f: {  	v54 =	vld [tilespmem:$0x1FF30];
	[tilespmem:$0x1FE80] =	vst v28;
	v29 =	vsel vm0, $0xFFFFFFFF, v53  }
0x210: {  	vm0 =	veq.s32 v26, v25;
	v26 =	vimm.s32 $0x0;
	v55 =	vld [tilespmem:$0x1FE80];
	[tilespmem:$0x1FE90] =	vst v29  }
0x211: {  	v26 =	vsel vm0, $0xFFFFFFFF, v26;
	v56 =	vld [tilespmem:$0x1FE90]  }
0x212: {  	[tilespmem:$0x1FEA0] =	vst v26  }
0x213: {  	v58 =	vld [tilespmem:$0x1FEA0]  }
0x214: {  	v51 =	vperm.xlane v25, v17;
	vm11 =	vmmov vm1  }
0x215: {  	vm1 =	vmmov vm12;
	vm12 =	vnez.u8 v54;
	vm0 =	vnez.u8 v55  }
0x216: {  	vm0 =	vmand vm0, vm12;
	vm5 =	vnez.u8 v56  }
0x217: {  	v57 =	vimm.s32 $0x0;
	vm5 =	vmor vm0, vm5;
	vm0 =	veq.s32 v51, v25  }
0x218: {  	v26 =	vperm.xlane v25, v18;
	v28 =	vsel vm0, $0xFFFFFFFF, v57;
	vm0 =	vnez.u8 v58  }
0x219: {  	vm0 =	vmand vm0, vm8  }
0x21a: {  	vm5 =	vmor vm0, vm5;
	vm0 =	veq.s32 v26, v25;
	v26 =	vimm.s32 $0x0  }
0x21b: {  	[tilespmem:$0x1FEB0] =	vst v28;
	v26 =	vsel vm0, $0xFFFFFFFF, v26  }
0x21c: {  	[tilespmem:$0x1FEC0] =	vst v26;
	v26 =	vld [tilespmem:$0x1FEB0];
	_ =	sdelay $0x4  }
0x21d: {  	vm0 =	vnez.u8 v26  }
0x21e: {  	vm0 =	vmand vm0, vm10  }
0x21f: {  	v27 =	vperm.xlane v25, v19;
	v26 =	vimm.s32 $0x0;
	vm0 =	vmor vm0, vm5  }
0x220: {  	v26 =	vsel vm0, $0xFFFFFFFF, v26  }
0x221: {  	vm0 =	veq.s32 v27, v25;
	[tilespmem:$0x1FEE0] =	vst v26;
	v26 =	vimm.s32 $0x0  }
0x222: {  	v61 =	vld [tilespmem:$0x1FFD0];
	v26 =	vsel vm0, $0xFFFFFFFF, v26  }
0x223: {  	v27 =	vld [tilespmem:$0x1FEC0];
	[tilespmem:$0x1FED0] =	vst v26  }
0x224: {  	v60 =	vld [tilespmem:$0x1FED0]  }
0x225: {  	v62 =	vld [tilespmem:$0x1FEE0];
	_ =	sdelay $0x2  }
0x226: {  	vm0 =	vnez.u8 v27  }
0x227: {  	vm5 =	vnez.u8 v61;
	vm0 =	vmand vm0, vm15;
	vm15 =	vnez.u8 v60  }
0x228: {  	vm15 =	vmand vm15, vm5;
	vm5 =	vnez.u8 v62  }
0x229: {  	v63 =	vimm.s32 $0x0;
	vm0 =	vmor vm0, vm5  }
0x22a: {  	v26 =	vperm.xlane v25, v20;
	v29 =	vsel vm0, $0xFFFFFFFF, v63  }
0x22b: {  	[tilespmem:$0x1FEF0] =	vst v29  }
0x22c: {  	vm0 =	veq.s32 v26, v25;
	v26 =	vld [tilespmem:$0x1FEF0];
	_ =	sdelay $0x4  }
0x22d: {  	vm5 =	vmand vm0, vm2;
	vm0 =	vnez.u8 v26;
	v26 =	vld [tilespmem:$0x1FFB0];
	_ =	sdelay $0x2  }
0x22e: {  	v27 =	vperm.xlane v25, v22  }
0x22f: {  	v59 =	vperm.xlane v25, v21  }
0x230: {  	vm15 =	vmor vm15, vm0;
	vm0 =	veq.s32 v27, v25;
	vm2 =	vnez.u8 v26  }
0x231: {  	vm2 =	vmand vm0, vm2;
	vm0 =	vmor vm5, vm15;
	vm5 =	veq.s32 v59, v25  }
0x232: {  	vm2 =	vmor vm2, vm0;
	vm0 =	vmand vm5, vm1  }
0x233: {  	vm0 =	vmor vm0, vm2  }
0x234: {  	vm0 =	vmneg vm0  }
0x235: {  	vm0 =	vmand vm14, vm0  }
0x236: {  	v25 =	vld [tilespmem:s21+$0x7800];
	_ =	sdelay $0x2  }
0x237: {  	s29 =	sadd.s32 $0xB400, s28  }
0x238: {  	s23 =	sadd.s32 s15, s29  }
0x239: {  	s21 =	sadd.s32 s8, s23;
	[tilespmem:v24+s12+$0x0] =	vst.idx.msk vm0, v25  }
0x23a: {  	v25 =	vld [tilespmem:s21+$0x0];
	_ =	sdelay $0x2  }
0x23b: {  	s30 =	sadd.s32 $0xF000, s28  }
0x23c: {  	s9 =	sadd.s32 s15, s30  }
0x23d: {  	s9 =	sadd.s32 s8, s9;
	[tilespmem:v24+s13+$0x0] =	vst.idx.msk vm0, v25  }
0x23e: {  	s15 =	simm.s32 $0x10;
	vm15 =	vmmov vm12;
	vm12 =	vmmov vm1;
	vm14 =	vmmov vm3;
	v25 =	vld [tilespmem:s9+$0x0]  }
.LBB2_13:
0x23f: {  	_ = 	snop  }
0x240: {  	s26 =	sadd.s32 $0x80, s26  }
0x241: {  	s16 =	smov.u32 s15;
	s21 =	sand.u32 $0xC00, s26  }
0x242: {  	s8 =	sand.u32 $0x70, s16;
	s9 =	sadd.s32 s28, s21  }
0x243: {  	s9 =	sor.u32 s8, s9;
	[tilespmem:v24+s14+$0x0] =	vst.idx.msk vm0, v25  }
0x244: {  	v24 =	vld [tilespmem:s9+$0x3C00]  }
0x245: {  	v25 =	vld [tilespmem:s9+$0x0]  }
0x246: {  	s16 =	scvt.s32.f32 s16;
	_ =	sdelay $0x1  }
0x247: {  	v26 =	vadd.f32 s16, v4  }
0x248: {  	v24 =	vadd.f32 v24, v23  }
0x249: {  	v25 =	vadd.f32 v25, v26  }
0x24a: {  	v24 =	vadd.f32 $1.258291200e+07, v24  }
0x24b: {  	v25 =	vadd.f32 $1.258291200e+07, v25  }
0x24c: {  	v24 =	vadd.f32 $-1.258291200e+07, v24  }
0x24d: {  	v25 =	vadd.f32 $-1.258291200e+07, v25  }
0x24e: {  	vm0 =	vge.f32 v24, v0;
	vm1 =	vlt.f32 v24, v1;
	v24 =	vtrunc.f32 v24  }
0x24f: {  	v24 =	vcvt.f32.s32 v24  }
0x250: {  	v26 =	vtrunc.f32 v25  }
0x251: {  	vm2 =	vlt.f32 v25, $3.840000000e+02;
	vm0 =	vmand vm0, vm1;
	v24 =	vsub.s32 v24, v2  }
0x252: {  	vm1 =	vge.f32 v25, $0.0e+00;
	v25 =	vcvt.f32.s32 v26;
	v24 =	vmul.u32 $0x180, v24  }
0x253: {  	vm1 =	vmand vm1, vm2  }
0x254: {  	vm0 =	vmand vm1, vm0;
	v24 =	vadd.s32 v25, v24  }
0x255: {  	v25 =	vsel vm0, v24, v7  }
0x256: {  	v26 =	vperm.xlane v25, v8  }
0x257: {  	v28 =	vperm.xlane v25, v10;
	v59 =	vperm.xlane v25, v11  }
0x258: {  	v31 =	vperm.xlane v25, v9;
	v32 =	vperm.xlane v25, v13  }
0x259: {  	vm1 =	veq.s32 v26, v25;
	v26 =	vperm.xlane v25, v12;
	vm2 =	veq.s32 v28, v25  }
0x25a: {  	vm3 =	veq.s32 v59, v25;
	vm5 =	veq.s32 v31, v25;
	vm1 =	vmand vm1, vm7  }
0x25b: {  	vm2 =	vmand vm2, vm4;
	vm5 =	vmand vm5, vm9;
	vm3 =	vmand vm3, vm11  }
0x25c: {  	vm4 =	veq.s32 v26, v25;
	v26 =	vperm.xlane v25, v16;
	vm1 =	vmor vm1, vm5  }
0x25d: {  	vm4 =	vmand vm4, vm6;
	vm6 =	veq.s32 v32, v25;
	vm1 =	vmor vm2, vm1  }
0x25e: {  	vm1 =	vmor vm3, vm1;
	vm3 =	veq.s32 v26, v25;
	v26 =	vperm.xlane v25, v18  }
0x25f: {  	vm6 =	vmand vm6, vm13;
	vm1 =	vmor vm4, vm1  }
0x260: {  	v30 =	vperm.xlane v25, v14;
	vm1 =	vmor vm6, vm1;
	vm6 =	veq.s32 v26, v25;
	v26 =	vld [tilespmem:$0x1FFE0]  }
0x261: {  	v29 =	vperm.xlane v25, v15  }
0x262: {  	vm7 =	veq.s32 v30, v25  }
0x263: {  	vm5 =	veq.s32 v29, v25;
	vm2 =	vmand vm7, vm14  }
0x264: {  	vm4 =	vmand vm5, vm15;
	vm1 =	vmor vm2, vm1  }
0x265: {  	vm1 =	vmor vm4, vm1;
	vm4 =	vnez.u8 v26;
	v26 =	vld [tilespmem:$0x1FF80];
	_ =	sdelay $0x4  }
0x266: {  	vm4 =	vmand vm6, vm4;
	vm6 =	vnez.u8 v26;
	v26 =	vperm.xlane v25, v20  }
0x267: {  	vm3 =	vmand vm3, vm8  }
0x268: {  	v61 =	vperm.xlane v25, v17;
	vm1 =	vmor vm3, vm1;
	vm3 =	veq.s32 v26, v25;
	v26 =	vld [tilespmem:$0x1FFC0];
	_ =	sdelay $0x1  }
0x269: {  	v63 =	vld [tilespmem:$0x1FFD0];
	vm5 =	veq.s32 v61, v25  }
0x26a: {  	vm2 =	vmand vm5, vm10  }
0x26b: {  	vm1 =	vmor vm2, vm1  }
0x26c: {  	v27 =	vperm.xlane v25, v19;
	vm1 =	vmor vm4, vm1;
	vm4 =	vnez.u8 v26;
	v26 =	vld [tilespmem:$0x1FFB0];
	_ =	sdelay $0x1  }
0x26d: {  	vm5 =	veq.s32 v27, v25;
	vm2 =	vnez.u8 v63  }
0x26e: {  	v27 =	vperm.xlane v25, v22;
	vm2 =	vmand vm5, vm2  }
0x26f: {  	v62 =	vperm.xlane v25, v21;
	vm1 =	vmor vm2, vm1  }
0x270: {  	vm3 =	vmand vm3, vm4;
	vm4 =	veq.s32 v27, v25;
	vm2 =	vnez.u8 v26  }
0x271: {  	vm1 =	vmor vm3, vm1;
	vm2 =	vmand vm4, vm2;
	vm4 =	veq.s32 v62, v25;
	v25 =	vld [tilespmem:$0x1FF70]  }
0x272: {  	vm3 =	vmand vm4, vm12;
	vm1 =	vmor vm2, vm1  }
0x273: {  	vm1 =	vmor vm3, vm1  }
0x274: {  	vm1 =	vmneg vm1  }
0x275: {  	vm0 =	vmand vm0, vm1  }
0x276: {  	vm4 =	vnez.u8 v25;
	v25 =	vld [tilespmem:s9+$0x7800];
	_ =	sdelay $0x3  }
0x277: {  	s23 =	sadd.s32 s21, s29  }
0x278: {  	s23 =	sadd.s32 s8, s23;
	[tilespmem:v24+s12+$0x0] =	vst.idx.msk vm0, v25  }
0x279: {  	v25 =	vld [tilespmem:s23+$0x0]  }
0x27a: {  	p0 =	sne.s32 s15, $0x170;
	v60 =	vld [tilespmem:$0x1FF60]  }
.Ltmp8:
0x27b: {  	_ = 	snop;
	(pc) =	sbr.rel @p0 .LBB2_13-.Ltmp8, $4  }
0x27c: {  	_ = 	snop  }
0x27d: {  	s21 =	sadd.s32 s21, s30  }
0x27e: {  	s21 =	sadd.s32 s8, s21;
	[tilespmem:v24+s13+$0x0] =	vst.idx.msk vm0, v25  }
0x27f: {  	s15 =	sadd.s32 $0x10, s15;
	vm7 =	vnez.u8 v60;
	v25 =	vld [tilespmem:s21+$0x0]  }
0x280: {  	v23 =	vld [tilespmem:$0x1FFE0];
	_ =	sdelay $0x4  }
0x281: {  	vm15 =	vnez.u8 v23;
	v23 =	vld [tilespmem:$0x1FFD0];
	_ =	sdelay $0x3  }
0x282: {  	s19 =	sadd.s32 $0x1, s19  }
0x283: {  	p0 =	sne.s32 s19, $0x20;
	vm14 =	vnez.u8 v23;
	v23 =	vld [tilespmem:$0x1FFC0]  }
.Ltmp9:
0x284: {  	_ = 	snop;
	(pc) =	sbr.rel @p0 .LBB2_12-.Ltmp9, $2  }
0x285: {  	_ =	sdelay $0x2  }
0x286: {  	vm1 =	vmmov vm9;
	vm5 =	vmmov vm13;
	[tilespmem:v24+s14+$0x0] =	vst.idx.msk vm0, v25;
	vm2 =	vnez.u8 v23  }
0x287: {  	s25 =	sadd.s32 $0x1, s25  }
0x288: {  	p0 =	sne.s32 s25, $0xC  }
.Ltmp10:
0x289: {  	_ = 	snop;
	(pc) =	sbr.rel @p0 .LBB2_11-.Ltmp10, $1  }
0x28a: {  	_ =	sdelay $0x3  }
.LBB2_16:
0x28b: {  	s8 =	simm.s32 $0x0;
	s9 =	rddreg [dreg:$0xb]  }
0x28c: {  	[tilespmem:s8], [sflag:$0x1] =	stream.linear.gather [hbm4b:s9+s8], $0x3C00, $0x38;
	[tilespmem:$0x1A0A0] =	vst v63  }
0x28d: {  	s23 =	rddreg [dreg:$0xc]  }
0x28e: {  	[tilespmem:s31], [sflag:$0x1] =	stream.linear.gather [hbm4b:s23+s8], $0x3C00, $0x38;
	[tilespmem:$0x1A0A0] =	vst v63  }
0x28f: {  	s24 =	rddreg [dreg:$0xa]  }
0x290: {  	[tilespmem:s5], [sflag:$0x1] =	stream.linear.gather [hbm4b:s24+s8], $0x3C00, $0x38;
	[tilespmem:$0x1A0A0] =	vst v63  }
0x291: {  	s25 =	rddreg [dreg:$0xd]  }
0x292: {  	[tilespmem:s0], [sflag:$0x1] =	stream.linear.gather [hbm4b:s25+s8], $0x3C00, $0x38;
	[tilespmem:$0x1A0A0] =	vst v63  }
0x293: {  	s26 =	rddreg [dreg:$0xe]  }
0x294: {  	[tilespmem:s6], [sflag:$0x1] =	stream.linear.gather [hbm4b:s26+s8], $0x3C00, $0x38;
	[tilespmem:$0x1A0A0] =	vst v63  }
0x295: {  	s28 =	rddreg [dreg:$0xf]  }
0x296: {  	[hbm4b:s28+s8] =	stream.linear.scatter [tilespmem:s12], [sflag:$0x2], $0x2400, $0x38;
	[tilespmem:$0x1A0A0] =	vst v63  }
0x297: {  	s29 =	rddreg [dreg:$0x10]  }
0x298: {  	[hbm4b:s29+s8] =	stream.linear.scatter [tilespmem:s13], [sflag:$0x2], $0x2400, $0x38;
	[tilespmem:$0x1A0A0] =	vst v63  }
0x299: {  	s30 =	rddreg [dreg:$0x12]  }
0x29a: {  	[hbm4b:s30+s8] =	stream.linear.scatter [tilespmem:s14], [sflag:$0x2], $0x2400, $0x38;
	[tilespmem:$0x1A0A0] =	vst v63  }
0x29b: {  	_ =	swait.ge [sflag:s20], $0x2400  }
0x29c: {  	[sflag:s20] =	ssyncset.done $0x0  }
0x29d: {  	[sflag:s20] =	ssyncadd.s32 $0xFFFFDC00  }
0x29e: {  	_ =	swait.ge [sflag:s20], $0x2400  }
0x29f: {  	[sflag:s20] =	ssyncset.done $0x0  }
0x2a0: {  	[sflag:s20] =	ssyncadd.s32 $0xFFFFDC00  }
0x2a1: {  	_ =	swait.ge [sflag:s20], $0x2400  }
0x2a2: {  	[sflag:s20] =	ssyncset.done $0x0  }
0x2a3: {  	vm10 =	vmmov vm5;
	s15 =	simm.s32 $0x180;
	s9 =	simm.s32 $0x0;
	[sflag:s20] =	ssyncadd.s32 $0xFFFFDC00  }
.LBB2_17:
0x2a4: {  	p0 =	sne.s32 s15, $0x8E80;
	[tilespmem:s9+$0x17450] =	vst v3  }
0x2a5: {  	[tilespmem:s9+$0x12C00] =	vst v3  }
0x2a6: {  	[tilespmem:s9+$0x15000] =	vst v3  }
0x2a7: {  	[tilespmem:s9+$0x17400] =	vst v3  }
0x2a8: {  	[tilespmem:s9+$0x12C10] =	vst v3  }
0x2a9: {  	[tilespmem:s9+$0x15010] =	vst v3  }
0x2aa: {  	[tilespmem:s9+$0x17410] =	vst v3  }
0x2ab: {  	[tilespmem:s9+$0x12C20] =	vst v3  }
0x2ac: {  	[tilespmem:s9+$0x15020] =	vst v3  }
0x2ad: {  	[tilespmem:s9+$0x17420] =	vst v3  }
0x2ae: {  	[tilespmem:s9+$0x12C30] =	vst v3  }
0x2af: {  	[tilespmem:s9+$0x15030] =	vst v3  }
0x2b0: {  	[tilespmem:s9+$0x17430] =	vst v3  }
.Ltmp11:
0x2b1: {  	[tilespmem:s9+$0x12C40] =	vst v3;
	(pc) =	sbr.rel @p0 .LBB2_17-.Ltmp11, $4  }
0x2b2: {  	[tilespmem:s9+$0x15040] =	vst v3  }
0x2b3: {  	[tilespmem:s9+$0x17440] =	vst v3  }
0x2b4: {  	[tilespmem:s9+$0x12C50] =	vst v3  }
0x2b5: {  	[tilespmem:s9+$0x15050] =	vst v3;
	s9 =	sshra.s32 s15, $0x2;
	s15 =	sadd.s32 $0x180, s15  }
0x2b6: {  	[tilespmem:s9+$0x17450] =	vst v3  }
0x2b7: {  	[tilespmem:s9+$0x12C00] =	vst v3  }
0x2b8: {  	[tilespmem:s9+$0x15000] =	vst v3  }
0x2b9: {  	[tilespmem:s9+$0x17400] =	vst v3  }
0x2ba: {  	[tilespmem:s9+$0x12C10] =	vst v3  }
0x2bb: {  	[tilespmem:s9+$0x15010] =	vst v3  }
0x2bc: {  	[tilespmem:s9+$0x17410] =	vst v3  }
0x2bd: {  	[tilespmem:s9+$0x12C20] =	vst v3  }
0x2be: {  	[tilespmem:s9+$0x15020] =	vst v3  }
0x2bf: {  	[tilespmem:s9+$0x17420] =	vst v3  }
0x2c0: {  	[tilespmem:s9+$0x12C30] =	vst v3  }
0x2c1: {  	[tilespmem:s9+$0x15030] =	vst v3  }
0x2c2: {  	[tilespmem:s9+$0x17430] =	vst v3  }
0x2c3: {  	[tilespmem:s9+$0x12C40] =	vst v3  }
0x2c4: {  	[tilespmem:s9+$0x15040] =	vst v3  }
0x2c5: {  	[tilespmem:s9+$0x17440] =	vst v3  }
0x2c6: {  	[tilespmem:s9+$0x12C50] =	vst v3  }
0x2c7: {  	[tilespmem:s9+$0x15050] =	vst v3  }
0x2c8: {  	_ =	swait.ge [sflag:s11], $0x3C00  }
0x2c9: {  	[sflag:s11] =	ssyncset.done $0x0  }
0x2ca: {  	[sflag:s11] =	ssyncadd.s32 $0xFFFFC400  }
0x2cb: {  	_ =	swait.ge [sflag:s11], $0x3C00  }
0x2cc: {  	[sflag:s11] =	ssyncset.done $0x0  }
0x2cd: {  	[sflag:s11] =	ssyncadd.s32 $0xFFFFC400  }
0x2ce: {  	_ =	swait.ge [sflag:s11], $0x3C00  }
0x2cf: {  	[sflag:s11] =	ssyncset.done $0x0  }
0x2d0: {  	[sflag:s11] =	ssyncadd.s32 $0xFFFFC400  }
0x2d1: {  	_ =	swait.ge [sflag:s11], $0x3C00  }
0x2d2: {  	[sflag:s11] =	ssyncset.done $0x0  }
0x2d3: {  	[sflag:s11] =	ssyncadd.s32 $0xFFFFC400  }
0x2d4: {  	_ =	swait.ge [sflag:s11], $0x3C00  }
0x2d5: {  	[sflag:s11] =	ssyncset.done $0x0  }
0x2d6: {  	s24 =	simm.s32 $0x0;
	v23 =	vimm.s32 $0x0;
	v24 =	vimm.s32 $0x0;
	vm6 =	vmxor vm6, vm6;
	[sflag:s11] =	ssyncadd.s32 $0xFFFFC400  }
.LBB2_19:
0x2d7: {  	s8 =	sshrl.u32 s24, $0x3;
	s9 =	sadd.s32 s4, s24;
	s15 =	sshll.u32 s24, $0x7  }
0x2d8: {  	s28 =	simm.s32 $0x50;
	s8 =	smul.u32 $0xC00, s8;
	s16 =	scvt.s32.f32 s9  }
0x2d9: {  	s15 =	sand.u32 $0x380, s15;
	p0 =	sge.u32 s9, s1;
	p1 =	slt.u32 s9, s2  }
0x2da: {  	s19 =	simm.s32 $0x0;
	p0 =	por !p0, !p1;
	s25 =	sor.u32 s15, s8  }
0x2db: {  	v25 =	vmov s16;
	p0 =	por !p0, !p0;
	s17 =	sadd.s32 $0xB400, s25;
	s26 =	sadd.s32 $0xF000, s25  }
.LBB2_20:
0x2dc: {  	s8 =	sadd.s32 $0xFFFFFFB0, s28;
	s9 =	sand.u32 $0xC00, s19  }
0x2dd: {  	s15 =	sand.u32 $0x60, s8;
	s16 =	sadd.s32 s25, s9  }
0x2de: {  	s21 =	sor.u32 s15, s16  }
0x2df: {  	v26 =	vld [tilespmem:s21+$0x3C00]  }
0x2e0: {  	v27 =	vld [tilespmem:s21+$0x0]  }
0x2e1: {  	s8 =	scvt.s32.f32 s8;
	_ =	sdelay $0x1  }
0x2e2: {  	v28 =	vadd.f32 s8, v4  }
0x2e3: {  	v26 =	vadd.f32 v26, v25  }
0x2e4: {  	v27 =	vadd.f32 v27, v28  }
0x2e5: {  	v26 =	vadd.f32 $1.258291200e+07, v26  }
0x2e6: {  	v27 =	vadd.f32 $1.258291200e+07, v27  }
0x2e7: {  	v26 =	vadd.f32 $-1.258291200e+07, v26  }
0x2e8: {  	v27 =	vadd.f32 $-1.258291200e+07, v27  }
0x2e9: {  	v55 =	vtrunc.f32 v26  }
0x2ea: {  	vm0 =	vge.f32 v27, $0.0e+00;
	v28 =	vcvt.f32.s32 v55  }
0x2eb: {  	vm1 =	vlt.f32 v27, $3.840000000e+02;
	vm2 =	vlt.f32 v26, v1;
	v27 =	vtrunc.f32 v27  }
0x2ec: {  	vm0 =	vmand vm0, vm1;
	vm1 =	vge.f32 v26, v0;
	v28 =	vsub.s32 v28, v2  }
0x2ed: {  	v27 =	vcvt.f32.s32 v27;
	vm1 =	vmand vm1, vm2;
	v28 =	vmul.u32 $0x180, v28  }
0x2ee: {  	vm3 =	vmand vm0, vm1  }
0x2ef: {  	v28 =	vadd.s32 v27, v28;
	_ =	sdelay $0x4  }
0x2f0: {  	[tilespmem:v28+s12+$0x0] =	vst.idx.msk vm3, v4  }
0x2f1: {  	v27 =	vld.idx.msk [tilespmem:v28+s12+$0x0], vm3;
	_ =	sdelay $0x4  }
0x2f2: {  	vm0 =	veq.f32 v27, v4  }
0x2f3: {  	vm0 =	vmand vm0, vm3  }
0x2f4: {  	v29 =	vld [tilespmem:s21+$0x7800];
	_ =	sdelay $0x3  }
0x2f5: {  	s8 =	sadd.s32 s9, s17  }
0x2f6: {  	s23 =	sadd.s32 s15, s8;
	[tilespmem:v28+s12+$0x0] =	vst.idx.msk vm0, v29  }
0x2f7: {  	v29 =	vld [tilespmem:s23+$0x0];
	_ =	sdelay $0x3  }
0x2f8: {  	s9 =	sadd.s32 s9, s26  }
0x2f9: {  	s15 =	sadd.s32 s15, s9;
	[tilespmem:v28+s13+$0x0] =	vst.idx.msk vm0, v29  }
0x2fa: {  	v29 =	vld [tilespmem:s15+$0x0];
	_ =	sdelay $0x2  }
0x2fb: {  	s29 =	sadd.s32 $0xFFFFFFC0, s28  }
0x2fc: {  	s30 =	sand.u32 $0x70, s29  }
0x2fd: {  	s16 =	sor.u32 s30, s16;
	[tilespmem:v28+s14+$0x0] =	vst.idx.msk vm0, v29  }
0x2fe: {  	v28 =	vld [tilespmem:s16+$0x3C00]  }
0x2ff: {  	v29 =	vld [tilespmem:s16+$0x0]  }
0x300: {  	s15 =	scvt.s32.f32 s29;
	_ =	sdelay $0x1  }
0x301: {  	v30 =	vadd.f32 s15, v4  }
0x302: {  	v28 =	vadd.f32 v28, v25  }
0x303: {  	v29 =	vadd.f32 v29, v30  }
0x304: {  	v28 =	vadd.f32 $1.258291200e+07, v28  }
0x305: {  	v29 =	vadd.f32 $1.258291200e+07, v29  }
0x306: {  	v28 =	vadd.f32 $-1.258291200e+07, v28  }
0x307: {  	v29 =	vadd.f32 $-1.258291200e+07, v29  }
0x308: {  	v56 =	vtrunc.f32 v28  }
0x309: {  	vm0 =	vge.f32 v29, $0.0e+00;
	v30 =	vcvt.f32.s32 v56  }
0x30a: {  	vm1 =	vlt.f32 v29, $3.840000000e+02;
	vm2 =	vlt.f32 v28, v1;
	v29 =	vtrunc.f32 v29  }
0x30b: {  	vm0 =	vmand vm0, vm1;
	vm1 =	vge.f32 v28, v0;
	v30 =	vsub.s32 v30, v2  }
0x30c: {  	v29 =	vcvt.f32.s32 v29;
	vm1 =	vmand vm1, vm2;
	v30 =	vmul.u32 $0x180, v30  }
0x30d: {  	vm4 =	vmand vm0, vm1  }
0x30e: {  	v30 =	vadd.s32 v29, v30;
	_ =	sdelay $0x4  }
0x30f: {  	[tilespmem:v30+s12+$0x0] =	vst.idx.msk vm4, v4  }
0x310: {  	v29 =	vld.idx.msk [tilespmem:v30+s12+$0x0], vm4;
	_ =	sdelay $0x4  }
0x311: {  	vm0 =	veq.f32 v29, v4  }
0x312: {  	vm0 =	vmand vm0, vm4  }
0x313: {  	v31 =	vld [tilespmem:s16+$0x7800];
	_ =	sdelay $0x4  }
0x314: {  	s8 =	sadd.s32 s30, s8;
	[tilespmem:v30+s12+$0x0] =	vst.idx.msk vm0, v31  }
0x315: {  	v31 =	vld [tilespmem:s8+$0x0];
	_ =	sdelay $0x4  }
0x316: {  	s15 =	sadd.s32 s30, s9;
	[tilespmem:v30+s13+$0x0] =	vst.idx.msk vm0, v31  }
0x317: {  	v31 =	vld [tilespmem:s15+$0x0];
	_ =	sdelay $0x1  }
0x318: {  	s16 =	sadd.s32 $0x100, s19  }
0x319: {  	s21 =	sadd.s32 $0xFFFFFFD0, s28;
	s8 =	sand.u32 $0x1C00, s16  }
0x31a: {  	s23 =	sand.u32 $0x60, s21;
	s29 =	sadd.s32 s25, s8  }
0x31b: {  	s16 =	sor.u32 s23, s29;
	[tilespmem:v30+s14+$0x0] =	vst.idx.msk vm0, v31  }
0x31c: {  	v30 =	vld [tilespmem:s16+$0x3C00]  }
0x31d: {  	v31 =	vld [tilespmem:s16+$0x0]  }
0x31e: {  	s9 =	scvt.s32.f32 s21;
	_ =	sdelay $0x1  }
0x31f: {  	v32 =	vadd.f32 s9, v4  }
0x320: {  	v30 =	vadd.f32 v30, v25  }
0x321: {  	v31 =	vadd.f32 v31, v32  }
0x322: {  	v30 =	vadd.f32 $1.258291200e+07, v30  }
0x323: {  	v31 =	vadd.f32 $1.258291200e+07, v31  }
0x324: {  	v30 =	vadd.f32 $-1.258291200e+07, v30  }
0x325: {  	v31 =	vadd.f32 $-1.258291200e+07, v31  }
0x326: {  	v57 =	vtrunc.f32 v30  }
0x327: {  	vm0 =	vge.f32 v31, $0.0e+00;
	v32 =	vcvt.f32.s32 v57  }
0x328: {  	vm1 =	vlt.f32 v31, $3.840000000e+02;
	vm2 =	vlt.f32 v30, v1;
	v31 =	vtrunc.f32 v31  }
0x329: {  	vm0 =	vmand vm0, vm1;
	vm1 =	vge.f32 v30, v0;
	v32 =	vsub.s32 v32, v2  }
0x32a: {  	v31 =	vcvt.f32.s32 v31;
	vm1 =	vmand vm1, vm2;
	v32 =	vmul.u32 $0x180, v32  }
0x32b: {  	vm5 =	vmand vm0, vm1  }
0x32c: {  	v32 =	vadd.s32 v31, v32;
	_ =	sdelay $0x4  }
0x32d: {  	[tilespmem:v32+s12+$0x0] =	vst.idx.msk vm5, v4  }
0x32e: {  	v31 =	vld.idx.msk [tilespmem:v32+s12+$0x0], vm5;
	_ =	sdelay $0x4  }
0x32f: {  	vm0 =	veq.f32 v31, v4  }
0x330: {  	vm0 =	vmand vm0, vm5  }
0x331: {  	v33 =	vld [tilespmem:s16+$0x7800];
	_ =	sdelay $0x3  }
0x332: {  	s30 =	sadd.s32 s8, s17  }
0x333: {  	s9 =	sadd.s32 s23, s30;
	[tilespmem:v32+s12+$0x0] =	vst.idx.msk vm0, v33  }
0x334: {  	v33 =	vld [tilespmem:s9+$0x0];
	_ =	sdelay $0x3  }
0x335: {  	s8 =	sadd.s32 s8, s26  }
0x336: {  	s8 =	sadd.s32 s23, s8;
	[tilespmem:v32+s13+$0x0] =	vst.idx.msk vm0, v33  }
0x337: {  	v33 =	vld [tilespmem:s8+$0x0];
	_ =	sdelay $0x1  }
0x338: {  	s16 =	sadd.s32 $0x180, s19  }
0x339: {  	s21 =	sadd.s32 $0xFFFFFFE0, s28;
	s8 =	sand.u32 $0x1C00, s16  }
0x33a: {  	s23 =	sand.u32 $0x70, s21;
	s29 =	sadd.s32 s25, s8  }
0x33b: {  	s16 =	sor.u32 s23, s29;
	[tilespmem:v32+s14+$0x0] =	vst.idx.msk vm0, v33  }
0x33c: {  	v32 =	vld [tilespmem:s16+$0x3C00]  }
0x33d: {  	v33 =	vld [tilespmem:s16+$0x0]  }
0x33e: {  	s9 =	scvt.s32.f32 s21;
	_ =	sdelay $0x1  }
0x33f: {  	v34 =	vadd.f32 s9, v4  }
0x340: {  	v32 =	vadd.f32 v32, v25  }
0x341: {  	v33 =	vadd.f32 v33, v34  }
0x342: {  	v32 =	vadd.f32 $1.258291200e+07, v32  }
0x343: {  	v33 =	vadd.f32 $1.258291200e+07, v33  }
0x344: {  	v32 =	vadd.f32 $-1.258291200e+07, v32  }
0x345: {  	v33 =	vadd.f32 $-1.258291200e+07, v33  }
0x346: {  	v58 =	vtrunc.f32 v32  }
0x347: {  	vm0 =	vge.f32 v33, $0.0e+00;
	v34 =	vcvt.f32.s32 v58  }
0x348: {  	vm1 =	vlt.f32 v33, $3.840000000e+02;
	vm2 =	vlt.f32 v32, v1;
	v33 =	vtrunc.f32 v33  }
0x349: {  	vm0 =	vmand vm0, vm1;
	vm1 =	vge.f32 v32, v0;
	v34 =	vsub.s32 v34, v2  }
0x34a: {  	v33 =	vcvt.f32.s32 v33;
	vm1 =	vmand vm1, vm2;
	v34 =	vmul.u32 $0x180, v34  }
0x34b: {  	vm12 =	vmand vm0, vm1  }
0x34c: {  	v33 =	vadd.s32 v33, v34;
	_ =	sdelay $0x4  }
0x34d: {  	[tilespmem:v33+s12+$0x0] =	vst.idx.msk vm12, v4  }
0x34e: {  	v34 =	vld.idx.msk [tilespmem:v33+s12+$0x0], vm12;
	_ =	sdelay $0x4  }
0x34f: {  	vm0 =	veq.f32 v34, v4  }
0x350: {  	vm0 =	vmand vm0, vm12  }
0x351: {  	v35 =	vld [tilespmem:s16+$0x7800];
	_ =	sdelay $0x3  }
0x352: {  	s30 =	sadd.s32 s8, s17  }
0x353: {  	s9 =	sadd.s32 s23, s30;
	[tilespmem:v33+s12+$0x0] =	vst.idx.msk vm0, v35  }
0x354: {  	v35 =	vld [tilespmem:s9+$0x0];
	_ =	sdelay $0x3  }
0x355: {  	s8 =	sadd.s32 s8, s26  }
0x356: {  	s8 =	sadd.s32 s23, s8;
	[tilespmem:v33+s13+$0x0] =	vst.idx.msk vm0, v35  }
0x357: {  	v35 =	vld [tilespmem:s8+$0x0];
	_ =	sdelay $0x1  }
0x358: {  	s9 =	sadd.s32 $0x200, s19  }
0x359: {  	s15 =	sadd.s32 $0xFFFFFFF0, s28;
	s8 =	sand.u32 $0x1C00, s9  }
0x35a: {  	s21 =	sand.u32 $0x60, s15;
	s23 =	sadd.s32 s25, s8  }
0x35b: {  	s16 =	sor.u32 s21, s23;
	[tilespmem:v33+s14+$0x0] =	vst.idx.msk vm0, v35  }
0x35c: {  	v33 =	vld [tilespmem:s16+$0x3C00]  }
0x35d: {  	v35 =	vld [tilespmem:s16+$0x0]  }
0x35e: {  	s9 =	scvt.s32.f32 s15;
	_ =	sdelay $0x1  }
0x35f: {  	v36 =	vadd.f32 s9, v4  }
0x360: {  	v33 =	vadd.f32 v33, v25  }
0x361: {  	v35 =	vadd.f32 v35, v36  }
0x362: {  	v33 =	vadd.f32 $1.258291200e+07, v33  }
0x363: {  	v35 =	vadd.f32 $1.258291200e+07, v35  }
0x364: {  	v33 =	vadd.f32 $-1.258291200e+07, v33  }
0x365: {  	v35 =	vadd.f32 $-1.258291200e+07, v35  }
0x366: {  	v59 =	vtrunc.f32 v33  }
0x367: {  	vm0 =	vge.f32 v35, $0.0e+00;
	v36 =	vcvt.f32.s32 v59  }
0x368: {  	vm1 =	vlt.f32 v35, $3.840000000e+02;
	vm2 =	vlt.f32 v33, v1;
	v35 =	vtrunc.f32 v35  }
0x369: {  	vm0 =	vmand vm0, vm1;
	vm1 =	vge.f32 v33, v0;
	v36 =	vsub.s32 v36, v2  }
0x36a: {  	v35 =	vcvt.f32.s32 v35;
	vm1 =	vmand vm1, vm2;
	v36 =	vmul.u32 $0x180, v36  }
0x36b: {  	vm11 =	vmand vm0, vm1  }
0x36c: {  	v35 =	vadd.s32 v35, v36;
	_ =	sdelay $0x4  }
0x36d: {  	[tilespmem:v35+s12+$0x0] =	vst.idx.msk vm11, v4  }
0x36e: {  	v36 =	vld.idx.msk [tilespmem:v35+s12+$0x0], vm11;
	_ =	sdelay $0x4  }
0x36f: {  	vm0 =	veq.f32 v36, v4  }
0x370: {  	vm0 =	vmand vm0, vm11  }
0x371: {  	v37 =	vld [tilespmem:s16+$0x7800];
	_ =	sdelay $0x3  }
0x372: {  	s29 =	sadd.s32 s8, s17  }
0x373: {  	s9 =	sadd.s32 s21, s29;
	[tilespmem:v35+s12+$0x0] =	vst.idx.msk vm0, v37  }
0x374: {  	v37 =	vld [tilespmem:s9+$0x0];
	_ =	sdelay $0x3  }
0x375: {  	s8 =	sadd.s32 s8, s26  }
0x376: {  	s8 =	sadd.s32 s21, s8;
	[tilespmem:v35+s13+$0x0] =	vst.idx.msk vm0, v37  }
0x377: {  	v37 =	vld [tilespmem:s8+$0x0];
	_ =	sdelay $0x1  }
0x378: {  	s30 =	sadd.s32 $0x280, s19  }
0x379: {  	s9 =	sand.u32 $0x1C00, s30  }
0x37a: {  	s21 =	sand.u32 $0x70, s28;
	s8 =	sadd.s32 s25, s9  }
0x37b: {  	s8 =	sor.u32 s21, s8;
	[tilespmem:v35+s14+$0x0] =	vst.idx.msk vm0, v37  }
0x37c: {  	v35 =	vld [tilespmem:s8+$0x3C00]  }
0x37d: {  	v37 =	vld [tilespmem:s8+$0x0]  }
0x37e: {  	s23 =	scvt.s32.f32 s28;
	_ =	sdelay $0x1  }
0x37f: {  	v38 =	vadd.f32 s23, v4  }
0x380: {  	v35 =	vadd.f32 v35, v25  }
0x381: {  	v37 =	vadd.f32 v37, v38  }
0x382: {  	v35 =	vadd.f32 $1.258291200e+07, v35  }
0x383: {  	v37 =	vadd.f32 $1.258291200e+07, v37  }
0x384: {  	v35 =	vadd.f32 $-1.258291200e+07, v35  }
0x385: {  	v37 =	vadd.f32 $-1.258291200e+07, v37  }
0x386: {  	v60 =	vtrunc.f32 v35  }
0x387: {  	vm0 =	vge.f32 v37, $0.0e+00;
	v38 =	vcvt.f32.s32 v60  }
0x388: {  	vm1 =	vlt.f32 v37, $3.840000000e+02;
	vm2 =	vlt.f32 v35, v1;
	v37 =	vtrunc.f32 v37  }
0x389: {  	vm0 =	vmand vm0, vm1;
	vm1 =	vge.f32 v35, v0;
	v38 =	vsub.s32 v38, v2  }
0x38a: {  	v37 =	vcvt.f32.s32 v37;
	vm1 =	vmand vm1, vm2;
	v38 =	vmul.u32 $0x180, v38  }
0x38b: {  	vm0 =	vmand vm0, vm1  }
0x38c: {  	v37 =	vadd.s32 v37, v38;
	_ =	sdelay $0x4  }
0x38d: {  	[tilespmem:v37+s12+$0x0] =	vst.idx.msk vm0, v4  }
0x38e: {  	v38 =	vld.idx.msk [tilespmem:v37+s12+$0x0], vm0;
	_ =	sdelay $0x4  }
0x38f: {  	vm1 =	veq.f32 v38, v4  }
0x390: {  	v26 =	vsub.f32 v26, v25;
	vm9 =	vmand vm1, vm0  }
0x391: {  	v39 =	vld [tilespmem:s8+$0x7800]  }
0x392: {  	v26 =	vand.u32 $0x7FFFFFFF, v26;
	v61 =	vsub.f32 v30, v25  }
0x393: {  	vm2 =	vlt.f32 v29, v4;
	vm1 =	vlt.f32 v27, v4;
	v27 =	vsub.f32 v28, v25  }
0x394: {  	vm2 =	vmand vm2, vm4;
	vm1 =	vmand vm1, vm3;
	vm3 =	vgt.f32 v26, $8.000000000e+00  }
0x395: {  	s29 =	sadd.s32 s9, s17;
	v26 =	vand.u32 $0x7FFFFFFF, v61;
	v27 =	vand.u32 $0x7FFFFFFF, v27;
	vm1 =	vmor vm1, vm2  }
0x396: {  	s8 =	sadd.s32 s21, s29;
	vm4 =	vgt.f32 v26, $8.000000000e+00;
	v26 =	vsub.f32 v32, v25;
	vm2 =	vgt.f32 v27, $8.000000000e+00;
	[tilespmem:v37+s12+$0x0] =	vst.idx.msk vm9, v39  }
0x397: {  	vm2 =	vmor vm3, vm2;
	vm3 =	vlt.f32 v31, v4;
	v27 =	vld [tilespmem:s8+$0x0]  }
0x398: {  	v26 =	vand.u32 $0x7FFFFFFF, v26;
	vm3 =	vmand vm3, vm5  }
0x399: {  	vm2 =	vmor vm2, vm4;
	vm4 =	vgt.f32 v26, $8.000000000e+00;
	v26 =	vsub.f32 v35, v25  }
0x39a: {  	v62 =	vsub.f32 v33, v25;
	vm1 =	vmor vm1, vm3;
	vm3 =	vlt.f32 v34, v4  }
0x39b: {  	s30 =	sadd.s32 s9, s26;
	vm2 =	vmor vm2, vm4;
	vm3 =	vmand vm3, vm12;
	v26 =	vand.u32 $0x7FFFFFFF, v26  }
0x39c: {  	s8 =	sadd.s32 s21, s30;
	vm1 =	vmor vm1, vm3;
	vm3 =	vlt.f32 v36, v4;
	[tilespmem:v37+s13+$0x0] =	vst.idx.msk vm9, v27;
	v27 =	vand.u32 $0x7FFFFFFF, v62  }
0x39d: {  	p1 =	sne.s32 s28, $0x170;
	vm5 =	vgt.f32 v26, $8.000000000e+00;
	vm3 =	vmand vm3, vm11;
	vm4 =	vgt.f32 v27, $8.000000000e+00;
	v27 =	vld [tilespmem:s8+$0x0]  }
.Ltmp12:
0x39e: {  	vm1 =	vmor vm1, vm3;
	vm2 =	vmor vm2, vm4;
	vm4 =	vlt.f32 v38, v4;
	(pc) =	sbr.rel @p1 .LBB2_20-.Ltmp12, $4  }
0x39f: {  	vm3 =	vmmov vm6;
	vm0 =	vmand vm4, vm0;
	vm2 =	vmor vm2, vm5  }
0x3a0: {  	vm0 =	vmor vm1, vm0;
	vm3 =	vmmov @p0 vm2  }
0x3a1: {  	v26 =	vsel vm0, $0x1, v5;
	v63 =	vsel vm3, $0x1, v5  }
0x3a2: {  	s19 =	sadd.s32 $0x300, s19;
	s28 =	sadd.s32 $0x60, s28;
	v23 =	vor.u32 v26, v23;
	[tilespmem:v37+s14+$0x0] =	vst.idx.msk vm9, v27;
	v24 =	vor.u32 v63, v24  }
0x3a3: {  	s24 =	sadd.s32 $0x1, s24  }
0x3a4: {  	p0 =	sne.s32 s24, $0x28  }
.Ltmp13:
0x3a5: {  	_ = 	snop;
	(pc) =	sbr.rel @p0 .LBB2_19-.Ltmp13, $1  }
0x3a6: {  	_ =	sdelay $0x3  }
0x3a7: {  	[tilespmem:$0x19800] =	vst v24;
	s8 =	rddreg [dreg:$0x14];
	s9 =	simm.s32 $0x19800  }
0x3a8: {  	[spmem:s8] =	stream.linear.scatter [tilespmem:s9], [sflag:$0x3], $0x80, $0x38;
	[tilespmem:$0x1A0A0] =	vst v63  }
0x3a9: {  	_ =	swait.ge [sflag:s18], $0x80  }
0x3aa: {  	[sflag:s18] =	ssyncset.done $0x0  }
0x3ab: {  	[sflag:s18] =	ssyncadd.s32 $0xFFFFFF80  }
0x3ac: {  	[bflag:$0x0] =	sbarrier.arrive $0xFFFF  }
0x3ad: {  	s29 =	simm.s32 $0x19880;
	s28 =	rddreg [dreg:$0x15]  }
0x3ae: {  	[tilespmem:s29], [sflag:$0x3] =	stream.linear.gather [spmem:s28], $0x800, $0x38;
	[tilespmem:$0x1A0A0] =	vst v63  }
0x3af: {  	_ =	swait.ge [sflag:s18], $0x800  }
0x3b0: {  	[sflag:s18] =	ssyncset.done $0x0  }
0x3b1: {  	[sflag:s18] =	ssyncadd.s32 $0xFFFFF800  }
0x3b2: {  	v53 =	vld [tilespmem:$0x19880]  }
0x3b3: {  	v25 =	vld [tilespmem:$0x19900]  }
0x3b4: {  	v26 =	vld [tilespmem:$0x19980]  }
0x3b5: {  	v27 =	vld [tilespmem:$0x19A00]  }
0x3b6: {  	v28 =	vld [tilespmem:$0x19A80]  }
0x3b7: {  	v29 =	vld [tilespmem:$0x19B00]  }
0x3b8: {  	v54 =	vld [tilespmem:$0x19B80];
	v24 =	vor.u32 v53, v25  }
0x3b9: {  	v55 =	vld [tilespmem:$0x19C00];
	v24 =	vor.u32 v24, v26  }
0x3ba: {  	v56 =	vld [tilespmem:$0x19C80];
	v24 =	vor.u32 v24, v27  }
0x3bb: {  	v57 =	vld [tilespmem:$0x19D00];
	v24 =	vor.u32 v24, v28  }
0x3bc: {  	v58 =	vld [tilespmem:$0x19D80];
	v24 =	vor.u32 v24, v29  }
0x3bd: {  	v59 =	vld [tilespmem:$0x19E00];
	v24 =	vor.u32 v24, v54  }
0x3be: {  	v60 =	vld [tilespmem:$0x19E80];
	v24 =	vor.u32 v24, v55  }
0x3bf: {  	v61 =	vld [tilespmem:$0x19F00];
	v24 =	vor.u32 v24, v56  }
0x3c0: {  	v62 =	vld [tilespmem:$0x19F80];
	v24 =	vor.u32 v24, v57  }
0x3c1: {  	v63 =	vld [tilespmem:$0x1A000];
	v24 =	vor.u32 v24, v58  }
0x3c2: {  	v24 =	vor.u32 v24, v59  }
0x3c3: {  	v24 =	vor.u32 v24, v60  }
0x3c4: {  	v24 =	vor.u32 v24, v61  }
0x3c5: {  	v24 =	vor.u32 v24, v62  }
0x3c6: {  	v24 =	vor.u32 v24, v63  }
0x3c7: {  	vm0 =	veq.s32 v24, $0x0  }
0x3c8: {  	v24 =	vsel vm0, $0x0, v6;
	vm0 =	veq.s32 v23, $0x0  }
0x3c9: {  	(xrf0) =	vmax.scan.msk.f32 $0xffff, v24;
	v23 =	vsel vm0, $0x0, v6  }
0x3ca: {  	(xrf0) =	vmax.scan.msk.f32 $0xffff, v23;
	_ =	sdelay $0x4  }
0x3cb: {  	v23, _, _ =	vpop (xrf0)  }
0x3cc: {  	(v2sf) =	vpush v23, $0xF;
	v23, _, _ =	vpop (xrf0)  }
0x3cd: {  	(v2sf) =	vpush v23, $0xF;
	_ =	sdelay $0x4  }
0x3ce: {  	v23 =	vld [tilespmem:$0x1FF70];
	_ =	sdelay $0x4  }
0x3cf: {  	vm4 =	vnez.u8 v23;
	v23 =	vld [tilespmem:$0x1FF80];
	_ =	sdelay $0x3  }
0x3d0: {  	s8 =	spop (v2sf)  }
0x3d1: {  	vm6 =	vnez.u8 v23;
	v23 =	vld [tilespmem:$0x1FFC0];
	s30 =	spop (v2sf)  }
0x3d2: {  	p0 =	sgt.f32 s30, $0.0e+00;
	_ =	sdelay $0x1  }
0x3d3: {  	p1 =	sgt.f32 @!p0 s8, $0.0e+00;
	_ =	sdelay $0x1  }
0x3d4: {  	vm9 =	vnez.u8 v23;
	v23 =	vld [tilespmem:$0x1FFB0];
	p1 =	por p0, p1  }
.Ltmp14:
0x3d5: {  	_ = 	snop;
	(pc) =	sbr.rel @!p1 .LBB2_31-.Ltmp14, $2  }
0x3d6: {  	_ =	sdelay $0x2  }
0x3d7: {  	vm5 =	vmmov vm10;
	vm10 =	vnez.u8 v23  }
0x3d8: {  	s8 =	simm.s32 $0x0  }
0x3d9: {  	s8 =	simm.s32 @p0 $0x0  }
0x3da: {  	p0 =	sne.s32 s8, $0x8E80  }
.Ltmp15:
0x3db: {  	_ = 	snop;
	(pc) =	sbr.rel @!p0 .LBB2_25-.Ltmp15, $2  }
0x3dc: {  	_ =	sdelay $0x2  }
0x3dd: {  	s9 =	sshra.s32 s8, $0x2;
	s15 =	sadd.s32 $0x180, s8  }
.LBB2_24:
0x3de: {  	p0 =	sne.s32 s15, $0x8E80;
	[tilespmem:s9+$0x17450] =	vst v3  }
0x3df: {  	[tilespmem:s9+$0x12C00] =	vst v3  }
0x3e0: {  	[tilespmem:s9+$0x15000] =	vst v3  }
0x3e1: {  	[tilespmem:s9+$0x17400] =	vst v3  }
0x3e2: {  	[tilespmem:s9+$0x12C10] =	vst v3  }
0x3e3: {  	[tilespmem:s9+$0x15010] =	vst v3  }
0x3e4: {  	[tilespmem:s9+$0x17410] =	vst v3  }
0x3e5: {  	[tilespmem:s9+$0x12C20] =	vst v3  }
0x3e6: {  	[tilespmem:s9+$0x15020] =	vst v3  }
0x3e7: {  	[tilespmem:s9+$0x17420] =	vst v3  }
0x3e8: {  	[tilespmem:s9+$0x12C30] =	vst v3  }
0x3e9: {  	[tilespmem:s9+$0x15030] =	vst v3  }
0x3ea: {  	[tilespmem:s9+$0x17430] =	vst v3  }
.Ltmp16:
0x3eb: {  	[tilespmem:s9+$0x12C40] =	vst v3;
	(pc) =	sbr.rel @p0 .LBB2_24-.Ltmp16, $4  }
0x3ec: {  	[tilespmem:s9+$0x15040] =	vst v3  }
0x3ed: {  	[tilespmem:s9+$0x17440] =	vst v3  }
0x3ee: {  	[tilespmem:s9+$0x12C50] =	vst v3  }
0x3ef: {  	[tilespmem:s9+$0x15050] =	vst v3;
	s9 =	sshra.s32 s15, $0x2;
	s15 =	sadd.s32 $0x180, s15  }
.LBB2_25:
0x3f0: {  	[tilespmem:s9+$0x17450] =	vst v3  }
0x3f1: {  	[tilespmem:s9+$0x12C00] =	vst v3  }
0x3f2: {  	[tilespmem:s9+$0x15000] =	vst v3  }
0x3f3: {  	[tilespmem:s9+$0x17400] =	vst v3  }
0x3f4: {  	[tilespmem:s9+$0x12C10] =	vst v3  }
0x3f5: {  	[tilespmem:s9+$0x15010] =	vst v3  }
0x3f6: {  	[tilespmem:s9+$0x17410] =	vst v3  }
0x3f7: {  	[tilespmem:s9+$0x12C20] =	vst v3  }
0x3f8: {  	[tilespmem:s9+$0x15020] =	vst v3  }
0x3f9: {  	[tilespmem:s9+$0x17420] =	vst v3  }
0x3fa: {  	[tilespmem:s9+$0x12C30] =	vst v3  }
0x3fb: {  	[tilespmem:s9+$0x15030] =	vst v3  }
0x3fc: {  	[tilespmem:s9+$0x17430] =	vst v3  }
0x3fd: {  	[tilespmem:s9+$0x12C40] =	vst v3  }
0x3fe: {  	[tilespmem:s9+$0x15040] =	vst v3  }
0x3ff: {  	[tilespmem:s9+$0x17440] =	vst v3  }
0x400: {  	[tilespmem:s9+$0x12C50] =	vst v3  }
0x401: {  	s24 =	simm.s32 $0x0;
	[tilespmem:s9+$0x15050] =	vst v3;
	s25 =	simm.s32 $0x0  }
.LBB2_26:
0x402: {  	s8 =	smul.u32 $0x3000, s25;
	_ =	sdelay $0x1  }
0x403: {  	s8 =	sadd.s32 s10, s8  }
0x404: {  	s8 =	sshrl.u32 s8, $0x3  }
0x405: {  	s8 =	sadd.s32 s3, s8  }
0x406: {  	s9 =	sadd.s32 $0x1B000, s8  }
0x407: {  	[tilespmem:s24], [sflag:$0x3] =	stream.linear.gather [hbm4b:s9+s24], $0x3000, $0x38;
	[tilespmem:$0x1A0A0] =	vst v63  }
0x408: {  	_ =	swait.ge [sflag:s18], $0x3000  }
0x409: {  	[sflag:s18] =	ssyncset.done $0x0  }
0x40a: {  	s29 =	sadd.s32 $0x1F800, s8;
	[sflag:s18] =	ssyncadd.s32 $0xFFFFD000  }
0x40b: {  	[tilespmem:s31], [sflag:$0x3] =	stream.linear.gather [hbm4b:s29+s24], $0x3000, $0x38;
	[tilespmem:$0x1A0A0] =	vst v63  }
0x40c: {  	_ =	swait.ge [sflag:s18], $0x3000  }
0x40d: {  	[sflag:s18] =	ssyncset.done $0x0  }
0x40e: {  	[sflag:s18] =	ssyncadd.s32 $0xFFFFD000  }
0x40f: {  	[tilespmem:s5], [sflag:$0x3] =	stream.linear.gather [hbm4b:s8+s24], $0x3000, $0x38;
	[tilespmem:$0x1A0A0] =	vst v63  }
0x410: {  	_ =	swait.ge [sflag:s18], $0x3000  }
0x411: {  	[sflag:s18] =	ssyncset.done $0x0  }
0x412: {  	s30 =	sadd.s32 $0x4800, s8;
	[sflag:s18] =	ssyncadd.s32 $0xFFFFD000  }
0x413: {  	[tilespmem:s0], [sflag:$0x3] =	stream.linear.gather [hbm4b:s30+s24], $0x3000, $0x38;
	[tilespmem:$0x1A0A0] =	vst v63  }
0x414: {  	_ =	swait.ge [sflag:s18], $0x3000  }
0x415: {  	[sflag:s18] =	ssyncset.done $0x0  }
0x416: {  	s8 =	sadd.s32 $0x9000, s8;
	[sflag:s18] =	ssyncadd.s32 $0xFFFFD000  }
0x417: {  	[tilespmem:s6], [sflag:$0x3] =	stream.linear.gather [hbm4b:s8+s24], $0x3000, $0x38;
	[tilespmem:$0x1A0A0] =	vst v63  }
0x418: {  	_ =	swait.ge [sflag:s18], $0x3000  }
0x419: {  	[sflag:s18] =	ssyncset.done $0x0  }
0x41a: {  	s17 =	sshll.u32 s25, $0x5;
	s19 =	simm.s32 $0x0;
	[sflag:s18] =	ssyncadd.s32 $0xFFFFD000  }
.LBB2_27:
0x41b: {  	s8 =	sshrl.u32 s19, $0x3  }
0x41c: {  	s9 =	sshll.u32 s19, $0x7;
	s8 =	smul.u32 $0xC00, s8  }
0x41d: {  	s26 =	simm.s32 $0x0;
	s9 =	sand.u32 $0x380, s9  }
0x41e: {  	s28 =	sor.u32 s9, s8;
	s9 =	sand.u32 $0xC00, s26  }
0x41f: {  	s15 =	sand.u32 $0x70, s26;
	s8 =	sadd.s32 s28, s9  }
0x420: {  	s21 =	sor.u32 s15, s8  }
0x421: {  	v24 =	vld [tilespmem:s21+$0x3C00]  }
0x422: {  	s23 =	sadd.s32 s17, s19  }
0x423: {  	s8 =	scvt.s32.f32 s23  }
0x424: {  	v25 =	vld [tilespmem:s21+$0x0]  }
0x425: {  	s16 =	scvt.s32.f32 s26;
	v23 =	vmov s8  }
0x426: {  	v24 =	vadd.f32 v24, v23  }
0x427: {  	v26 =	vadd.f32 s16, v4  }
0x428: {  	v24 =	vadd.f32 $1.258291200e+07, v24  }
0x429: {  	v25 =	vadd.f32 v25, v26  }
0x42a: {  	v24 =	vadd.f32 $-1.258291200e+07, v24  }
0x42b: {  	v25 =	vadd.f32 $1.258291200e+07, v25  }
0x42c: {  	v26 =	vtrunc.f32 v24  }
0x42d: {  	v25 =	vadd.f32 $-1.258291200e+07, v25;
	v26 =	vcvt.f32.s32 v26  }
0x42e: {  	vm0 =	vge.f32 v24, v0;
	vm1 =	vlt.f32 v24, v1  }
0x42f: {  	vm2 =	vge.f32 v25, $0.0e+00;
	v24 =	vsub.s32 v26, v2;
	v26 =	vtrunc.f32 v25  }
0x430: {  	v58 =	vld [tilespmem:$0x1FF90];
	vm3 =	vlt.f32 v25, $3.840000000e+02;
	v24 =	vmul.u32 $0x180, v24;
	v25 =	vcvt.f32.s32 v26  }
0x431: {  	vm0 =	vmand vm0, vm1;
	vm1 =	vmand vm2, vm3  }
0x432: {  	vm0 =	vmand vm1, vm0;
	v24 =	vadd.s32 v25, v24  }
0x433: {  	v25 =	vsel vm0, v24, v7  }
0x434: {  	v26 =	vperm.xlane v25, v8;
	v30 =	vperm.xlane v25, v9  }
0x435: {  	vm12 =	vnez.u8 v58;
	v28 =	vperm.xlane v25, v10  }
0x436: {  	vm1 =	veq.s32 v26, v25;
	v26 =	vperm.xlane v25, v12;
	vm3 =	veq.s32 v30, v25  }
0x437: {  	vm2 =	veq.s32 v28, v25;
	vm1 =	vmand vm1, vm7;
	vm3 =	vmand vm3, vm12  }
0x438: {  	v60 =	vld [tilespmem:$0x1FF20];
	vm2 =	vmand vm2, vm4;
	vm1 =	vmor vm1, vm3  }
0x439: {  	vm1 =	vmor vm2, vm1;
	vm2 =	veq.s32 v26, v25;
	v26 =	vld [tilespmem:$0x1FFA0];
	_ =	sdelay $0x2  }
0x43a: {  	v57 =	vperm.xlane v25, v11  }
0x43b: {  	vm13 =	vnez.u8 v60  }
0x43c: {  	v62 =	vld [tilespmem:$0x1FF30];
	v59 =	vperm.xlane v25, v13;
	vm3 =	veq.s32 v57, v25;
	vm12 =	vnez.u8 v26  }
0x43d: {  	v29 =	vperm.xlane v25, v15;
	v31 =	vperm.xlane v25, v14;
	vm3 =	vmand vm3, vm12  }
0x43e: {  	vm2 =	vmand vm2, vm6;
	vm1 =	vmor vm3, vm1;
	vm3 =	veq.s32 v59, v25  }
0x43f: {  	vm3 =	vmand vm3, vm5;
	vm1 =	vmor vm2, vm1;
	vm2 =	veq.s32 v31, v25  }
0x440: {  	v26 =	vperm.xlane v25, v16;
	vm2 =	vmand vm2, vm13;
	vm1 =	vmor vm3, vm1  }
0x441: {  	vm12 =	vnez.u8 v62;
	vm3 =	veq.s32 v29, v25;
	vm1 =	vmor vm2, vm1  }
0x442: {  	vm2 =	veq.s32 v26, v25;
	v26 =	vperm.xlane v25, v18;
	vm3 =	vmand vm3, vm12  }
0x443: {  	vm1 =	vmor vm3, vm1;
	vm2 =	vmand vm2, vm8  }
0x444: {  	vm1 =	vmor vm2, vm1;
	vm2 =	veq.s32 v26, v25;
	v26 =	vld [tilespmem:$0x1FF40];
	_ =	sdelay $0x2  }
0x445: {  	v61 =	vperm.xlane v25, v17  }
0x446: {  	vm11 =	vmmov vm10;
	v27 =	vperm.xlane v25, v19  }
0x447: {  	v63 =	vperm.xlane v25, v21;
	vm3 =	veq.s32 v61, v25;
	vm10 =	vnez.u8 v26  }
0x448: {  	vm2 =	vmand vm2, vm15;
	v26 =	vperm.xlane v25, v20;
	vm3 =	vmand vm3, vm10  }
0x449: {  	vm1 =	vmor vm3, vm1;
	vm3 =	veq.s32 v27, v25;
	v27 =	vperm.xlane v25, v22  }
0x44a: {  	vm3 =	vmand vm3, vm14;
	vm1 =	vmor vm2, vm1;
	vm2 =	veq.s32 v26, v25  }
0x44b: {  	vm2 =	vmand vm2, vm9;
	vm1 =	vmor vm3, vm1  }
0x44c: {  	vm3 =	veq.s32 v27, v25;
	vm1 =	vmor vm2, vm1;
	vm2 =	veq.s32 v63, v25;
	v25 =	vld [tilespmem:$0x1FF50];
	_ =	sdelay $0x3  }
0x44d: {  	vm3 =	vmand vm3, vm11  }
0x44e: {  	vm1 =	vmor vm3, vm1;
	vm3 =	vnez.u8 v25  }
0x44f: {  	vm2 =	vmand vm2, vm3  }
0x450: {  	vm1 =	vmor vm2, vm1  }
0x451: {  	vm1 =	vmneg vm1  }
0x452: {  	vm0 =	vmand vm0, vm1  }
0x453: {  	v25 =	vld [tilespmem:s21+$0x7800];
	_ =	sdelay $0x2  }
0x454: {  	s29 =	sadd.s32 $0xB400, s28  }
0x455: {  	s21 =	sadd.s32 s9, s29  }
0x456: {  	s8 =	sadd.s32 s15, s21;
	[tilespmem:v24+s12+$0x0] =	vst.idx.msk vm0, v25  }
0x457: {  	v25 =	vld [tilespmem:s8+$0x0];
	_ =	sdelay $0x2  }
0x458: {  	s30 =	sadd.s32 $0xF000, s28  }
0x459: {  	s23 =	sadd.s32 s9, s30;
	vm11 =	vmmov vm9  }
0x45a: {  	vm9 =	vmmov vm14;
	vm14 =	vmmov vm13;
	vm1 =	vmmov vm12;
	s8 =	sadd.s32 s15, s23;
	[tilespmem:v24+s13+$0x0] =	vst.idx.msk vm0, v25  }
0x45b: {  	vm13 =	vmmov vm5;
	vm12 =	vmmov vm15;
	vm15 =	vmmov vm1;
	s15 =	simm.s32 $0x10;
	v25 =	vld [tilespmem:s8+$0x0]  }
.LBB2_28:
0x45c: {  	_ = 	snop  }
0x45d: {  	s26 =	sadd.s32 $0x80, s26  }
0x45e: {  	s8 =	smov.u32 s15;
	s16 =	sand.u32 $0xC00, s26  }
0x45f: {  	s21 =	sand.u32 $0x70, s8;
	s9 =	sadd.s32 s28, s16  }
0x460: {  	s9 =	sor.u32 s21, s9;
	[tilespmem:v24+s14+$0x0] =	vst.idx.msk vm0, v25  }
0x461: {  	v24 =	vld [tilespmem:s9+$0x3C00]  }
0x462: {  	v25 =	vld [tilespmem:s9+$0x0]  }
0x463: {  	s8 =	scvt.s32.f32 s8;
	_ =	sdelay $0x1  }
0x464: {  	v26 =	vadd.f32 s8, v4  }
0x465: {  	v24 =	vadd.f32 v24, v23  }
0x466: {  	v25 =	vadd.f32 v25, v26  }
0x467: {  	v24 =	vadd.f32 $1.258291200e+07, v24  }
0x468: {  	v25 =	vadd.f32 $1.258291200e+07, v25  }
0x469: {  	v24 =	vadd.f32 $-1.258291200e+07, v24  }
0x46a: {  	v25 =	vadd.f32 $-1.258291200e+07, v25  }
0x46b: {  	vm0 =	vge.f32 v24, v0;
	vm1 =	vlt.f32 v24, v1;
	v24 =	vtrunc.f32 v24  }
0x46c: {  	v24 =	vcvt.f32.s32 v24  }
0x46d: {  	v26 =	vtrunc.f32 v25  }
0x46e: {  	vm2 =	vlt.f32 v25, $3.840000000e+02;
	vm0 =	vmand vm0, vm1;
	v24 =	vsub.s32 v24, v2  }
0x46f: {  	vm1 =	vge.f32 v25, $0.0e+00;
	v25 =	vcvt.f32.s32 v26;
	v24 =	vmul.u32 $0x180, v24  }
0x470: {  	vm1 =	vmand vm1, vm2  }
0x471: {  	vm0 =	vmand vm1, vm0;
	v24 =	vadd.s32 v25, v24  }
0x472: {  	v59 =	vld [tilespmem:$0x1FF90];
	v25 =	vsel vm0, v24, v7  }
0x473: {  	v26 =	vperm.xlane v25, v8;
	v28 =	vperm.xlane v25, v10  }
0x474: {  	v60 =	vld [tilespmem:$0x1FFA0];
	v58 =	vperm.xlane v25, v11;
	v31 =	vperm.xlane v25, v9  }
0x475: {  	v32 =	vperm.xlane v25, v13;
	vm1 =	veq.s32 v26, v25;
	v26 =	vperm.xlane v25, v12  }
0x476: {  	vm2 =	veq.s32 v28, v25;
	vm3 =	veq.s32 v58, v25;
	vm5 =	veq.s32 v31, v25  }
0x477: {  	vm1 =	vmand vm1, vm7;
	vm2 =	vmand vm2, vm4;
	vm7 =	vnez.u8 v59  }
0x478: {  	vm4 =	veq.s32 v26, v25;
	v26 =	vperm.xlane v25, v16;
	vm5 =	vmand vm5, vm7  }
0x479: {  	vm4 =	vmand vm4, vm6;
	vm1 =	vmor vm1, vm5;
	vm5 =	vnez.u8 v60  }
0x47a: {  	vm6 =	veq.s32 v32, v25;
	vm3 =	vmand vm3, vm5;
	vm1 =	vmor vm2, vm1  }
0x47b: {  	vm1 =	vmor vm3, vm1;
	vm3 =	veq.s32 v26, v25;
	v26 =	vperm.xlane v25, v18  }
0x47c: {  	v30 =	vperm.xlane v25, v14;
	vm6 =	vmand vm6, vm13;
	vm1 =	vmor vm4, vm1  }
0x47d: {  	v29 =	vperm.xlane v25, v15;
	vm1 =	vmor vm6, vm1;
	vm6 =	veq.s32 v26, v25;
	v26 =	vld [tilespmem:$0x1FF80]  }
0x47e: {  	vm7 =	veq.s32 v30, v25  }
0x47f: {  	vm5 =	veq.s32 v29, v25;
	vm2 =	vmand vm7, vm14  }
0x480: {  	vm4 =	vmand vm5, vm15;
	vm1 =	vmor vm2, vm1  }
0x481: {  	vm1 =	vmor vm4, vm1  }
0x482: {  	vm4 =	vmand vm6, vm12;
	vm6 =	vnez.u8 v26;
	v26 =	vperm.xlane v25, v20  }
0x483: {  	v62 =	vperm.xlane v25, v17;
	vm3 =	vmand vm3, vm8  }
0x484: {  	vm1 =	vmor vm3, vm1;
	vm3 =	veq.s32 v26, v25;
	v26 =	vld [tilespmem:$0x1FFB0]  }
0x485: {  	v27 =	vperm.xlane v25, v19;
	vm5 =	veq.s32 v62, v25  }
0x486: {  	vm2 =	vmand vm5, vm10  }
0x487: {  	vm5 =	veq.s32 v27, v25;
	v27 =	vperm.xlane v25, v22;
	vm1 =	vmor vm2, vm1  }
0x488: {  	v63 =	vperm.xlane v25, v21;
	vm2 =	vmand vm5, vm9;
	vm1 =	vmor vm4, vm1  }
0x489: {  	vm4 =	veq.s32 v27, v25;
	vm1 =	vmor vm2, vm1;
	vm2 =	vnez.u8 v26  }
0x48a: {  	vm2 =	vmand vm4, vm2;
	vm4 =	veq.s32 v63, v25;
	v25 =	vld [tilespmem:$0x1FF50];
	_ =	sdelay $0x3  }
0x48b: {  	vm3 =	vmand vm3, vm11  }
0x48c: {  	vm1 =	vmor vm3, vm1;
	vm3 =	vnez.u8 v25;
	v25 =	vld [tilespmem:$0x1FF70]  }
0x48d: {  	vm1 =	vmor vm2, vm1;
	vm3 =	vmand vm4, vm3  }
0x48e: {  	vm1 =	vmor vm3, vm1  }
0x48f: {  	vm1 =	vmneg vm1  }
0x490: {  	vm0 =	vmand vm0, vm1  }
0x491: {  	vm4 =	vnez.u8 v25;
	v25 =	vld [tilespmem:s9+$0x7800];
	_ =	sdelay $0x3  }
0x492: {  	s23 =	sadd.s32 s16, s29  }
0x493: {  	s23 =	sadd.s32 s21, s23;
	[tilespmem:v24+s12+$0x0] =	vst.idx.msk vm0, v25  }
0x494: {  	v25 =	vld [tilespmem:s23+$0x0]  }
0x495: {  	p0 =	sne.s32 s15, $0x170;
	v61 =	vld [tilespmem:$0x1FF60]  }
.Ltmp17:
0x496: {  	_ = 	snop;
	(pc) =	sbr.rel @p0 .LBB2_28-.Ltmp17, $4  }
0x497: {  	_ = 	snop  }
0x498: {  	s16 =	sadd.s32 s16, s30  }
0x499: {  	s21 =	sadd.s32 s21, s16;
	[tilespmem:v24+s13+$0x0] =	vst.idx.msk vm0, v25  }
0x49a: {  	s15 =	sadd.s32 $0x10, s15;
	vm7 =	vnez.u8 v61;
	v25 =	vld [tilespmem:s21+$0x0]  }
0x49b: {  	s19 =	sadd.s32 $0x1, s19  }
0x49c: {  	v23 =	vld [tilespmem:$0x1FFB0];
	p0 =	sne.s32 s19, $0x20  }
.Ltmp18:
0x49d: {  	_ = 	snop;
	(pc) =	sbr.rel @p0 .LBB2_27-.Ltmp18, $3  }
0x49e: {  	_ =	sdelay $0x1  }
0x49f: {  	vm5 =	vmmov vm13;
	vm15 =	vmmov vm12  }
0x4a0: {  	vm14 =	vmmov vm9;
	vm9 =	vmmov vm11;
	[tilespmem:v24+s14+$0x0] =	vst.idx.msk vm0, v25;
	vm10 =	vnez.u8 v23  }
0x4a1: {  	s25 =	sadd.s32 $0x1, s25  }
0x4a2: {  	p0 =	sne.s32 s25, $0xC  }
.Ltmp19:
0x4a3: {  	_ = 	snop;
	(pc) =	sbr.rel @p0 .LBB2_26-.Ltmp19, $4  }
.Ltmp20:
0x4a4: {  	_ = 	snop;
	(pc) =	sbr.rel @!p0 .LBB2_31-.Ltmp20, $4  }
0x4a5: {  	_ = 	snop  }
0x4a6: {  	_ = 	snop  }
0x4a7: {  	_ = 	snop  }
0x4a8: {  	_ = 	snop  }
.LBB2_32:
0x4a9: {  	_ =	sfence.sel $0x180000  }
0x4aa: {  	[bflag:$0x0] =	sbarrier.arrive $0xFFFF  }
0x4ab: {  	_ =	strace $0x90000047  }
0x4ac: {  	s0 =	stileid.u32;
	[bflag:$0x2] =	sbarrier.arrive $0xFFFF  }
0x4ad: {  	p0 =	sne.s32 s0, $0x0;
	s0 =	rddreg [dreg:$0x3]  }
0x4ae: {  	s0 =	sadd.s32 @!p0 $0x100000, s0  }
0x4af: {  	[sflag:s0] =	ssyncadd.tile.s32 @!p0 $0x1;
	_ =	shalt  }
.Lfunc_end2:
_tile_overlayer_lowered:
.L_overlay_start_2:
0x4b0: {  	(tag) =	ssettag $0x2  }
0x4b1: {  	s0 =	rddreg [dreg:$0x0];
	s2 =	stileid.u32  }
0x4b2: {  	s1 =	rddreg [dreg:$0x1];
	p0 =	sne.s32 s2, $0x0  }
0x4b3: {  	s3 =	rddreg [dreg:$0x2];
	[bflag:$0x3] =	sbarrier.arrive $0xFFFF;
	s2 =	simm.s32 @!p0 $0x1C03  }
0x4b4: {  	[timem:s3], [sflag:s2] =	dma.local @!p0 [hbm:s0], s1  }
0x4b5: {  	s0 =	simm.s32 @!p0 $0x3  }
0x4b6: {  	_ =	swait.ge @!p0 [sflag:s0], s1  }
0x4b7: {  	s1 =	ssub.s32 @!p0 $0x0, s1;
	[sflag:s0] =	ssyncset.done @!p0 $0x0  }
0x4b8: {  	[sflag:s0] =	ssyncadd.s32 @!p0 s1  }
0x4b9: {  	[bflag:$0x3] =	sbarrier.arrive $0xFFFF  }
0x4ba: {  	_ =	shalt  }

</sc_bundles>
